<compile_context>
chip_gen: v7x
topology: tpu7x:2x2x1
jax: 0.10.2.dev20260603
libtpu: 0.0.44.dev20260713+nightly
codegen_flags: <defaults>
</compile_context>

<pallas_src>
import functools

import jax
import jax.numpy as jnp
from jax import lax
from jax.experimental import pallas as pl
from jax.experimental.pallas import tpu as pltpu
from jax.experimental.pallas import tpu_sc as plsc

HIDDEN = 128
NFILT = 128
NLAYERS = 6
NGAUSS = 50
CUTOFF = 10.0
NGRAPHS = 64

_LN2 = 0.6931471805599453
_STEP = CUTOFF / (NGAUSS - 1)
_COEFF = -0.5 / _STEP**2

_NC = 2
_NS = 16
_NW = _NC * _NS
_CH = 128

_MESH = plsc.VectorSubcoreMesh(core_axis_name="c", subcore_axis_name="s")


def _ssp(x):
    return jnp.maximum(x, 0.0) + jnp.log1p(jnp.exp(-jnp.abs(x))) - _LN2


def _make_posdiff(n_pad, e_pad):
    jw = e_pad // (_NW * _CH)

    @functools.partial(
        pl.kernel,
        out_type=jax.ShapeDtypeStruct((e_pad, 16), jnp.float32),
        mesh=_MESH,
        scratch_types=[
            pltpu.VMEM((jw, _CH), jnp.int32),
            pltpu.VMEM((jw, _CH), jnp.int32),
            pltpu.VMEM((_CH, 16), jnp.float32),
            pltpu.VMEM((_CH, 16), jnp.float32),
            pltpu.SemaphoreType.DMA,
            pltpu.SemaphoreType.DMA,
        ],
        compiler_params=pltpu.CompilerParams(use_tc_tiling_on_sc=False),
    )
    def posdiff(pos_hbm, row_hbm, col_hbm, d3_hbm, ridx, cidx, pr, pc, sem1, sem2):
        c = lax.axis_index("c")
        s = lax.axis_index("s")
        w = s * _NC + c
        pltpu.sync_copy(row_hbm.at[w], ridx)
        pltpu.sync_copy(col_hbm.at[w], cidx)

        def chunk(j, carry):
            cp1 = pltpu.async_copy(pos_hbm.at[ridx.at[j]], pr, sem1)
            cp2 = pltpu.async_copy(pos_hbm.at[cidx.at[j]], pc, sem2)
            cp1.wait()
            cp2.wait()

            def row_body(i, carry2):
                pr[i] = pr[i] - pc[i]
                return carry2

            lax.fori_loop(0, _CH, row_body, 0)
            base = (w * jw + j) * _CH
            pltpu.sync_copy(pr, d3_hbm.at[pl.ds(base, _CH)])
            return carry

        lax.fori_loop(0, jw, chunk, 0)

    return posdiff


def _make_msg_scatter(n_pad, e_pad):
    half = n_pad // 2
    jt = e_pad // (_NS * _CH)
    rpt = half // _NS
    arows = half + 128

    @functools.partial(
        pl.kernel,
        out_type=jax.ShapeDtypeStruct((_NC, half, HIDDEN), jnp.float32),
        mesh=_MESH,
        scratch_types=[
            pltpu.VMEM((jt, _CH), jnp.int32),
            pltpu.VMEM((jt, _CH), jnp.int32),
            pltpu.VMEM((1, _CH), jnp.int32),
            pltpu.VMEM((_CH, HIDDEN), jnp.float32),
            pltpu.VMEM((_CH, HIDDEN), jnp.float32),
            pltpu.VMEM_SHARED((arows, HIDDEN), jnp.float32),
            pltpu.SemaphoreType.DMA,
        ],
    )
    def msg_scatter(xl_hbm, w_hbm, row_hbm, col_hbm, zeros_hbm, agg_hbm,
                    ridx, cidx, cloc, xg, wv, aggs, sem1):
        c = lax.axis_index("c")
        s = lax.axis_index("s")
        pltpu.sync_copy(zeros_hbm, aggs.at[pl.ds(s * rpt, rpt)])
        plsc.subcore_barrier()
        pltpu.sync_copy(row_hbm.at[s], ridx)
        pltpu.sync_copy(col_hbm.at[s], cidx)
        lo = c * half
        trash = half + s * 8

        def chunk(j, carry):
            cp = pltpu.async_copy(xl_hbm.at[ridx.at[j]], xg, sem1)
            base = (s * jt + j) * _CH
            pltpu.sync_copy(w_hbm.at[pl.ds(base, _CH)], wv)

            def remap(k, carry2):
                v = cidx[j, pl.ds(k * 16, 16)] - lo
                ok = (v >= 0) & (v < half)
                cloc[0, pl.ds(k * 16, 16)] = jnp.where(ok, v, trash)
                return carry2

            lax.fori_loop(0, _CH // 16, remap, 0, unroll=True)
            cp.wait()

            def row_body(i, carry2):
                for k in range(HIDDEN // 16):
                    sl = pl.ds(k * 16, 16)
                    xg[i, sl] = xg[i, sl] * wv[i, sl]
                return carry2

            lax.fori_loop(0, _CH, row_body, 0)
            pltpu.sync_copy(xg, aggs.at[cloc.at[0]], add=True)
            return carry

        lax.fori_loop(0, jt, chunk, 0)
        plsc.subcore_barrier()
        pltpu.sync_copy(aggs.at[pl.ds(s * rpt, rpt)],
                        agg_hbm.at[c, pl.ds(s * rpt, rpt)])

    return msg_scatter


def _init_body(atom_ref, emb_ref, cf1_ref, h_ref, xl_ref):
    a = atom_ref[...].astype(jnp.float32)
    e0 = emb_ref[0:1, :]
    e1 = emb_ref[1:2, :]
    h = e0 + a * (e1 - e0)
    h_ref[...] = h
    xl_ref[...] = jnp.dot(h, cf1_ref[...], preferred_element_type=jnp.float32)


def _make_filter_body(e_real, be):
    def _filter_body(d3_ref, w1_ref, b1_ref, w2_ref, b2_ref, w_ref):
        i = pl.program_id(0)
        d = d3_ref[...]
        s = jnp.sum(d * d, axis=1, keepdims=True) + 1e-12
        dist = jnp.sqrt(s)
        cc = 0.5 * (jnp.cos(dist * (jnp.pi / CUTOFF)) + 1.0)
        erow = i * be + lax.broadcasted_iota(jnp.int32, (be, 1), 0)
        cc = jnp.where(erow < e_real, cc, 0.0)
        off = lax.broadcasted_iota(jnp.int32, (be, NGAUSS), 1).astype(
            jnp.float32) * _STEP
        attr = jnp.exp(_COEFF * (dist - off) ** 2)
        t = _ssp(jnp.dot(attr, w1_ref[...], preferred_element_type=jnp.float32)
                 + b1_ref[...])
        wmat = (jnp.dot(t, w2_ref[...], preferred_element_type=jnp.float32)
                + b2_ref[...])
        w_ref[...] = wmat * cc

    return _filter_body


def _node_body(h_ref, agg_ref, cf2w_ref, cf2b_ref, linw_ref, linb_ref,
               cf1n_ref, hout_ref, xlout_ref):
    a = agg_ref[0]
    t = _ssp(jnp.dot(a, cf2w_ref[...], preferred_element_type=jnp.float32)
             + cf2b_ref[...])
    t = jnp.dot(t, linw_ref[...], preferred_element_type=jnp.float32) + linb_ref[...]
    h = h_ref[...] + t
    hout_ref[...] = h
    xlout_ref[...] = jnp.dot(h, cf1n_ref[...], preferred_element_type=jnp.float32)


def _readout_body(h_ref, batch_ref, l1w_ref, l1b_ref, ew_ref, qw_ref,
                  eb_ref, qb_ref, e_ref, q_ref, et_ref, qt_ref):
    i = pl.program_id(0)
    hm = _ssp(jnp.dot(h_ref[...], l1w_ref[...], preferred_element_type=jnp.float32)
              + l1b_ref[...])
    e = jnp.dot(hm, ew_ref[...], preferred_element_type=jnp.float32) + eb_ref[...]
    q = jnp.dot(hm, qw_ref[...], preferred_element_type=jnp.float32) + qb_ref[...]
    e_ref[...] = e
    q_ref[...] = q
    b = batch_ref[...]
    gid = lax.broadcasted_iota(jnp.int32, (b.shape[0], NGRAPHS), 1)
    onehot = (b == gid).astype(jnp.float32)
    ec = jnp.sum(onehot * e, axis=0, keepdims=True)
    qc = jnp.sum(onehot * q, axis=0, keepdims=True)

    @pl.when(i == 0)
    def _():
        et_ref[...] = jnp.zeros_like(et_ref)
        qt_ref[...] = jnp.zeros_like(qt_ref)

    et_ref[...] += ec
    qt_ref[...] += qc


def _full(shape):
    return pl.BlockSpec(shape, lambda i: tuple(0 for _ in shape))


def kernel(node_atom, pos, batch, edge_index, emb, mlp_w1, mlp_b1, mlp_w2,
           mlp_b2, cf_lin1_w, cf_lin2_w, cf_lin2_b, lin_w, lin_b, lin1_w,
           lin1_b, e_w, e_b, q_w, q_b):
    n = pos.shape[0]
    e = edge_index.shape[1]
    n_pad = ((n + 2047) // 2048) * 2048
    e_pad = ((e + _NW * _CH - 1) // (_NW * _CH)) * (_NW * _CH)
    half = n_pad // 2

    row = edge_index[0].astype(jnp.int32)
    col = edge_index[1].astype(jnp.int32)
    rowp = jnp.concatenate([row, jnp.zeros((e_pad - e,), jnp.int32)])
    colp = jnp.concatenate([col, jnp.zeros((e_pad - e,), jnp.int32)])
    row32 = rowp.reshape(_NW, e_pad // (_NW * _CH), _CH)
    col32 = colp.reshape(_NW, e_pad // (_NW * _CH), _CH)
    row16 = rowp.reshape(_NS, e_pad // (_NS * _CH), _CH)
    col16 = colp.reshape(_NS, e_pad // (_NS * _CH), _CH)
    pos_pad = jnp.zeros((n_pad, 16), jnp.float32).at[:n, :3].set(pos)
    atom_p = jnp.zeros((n_pad, 1), jnp.int32).at[:n, 0].set(
        node_atom.astype(jnp.int32))
    batch_p = jnp.full((n_pad, 1), NGRAPHS, jnp.int32).at[:n, 0].set(
        batch.astype(jnp.int32))
    zeros_sc = jnp.zeros((half // _NS, HIDDEN), jnp.float32)

    d3 = _make_posdiff(n_pad, e_pad)(pos_pad, row32, col32)
    msg_scatter = _make_msg_scatter(n_pad, e_pad)

    bn = 1024
    be = 2048
    gn = n_pad // bn
    ge = e_pad // be
    hb = half // bn

    h, xl = pl.pallas_call(
        _init_body,
        grid=(gn,),
        in_specs=[pl.BlockSpec((bn, 1), lambda i: (i, 0)),
                  _full((2, HIDDEN)), _full((HIDDEN, HIDDEN))],
        out_specs=[pl.BlockSpec((bn, HIDDEN), lambda i: (i, 0))] * 2,
        out_shape=[jax.ShapeDtypeStruct((n_pad, HIDDEN), jnp.float32)] * 2,
    )(atom_p, emb, cf_lin1_w[0])

    filter_call = pl.pallas_call(
        _make_filter_body(e, be),
        grid=(ge,),
        in_specs=[pl.BlockSpec((be, 16), lambda i: (i, 0)),
                  _full((NGAUSS, NFILT)), _full((1, NFILT)),
                  _full((NFILT, NFILT)), _full((1, NFILT))],
        out_specs=pl.BlockSpec((be, NFILT), lambda i: (i, 0)),
        out_shape=jax.ShapeDtypeStruct((e_pad, NFILT), jnp.float32),
    )

    node_call = pl.pallas_call(
        _node_body,
        grid=(gn,),
        in_specs=[pl.BlockSpec((bn, HIDDEN), lambda i: (i, 0)),
                  pl.BlockSpec((1, bn, HIDDEN), lambda i: (i // hb, i % hb, 0)),
                  _full((HIDDEN, HIDDEN)), _full((1, HIDDEN)),
                  _full((HIDDEN, HIDDEN)), _full((1, HIDDEN)),
                  _full((HIDDEN, HIDDEN))],
        out_specs=[pl.BlockSpec((bn, HIDDEN), lambda i: (i, 0))] * 2,
        out_shape=[jax.ShapeDtypeStruct((n_pad, HIDDEN), jnp.float32)] * 2,
    )

    for l in range(NLAYERS):
        wmat = filter_call(d3, mlp_w1[l], mlp_b1[l].reshape(1, NFILT),
                           mlp_w2[l], mlp_b2[l].reshape(1, NFILT))
        agg = msg_scatter(xl, wmat, row16, col16, zeros_sc)
        cf1n = cf_lin1_w[(l + 1) % NLAYERS]
        h, xl = node_call(h, agg, cf_lin2_w[l],
                          cf_lin2_b[l].reshape(1, HIDDEN), lin_w[l],
                          lin_b[l].reshape(1, HIDDEN), cf1n)

    hh = HIDDEN // 2
    e2, q2, et, qt = pl.pallas_call(
        _readout_body,
        grid=(gn,),
        in_specs=[pl.BlockSpec((bn, HIDDEN), lambda i: (i, 0)),
                  pl.BlockSpec((bn, 1), lambda i: (i, 0)),
                  _full((HIDDEN, hh)), _full((1, hh)),
                  _full((hh, 1)), _full((hh, 1)),
                  _full((1, 1)), _full((1, 1))],
        out_specs=[pl.BlockSpec((bn, 1), lambda i: (i, 0)),
                   pl.BlockSpec((bn, 1), lambda i: (i, 0)),
                   _full((1, NGRAPHS)), _full((1, NGRAPHS))],
        out_shape=[jax.ShapeDtypeStruct((n_pad, 1), jnp.float32),
                   jax.ShapeDtypeStruct((n_pad, 1), jnp.float32),
                   jax.ShapeDtypeStruct((1, NGRAPHS), jnp.float32),
                   jax.ShapeDtypeStruct((1, NGRAPHS), jnp.float32)],
    )(h, batch_p, lin1_w, lin1_b.reshape(1, hh), e_w, q_w,
      e_b.reshape(1, 1), q_b.reshape(1, 1))

    return (e2[:n, 0], q2[:n, 0], et[0], qt[0])

# --- scband reference (transcript-rebuilt; emitter-appended) ---
"""Pipeline reference for scband-sch-net-energy-charge-77017353552151 (READ-ONLY COPY).

The authoritative reference and input builder live on the scoring server;
editing this copy changes nothing except your own understanding.
"""

import jax, jax.numpy as jnp
import numpy as np

HIDDEN = 128
NFILT = 128
NLAYERS = 6
NGAUSS = 50
CUTOFF = 10.0
NGRAPHS = 64
N = 10000
E = 320000


def _ssp(x):
    # ShiftedSoftplus: softplus(x) - log(2)
    return jax.nn.softplus(x) - jnp.log(2.0)


def setup_inputs(seed: int = 0) -> dict:
    key = jax.random.key(seed)
    ks = jax.random.split(key, 24)
    node_atom = jax.random.randint(ks[0], (N,), 0, 2)
    pos = jax.random.normal(ks[1], (N, 3), dtype=jnp.float32) * 4.0
    batch = jnp.sort(jax.random.randint(ks[2], (N,), 0, NGRAPHS))
    edge_index = jax.random.randint(ks[3], (2, E), 0, N)

    def w(k, shape, scale):
        return jax.random.normal(k, shape, dtype=jnp.float32) * scale

    inp = dict(node_atom=node_atom, pos=pos, batch=batch, edge_index=edge_index)
    inp["emb"] = w(ks[4], (2, HIDDEN), 0.1)
    inp["mlp_w1"] = w(ks[5], (NLAYERS, NGAUSS, NFILT), 0.1)
    inp["mlp_b1"] = jnp.zeros((NLAYERS, NFILT), jnp.float32)
    inp["mlp_w2"] = w(ks[6], (NLAYERS, NFILT, NFILT), 0.05)
    inp["mlp_b2"] = jnp.zeros((NLAYERS, NFILT), jnp.float32)
    inp["cf_lin1_w"] = w(ks[7], (NLAYERS, HIDDEN, NFILT), 0.05)
    inp["cf_lin2_w"] = w(ks[8], (NLAYERS, NFILT, HIDDEN), 0.05)
    inp["cf_lin2_b"] = jnp.zeros((NLAYERS, HIDDEN), jnp.float32)
    inp["lin_w"] = w(ks[9], (NLAYERS, HIDDEN, HIDDEN), 0.05)
    inp["lin_b"] = jnp.zeros((NLAYERS, HIDDEN), jnp.float32)
    inp["lin1_w"] = w(ks[10], (HIDDEN, HIDDEN // 2), 0.05)
    inp["lin1_b"] = jnp.zeros((HIDDEN // 2,), jnp.float32)
    inp["e_w"] = w(ks[11], (HIDDEN // 2, 1), 0.05)
    inp["e_b"] = jnp.zeros((1,), jnp.float32)
    inp["q_w"] = w(ks[12], (HIDDEN // 2, 1), 0.05)
    inp["q_b"] = jnp.zeros((1,), jnp.float32)
    return inp


def reference(node_atom, pos, batch, edge_index, emb, mlp_w1, mlp_b1, mlp_w2, mlp_b2,
              cf_lin1_w, cf_lin2_w, cf_lin2_b, lin_w, lin_b, lin1_w, lin1_b,
              e_w, e_b, q_w, q_b):
    row = edge_index[0]
    col = edge_index[1]
    d = pos[row] - pos[col]
    edge_weight = jnp.sqrt(jnp.sum(d * d, axis=-1) + 1e-12)
    # GaussianSmearing(0, cutoff, num_gaussians)
    offset = jnp.linspace(0.0, CUTOFF, NGAUSS)
    coeff = -0.5 / (offset[1] - offset[0]) ** 2
    edge_attr = jnp.exp(coeff * (edge_weight[:, None] - offset[None, :]) ** 2)
    # cosine cutoff used inside CFConv
    C = 0.5 * (jnp.cos(edge_weight * jnp.pi / CUTOFF) + 1.0)
    h = emb[node_atom]
    n_nodes = h.shape[0]
    for l in range(NLAYERS):
        # filter network on edge_attr
        W = _ssp(edge_attr @ mlp_w1[l] + mlp_b1[l]) @ mlp_w2[l] + mlp_b2[l]
        W = W * C[:, None]
        # CFConv: lin1 (no bias) -> message x_j * W -> scatter-add at dst -> lin2
        xl = h @ cf_lin1_w[l]
        msg = xl[row] * W
        agg = jax.ops.segment_sum(msg, col, num_segments=n_nodes)
        out = agg @ cf_lin2_w[l] + cf_lin2_b[l]
        # InteractionBlock: act then lin, residual add
        out = _ssp(out)
        out = out @ lin_w[l] + lin_b[l]
        h = h + out
    h = _ssp(h @ lin1_w + lin1_b)
    e_atom = (h @ e_w + e_b).reshape(-1)
    q_atom = (h @ q_w + q_b).reshape(-1)
    E_total = jax.ops.segment_sum(e_atom, batch, num_segments=NGRAPHS)
    Q_total = jax.ops.segment_sum(q_atom, batch, num_segments=NGRAPHS)
    return (e_atom, q_atom, E_total, Q_total)

if __name__ == "__main__":
    import jax
    _d = setup_inputs()
    print(jax.jit(kernel)(*tuple(_d.values())))

</pallas_src>

<mosaic_0001>
#map = affine_map<(d0, d1) -> (0, 0)>
#map1 = affine_map<(d0, d1) -> (0, 0, 0)>
module attributes {stable_mosaic.version = 14 : i64} {
  func.func @posdiff(%arg0: i32, %arg1: i32, %arg2: memref<10240x16xf32, #tpu.memory_space<hbm>>, %arg3: memref<32x79x128xi32, #tpu.memory_space<hbm>>, %arg4: memref<32x79x128xi32, #tpu.memory_space<hbm>>, %arg5: memref<323584x16xf32, #tpu.memory_space<hbm>>, %arg6: memref<79x128xi32, #tpu.memory_space<vmem>>, %arg7: memref<79x128xi32, #tpu.memory_space<vmem>>, %arg8: memref<128x16xf32, #tpu.memory_space<vmem>>, %arg9: memref<128x16xf32, #tpu.memory_space<vmem>>, %arg10: memref<!tpu.dma_semaphore, #tpu.memory_space<semaphore_mem>>, %arg11: memref<!tpu.dma_semaphore, #tpu.memory_space<semaphore_mem>>) attributes {dimension_semantics = [#tpu.dimension_semantics<core_parallel>, #tpu.dimension_semantics<subcore_parallel>], iteration_bounds = array<i64: 2, 16>, scalar_prefetch = 0 : i64, scratch_operands = 6 : i64, tpu.core_type = #tpu.core_type<sc_vector_subcore>, window_params = [{transform_indices = #map}, {transform_indices = #map1}, {transform_indices = #map1}, {transform_indices = #map}]} {
    %mul3A = arith.constant 2 : i32
    %mul3A_0 = arith.muli %arg1, %mul3A : i32
    %add3A = arith.addi %mul3A_0, %arg0 : i32
    "tpu.region"() ({
      %run_scoped3A = tpu.sem_alloc : memref<!tpu.dma_semaphore, #tpu.memory_space<semaphore_mem>>
      %dma_start3A = arith.constant 0 : i32
      %dma_start3A_6 = arith.constant 0 : i32
      %dma_start3A_7 = tpu.memref_slice %arg3[%add3A, %dma_start3A, %dma_start3A_6] : memref<32x79x128xi32, #tpu.memory_space<hbm>> -> memref<1x79x128xi32, #tpu.memory_space<hbm>>
      %dma_start3A_8 = tpu.memref_squeeze %dma_start3A_7 : memref<1x79x128xi32, #tpu.memory_space<hbm>> -> memref<79x128xi32, #tpu.memory_space<hbm>>
      %dma_start3A_9 = arith.constant 0 : i32
      %dma_start3A_10 = arith.constant 0 : i32
      %dma_start3A_11 = tpu.memref_slice %arg3[%add3A, %dma_start3A_9, %dma_start3A_10] : memref<32x79x128xi32, #tpu.memory_space<hbm>> -> memref<1x79x128xi32, #tpu.memory_space<hbm>>
      %dma_start3A_12 = tpu.memref_squeeze %dma_start3A_11 : memref<1x79x128xi32, #tpu.memory_space<hbm>> -> memref<79x128xi32, #tpu.memory_space<hbm>>
      tpu.enqueue_dma source(%dma_start3A_12 : memref<79x128xi32, #tpu.memory_space<hbm>>) target(%arg6 : memref<79x128xi32, #tpu.memory_space<vmem>>) target_semaphore(%run_scoped3A : memref<!tpu.dma_semaphore, #tpu.memory_space<semaphore_mem>>)
      %dma_wait3A = arith.constant 0 : i32
      %dma_wait3A_13 = arith.constant 0 : i32
      %dma_wait3A_14 = tpu.memref_slice %arg3[%add3A, %dma_wait3A, %dma_wait3A_13] : memref<32x79x128xi32, #tpu.memory_space<hbm>> -> memref<1x79x128xi32, #tpu.memory_space<hbm>>
      %dma_wait3A_15 = tpu.memref_squeeze %dma_wait3A_14 : memref<1x79x128xi32, #tpu.memory_space<hbm>> -> memref<79x128xi32, #tpu.memory_space<hbm>>
      %dma_wait3A_16 = arith.constant 0 : i32
      %dma_wait3A_17 = arith.constant 0 : i32
      %dma_wait3A_18 = tpu.memref_slice %arg3[%add3A, %dma_wait3A_16, %dma_wait3A_17] : memref<32x79x128xi32, #tpu.memory_space<hbm>> -> memref<1x79x128xi32, #tpu.memory_space<hbm>>
      %dma_wait3A_19 = tpu.memref_squeeze %dma_wait3A_18 : memref<1x79x128xi32, #tpu.memory_space<hbm>> -> memref<79x128xi32, #tpu.memory_space<hbm>>
      tpu.wait_dma2 semaphore(%run_scoped3A : memref<!tpu.dma_semaphore, #tpu.memory_space<semaphore_mem>>) src(%dma_wait3A_19 : memref<79x128xi32, #tpu.memory_space<hbm>>) dst(%arg6 : memref<79x128xi32, #tpu.memory_space<vmem>>)
      tpu.yield
    }) : () -> ()
    "tpu.region"() ({
      %run_scoped3A = tpu.sem_alloc : memref<!tpu.dma_semaphore, #tpu.memory_space<semaphore_mem>>
      %dma_start3A = arith.constant 0 : i32
      %dma_start3A_6 = arith.constant 0 : i32
      %dma_start3A_7 = tpu.memref_slice %arg4[%add3A, %dma_start3A, %dma_start3A_6] : memref<32x79x128xi32, #tpu.memory_space<hbm>> -> memref<1x79x128xi32, #tpu.memory_space<hbm>>
      %dma_start3A_8 = tpu.memref_squeeze %dma_start3A_7 : memref<1x79x128xi32, #tpu.memory_space<hbm>> -> memref<79x128xi32, #tpu.memory_space<hbm>>
      %dma_start3A_9 = arith.constant 0 : i32
      %dma_start3A_10 = arith.constant 0 : i32
      %dma_start3A_11 = tpu.memref_slice %arg4[%add3A, %dma_start3A_9, %dma_start3A_10] : memref<32x79x128xi32, #tpu.memory_space<hbm>> -> memref<1x79x128xi32, #tpu.memory_space<hbm>>
      %dma_start3A_12 = tpu.memref_squeeze %dma_start3A_11 : memref<1x79x128xi32, #tpu.memory_space<hbm>> -> memref<79x128xi32, #tpu.memory_space<hbm>>
      tpu.enqueue_dma source(%dma_start3A_12 : memref<79x128xi32, #tpu.memory_space<hbm>>) target(%arg7 : memref<79x128xi32, #tpu.memory_space<vmem>>) target_semaphore(%run_scoped3A : memref<!tpu.dma_semaphore, #tpu.memory_space<semaphore_mem>>)
      %dma_wait3A = arith.constant 0 : i32
      %dma_wait3A_13 = arith.constant 0 : i32
      %dma_wait3A_14 = tpu.memref_slice %arg4[%add3A, %dma_wait3A, %dma_wait3A_13] : memref<32x79x128xi32, #tpu.memory_space<hbm>> -> memref<1x79x128xi32, #tpu.memory_space<hbm>>
      %dma_wait3A_15 = tpu.memref_squeeze %dma_wait3A_14 : memref<1x79x128xi32, #tpu.memory_space<hbm>> -> memref<79x128xi32, #tpu.memory_space<hbm>>
      %dma_wait3A_16 = arith.constant 0 : i32
      %dma_wait3A_17 = arith.constant 0 : i32
      %dma_wait3A_18 = tpu.memref_slice %arg4[%add3A, %dma_wait3A_16, %dma_wait3A_17] : memref<32x79x128xi32, #tpu.memory_space<hbm>> -> memref<1x79x128xi32, #tpu.memory_space<hbm>>
      %dma_wait3A_19 = tpu.memref_squeeze %dma_wait3A_18 : memref<1x79x128xi32, #tpu.memory_space<hbm>> -> memref<79x128xi32, #tpu.memory_space<hbm>>
      tpu.wait_dma2 semaphore(%run_scoped3A : memref<!tpu.dma_semaphore, #tpu.memory_space<semaphore_mem>>) src(%dma_wait3A_19 : memref<79x128xi32, #tpu.memory_space<hbm>>) dst(%arg7 : memref<79x128xi32, #tpu.memory_space<vmem>>)
      tpu.yield
    }) : () -> ()
    %scan3A = arith.constant 0 : i32
    %scan3A_1 = arith.constant 0 : i32
    %scan3A_2 = arith.constant 79 : i32
    %scan3A_3 = arith.addi %scan3A_1, %scan3A_2 : i32
    %scan3A_4 = arith.constant 1 : i32
    scf.for %scan3A_6 = %scan3A_1 to %scan3A_3 step %scan3A_4  : i32 {
      %dma_start3A = arith.constant 0 : i32
      %dma_start3A_7 = tpu.memref_slice %arg6[%scan3A_6, %dma_start3A] : memref<79x128xi32, #tpu.memory_space<vmem>> -> memref<1x128xi32, #tpu.memory_space<vmem>>
      %dma_start3A_8 = tpu.memref_squeeze %dma_start3A_7 : memref<1x128xi32, #tpu.memory_space<vmem>> -> memref<128xi32, #tpu.memory_space<vmem>>
      %dma_start3A_9 = arith.constant 0 : i32
      %dma_start3A_10 = arith.constant 0 : i32
      %dma_start3A_11 = tpu.memref_slice %arg2[%dma_start3A_9, %dma_start3A_10] : memref<10240x16xf32, #tpu.memory_space<hbm>> -> memref<10240x16xf32, #tpu.memory_space<hbm>>
      tpu.enqueue_indirect_dma source(%dma_start3A_11 : memref<10240x16xf32, #tpu.memory_space<hbm>>) target(%arg8 : memref<128x16xf32, #tpu.memory_space<vmem>>) offsets(%dma_start3A_8 : memref<128xi32, #tpu.memory_space<vmem>>) semaphore(%arg10 : memref<!tpu.dma_semaphore, #tpu.memory_space<semaphore_mem>>)
      %dma_start3A_12 = arith.constant 0 : i32
      %dma_start3A_13 = tpu.memref_slice %arg7[%scan3A_6, %dma_start3A_12] : memref<79x128xi32, #tpu.memory_space<vmem>> -> memref<1x128xi32, #tpu.memory_space<vmem>>
      %dma_start3A_14 = tpu.memref_squeeze %dma_start3A_13 : memref<1x128xi32, #tpu.memory_space<vmem>> -> memref<128xi32, #tpu.memory_space<vmem>>
      %dma_start3A_15 = arith.constant 0 : i32
      %dma_start3A_16 = arith.constant 0 : i32
      %dma_start3A_17 = tpu.memref_slice %arg2[%dma_start3A_15, %dma_start3A_16] : memref<10240x16xf32, #tpu.memory_space<hbm>> -> memref<10240x16xf32, #tpu.memory_space<hbm>>
      tpu.enqueue_indirect_dma source(%dma_start3A_17 : memref<10240x16xf32, #tpu.memory_space<hbm>>) target(%arg9 : memref<128x16xf32, #tpu.memory_space<vmem>>) offsets(%dma_start3A_14 : memref<128xi32, #tpu.memory_space<vmem>>) semaphore(%arg11 : memref<!tpu.dma_semaphore, #tpu.memory_space<semaphore_mem>>)
      %dma_wait3A = arith.constant 0 : i32
      %dma_wait3A_18 = tpu.memref_slice %arg6[%scan3A_6, %dma_wait3A] : memref<79x128xi32, #tpu.memory_space<vmem>> -> memref<1x128xi32, #tpu.memory_space<vmem>>
      %dma_wait3A_19 = tpu.memref_squeeze %dma_wait3A_18 : memref<1x128xi32, #tpu.memory_space<vmem>> -> memref<128xi32, #tpu.memory_space<vmem>>
      %dma_wait3A_20 = arith.constant 0 : i32
      %dma_wait3A_21 = arith.constant 0 : i32
      %dma_wait3A_22 = tpu.memref_slice %arg2[%dma_wait3A_20, %dma_wait3A_21] : memref<10240x16xf32, #tpu.memory_space<hbm>> -> memref<10240x16xf32, #tpu.memory_space<hbm>>
      tpu.wait_indirect_dma semaphore(%arg10 : memref<!tpu.dma_semaphore, #tpu.memory_space<semaphore_mem>>) src(%dma_wait3A_22 : memref<10240x16xf32, #tpu.memory_space<hbm>>) dst(%arg8 : memref<128x16xf32, #tpu.memory_space<vmem>>)
      %dma_wait3A_23 = arith.constant 0 : i32
      %dma_wait3A_24 = tpu.memref_slice %arg7[%scan3A_6, %dma_wait3A_23] : memref<79x128xi32, #tpu.memory_space<vmem>> -> memref<1x128xi32, #tpu.memory_space<vmem>>
      %dma_wait3A_25 = tpu.memref_squeeze %dma_wait3A_24 : memref<1x128xi32, #tpu.memory_space<vmem>> -> memref<128xi32, #tpu.memory_space<vmem>>
      %dma_wait3A_26 = arith.constant 0 : i32
      %dma_wait3A_27 = arith.constant 0 : i32
      %dma_wait3A_28 = tpu.memref_slice %arg2[%dma_wait3A_26, %dma_wait3A_27] : memref<10240x16xf32, #tpu.memory_space<hbm>> -> memref<10240x16xf32, #tpu.memory_space<hbm>>
      tpu.wait_indirect_dma semaphore(%arg11 : memref<!tpu.dma_semaphore, #tpu.memory_space<semaphore_mem>>) src(%dma_wait3A_28 : memref<10240x16xf32, #tpu.memory_space<hbm>>) dst(%arg9 : memref<128x16xf32, #tpu.memory_space<vmem>>)
      %scan3A_29 = arith.constant 0 : i32
      %scan3A_30 = arith.constant 0 : i32
      %scan3A_31 = arith.constant 128 : i32
      %scan3A_32 = arith.addi %scan3A_30, %scan3A_31 : i32
      %scan3A_33 = arith.constant 1 : i32
      scf.for %scan3A_40 = %scan3A_30 to %scan3A_32 step %scan3A_33  : i32 {
        %get3A = arith.index_cast %scan3A_40 : i32 to index
        %get3A_41 = arith.constant 0 : index
        %get3A_42 = tpu.vector_load %arg8[%get3A, %get3A_41] {strides = array<i32>} : memref<128x16xf32, #tpu.memory_space<vmem>>, vector<1x16xf32>,
        %get3A_43 = vector.shape_cast %get3A_42 : vector<1x16xf32> to vector<16xf32>
        %get3A_44 = arith.index_cast %scan3A_40 : i32 to index
        %get3A_45 = arith.constant 0 : index
        %get3A_46 = tpu.vector_load %arg9[%get3A_44, %get3A_45] {strides = array<i32>} : memref<128x16xf32, #tpu.memory_space<vmem>>, vector<1x16xf32>,
        %get3A_47 = vector.shape_cast %get3A_46 : vector<1x16xf32> to vector<16xf32>
        %sub3A = arith.subf %get3A_43, %get3A_47 : vector<16xf32>
        %swap3A = arith.index_cast %scan3A_40 : i32 to index
        %swap3A_48 = arith.constant 0 : index
        %swap3A_49 = tpu.vector_load %arg8[%swap3A, %swap3A_48] {strides = array<i32>} : memref<128x16xf32, #tpu.memory_space<vmem>>, vector<1x16xf32>,
        %swap3A_50 = vector.shape_cast %swap3A_49 : vector<1x16xf32> to vector<16xf32>
        %swap3A_51 = vector.shape_cast %sub3A : vector<16xf32> to vector<1x16xf32>
        tpu.vector_store %arg8[%swap3A, %swap3A_48], %swap3A_51 {strides = array<i32>} : memref<128x16xf32, #tpu.memory_space<vmem>>, vector<1x16xf32>,
      }
      %scan3A_34 = arith.constant 128 : i32
      %mul3A_35 = arith.constant 79 : i32
      %mul3A_36 = arith.muli %add3A, %mul3A_35 : i32
      %add3A_37 = arith.addi %mul3A_36, %scan3A_6 : i32
      %mul3A_38 = arith.constant 128 : i32
      %mul3A_39 = arith.muli %add3A_37, %mul3A_38 : i32
      "tpu.region"() ({
        %run_scoped3A = tpu.sem_alloc : memref<!tpu.dma_semaphore, #tpu.memory_space<semaphore_mem>>
        %dma_start3A_40 = arith.constant 0 : i32
        %dma_start3A_41 = tpu.memref_slice %arg5[%mul3A_39, %dma_start3A_40] : memref<323584x16xf32, #tpu.memory_space<hbm>> -> memref<128x16xf32, #tpu.memory_space<hbm>>
        %dma_start3A_42 = arith.constant 0 : i32
        %dma_start3A_43 = tpu.memref_slice %arg5[%mul3A_39, %dma_start3A_42] : memref<323584x16xf32, #tpu.memory_space<hbm>> -> memref<128x16xf32, #tpu.memory_space<hbm>>
        tpu.enqueue_dma source(%arg8 : memref<128x16xf32, #tpu.memory_space<vmem>>) target(%dma_start3A_43 : memref<128x16xf32, #tpu.memory_space<hbm>>) target_semaphore(%run_scoped3A : memref<!tpu.dma_semaphore, #tpu.memory_space<semaphore_mem>>)
        %dma_wait3A_44 = arith.constant 0 : i32
        %dma_wait3A_45 = tpu.memref_slice %arg5[%mul3A_39, %dma_wait3A_44] : memref<323584x16xf32, #tpu.memory_space<hbm>> -> memref<128x16xf32, #tpu.memory_space<hbm>>
        %dma_wait3A_46 = arith.constant 0 : i32
        %dma_wait3A_47 = tpu.memref_slice %arg5[%mul3A_39, %dma_wait3A_46] : memref<323584x16xf32, #tpu.memory_space<hbm>> -> memref<128x16xf32, #tpu.memory_space<hbm>>
        tpu.wait_dma2 semaphore(%run_scoped3A : memref<!tpu.dma_semaphore, #tpu.memory_space<semaphore_mem>>) src(%arg8 : memref<128x16xf32, #tpu.memory_space<vmem>>) dst(%dma_wait3A_47 : memref<128x16xf32, #tpu.memory_space<hbm>>)
        tpu.yield
      }) : () -> ()
    }
    %scan3A_5 = arith.constant 79 : i32
    return
  }
}

#map = affine_map<(d0, d1) -> (0, 0)>
#map1 = affine_map<(d0, d1) -> (0, 0, 0)>
module attributes {stable_mosaic.version = 14 : i64} {
  func.func @msg_scatter(%arg0: i32, %arg1: i32, %arg2: memref<10240x128xf32, #tpu.memory_space<hbm>>, %arg3: memref<323584x128xf32, #tpu.memory_space<hbm>>, %arg4: memref<16x158x128xi32, #tpu.memory_space<hbm>>, %arg5: memref<16x158x128xi32, #tpu.memory_space<hbm>>, %arg6: memref<320x128xf32, #tpu.memory_space<hbm>>, %arg7: memref<2x5120x128xf32, #tpu.memory_space<hbm>>, %arg8: memref<158x128xi32, #tpu.memory_space<vmem>>, %arg9: memref<158x128xi32, #tpu.memory_space<vmem>>, %arg10: memref<1x128xi32, #tpu.memory_space<vmem>>, %arg11: memref<128x128xf32, #tpu.memory_space<vmem>>, %arg12: memref<128x128xf32, #tpu.memory_space<vmem>>, %arg13: memref<5248x128xf32, #tpu.memory_space<vmem_shared>>, %arg14: memref<!tpu.dma_semaphore, #tpu.memory_space<semaphore_mem>>) attributes {dimension_semantics = [#tpu.dimension_semantics<core_parallel>, #tpu.dimension_semantics<subcore_parallel>], iteration_bounds = array<i64: 2, 16>, scalar_prefetch = 0 : i64, scratch_operands = 7 : i64, tpu.core_type = #tpu.core_type<sc_vector_subcore>, window_params = [{transform_indices = #map}, {transform_indices = #map}, {transform_indices = #map1}, {transform_indices = #map1}, {transform_indices = #map}, {transform_indices = #map1}]} {
    %mul3A = arith.constant 320 : i32
    %mul3A_0 = arith.muli %arg1, %mul3A : i32
    "tpu.region"() ({
      %run_scoped3A = tpu.sem_alloc : memref<!tpu.dma_semaphore, #tpu.memory_space<semaphore_mem>>
      %dma_start3A = arith.constant 0 : i32
      %dma_start3A_16 = tpu.memref_slice %arg13[%mul3A_0, %dma_start3A] : memref<5248x128xf32, #tpu.memory_space<vmem_shared>> -> memref<320x128xf32, #tpu.memory_space<vmem_shared>>
      tpu.enqueue_dma source(%arg6 : memref<320x128xf32, #tpu.memory_space<hbm>>) target(%dma_start3A_16 : memref<320x128xf32, #tpu.memory_space<vmem_shared>>) target_semaphore(%run_scoped3A : memref<!tpu.dma_semaphore, #tpu.memory_space<semaphore_mem>>)
      %dma_wait3A = arith.constant 0 : i32
      %dma_wait3A_17 = tpu.memref_slice %arg13[%mul3A_0, %dma_wait3A] : memref<5248x128xf32, #tpu.memory_space<vmem_shared>> -> memref<320x128xf32, #tpu.memory_space<vmem_shared>>
      tpu.wait_dma2 semaphore(%run_scoped3A : memref<!tpu.dma_semaphore, #tpu.memory_space<semaphore_mem>>) src(%arg6 : memref<320x128xf32, #tpu.memory_space<hbm>>) dst(%dma_wait3A_17 : memref<320x128xf32, #tpu.memory_space<vmem_shared>>)
      tpu.yield
    }) : () -> ()
    %barrier3A = arith.constant 0 : index
    tpu.barrier barrier_id(%barrier3A)
    "tpu.region"() ({
      %run_scoped3A = tpu.sem_alloc : memref<!tpu.dma_semaphore, #tpu.memory_space<semaphore_mem>>
      %dma_start3A = arith.constant 0 : i32
      %dma_start3A_16 = arith.constant 0 : i32
      %dma_start3A_17 = tpu.memref_slice %arg4[%arg1, %dma_start3A, %dma_start3A_16] : memref<16x158x128xi32, #tpu.memory_space<hbm>> -> memref<1x158x128xi32, #tpu.memory_space<hbm>>
      %dma_start3A_18 = tpu.memref_squeeze %dma_start3A_17 : memref<1x158x128xi32, #tpu.memory_space<hbm>> -> memref<158x128xi32, #tpu.memory_space<hbm>>
      %dma_start3A_19 = arith.constant 0 : i32
      %dma_start3A_20 = arith.constant 0 : i32
      %dma_start3A_21 = tpu.memref_slice %arg4[%arg1, %dma_start3A_19, %dma_start3A_20] : memref<16x158x128xi32, #tpu.memory_space<hbm>> -> memref<1x158x128xi32, #tpu.memory_space<hbm>>
      %dma_start3A_22 = tpu.memref_squeeze %dma_start3A_21 : memref<1x158x128xi32, #tpu.memory_space<hbm>> -> memref<158x128xi32, #tpu.memory_space<hbm>>
      tpu.enqueue_dma source(%dma_start3A_22 : memref<158x128xi32, #tpu.memory_space<hbm>>) target(%arg8 : memref<158x128xi32, #tpu.memory_space<vmem>>) target_semaphore(%run_scoped3A : memref<!tpu.dma_semaphore, #tpu.memory_space<semaphore_mem>>)
      %dma_wait3A = arith.constant 0 : i32
      %dma_wait3A_23 = arith.constant 0 : i32
      %dma_wait3A_24 = tpu.memref_slice %arg4[%arg1, %dma_wait3A, %dma_wait3A_23] : memref<16x158x128xi32, #tpu.memory_space<hbm>> -> memref<1x158x128xi32, #tpu.memory_space<hbm>>
      %dma_wait3A_25 = tpu.memref_squeeze %dma_wait3A_24 : memref<1x158x128xi32, #tpu.memory_space<hbm>> -> memref<158x128xi32, #tpu.memory_space<hbm>>
      %dma_wait3A_26 = arith.constant 0 : i32
      %dma_wait3A_27 = arith.constant 0 : i32
      %dma_wait3A_28 = tpu.memref_slice %arg4[%arg1, %dma_wait3A_26, %dma_wait3A_27] : memref<16x158x128xi32, #tpu.memory_space<hbm>> -> memref<1x158x128xi32, #tpu.memory_space<hbm>>
      %dma_wait3A_29 = tpu.memref_squeeze %dma_wait3A_28 : memref<1x158x128xi32, #tpu.memory_space<hbm>> -> memref<158x128xi32, #tpu.memory_space<hbm>>
      tpu.wait_dma2 semaphore(%run_scoped3A : memref<!tpu.dma_semaphore, #tpu.memory_space<semaphore_mem>>) src(%dma_wait3A_29 : memref<158x128xi32, #tpu.memory_space<hbm>>) dst(%arg8 : memref<158x128xi32, #tpu.memory_space<vmem>>)
      tpu.yield
    }) : () -> ()
    "tpu.region"() ({
      %run_scoped3A = tpu.sem_alloc : memref<!tpu.dma_semaphore, #tpu.memory_space<semaphore_mem>>
      %dma_start3A = arith.constant 0 : i32
      %dma_start3A_16 = arith.constant 0 : i32
      %dma_start3A_17 = tpu.memref_slice %arg5[%arg1, %dma_start3A, %dma_start3A_16] : memref<16x158x128xi32, #tpu.memory_space<hbm>> -> memref<1x158x128xi32, #tpu.memory_space<hbm>>
      %dma_start3A_18 = tpu.memref_squeeze %dma_start3A_17 : memref<1x158x128xi32, #tpu.memory_space<hbm>> -> memref<158x128xi32, #tpu.memory_space<hbm>>
      %dma_start3A_19 = arith.constant 0 : i32
      %dma_start3A_20 = arith.constant 0 : i32
      %dma_start3A_21 = tpu.memref_slice %arg5[%arg1, %dma_start3A_19, %dma_start3A_20] : memref<16x158x128xi32, #tpu.memory_space<hbm>> -> memref<1x158x128xi32, #tpu.memory_space<hbm>>
      %dma_start3A_22 = tpu.memref_squeeze %dma_start3A_21 : memref<1x158x128xi32, #tpu.memory_space<hbm>> -> memref<158x128xi32, #tpu.memory_space<hbm>>
      tpu.enqueue_dma source(%dma_start3A_22 : memref<158x128xi32, #tpu.memory_space<hbm>>) target(%arg9 : memref<158x128xi32, #tpu.memory_space<vmem>>) target_semaphore(%run_scoped3A : memref<!tpu.dma_semaphore, #tpu.memory_space<semaphore_mem>>)
      %dma_wait3A = arith.constant 0 : i32
      %dma_wait3A_23 = arith.constant 0 : i32
      %dma_wait3A_24 = tpu.memref_slice %arg5[%arg1, %dma_wait3A, %dma_wait3A_23] : memref<16x158x128xi32, #tpu.memory_space<hbm>> -> memref<1x158x128xi32, #tpu.memory_space<hbm>>
      %dma_wait3A_25 = tpu.memref_squeeze %dma_wait3A_24 : memref<1x158x128xi32, #tpu.memory_space<hbm>> -> memref<158x128xi32, #tpu.memory_space<hbm>>
      %dma_wait3A_26 = arith.constant 0 : i32
      %dma_wait3A_27 = arith.constant 0 : i32
      %dma_wait3A_28 = tpu.memref_slice %arg5[%arg1, %dma_wait3A_26, %dma_wait3A_27] : memref<16x158x128xi32, #tpu.memory_space<hbm>> -> memref<1x158x128xi32, #tpu.memory_space<hbm>>
      %dma_wait3A_29 = tpu.memref_squeeze %dma_wait3A_28 : memref<1x158x128xi32, #tpu.memory_space<hbm>> -> memref<158x128xi32, #tpu.memory_space<hbm>>
      tpu.wait_dma2 semaphore(%run_scoped3A : memref<!tpu.dma_semaphore, #tpu.memory_space<semaphore_mem>>) src(%dma_wait3A_29 : memref<158x128xi32, #tpu.memory_space<hbm>>) dst(%arg9 : memref<158x128xi32, #tpu.memory_space<vmem>>)
      tpu.yield
    }) : () -> ()
    %mul3A_1 = arith.constant 5120 : i32
    %mul3A_2 = arith.muli %arg0, %mul3A_1 : i32
    %mul3A_3 = arith.constant 8 : i32
    %mul3A_4 = arith.muli %arg1, %mul3A_3 : i32
    %add3A = arith.constant 5120 : i32
    %add3A_5 = arith.addi %add3A, %mul3A_4 : i32
    %scan3A = arith.constant 0 : i32
    %scan3A_6 = arith.constant 0 : i32
    %scan3A_7 = arith.constant 158 : i32
    %scan3A_8 = arith.addi %scan3A_6, %scan3A_7 : i32
    %scan3A_9 = arith.constant 1 : i32
    scf.for %scan3A_16 = %scan3A_6 to %scan3A_8 step %scan3A_9  : i32 {
      %dma_start3A = arith.constant 0 : i32
      %dma_start3A_17 = tpu.memref_slice %arg8[%scan3A_16, %dma_start3A] : memref<158x128xi32, #tpu.memory_space<vmem>> -> memref<1x128xi32, #tpu.memory_space<vmem>>
      %dma_start3A_18 = tpu.memref_squeeze %dma_start3A_17 : memref<1x128xi32, #tpu.memory_space<vmem>> -> memref<128xi32, #tpu.memory_space<vmem>>
      %dma_start3A_19 = arith.constant 0 : i32
      %dma_start3A_20 = arith.constant 0 : i32
      %dma_start3A_21 = tpu.memref_slice %arg2[%dma_start3A_19, %dma_start3A_20] : memref<10240x128xf32, #tpu.memory_space<hbm>> -> memref<10240x128xf32, #tpu.memory_space<hbm>>
      tpu.enqueue_indirect_dma source(%dma_start3A_21 : memref<10240x128xf32, #tpu.memory_space<hbm>>) target(%arg11 : memref<128x128xf32, #tpu.memory_space<vmem>>) offsets(%dma_start3A_18 : memref<128xi32, #tpu.memory_space<vmem>>) semaphore(%arg14 : memref<!tpu.dma_semaphore, #tpu.memory_space<semaphore_mem>>)
      %mul3A_22 = arith.constant 158 : i32
      %mul3A_23 = arith.muli %arg1, %mul3A_22 : i32
      %add3A_24 = arith.addi %mul3A_23, %scan3A_16 : i32
      %mul3A_25 = arith.constant 128 : i32
      %mul3A_26 = arith.muli %add3A_24, %mul3A_25 : i32
      "tpu.region"() ({
        %run_scoped3A_240 = tpu.sem_alloc : memref<!tpu.dma_semaphore, #tpu.memory_space<semaphore_mem>>
        %dma_start3A_241 = arith.constant 0 : i32
        %dma_start3A_242 = tpu.memref_slice %arg3[%mul3A_26, %dma_start3A_241] : memref<323584x128xf32, #tpu.memory_space<hbm>> -> memref<128x128xf32, #tpu.memory_space<hbm>>
        %dma_start3A_243 = arith.constant 0 : i32
        %dma_start3A_244 = tpu.memref_slice %arg3[%mul3A_26, %dma_start3A_243] : memref<323584x128xf32, #tpu.memory_space<hbm>> -> memref<128x128xf32, #tpu.memory_space<hbm>>
        tpu.enqueue_dma source(%dma_start3A_244 : memref<128x128xf32, #tpu.memory_space<hbm>>) target(%arg12 : memref<128x128xf32, #tpu.memory_space<vmem>>) target_semaphore(%run_scoped3A_240 : memref<!tpu.dma_semaphore, #tpu.memory_space<semaphore_mem>>)
        %dma_wait3A_245 = arith.constant 0 : i32
        %dma_wait3A_246 = tpu.memref_slice %arg3[%mul3A_26, %dma_wait3A_245] : memref<323584x128xf32, #tpu.memory_space<hbm>> -> memref<128x128xf32, #tpu.memory_space<hbm>>
        %dma_wait3A_247 = arith.constant 0 : i32
        %dma_wait3A_248 = tpu.memref_slice %arg3[%mul3A_26, %dma_wait3A_247] : memref<323584x128xf32, #tpu.memory_space<hbm>> -> memref<128x128xf32, #tpu.memory_space<hbm>>
        tpu.wait_dma2 semaphore(%run_scoped3A_240 : memref<!tpu.dma_semaphore, #tpu.memory_space<semaphore_mem>>) src(%dma_wait3A_248 : memref<128x128xf32, #tpu.memory_space<hbm>>) dst(%arg12 : memref<128x128xf32, #tpu.memory_space<vmem>>)
        tpu.yield
      }) : () -> ()
      %scan3A_27 = arith.constant 0 : i32
      %scan3A_28 = arith.constant 0 : i32
      %mul3A_29 = arith.constant 16 : i32
      %mul3A_30 = arith.muli %scan3A_28, %mul3A_29 : i32
      %get3A = arith.index_cast %scan3A_16 : i32 to index
      %get3A_31 = arith.index_cast %mul3A_30 : i32 to index
      %get3A_32 = tpu.vector_load %arg9[%get3A, %get3A_31] {strides = array<i32>} : memref<158x128xi32, #tpu.memory_space<vmem>>, vector<1x16xi32>,
      %get3A_33 = vector.shape_cast %get3A_32 : vector<1x16xi32> to vector<16xi32>
      %sub3A = vector.broadcast %mul3A_2 : i32 to vector<16xi32>
      %sub3A_34 = arith.subi %get3A_33, %sub3A : vector<16xi32>
      %ge3A = arith.constant 0 : i32
      %ge3A_35 = vector.broadcast %ge3A : i32 to vector<16xi32>
      %ge3A_36 = arith.cmpi sge, %sub3A_34, %ge3A_35 : vector<16xi32>
      %lt3A = arith.constant 5120 : i32
      %lt3A_37 = vector.broadcast %lt3A : i32 to vector<16xi32>
      %lt3A_38 = arith.cmpi slt, %sub3A_34, %lt3A_37 : vector<16xi32>
      %and3A = arith.andi %ge3A_36, %lt3A_38 : vector<16xi1>
      %broadcast_in_dim3A = vector.broadcast %add3A_5 : i32 to vector<16xi32>
      %select_n3A = arith.select %and3A, %sub3A_34, %broadcast_in_dim3A : vector<16xi1>, vector<16xi32>
      %mul3A_39 = arith.constant 16 : i32
      %mul3A_40 = arith.muli %scan3A_28, %mul3A_39 : i32
      %swap3A = arith.constant 0 : i32
      %swap3A_41 = arith.index_cast %swap3A : i32 to index
      %swap3A_42 = arith.index_cast %mul3A_40 : i32 to index
      %swap3A_43 = tpu.vector_load %arg10[%swap3A_41, %swap3A_42] {strides = array<i32>} : memref<1x128xi32, #tpu.memory_space<vmem>>, vector<1x16xi32>,
      %swap3A_44 = vector.shape_cast %swap3A_43 : vector<1x16xi32> to vector<16xi32>
      %swap3A_45 = vector.shape_cast %select_n3A : vector<16xi32> to vector<1x16xi32>
      tpu.vector_store %arg10[%swap3A_41, %swap3A_42], %swap3A_45 {strides = array<i32>} : memref<1x128xi32, #tpu.memory_space<vmem>>, vector<1x16xi32>,
      %scan3A_46 = arith.constant 1 : i32
      %mul3A_47 = arith.constant 16 : i32
      %mul3A_48 = arith.muli %scan3A_46, %mul3A_47 : i32
      %get3A_49 = arith.index_cast %scan3A_16 : i32 to index
      %get3A_50 = arith.index_cast %mul3A_48 : i32 to index
      %get3A_51 = tpu.vector_load %arg9[%get3A_49, %get3A_50] {strides = array<i32>} : memref<158x128xi32, #tpu.memory_space<vmem>>, vector<1x16xi32>,
      %get3A_52 = vector.shape_cast %get3A_51 : vector<1x16xi32> to vector<16xi32>
      %sub3A_53 = vector.broadcast %mul3A_2 : i32 to vector<16xi32>
      %sub3A_54 = arith.subi %get3A_52, %sub3A_53 : vector<16xi32>
      %ge3A_55 = arith.constant 0 : i32
      %ge3A_56 = vector.broadcast %ge3A_55 : i32 to vector<16xi32>
      %ge3A_57 = arith.cmpi sge, %sub3A_54, %ge3A_56 : vector<16xi32>
      %lt3A_58 = arith.constant 5120 : i32
      %lt3A_59 = vector.broadcast %lt3A_58 : i32 to vector<16xi32>
      %lt3A_60 = arith.cmpi slt, %sub3A_54, %lt3A_59 : vector<16xi32>
      %and3A_61 = arith.andi %ge3A_57, %lt3A_60 : vector<16xi1>
      %broadcast_in_dim3A_62 = vector.broadcast %add3A_5 : i32 to vector<16xi32>
      %select_n3A_63 = arith.select %and3A_61, %sub3A_54, %broadcast_in_dim3A_62 : vector<16xi1>, vector<16xi32>
      %mul3A_64 = arith.constant 16 : i32
      %mul3A_65 = arith.muli %scan3A_46, %mul3A_64 : i32
      %swap3A_66 = arith.constant 0 : i32
      %swap3A_67 = arith.index_cast %swap3A_66 : i32 to index
      %swap3A_68 = arith.index_cast %mul3A_65 : i32 to index
      %swap3A_69 = tpu.vector_load %arg10[%swap3A_67, %swap3A_68] {strides = array<i32>} : memref<1x128xi32, #tpu.memory_space<vmem>>, vector<1x16xi32>,
      %swap3A_70 = vector.shape_cast %swap3A_69 : vector<1x16xi32> to vector<16xi32>
      %swap3A_71 = vector.shape_cast %select_n3A_63 : vector<16xi32> to vector<1x16xi32>
      tpu.vector_store %arg10[%swap3A_67, %swap3A_68], %swap3A_71 {strides = array<i32>} : memref<1x128xi32, #tpu.memory_space<vmem>>, vector<1x16xi32>,
      %scan3A_72 = arith.constant 2 : i32
      %mul3A_73 = arith.constant 16 : i32
      %mul3A_74 = arith.muli %scan3A_72, %mul3A_73 : i32
      %get3A_75 = arith.index_cast %scan3A_16 : i32 to index
      %get3A_76 = arith.index_cast %mul3A_74 : i32 to index
      %get3A_77 = tpu.vector_load %arg9[%get3A_75, %get3A_76] {strides = array<i32>} : memref<158x128xi32, #tpu.memory_space<vmem>>, vector<1x16xi32>,
      %get3A_78 = vector.shape_cast %get3A_77 : vector<1x16xi32> to vector<16xi32>
      %sub3A_79 = vector.broadcast %mul3A_2 : i32 to vector<16xi32>
      %sub3A_80 = arith.subi %get3A_78, %sub3A_79 : vector<16xi32>
      %ge3A_81 = arith.constant 0 : i32
      %ge3A_82 = vector.broadcast %ge3A_81 : i32 to vector<16xi32>
      %ge3A_83 = arith.cmpi sge, %sub3A_80, %ge3A_82 : vector<16xi32>
      %lt3A_84 = arith.constant 5120 : i32
      %lt3A_85 = vector.broadcast %lt3A_84 : i32 to vector<16xi32>
      %lt3A_86 = arith.cmpi slt, %sub3A_80, %lt3A_85 : vector<16xi32>
      %and3A_87 = arith.andi %ge3A_83, %lt3A_86 : vector<16xi1>
      %broadcast_in_dim3A_88 = vector.broadcast %add3A_5 : i32 to vector<16xi32>
      %select_n3A_89 = arith.select %and3A_87, %sub3A_80, %broadcast_in_dim3A_88 : vector<16xi1>, vector<16xi32>
      %mul3A_90 = arith.constant 16 : i32
      %mul3A_91 = arith.muli %scan3A_72, %mul3A_90 : i32
      %swap3A_92 = arith.constant 0 : i32
      %swap3A_93 = arith.index_cast %swap3A_92 : i32 to index
      %swap3A_94 = arith.index_cast %mul3A_91 : i32 to index
      %swap3A_95 = tpu.vector_load %arg10[%swap3A_93, %swap3A_94] {strides = array<i32>} : memref<1x128xi32, #tpu.memory_space<vmem>>, vector<1x16xi32>,
      %swap3A_96 = vector.shape_cast %swap3A_95 : vector<1x16xi32> to vector<16xi32>
      %swap3A_97 = vector.shape_cast %select_n3A_89 : vector<16xi32> to vector<1x16xi32>
      tpu.vector_store %arg10[%swap3A_93, %swap3A_94], %swap3A_97 {strides = array<i32>} : memref<1x128xi32, #tpu.memory_space<vmem>>, vector<1x16xi32>,
      %scan3A_98 = arith.constant 3 : i32
      %mul3A_99 = arith.constant 16 : i32
      %mul3A_100 = arith.muli %scan3A_98, %mul3A_99 : i32
      %get3A_101 = arith.index_cast %scan3A_16 : i32 to index
      %get3A_102 = arith.index_cast %mul3A_100 : i32 to index
      %get3A_103 = tpu.vector_load %arg9[%get3A_101, %get3A_102] {strides = array<i32>} : memref<158x128xi32, #tpu.memory_space<vmem>>, vector<1x16xi32>,
      %get3A_104 = vector.shape_cast %get3A_103 : vector<1x16xi32> to vector<16xi32>
      %sub3A_105 = vector.broadcast %mul3A_2 : i32 to vector<16xi32>
      %sub3A_106 = arith.subi %get3A_104, %sub3A_105 : vector<16xi32>
      %ge3A_107 = arith.constant 0 : i32
      %ge3A_108 = vector.broadcast %ge3A_107 : i32 to vector<16xi32>
      %ge3A_109 = arith.cmpi sge, %sub3A_106, %ge3A_108 : vector<16xi32>
      %lt3A_110 = arith.constant 5120 : i32
      %lt3A_111 = vector.broadcast %lt3A_110 : i32 to vector<16xi32>
      %lt3A_112 = arith.cmpi slt, %sub3A_106, %lt3A_111 : vector<16xi32>
      %and3A_113 = arith.andi %ge3A_109, %lt3A_112 : vector<16xi1>
      %broadcast_in_dim3A_114 = vector.broadcast %add3A_5 : i32 to vector<16xi32>
      %select_n3A_115 = arith.select %and3A_113, %sub3A_106, %broadcast_in_dim3A_114 : vector<16xi1>, vector<16xi32>
      %mul3A_116 = arith.constant 16 : i32
      %mul3A_117 = arith.muli %scan3A_98, %mul3A_116 : i32
      %swap3A_118 = arith.constant 0 : i32
      %swap3A_119 = arith.index_cast %swap3A_118 : i32 to index
      %swap3A_120 = arith.index_cast %mul3A_117 : i32 to index
      %swap3A_121 = tpu.vector_load %arg10[%swap3A_119, %swap3A_120] {strides = array<i32>} : memref<1x128xi32, #tpu.memory_space<vmem>>, vector<1x16xi32>,
      %swap3A_122 = vector.shape_cast %swap3A_121 : vector<1x16xi32> to vector<16xi32>
      %swap3A_123 = vector.shape_cast %select_n3A_115 : vector<16xi32> to vector<1x16xi32>
      tpu.vector_store %arg10[%swap3A_119, %swap3A_120], %swap3A_123 {strides = array<i32>} : memref<1x128xi32, #tpu.memory_space<vmem>>, vector<1x16xi32>,
      %scan3A_124 = arith.constant 4 : i32
      %mul3A_125 = arith.constant 16 : i32
      %mul3A_126 = arith.muli %scan3A_124, %mul3A_125 : i32
      %get3A_127 = arith.index_cast %scan3A_16 : i32 to index
      %get3A_128 = arith.index_cast %mul3A_126 : i32 to index
      %get3A_129 = tpu.vector_load %arg9[%get3A_127, %get3A_128] {strides = array<i32>} : memref<158x128xi32, #tpu.memory_space<vmem>>, vector<1x16xi32>,
      %get3A_130 = vector.shape_cast %get3A_129 : vector<1x16xi32> to vector<16xi32>
      %sub3A_131 = vector.broadcast %mul3A_2 : i32 to vector<16xi32>
      %sub3A_132 = arith.subi %get3A_130, %sub3A_131 : vector<16xi32>
      %ge3A_133 = arith.constant 0 : i32
      %ge3A_134 = vector.broadcast %ge3A_133 : i32 to vector<16xi32>
      %ge3A_135 = arith.cmpi sge, %sub3A_132, %ge3A_134 : vector<16xi32>
      %lt3A_136 = arith.constant 5120 : i32
      %lt3A_137 = vector.broadcast %lt3A_136 : i32 to vector<16xi32>
      %lt3A_138 = arith.cmpi slt, %sub3A_132, %lt3A_137 : vector<16xi32>
      %and3A_139 = arith.andi %ge3A_135, %lt3A_138 : vector<16xi1>
      %broadcast_in_dim3A_140 = vector.broadcast %add3A_5 : i32 to vector<16xi32>
      %select_n3A_141 = arith.select %and3A_139, %sub3A_132, %broadcast_in_dim3A_140 : vector<16xi1>, vector<16xi32>
      %mul3A_142 = arith.constant 16 : i32
      %mul3A_143 = arith.muli %scan3A_124, %mul3A_142 : i32
      %swap3A_144 = arith.constant 0 : i32
      %swap3A_145 = arith.index_cast %swap3A_144 : i32 to index
      %swap3A_146 = arith.index_cast %mul3A_143 : i32 to index
      %swap3A_147 = tpu.vector_load %arg10[%swap3A_145, %swap3A_146] {strides = array<i32>} : memref<1x128xi32, #tpu.memory_space<vmem>>, vector<1x16xi32>,
      %swap3A_148 = vector.shape_cast %swap3A_147 : vector<1x16xi32> to vector<16xi32>
      %swap3A_149 = vector.shape_cast %select_n3A_141 : vector<16xi32> to vector<1x16xi32>
      tpu.vector_store %arg10[%swap3A_145, %swap3A_146], %swap3A_149 {strides = array<i32>} : memref<1x128xi32, #tpu.memory_space<vmem>>, vector<1x16xi32>,
      %scan3A_150 = arith.constant 5 : i32
      %mul3A_151 = arith.constant 16 : i32
      %mul3A_152 = arith.muli %scan3A_150, %mul3A_151 : i32
      %get3A_153 = arith.index_cast %scan3A_16 : i32 to index
      %get3A_154 = arith.index_cast %mul3A_152 : i32 to index
      %get3A_155 = tpu.vector_load %arg9[%get3A_153, %get3A_154] {strides = array<i32>} : memref<158x128xi32, #tpu.memory_space<vmem>>, vector<1x16xi32>,
      %get3A_156 = vector.shape_cast %get3A_155 : vector<1x16xi32> to vector<16xi32>
      %sub3A_157 = vector.broadcast %mul3A_2 : i32 to vector<16xi32>
      %sub3A_158 = arith.subi %get3A_156, %sub3A_157 : vector<16xi32>
      %ge3A_159 = arith.constant 0 : i32
      %ge3A_160 = vector.broadcast %ge3A_159 : i32 to vector<16xi32>
      %ge3A_161 = arith.cmpi sge, %sub3A_158, %ge3A_160 : vector<16xi32>
      %lt3A_162 = arith.constant 5120 : i32
      %lt3A_163 = vector.broadcast %lt3A_162 : i32 to vector<16xi32>
      %lt3A_164 = arith.cmpi slt, %sub3A_158, %lt3A_163 : vector<16xi32>
      %and3A_165 = arith.andi %ge3A_161, %lt3A_164 : vector<16xi1>
      %broadcast_in_dim3A_166 = vector.broadcast %add3A_5 : i32 to vector<16xi32>
      %select_n3A_167 = arith.select %and3A_165, %sub3A_158, %broadcast_in_dim3A_166 : vector<16xi1>, vector<16xi32>
      %mul3A_168 = arith.constant 16 : i32
      %mul3A_169 = arith.muli %scan3A_150, %mul3A_168 : i32
      %swap3A_170 = arith.constant 0 : i32
      %swap3A_171 = arith.index_cast %swap3A_170 : i32 to index
      %swap3A_172 = arith.index_cast %mul3A_169 : i32 to index
      %swap3A_173 = tpu.vector_load %arg10[%swap3A_171, %swap3A_172] {strides = array<i32>} : memref<1x128xi32, #tpu.memory_space<vmem>>, vector<1x16xi32>,
      %swap3A_174 = vector.shape_cast %swap3A_173 : vector<1x16xi32> to vector<16xi32>
      %swap3A_175 = vector.shape_cast %select_n3A_167 : vector<16xi32> to vector<1x16xi32>
      tpu.vector_store %arg10[%swap3A_171, %swap3A_172], %swap3A_175 {strides = array<i32>} : memref<1x128xi32, #tpu.memory_space<vmem>>, vector<1x16xi32>,
      %scan3A_176 = arith.constant 6 : i32
      %mul3A_177 = arith.constant 16 : i32
      %mul3A_178 = arith.muli %scan3A_176, %mul3A_177 : i32
      %get3A_179 = arith.index_cast %scan3A_16 : i32 to index
      %get3A_180 = arith.index_cast %mul3A_178 : i32 to index
      %get3A_181 = tpu.vector_load %arg9[%get3A_179, %get3A_180] {strides = array<i32>} : memref<158x128xi32, #tpu.memory_space<vmem>>, vector<1x16xi32>,
      %get3A_182 = vector.shape_cast %get3A_181 : vector<1x16xi32> to vector<16xi32>
      %sub3A_183 = vector.broadcast %mul3A_2 : i32 to vector<16xi32>
      %sub3A_184 = arith.subi %get3A_182, %sub3A_183 : vector<16xi32>
      %ge3A_185 = arith.constant 0 : i32
      %ge3A_186 = vector.broadcast %ge3A_185 : i32 to vector<16xi32>
      %ge3A_187 = arith.cmpi sge, %sub3A_184, %ge3A_186 : vector<16xi32>
      %lt3A_188 = arith.constant 5120 : i32
      %lt3A_189 = vector.broadcast %lt3A_188 : i32 to vector<16xi32>
      %lt3A_190 = arith.cmpi slt, %sub3A_184, %lt3A_189 : vector<16xi32>
      %and3A_191 = arith.andi %ge3A_187, %lt3A_190 : vector<16xi1>
      %broadcast_in_dim3A_192 = vector.broadcast %add3A_5 : i32 to vector<16xi32>
      %select_n3A_193 = arith.select %and3A_191, %sub3A_184, %broadcast_in_dim3A_192 : vector<16xi1>, vector<16xi32>
      %mul3A_194 = arith.constant 16 : i32
      %mul3A_195 = arith.muli %scan3A_176, %mul3A_194 : i32
      %swap3A_196 = arith.constant 0 : i32
      %swap3A_197 = arith.index_cast %swap3A_196 : i32 to index
      %swap3A_198 = arith.index_cast %mul3A_195 : i32 to index
      %swap3A_199 = tpu.vector_load %arg10[%swap3A_197, %swap3A_198] {strides = array<i32>} : memref<1x128xi32, #tpu.memory_space<vmem>>, vector<1x16xi32>,
      %swap3A_200 = vector.shape_cast %swap3A_199 : vector<1x16xi32> to vector<16xi32>
      %swap3A_201 = vector.shape_cast %select_n3A_193 : vector<16xi32> to vector<1x16xi32>
      tpu.vector_store %arg10[%swap3A_197, %swap3A_198], %swap3A_201 {strides = array<i32>} : memref<1x128xi32, #tpu.memory_space<vmem>>, vector<1x16xi32>,
      %scan3A_202 = arith.constant 7 : i32
      %mul3A_203 = arith.constant 16 : i32
      %mul3A_204 = arith.muli %scan3A_202, %mul3A_203 : i32
      %get3A_205 = arith.index_cast %scan3A_16 : i32 to index
      %get3A_206 = arith.index_cast %mul3A_204 : i32 to index
      %get3A_207 = tpu.vector_load %arg9[%get3A_205, %get3A_206] {strides = array<i32>} : memref<158x128xi32, #tpu.memory_space<vmem>>, vector<1x16xi32>,
      %get3A_208 = vector.shape_cast %get3A_207 : vector<1x16xi32> to vector<16xi32>
      %sub3A_209 = vector.broadcast %mul3A_2 : i32 to vector<16xi32>
      %sub3A_210 = arith.subi %get3A_208, %sub3A_209 : vector<16xi32>
      %ge3A_211 = arith.constant 0 : i32
      %ge3A_212 = vector.broadcast %ge3A_211 : i32 to vector<16xi32>
      %ge3A_213 = arith.cmpi sge, %sub3A_210, %ge3A_212 : vector<16xi32>
      %lt3A_214 = arith.constant 5120 : i32
      %lt3A_215 = vector.broadcast %lt3A_214 : i32 to vector<16xi32>
      %lt3A_216 = arith.cmpi slt, %sub3A_210, %lt3A_215 : vector<16xi32>
      %and3A_217 = arith.andi %ge3A_213, %lt3A_216 : vector<16xi1>
      %broadcast_in_dim3A_218 = vector.broadcast %add3A_5 : i32 to vector<16xi32>
      %select_n3A_219 = arith.select %and3A_217, %sub3A_210, %broadcast_in_dim3A_218 : vector<16xi1>, vector<16xi32>
      %mul3A_220 = arith.constant 16 : i32
      %mul3A_221 = arith.muli %scan3A_202, %mul3A_220 : i32
      %swap3A_222 = arith.constant 0 : i32
      %swap3A_223 = arith.index_cast %swap3A_222 : i32 to index
      %swap3A_224 = arith.index_cast %mul3A_221 : i32 to index
      %swap3A_225 = tpu.vector_load %arg10[%swap3A_223, %swap3A_224] {strides = array<i32>} : memref<1x128xi32, #tpu.memory_space<vmem>>, vector<1x16xi32>,
      %swap3A_226 = vector.shape_cast %swap3A_225 : vector<1x16xi32> to vector<16xi32>
      %swap3A_227 = vector.shape_cast %select_n3A_219 : vector<16xi32> to vector<1x16xi32>
      tpu.vector_store %arg10[%swap3A_223, %swap3A_224], %swap3A_227 {strides = array<i32>} : memref<1x128xi32, #tpu.memory_space<vmem>>, vector<1x16xi32>,
      %scan3A_228 = arith.constant 8 : i32
      %dma_wait3A = arith.constant 0 : i32
      %dma_wait3A_229 = tpu.memref_slice %arg8[%scan3A_16, %dma_wait3A] : memref<158x128xi32, #tpu.memory_space<vmem>> -> memref<1x128xi32, #tpu.memory_space<vmem>>
      %dma_wait3A_230 = tpu.memref_squeeze %dma_wait3A_229 : memref<1x128xi32, #tpu.memory_space<vmem>> -> memref<128xi32, #tpu.memory_space<vmem>>
      %dma_wait3A_231 = arith.constant 0 : i32
      %dma_wait3A_232 = arith.constant 0 : i32
      %dma_wait3A_233 = tpu.memref_slice %arg2[%dma_wait3A_231, %dma_wait3A_232] : memref<10240x128xf32, #tpu.memory_space<hbm>> -> memref<10240x128xf32, #tpu.memory_space<hbm>>
      tpu.wait_indirect_dma semaphore(%arg14 : memref<!tpu.dma_semaphore, #tpu.memory_space<semaphore_mem>>) src(%dma_wait3A_233 : memref<10240x128xf32, #tpu.memory_space<hbm>>) dst(%arg11 : memref<128x128xf32, #tpu.memory_space<vmem>>)
      %scan3A_234 = arith.constant 0 : i32
      %scan3A_235 = arith.constant 0 : i32
      %scan3A_236 = arith.constant 128 : i32
      %scan3A_237 = arith.addi %scan3A_235, %scan3A_236 : i32
      %scan3A_238 = arith.constant 1 : i32
      scf.for %scan3A_240 = %scan3A_235 to %scan3A_237 step %scan3A_238  : i32 {
        %get3A_241 = arith.index_cast %scan3A_240 : i32 to index
        %get3A_242 = arith.constant 0 : index
        %get3A_243 = tpu.vector_load %arg11[%get3A_241, %get3A_242] {strides = array<i32>} : memref<128x128xf32, #tpu.memory_space<vmem>>, vector<1x16xf32>,
        %get3A_244 = vector.shape_cast %get3A_243 : vector<1x16xf32> to vector<16xf32>
        %get3A_245 = arith.index_cast %scan3A_240 : i32 to index
        %get3A_246 = arith.constant 0 : index
        %get3A_247 = tpu.vector_load %arg12[%get3A_245, %get3A_246] {strides = array<i32>} : memref<128x128xf32, #tpu.memory_space<vmem>>, vector<1x16xf32>,
        %get3A_248 = vector.shape_cast %get3A_247 : vector<1x16xf32> to vector<16xf32>
        %mul3A_249 = arith.mulf %get3A_244, %get3A_248 : vector<16xf32>
        %swap3A_250 = arith.index_cast %scan3A_240 : i32 to index
        %swap3A_251 = arith.constant 0 : index
        %swap3A_252 = tpu.vector_load %arg11[%swap3A_250, %swap3A_251] {strides = array<i32>} : memref<128x128xf32, #tpu.memory_space<vmem>>, vector<1x16xf32>,
        %swap3A_253 = vector.shape_cast %swap3A_252 : vector<1x16xf32> to vector<16xf32>
        %swap3A_254 = vector.shape_cast %mul3A_249 : vector<16xf32> to vector<1x16xf32>
        tpu.vector_store %arg11[%swap3A_250, %swap3A_251], %swap3A_254 {strides = array<i32>} : memref<128x128xf32, #tpu.memory_space<vmem>>, vector<1x16xf32>,
        %get3A_255 = arith.index_cast %scan3A_240 : i32 to index
        %get3A_256 = arith.constant 16 : index
        %get3A_257 = tpu.vector_load %arg11[%get3A_255, %get3A_256] {strides = array<i32>} : memref<128x128xf32, #tpu.memory_space<vmem>>, vector<1x16xf32>,
        %get3A_258 = vector.shape_cast %get3A_257 : vector<1x16xf32> to vector<16xf32>
        %get3A_259 = arith.index_cast %scan3A_240 : i32 to index
        %get3A_260 = arith.constant 16 : index
        %get3A_261 = tpu.vector_load %arg12[%get3A_259, %get3A_260] {strides = array<i32>} : memref<128x128xf32, #tpu.memory_space<vmem>>, vector<1x16xf32>,
        %get3A_262 = vector.shape_cast %get3A_261 : vector<1x16xf32> to vector<16xf32>
        %mul3A_263 = arith.mulf %get3A_258, %get3A_262 : vector<16xf32>
        %swap3A_264 = arith.index_cast %scan3A_240 : i32 to index
        %swap3A_265 = arith.constant 16 : index
        %swap3A_266 = tpu.vector_load %arg11[%swap3A_264, %swap3A_265] {strides = array<i32>} : memref<128x128xf32, #tpu.memory_space<vmem>>, vector<1x16xf32>,
        %swap3A_267 = vector.shape_cast %swap3A_266 : vector<1x16xf32> to vector<16xf32>
        %swap3A_268 = vector.shape_cast %mul3A_263 : vector<16xf32> to vector<1x16xf32>
        tpu.vector_store %arg11[%swap3A_264, %swap3A_265], %swap3A_268 {strides = array<i32>} : memref<128x128xf32, #tpu.memory_space<vmem>>, vector<1x16xf32>,
        %get3A_269 = arith.index_cast %scan3A_240 : i32 to index
        %get3A_270 = arith.constant 32 : index
        %get3A_271 = tpu.vector_load %arg11[%get3A_269, %get3A_270] {strides = array<i32>} : memref<128x128xf32, #tpu.memory_space<vmem>>, vector<1x16xf32>,
        %get3A_272 = vector.shape_cast %get3A_271 : vector<1x16xf32> to vector<16xf32>
        %get3A_273 = arith.index_cast %scan3A_240 : i32 to index
        %get3A_274 = arith.constant 32 : index
        %get3A_275 = tpu.vector_load %arg12[%get3A_273, %get3A_274] {strides = array<i32>} : memref<128x128xf32, #tpu.memory_space<vmem>>, vector<1x16xf32>,
        %get3A_276 = vector.shape_cast %get3A_275 : vector<1x16xf32> to vector<16xf32>
        %mul3A_277 = arith.mulf %get3A_272, %get3A_276 : vector<16xf32>
        %swap3A_278 = arith.index_cast %scan3A_240 : i32 to index
        %swap3A_279 = arith.constant 32 : index
        %swap3A_280 = tpu.vector_load %arg11[%swap3A_278, %swap3A_279] {strides = array<i32>} : memref<128x128xf32, #tpu.memory_space<vmem>>, vector<1x16xf32>,
        %swap3A_281 = vector.shape_cast %swap3A_280 : vector<1x16xf32> to vector<16xf32>
        %swap3A_282 = vector.shape_cast %mul3A_277 : vector<16xf32> to vector<1x16xf32>
        tpu.vector_store %arg11[%swap3A_278, %swap3A_279], %swap3A_282 {strides = array<i32>} : memref<128x128xf32, #tpu.memory_space<vmem>>, vector<1x16xf32>,
        %get3A_283 = arith.index_cast %scan3A_240 : i32 to index
        %get3A_284 = arith.constant 48 : index
        %get3A_285 = tpu.vector_load %arg11[%get3A_283, %get3A_284] {strides = array<i32>} : memref<128x128xf32, #tpu.memory_space<vmem>>, vector<1x16xf32>,
        %get3A_286 = vector.shape_cast %get3A_285 : vector<1x16xf32> to vector<16xf32>
        %get3A_287 = arith.index_cast %scan3A_240 : i32 to index
        %get3A_288 = arith.constant 48 : index
        %get3A_289 = tpu.vector_load %arg12[%get3A_287, %get3A_288] {strides = array<i32>} : memref<128x128xf32, #tpu.memory_space<vmem>>, vector<1x16xf32>,
        %get3A_290 = vector.shape_cast %get3A_289 : vector<1x16xf32> to vector<16xf32>
        %mul3A_291 = arith.mulf %get3A_286, %get3A_290 : vector<16xf32>
        %swap3A_292 = arith.index_cast %scan3A_240 : i32 to index
        %swap3A_293 = arith.constant 48 : index
        %swap3A_294 = tpu.vector_load %arg11[%swap3A_292, %swap3A_293] {strides = array<i32>} : memref<128x128xf32, #tpu.memory_space<vmem>>, vector<1x16xf32>,
        %swap3A_295 = vector.shape_cast %swap3A_294 : vector<1x16xf32> to vector<16xf32>
        %swap3A_296 = vector.shape_cast %mul3A_291 : vector<16xf32> to vector<1x16xf32>
        tpu.vector_store %arg11[%swap3A_292, %swap3A_293], %swap3A_296 {strides = array<i32>} : memref<128x128xf32, #tpu.memory_space<vmem>>, vector<1x16xf32>,
        %get3A_297 = arith.index_cast %scan3A_240 : i32 to index
        %get3A_298 = arith.constant 64 : index
        %get3A_299 = tpu.vector_load %arg11[%get3A_297, %get3A_298] {strides = array<i32>} : memref<128x128xf32, #tpu.memory_space<vmem>>, vector<1x16xf32>,
        %get3A_300 = vector.shape_cast %get3A_299 : vector<1x16xf32> to vector<16xf32>
        %get3A_301 = arith.index_cast %scan3A_240 : i32 to index
        %get3A_302 = arith.constant 64 : index
        %get3A_303 = tpu.vector_load %arg12[%get3A_301, %get3A_302] {strides = array<i32>} : memref<128x128xf32, #tpu.memory_space<vmem>>, vector<1x16xf32>,
        %get3A_304 = vector.shape_cast %get3A_303 : vector<1x16xf32> to vector<16xf32>
        %mul3A_305 = arith.mulf %get3A_300, %get3A_304 : vector<16xf32>
        %swap3A_306 = arith.index_cast %scan3A_240 : i32 to index
        %swap3A_307 = arith.constant 64 : index
        %swap3A_308 = tpu.vector_load %arg11[%swap3A_306, %swap3A_307] {strides = array<i32>} : memref<128x128xf32, #tpu.memory_space<vmem>>, vector<1x16xf32>,
        %swap3A_309 = vector.shape_cast %swap3A_308 : vector<1x16xf32> to vector<16xf32>
        %swap3A_310 = vector.shape_cast %mul3A_305 : vector<16xf32> to vector<1x16xf32>
        tpu.vector_store %arg11[%swap3A_306, %swap3A_307], %swap3A_310 {strides = array<i32>} : memref<128x128xf32, #tpu.memory_space<vmem>>, vector<1x16xf32>,
        %get3A_311 = arith.index_cast %scan3A_240 : i32 to index
        %get3A_312 = arith.constant 80 : index
        %get3A_313 = tpu.vector_load %arg11[%get3A_311, %get3A_312] {strides = array<i32>} : memref<128x128xf32, #tpu.memory_space<vmem>>, vector<1x16xf32>,
        %get3A_314 = vector.shape_cast %get3A_313 : vector<1x16xf32> to vector<16xf32>
        %get3A_315 = arith.index_cast %scan3A_240 : i32 to index
        %get3A_316 = arith.constant 80 : index
        %get3A_317 = tpu.vector_load %arg12[%get3A_315, %get3A_316] {strides = array<i32>} : memref<128x128xf32, #tpu.memory_space<vmem>>, vector<1x16xf32>,
        %get3A_318 = vector.shape_cast %get3A_317 : vector<1x16xf32> to vector<16xf32>
        %mul3A_319 = arith.mulf %get3A_314, %get3A_318 : vector<16xf32>
        %swap3A_320 = arith.index_cast %scan3A_240 : i32 to index
        %swap3A_321 = arith.constant 80 : index
        %swap3A_322 = tpu.vector_load %arg11[%swap3A_320, %swap3A_321] {strides = array<i32>} : memref<128x128xf32, #tpu.memory_space<vmem>>, vector<1x16xf32>,
        %swap3A_323 = vector.shape_cast %swap3A_322 : vector<1x16xf32> to vector<16xf32>
        %swap3A_324 = vector.shape_cast %mul3A_319 : vector<16xf32> to vector<1x16xf32>
        tpu.vector_store %arg11[%swap3A_320, %swap3A_321], %swap3A_324 {strides = array<i32>} : memref<128x128xf32, #tpu.memory_space<vmem>>, vector<1x16xf32>,
        %get3A_325 = arith.index_cast %scan3A_240 : i32 to index
        %get3A_326 = arith.constant 96 : index
        %get3A_327 = tpu.vector_load %arg11[%get3A_325, %get3A_326] {strides = array<i32>} : memref<128x128xf32, #tpu.memory_space<vmem>>, vector<1x16xf32>,
        %get3A_328 = vector.shape_cast %get3A_327 : vector<1x16xf32> to vector<16xf32>
        %get3A_329 = arith.index_cast %scan3A_240 : i32 to index
        %get3A_330 = arith.constant 96 : index
        %get3A_331 = tpu.vector_load %arg12[%get3A_329, %get3A_330] {strides = array<i32>} : memref<128x128xf32, #tpu.memory_space<vmem>>, vector<1x16xf32>,
        %get3A_332 = vector.shape_cast %get3A_331 : vector<1x16xf32> to vector<16xf32>
        %mul3A_333 = arith.mulf %get3A_328, %get3A_332 : vector<16xf32>
        %swap3A_334 = arith.index_cast %scan3A_240 : i32 to index
        %swap3A_335 = arith.constant 96 : index
        %swap3A_336 = tpu.vector_load %arg11[%swap3A_334, %swap3A_335] {strides = array<i32>} : memref<128x128xf32, #tpu.memory_space<vmem>>, vector<1x16xf32>,
        %swap3A_337 = vector.shape_cast %swap3A_336 : vector<1x16xf32> to vector<16xf32>
        %swap3A_338 = vector.shape_cast %mul3A_333 : vector<16xf32> to vector<1x16xf32>
        tpu.vector_store %arg11[%swap3A_334, %swap3A_335], %swap3A_338 {strides = array<i32>} : memref<128x128xf32, #tpu.memory_space<vmem>>, vector<1x16xf32>,
        %get3A_339 = arith.index_cast %scan3A_240 : i32 to index
        %get3A_340 = arith.constant 112 : index
        %get3A_341 = tpu.vector_load %arg11[%get3A_339, %get3A_340] {strides = array<i32>} : memref<128x128xf32, #tpu.memory_space<vmem>>, vector<1x16xf32>,
        %get3A_342 = vector.shape_cast %get3A_341 : vector<1x16xf32> to vector<16xf32>
        %get3A_343 = arith.index_cast %scan3A_240 : i32 to index
        %get3A_344 = arith.constant 112 : index
        %get3A_345 = tpu.vector_load %arg12[%get3A_343, %get3A_344] {strides = array<i32>} : memref<128x128xf32, #tpu.memory_space<vmem>>, vector<1x16xf32>,
        %get3A_346 = vector.shape_cast %get3A_345 : vector<1x16xf32> to vector<16xf32>
        %mul3A_347 = arith.mulf %get3A_342, %get3A_346 : vector<16xf32>
        %swap3A_348 = arith.index_cast %scan3A_240 : i32 to index
        %swap3A_349 = arith.constant 112 : index
        %swap3A_350 = tpu.vector_load %arg11[%swap3A_348, %swap3A_349] {strides = array<i32>} : memref<128x128xf32, #tpu.memory_space<vmem>>, vector<1x16xf32>,
        %swap3A_351 = vector.shape_cast %swap3A_350 : vector<1x16xf32> to vector<16xf32>
        %swap3A_352 = vector.shape_cast %mul3A_347 : vector<16xf32> to vector<1x16xf32>
        tpu.vector_store %arg11[%swap3A_348, %swap3A_349], %swap3A_352 {strides = array<i32>} : memref<128x128xf32, #tpu.memory_space<vmem>>, vector<1x16xf32>,
      }
      %scan3A_239 = arith.constant 128 : i32
      %run_scoped3A = arith.constant 0 : i32
      "tpu.region"() ({
        %run_scoped3A_240 = tpu.sem_alloc : memref<!tpu.dma_semaphore, #tpu.memory_space<semaphore_mem>>
        %dma_start3A_241 = arith.constant 0 : i32
        %dma_start3A_242 = tpu.memref_slice %arg10[%run_scoped3A, %dma_start3A_241] : memref<1x128xi32, #tpu.memory_space<vmem>> -> memref<1x128xi32, #tpu.memory_space<vmem>>
        %dma_start3A_243 = tpu.memref_squeeze %dma_start3A_242 : memref<1x128xi32, #tpu.memory_space<vmem>> -> memref<128xi32, #tpu.memory_space<vmem>>
        %dma_start3A_244 = arith.constant 0 : i32
        %dma_start3A_245 = arith.constant 0 : i32
        %dma_start3A_246 = tpu.memref_slice %arg13[%dma_start3A_244, %dma_start3A_245] : memref<5248x128xf32, #tpu.memory_space<vmem_shared>> -> memref<5248x128xf32, #tpu.memory_space<vmem_shared>>
        tpu.enqueue_indirect_dma source(%arg11 : memref<128x128xf32, #tpu.memory_space<vmem>>) target(%dma_start3A_246 : memref<5248x128xf32, #tpu.memory_space<vmem_shared>>) offsets(%dma_start3A_243 : memref<128xi32, #tpu.memory_space<vmem>>) semaphore(%run_scoped3A_240 : memref<!tpu.dma_semaphore, #tpu.memory_space<semaphore_mem>>) {add = true}
        %dma_wait3A_247 = arith.constant 0 : i32
        %dma_wait3A_248 = tpu.memref_slice %arg10[%run_scoped3A, %dma_wait3A_247] : memref<1x128xi32, #tpu.memory_space<vmem>> -> memref<1x128xi32, #tpu.memory_space<vmem>>
        %dma_wait3A_249 = tpu.memref_squeeze %dma_wait3A_248 : memref<1x128xi32, #tpu.memory_space<vmem>> -> memref<128xi32, #tpu.memory_space<vmem>>
        %dma_wait3A_250 = arith.constant 0 : i32
        %dma_wait3A_251 = arith.constant 0 : i32
        %dma_wait3A_252 = tpu.memref_slice %arg13[%dma_wait3A_250, %dma_wait3A_251] : memref<5248x128xf32, #tpu.memory_space<vmem_shared>> -> memref<5248x128xf32, #tpu.memory_space<vmem_shared>>
        tpu.wait_indirect_dma semaphore(%run_scoped3A_240 : memref<!tpu.dma_semaphore, #tpu.memory_space<semaphore_mem>>) src(%arg11 : memref<128x128xf32, #tpu.memory_space<vmem>>) dst(%dma_wait3A_252 : memref<5248x128xf32, #tpu.memory_space<vmem_shared>>)
        tpu.yield
      }) : () -> ()
    }
    %scan3A_10 = arith.constant 158 : i32
    %barrier3A_11 = arith.constant 0 : index
    tpu.barrier barrier_id(%barrier3A_11)
    %mul3A_12 = arith.constant 320 : i32
    %mul3A_13 = arith.muli %arg1, %mul3A_12 : i32
    %mul3A_14 = arith.constant 320 : i32
    %mul3A_15 = arith.muli %arg1, %mul3A_14 : i32
    "tpu.region"() ({
      %run_scoped3A = tpu.sem_alloc : memref<!tpu.dma_semaphore, #tpu.memory_space<semaphore_mem>>
      %dma_start3A = arith.constant 0 : i32
      %dma_start3A_16 = tpu.memref_slice %arg7[%arg0, %mul3A_15, %dma_start3A] : memref<2x5120x128xf32, #tpu.memory_space<hbm>> -> memref<1x320x128xf32, #tpu.memory_space<hbm>>
      %dma_start3A_17 = tpu.memref_squeeze %dma_start3A_16 : memref<1x320x128xf32, #tpu.memory_space<hbm>> -> memref<320x128xf32, #tpu.memory_space<hbm>>
      %dma_start3A_18 = arith.constant 0 : i32
      %dma_start3A_19 = tpu.memref_slice %arg13[%mul3A_13, %dma_start3A_18] : memref<5248x128xf32, #tpu.memory_space<vmem_shared>> -> memref<320x128xf32, #tpu.memory_space<vmem_shared>>
      tpu.enqueue_dma source(%dma_start3A_19 : memref<320x128xf32, #tpu.memory_space<vmem_shared>>) target(%dma_start3A_17 : memref<320x128xf32, #tpu.memory_space<hbm>>) target_semaphore(%run_scoped3A : memref<!tpu.dma_semaphore, #tpu.memory_space<semaphore_mem>>)
      %dma_wait3A = arith.constant 0 : i32
      %dma_wait3A_20 = tpu.memref_slice %arg7[%arg0, %mul3A_15, %dma_wait3A] : memref<2x5120x128xf32, #tpu.memory_space<hbm>> -> memref<1x320x128xf32, #tpu.memory_space<hbm>>
      %dma_wait3A_21 = tpu.memref_squeeze %dma_wait3A_20 : memref<1x320x128xf32, #tpu.memory_space<hbm>> -> memref<320x128xf32, #tpu.memory_space<hbm>>
      %dma_wait3A_22 = arith.constant 0 : i32
      %dma_wait3A_23 = tpu.memref_slice %arg13[%mul3A_13, %dma_wait3A_22] : memref<5248x128xf32, #tpu.memory_space<vmem_shared>> -> memref<320x128xf32, #tpu.memory_space<vmem_shared>>
      tpu.wait_dma2 semaphore(%run_scoped3A : memref<!tpu.dma_semaphore, #tpu.memory_space<semaphore_mem>>) src(%dma_wait3A_23 : memref<320x128xf32, #tpu.memory_space<vmem_shared>>) dst(%dma_wait3A_21 : memref<320x128xf32, #tpu.memory_space<hbm>>)
      tpu.yield
    }) : () -> ()
    return
  }
}

#map = affine_map<(d0, d1) -> (0, 0)>
#map1 = affine_map<(d0, d1) -> (0, 0, 0)>
module attributes {stable_mosaic.version = 14 : i64} {
  func.func @msg_scatter(%arg0: i32, %arg1: i32, %arg2: memref<10240x128xf32, #tpu.memory_space<hbm>>, %arg3: memref<323584x128xf32, #tpu.memory_space<hbm>>, %arg4: memref<16x158x128xi32, #tpu.memory_space<hbm>>, %arg5: memref<16x158x128xi32, #tpu.memory_space<hbm>>, %arg6: memref<320x128xf32, #tpu.memory_space<hbm>>, %arg7: memref<2x5120x128xf32, #tpu.memory_space<hbm>>, %arg8: memref<158x128xi32, #tpu.memory_space<vmem>>, %arg9: memref<158x128xi32, #tpu.memory_space<vmem>>, %arg10: memref<1x128xi32, #tpu.memory_space<vmem>>, %arg11: memref<128x128xf32, #tpu.memory_space<vmem>>, %arg12: memref<128x128xf32, #tpu.memory_space<vmem>>, %arg13: memref<5248x128xf32, #tpu.memory_space<vmem_shared>>, %arg14: memref<!tpu.dma_semaphore, #tpu.memory_space<semaphore_mem>>) attributes {dimension_semantics = [#tpu.dimension_semantics<core_parallel>, #tpu.dimension_semantics<subcore_parallel>], iteration_bounds = array<i64: 2, 16>, scalar_prefetch = 0 : i64, scratch_operands = 7 : i64, tpu.core_type = #tpu.core_type<sc_vector_subcore>, window_params = [{transform_indices = #map}, {transform_indices = #map}, {transform_indices = #map1}, {transform_indices = #map1}, {transform_indices = #map}, {transform_indices = #map1}]} {
    %mul3A = arith.constant 320 : i32
    %mul3A_0 = arith.muli %arg1, %mul3A : i32
    "tpu.region"() ({
      %run_scoped3A = tpu.sem_alloc : memref<!tpu.dma_semaphore, #tpu.memory_space<semaphore_mem>>
      %dma_start3A = arith.constant 0 : i32
      %dma_start3A_16 = tpu.memref_slice %arg13[%mul3A_0, %dma_start3A] : memref<5248x128xf32, #tpu.memory_space<vmem_shared>> -> memref<320x128xf32, #tpu.memory_space<vmem_shared>>
      tpu.enqueue_dma source(%arg6 : memref<320x128xf32, #tpu.memory_space<hbm>>) target(%dma_start3A_16 : memref<320x128xf32, #tpu.memory_space<vmem_shared>>) target_semaphore(%run_scoped3A : memref<!tpu.dma_semaphore, #tpu.memory_space<semaphore_mem>>)
      %dma_wait3A = arith.constant 0 : i32
      %dma_wait3A_17 = tpu.memref_slice %arg13[%mul3A_0, %dma_wait3A] : memref<5248x128xf32, #tpu.memory_space<vmem_shared>> -> memref<320x128xf32, #tpu.memory_space<vmem_shared>>
      tpu.wait_dma2 semaphore(%run_scoped3A : memref<!tpu.dma_semaphore, #tpu.memory_space<semaphore_mem>>) src(%arg6 : memref<320x128xf32, #tpu.memory_space<hbm>>) dst(%dma_wait3A_17 : memref<320x128xf32, #tpu.memory_space<vmem_shared>>)
      tpu.yield
    }) : () -> ()
    %barrier3A = arith.constant 0 : index
    tpu.barrier barrier_id(%barrier3A)
    "tpu.region"() ({
      %run_scoped3A = tpu.sem_alloc : memref<!tpu.dma_semaphore, #tpu.memory_space<semaphore_mem>>
      %dma_start3A = arith.constant 0 : i32
      %dma_start3A_16 = arith.constant 0 : i32
      %dma_start3A_17 = tpu.memref_slice %arg4[%arg1, %dma_start3A, %dma_start3A_16] : memref<16x158x128xi32, #tpu.memory_space<hbm>> -> memref<1x158x128xi32, #tpu.memory_space<hbm>>
      %dma_start3A_18 = tpu.memref_squeeze %dma_start3A_17 : memref<1x158x128xi32, #tpu.memory_space<hbm>> -> memref<158x128xi32, #tpu.memory_space<hbm>>
      %dma_start3A_19 = arith.constant 0 : i32
      %dma_start3A_20 = arith.constant 0 : i32
      %dma_start3A_21 = tpu.memref_slice %arg4[%arg1, %dma_start3A_19, %dma_start3A_20] : memref<16x158x128xi32, #tpu.memory_space<hbm>> -> memref<1x158x128xi32, #tpu.memory_space<hbm>>
      %dma_start3A_22 = tpu.memref_squeeze %dma_start3A_21 : memref<1x158x128xi32, #tpu.memory_space<hbm>> -> memref<158x128xi32, #tpu.memory_space<hbm>>
      tpu.enqueue_dma source(%dma_start3A_22 : memref<158x128xi32, #tpu.memory_space<hbm>>) target(%arg8 : memref<158x128xi32, #tpu.memory_space<vmem>>) target_semaphore(%run_scoped3A : memref<!tpu.dma_semaphore, #tpu.memory_space<semaphore_mem>>)
      %dma_wait3A = arith.constant 0 : i32
      %dma_wait3A_23 = arith.constant 0 : i32
      %dma_wait3A_24 = tpu.memref_slice %arg4[%arg1, %dma_wait3A, %dma_wait3A_23] : memref<16x158x128xi32, #tpu.memory_space<hbm>> -> memref<1x158x128xi32, #tpu.memory_space<hbm>>
      %dma_wait3A_25 = tpu.memref_squeeze %dma_wait3A_24 : memref<1x158x128xi32, #tpu.memory_space<hbm>> -> memref<158x128xi32, #tpu.memory_space<hbm>>
      %dma_wait3A_26 = arith.constant 0 : i32
      %dma_wait3A_27 = arith.constant 0 : i32
      %dma_wait3A_28 = tpu.memref_slice %arg4[%arg1, %dma_wait3A_26, %dma_wait3A_27] : memref<16x158x128xi32, #tpu.memory_space<hbm>> -> memref<1x158x128xi32, #tpu.memory_space<hbm>>
      %dma_wait3A_29 = tpu.memref_squeeze %dma_wait3A_28 : memref<1x158x128xi32, #tpu.memory_space<hbm>> -> memref<158x128xi32, #tpu.memory_space<hbm>>
      tpu.wait_dma2 semaphore(%run_scoped3A : memref<!tpu.dma_semaphore, #tpu.memory_space<semaphore_mem>>) src(%dma_wait3A_29 : memref<158x128xi32, #tpu.memory_space<hbm>>) dst(%arg8 : memref<158x128xi32, #tpu.memory_space<vmem>>)
      tpu.yield
    }) : () -> ()
    "tpu.region"() ({
      %run_scoped3A = tpu.sem_alloc : memref<!tpu.dma_semaphore, #tpu.memory_space<semaphore_mem>>
      %dma_start3A = arith.constant 0 : i32
      %dma_start3A_16 = arith.constant 0 : i32
      %dma_start3A_17 = tpu.memref_slice %arg5[%arg1, %dma_start3A, %dma_start3A_16] : memref<16x158x128xi32, #tpu.memory_space<hbm>> -> memref<1x158x128xi32, #tpu.memory_space<hbm>>
      %dma_start3A_18 = tpu.memref_squeeze %dma_start3A_17 : memref<1x158x128xi32, #tpu.memory_space<hbm>> -> memref<158x128xi32, #tpu.memory_space<hbm>>
      %dma_start3A_19 = arith.constant 0 : i32
      %dma_start3A_20 = arith.constant 0 : i32
      %dma_start3A_21 = tpu.memref_slice %arg5[%arg1, %dma_start3A_19, %dma_start3A_20] : memref<16x158x128xi32, #tpu.memory_space<hbm>> -> memref<1x158x128xi32, #tpu.memory_space<hbm>>
      %dma_start3A_22 = tpu.memref_squeeze %dma_start3A_21 : memref<1x158x128xi32, #tpu.memory_space<hbm>> -> memref<158x128xi32, #tpu.memory_space<hbm>>
      tpu.enqueue_dma source(%dma_start3A_22 : memref<158x128xi32, #tpu.memory_space<hbm>>) target(%arg9 : memref<158x128xi32, #tpu.memory_space<vmem>>) target_semaphore(%run_scoped3A : memref<!tpu.dma_semaphore, #tpu.memory_space<semaphore_mem>>)
      %dma_wait3A = arith.constant 0 : i32
      %dma_wait3A_23 = arith.constant 0 : i32
      %dma_wait3A_24 = tpu.memref_slice %arg5[%arg1, %dma_wait3A, %dma_wait3A_23] : memref<16x158x128xi32, #tpu.memory_space<hbm>> -> memref<1x158x128xi32, #tpu.memory_space<hbm>>
      %dma_wait3A_25 = tpu.memref_squeeze %dma_wait3A_24 : memref<1x158x128xi32, #tpu.memory_space<hbm>> -> memref<158x128xi32, #tpu.memory_space<hbm>>
      %dma_wait3A_26 = arith.constant 0 : i32
      %dma_wait3A_27 = arith.constant 0 : i32
      %dma_wait3A_28 = tpu.memref_slice %arg5[%arg1, %dma_wait3A_26, %dma_wait3A_27] : memref<16x158x128xi32, #tpu.memory_space<hbm>> -> memref<1x158x128xi32, #tpu.memory_space<hbm>>
      %dma_wait3A_29 = tpu.memref_squeeze %dma_wait3A_28 : memref<1x158x128xi32, #tpu.memory_space<hbm>> -> memref<158x128xi32, #tpu.memory_space<hbm>>
      tpu.wait_dma2 semaphore(%run_scoped3A : memref<!tpu.dma_semaphore, #tpu.memory_space<semaphore_mem>>) src(%dma_wait3A_29 : memref<158x128xi32, #tpu.memory_space<hbm>>) dst(%arg9 : memref<158x128xi32, #tpu.memory_space<vmem>>)
      tpu.yield
    }) : () -> ()
    %mul3A_1 = arith.constant 5120 : i32
    %mul3A_2 = arith.muli %arg0, %mul3A_1 : i32
    %mul3A_3 = arith.constant 8 : i32
    %mul3A_4 = arith.muli %arg1, %mul3A_3 : i32
    %add3A = arith.constant 5120 : i32
    %add3A_5 = arith.addi %add3A, %mul3A_4 : i32
    %scan3A = arith.constant 0 : i32
    %scan3A_6 = arith.constant 0 : i32
    %scan3A_7 = arith.constant 158 : i32
    %scan3A_8 = arith.addi %scan3A_6, %scan3A_7 : i32
    %scan3A_9 = arith.constant 1 : i32
    scf.for %scan3A_16 = %scan3A_6 to %scan3A_8 step %scan3A_9  : i32 {
      %dma_start3A = arith.constant 0 : i32
      %dma_start3A_17 = tpu.memref_slice %arg8[%scan3A_16, %dma_start3A] : memref<158x128xi32, #tpu.memory_space<vmem>> -> memref<1x128xi32, #tpu.memory_space<vmem>>
      %dma_start3A_18 = tpu.memref_squeeze %dma_start3A_17 : memref<1x128xi32, #tpu.memory_space<vmem>> -> memref<128xi32, #tpu.memory_space<vmem>>
      %dma_start3A_19 = arith.constant 0 : i32
      %dma_start3A_20 = arith.constant 0 : i32
      %dma_start3A_21 = tpu.memref_slice %arg2[%dma_start3A_19, %dma_start3A_20] : memref<10240x128xf32, #tpu.memory_space<hbm>> -> memref<10240x128xf32, #tpu.memory_space<hbm>>
      tpu.enqueue_indirect_dma source(%dma_start3A_21 : memref<10240x128xf32, #tpu.memory_space<hbm>>) target(%arg11 : memref<128x128xf32, #tpu.memory_space<vmem>>) offsets(%dma_start3A_18 : memref<128xi32, #tpu.memory_space<vmem>>) semaphore(%arg14 : memref<!tpu.dma_semaphore, #tpu.memory_space<semaphore_mem>>)
      %mul3A_22 = arith.constant 158 : i32
      %mul3A_23 = arith.muli %arg1, %mul3A_22 : i32
      %add3A_24 = arith.addi %mul3A_23, %scan3A_16 : i32
      %mul3A_25 = arith.constant 128 : i32
      %mul3A_26 = arith.muli %add3A_24, %mul3A_25 : i32
      "tpu.region"() ({
        %run_scoped3A_240 = tpu.sem_alloc : memref<!tpu.dma_semaphore, #tpu.memory_space<semaphore_mem>>
        %dma_start3A_241 = arith.constant 0 : i32
        %dma_start3A_242 = tpu.memref_slice %arg3[%mul3A_26, %dma_start3A_241] : memref<323584x128xf32, #tpu.memory_space<hbm>> -> memref<128x128xf32, #tpu.memory_space<hbm>>
        %dma_start3A_243 = arith.constant 0 : i32
        %dma_start3A_244 = tpu.memref_slice %arg3[%mul3A_26, %dma_start3A_243] : memref<323584x128xf32, #tpu.memory_space<hbm>> -> memref<128x128xf32, #tpu.memory_space<hbm>>
        tpu.enqueue_dma source(%dma_start3A_244 : memref<128x128xf32, #tpu.memory_space<hbm>>) target(%arg12 : memref<128x128xf32, #tpu.memory_space<vmem>>) target_semaphore(%run_scoped3A_240 : memref<!tpu.dma_semaphore, #tpu.memory_space<semaphore_mem>>)
        %dma_wait3A_245 = arith.constant 0 : i32
        %dma_wait3A_246 = tpu.memref_slice %arg3[%mul3A_26, %dma_wait3A_245] : memref<323584x128xf32, #tpu.memory_space<hbm>> -> memref<128x128xf32, #tpu.memory_space<hbm>>
        %dma_wait3A_247 = arith.constant 0 : i32
        %dma_wait3A_248 = tpu.memref_slice %arg3[%mul3A_26, %dma_wait3A_247] : memref<323584x128xf32, #tpu.memory_space<hbm>> -> memref<128x128xf32, #tpu.memory_space<hbm>>
        tpu.wait_dma2 semaphore(%run_scoped3A_240 : memref<!tpu.dma_semaphore, #tpu.memory_space<semaphore_mem>>) src(%dma_wait3A_248 : memref<128x128xf32, #tpu.memory_space<hbm>>) dst(%arg12 : memref<128x128xf32, #tpu.memory_space<vmem>>)
        tpu.yield
      }) : () -> ()
      %scan3A_27 = arith.constant 0 : i32
      %scan3A_28 = arith.constant 0 : i32
      %mul3A_29 = arith.constant 16 : i32
      %mul3A_30 = arith.muli %scan3A_28, %mul3A_29 : i32
      %get3A = arith.index_cast %scan3A_16 : i32 to index
      %get3A_31 = arith.index_cast %mul3A_30 : i32 to index
      %get3A_32 = tpu.vector_load %arg9[%get3A, %get3A_31] {strides = array<i32>} : memref<158x128xi32, #tpu.memory_space<vmem>>, vector<1x16xi32>,
      %get3A_33 = vector.shape_cast %get3A_32 : vector<1x16xi32> to vector<16xi32>
      %sub3A = vector.broadcast %mul3A_2 : i32 to vector<16xi32>
      %sub3A_34 = arith.subi %get3A_33, %sub3A : vector<16xi32>
      %ge3A = arith.constant 0 : i32
      %ge3A_35 = vector.broadcast %ge3A : i32 to vector<16xi32>
      %ge3A_36 = arith.cmpi sge, %sub3A_34, %ge3A_35 : vector<16xi32>
      %lt3A = arith.constant 5120 : i32
      %lt3A_37 = vector.broadcast %lt3A : i32 to vector<16xi32>
      %lt3A_38 = arith.cmpi slt, %sub3A_34, %lt3A_37 : vector<16xi32>
      %and3A = arith.andi %ge3A_36, %lt3A_38 : vector<16xi1>
      %broadcast_in_dim3A = vector.broadcast %add3A_5 : i32 to vector<16xi32>
      %select_n3A = arith.select %and3A, %sub3A_34, %broadcast_in_dim3A : vector<16xi1>, vector<16xi32>
      %mul3A_39 = arith.constant 16 : i32
      %mul3A_40 = arith.muli %scan3A_28, %mul3A_39 : i32
      %swap3A = arith.constant 0 : i32
      %swap3A_41 = arith.index_cast %swap3A : i32 to index
      %swap3A_42 = arith.index_cast %mul3A_40 : i32 to index
      %swap3A_43 = tpu.vector_load %arg10[%swap3A_41, %swap3A_42] {strides = array<i32>} : memref<1x128xi32, #tpu.memory_space<vmem>>, vector<1x16xi32>,
      %swap3A_44 = vector.shape_cast %swap3A_43 : vector<1x16xi32> to vector<16xi32>
      %swap3A_45 = vector.shape_cast %select_n3A : vector<16xi32> to vector<1x16xi32>
      tpu.vector_store %arg10[%swap3A_41, %swap3A_42], %swap3A_45 {strides = array<i32>} : memref<1x128xi32, #tpu.memory_space<vmem>>, vector<1x16xi32>,
      %scan3A_46 = arith.constant 1 : i32
      %mul3A_47 = arith.constant 16 : i32
      %mul3A_48 = arith.muli %scan3A_46, %mul3A_47 : i32
      %get3A_49 = arith.index_cast %scan3A_16 : i32 to index
      %get3A_50 = arith.index_cast %mul3A_48 : i32 to index
      %get3A_51 = tpu.vector_load %arg9[%get3A_49, %get3A_50] {strides = array<i32>} : memref<158x128xi32, #tpu.memory_space<vmem>>, vector<1x16xi32>,
      %get3A_52 = vector.shape_cast %get3A_51 : vector<1x16xi32> to vector<16xi32>
      %sub3A_53 = vector.broadcast %mul3A_2 : i32 to vector<16xi32>
      %sub3A_54 = arith.subi %get3A_52, %sub3A_53 : vector<16xi32>
      %ge3A_55 = arith.constant 0 : i32
      %ge3A_56 = vector.broadcast %ge3A_55 : i32 to vector<16xi32>
      %ge3A_57 = arith.cmpi sge, %sub3A_54, %ge3A_56 : vector<16xi32>
      %lt3A_58 = arith.constant 5120 : i32
      %lt3A_59 = vector.broadcast %lt3A_58 : i32 to vector<16xi32>
      %lt3A_60 = arith.cmpi slt, %sub3A_54, %lt3A_59 : vector<16xi32>
      %and3A_61 = arith.andi %ge3A_57, %lt3A_60 : vector<16xi1>
      %broadcast_in_dim3A_62 = vector.broadcast %add3A_5 : i32 to vector<16xi32>
      %select_n3A_63 = arith.select %and3A_61, %sub3A_54, %broadcast_in_dim3A_62 : vector<16xi1>, vector<16xi32>
      %mul3A_64 = arith.constant 16 : i32
      %mul3A_65 = arith.muli %scan3A_46, %mul3A_64 : i32
      %swap3A_66 = arith.constant 0 : i32
      %swap3A_67 = arith.index_cast %swap3A_66 : i32 to index
      %swap3A_68 = arith.index_cast %mul3A_65 : i32 to index
      %swap3A_69 = tpu.vector_load %arg10[%swap3A_67, %swap3A_68] {strides = array<i32>} : memref<1x128xi32, #tpu.memory_space<vmem>>, vector<1x16xi32>,
      %swap3A_70 = vector.shape_cast %swap3A_69 : vector<1x16xi32> to vector<16xi32>
      %swap3A_71 = vector.shape_cast %select_n3A_63 : vector<16xi32> to vector<1x16xi32>
      tpu.vector_store %arg10[%swap3A_67, %swap3A_68], %swap3A_71 {strides = array<i32>} : memref<1x128xi32, #tpu.memory_space<vmem>>, vector<1x16xi32>,
      %scan3A_72 = arith.constant 2 : i32
      %mul3A_73 = arith.constant 16 : i32
      %mul3A_74 = arith.muli %scan3A_72, %mul3A_73 : i32
      %get3A_75 = arith.index_cast %scan3A_16 : i32 to index
      %get3A_76 = arith.index_cast %mul3A_74 : i32 to index
      %get3A_77 = tpu.vector_load %arg9[%get3A_75, %get3A_76] {strides = array<i32>} : memref<158x128xi32, #tpu.memory_space<vmem>>, vector<1x16xi32>,
      %get3A_78 = vector.shape_cast %get3A_77 : vector<1x16xi32> to vector<16xi32>
      %sub3A_79 = vector.broadcast %mul3A_2 : i32 to vector<16xi32>
      %sub3A_80 = arith.subi %get3A_78, %sub3A_79 : vector<16xi32>
      %ge3A_81 = arith.constant 0 : i32
      %ge3A_82 = vector.broadcast %ge3A_81 : i32 to vector<16xi32>
      %ge3A_83 = arith.cmpi sge, %sub3A_80, %ge3A_82 : vector<16xi32>
      %lt3A_84 = arith.constant 5120 : i32
      %lt3A_85 = vector.broadcast %lt3A_84 : i32 to vector<16xi32>
      %lt3A_86 = arith.cmpi slt, %sub3A_80, %lt3A_85 : vector<16xi32>
      %and3A_87 = arith.andi %ge3A_83, %lt3A_86 : vector<16xi1>
      %broadcast_in_dim3A_88 = vector.broadcast %add3A_5 : i32 to vector<16xi32>
      %select_n3A_89 = arith.select %and3A_87, %sub3A_80, %broadcast_in_dim3A_88 : vector<16xi1>, vector<16xi32>
      %mul3A_90 = arith.constant 16 : i32
      %mul3A_91 = arith.muli %scan3A_72, %mul3A_90 : i32
      %swap3A_92 = arith.constant 0 : i32
      %swap3A_93 = arith.index_cast %swap3A_92 : i32 to index
      %swap3A_94 = arith.index_cast %mul3A_91 : i32 to index
      %swap3A_95 = tpu.vector_load %arg10[%swap3A_93, %swap3A_94] {strides = array<i32>} : memref<1x128xi32, #tpu.memory_space<vmem>>, vector<1x16xi32>,
      %swap3A_96 = vector.shape_cast %swap3A_95 : vector<1x16xi32> to vector<16xi32>
      %swap3A_97 = vector.shape_cast %select_n3A_89 : vector<16xi32> to vector<1x16xi32>
      tpu.vector_store %arg10[%swap3A_93, %swap3A_94], %swap3A_97 {strides = array<i32>} : memref<1x128xi32, #tpu.memory_space<vmem>>, vector<1x16xi32>,
      %scan3A_98 = arith.constant 3 : i32
      %mul3A_99 = arith.constant 16 : i32
      %mul3A_100 = arith.muli %scan3A_98, %mul3A_99 : i32
      %get3A_101 = arith.index_cast %scan3A_16 : i32 to index
      %get3A_102 = arith.index_cast %mul3A_100 : i32 to index
      %get3A_103 = tpu.vector_load %arg9[%get3A_101, %get3A_102] {strides = array<i32>} : memref<158x128xi32, #tpu.memory_space<vmem>>, vector<1x16xi32>,
      %get3A_104 = vector.shape_cast %get3A_103 : vector<1x16xi32> to vector<16xi32>
      %sub3A_105 = vector.broadcast %mul3A_2 : i32 to vector<16xi32>
      %sub3A_106 = arith.subi %get3A_104, %sub3A_105 : vector<16xi32>
      %ge3A_107 = arith.constant 0 : i32
      %ge3A_108 = vector.broadcast %ge3A_107 : i32 to vector<16xi32>
      %ge3A_109 = arith.cmpi sge, %sub3A_106, %ge3A_108 : vector<16xi32>
      %lt3A_110 = arith.constant 5120 : i32
      %lt3A_111 = vector.broadcast %lt3A_110 : i32 to vector<16xi32>
      %lt3A_112 = arith.cmpi slt, %sub3A_106, %lt3A_111 : vector<16xi32>
      %and3A_113 = arith.andi %ge3A_109, %lt3A_112 : vector<16xi1>
      %broadcast_in_dim3A_114 = vector.broadcast %add3A_5 : i32 to vector<16xi32>
      %select_n3A_115 = arith.select %and3A_113, %sub3A_106, %broadcast_in_dim3A_114 : vector<16xi1>, vector<16xi32>
      %mul3A_116 = arith.constant 16 : i32
      %mul3A_117 = arith.muli %scan3A_98, %mul3A_116 : i32
      %swap3A_118 = arith.constant 0 : i32
      %swap3A_119 = arith.index_cast %swap3A_118 : i32 to index
      %swap3A_120 = arith.index_cast %mul3A_117 : i32 to index
      %swap3A_121 = tpu.vector_load %arg10[%swap3A_119, %swap3A_120] {strides = array<i32>} : memref<1x128xi32, #tpu.memory_space<vmem>>, vector<1x16xi32>,
      %swap3A_122 = vector.shape_cast %swap3A_121 : vector<1x16xi32> to vector<16xi32>
      %swap3A_123 = vector.shape_cast %select_n3A_115 : vector<16xi32> to vector<1x16xi32>
      tpu.vector_store %arg10[%swap3A_119, %swap3A_120], %swap3A_123 {strides = array<i32>} : memref<1x128xi32, #tpu.memory_space<vmem>>, vector<1x16xi32>,
      %scan3A_124 = arith.constant 4 : i32
      %mul3A_125 = arith.constant 16 : i32
      %mul3A_126 = arith.muli %scan3A_124, %mul3A_125 : i32
      %get3A_127 = arith.index_cast %scan3A_16 : i32 to index
      %get3A_128 = arith.index_cast %mul3A_126 : i32 to index
      %get3A_129 = tpu.vector_load %arg9[%get3A_127, %get3A_128] {strides = array<i32>} : memref<158x128xi32, #tpu.memory_space<vmem>>, vector<1x16xi32>,
      %get3A_130 = vector.shape_cast %get3A_129 : vector<1x16xi32> to vector<16xi32>
      %sub3A_131 = vector.broadcast %mul3A_2 : i32 to vector<16xi32>
      %sub3A_132 = arith.subi %get3A_130, %sub3A_131 : vector<16xi32>
      %ge3A_133 = arith.constant 0 : i32
      %ge3A_134 = vector.broadcast %ge3A_133 : i32 to vector<16xi32>
      %ge3A_135 = arith.cmpi sge, %sub3A_132, %ge3A_134 : vector<16xi32>
      %lt3A_136 = arith.constant 5120 : i32
      %lt3A_137 = vector.broadcast %lt3A_136 : i32 to vector<16xi32>
      %lt3A_138 = arith.cmpi slt, %sub3A_132, %lt3A_137 : vector<16xi32>
      %and3A_139 = arith.andi %ge3A_135, %lt3A_138 : vector<16xi1>
      %broadcast_in_dim3A_140 = vector.broadcast %add3A_5 : i32 to vector<16xi32>
      %select_n3A_141 = arith.select %and3A_139, %sub3A_132, %broadcast_in_dim3A_140 : vector<16xi1>, vector<16xi32>
      %mul3A_142 = arith.constant 16 : i32
      %mul3A_143 = arith.muli %scan3A_124, %mul3A_142 : i32
      %swap3A_144 = arith.constant 0 : i32
      %swap3A_145 = arith.index_cast %swap3A_144 : i32 to index
      %swap3A_146 = arith.index_cast %mul3A_143 : i32 to index
      %swap3A_147 = tpu.vector_load %arg10[%swap3A_145, %swap3A_146] {strides = array<i32>} : memref<1x128xi32, #tpu.memory_space<vmem>>, vector<1x16xi32>,
      %swap3A_148 = vector.shape_cast %swap3A_147 : vector<1x16xi32> to vector<16xi32>
      %swap3A_149 = vector.shape_cast %select_n3A_141 : vector<16xi32> to vector<1x16xi32>
      tpu.vector_store %arg10[%swap3A_145, %swap3A_146], %swap3A_149 {strides = array<i32>} : memref<1x128xi32, #tpu.memory_space<vmem>>, vector<1x16xi32>,
      %scan3A_150 = arith.constant 5 : i32
      %mul3A_151 = arith.constant 16 : i32
      %mul3A_152 = arith.muli %scan3A_150, %mul3A_151 : i32
      %get3A_153 = arith.index_cast %scan3A_16 : i32 to index
      %get3A_154 = arith.index_cast %mul3A_152 : i32 to index
      %get3A_155 = tpu.vector_load %arg9[%get3A_153, %get3A_154] {strides = array<i32>} : memref<158x128xi32, #tpu.memory_space<vmem>>, vector<1x16xi32>,
      %get3A_156 = vector.shape_cast %get3A_155 : vector<1x16xi32> to vector<16xi32>
      %sub3A_157 = vector.broadcast %mul3A_2 : i32 to vector<16xi32>
      %sub3A_158 = arith.subi %get3A_156, %sub3A_157 : vector<16xi32>
      %ge3A_159 = arith.constant 0 : i32
      %ge3A_160 = vector.broadcast %ge3A_159 : i32 to vector<16xi32>
      %ge3A_161 = arith.cmpi sge, %sub3A_158, %ge3A_160 : vector<16xi32>
      %lt3A_162 = arith.constant 5120 : i32
      %lt3A_163 = vector.broadcast %lt3A_162 : i32 to vector<16xi32>
      %lt3A_164 = arith.cmpi slt, %sub3A_158, %lt3A_163 : vector<16xi32>
      %and3A_165 = arith.andi %ge3A_161, %lt3A_164 : vector<16xi1>
      %broadcast_in_dim3A_166 = vector.broadcast %add3A_5 : i32 to vector<16xi32>
      %select_n3A_167 = arith.select %and3A_165, %sub3A_158, %broadcast_in_dim3A_166 : vector<16xi1>, vector<16xi32>
      %mul3A_168 = arith.constant 16 : i32
      %mul3A_169 = arith.muli %scan3A_150, %mul3A_168 : i32
      %swap3A_170 = arith.constant 0 : i32
      %swap3A_171 = arith.index_cast %swap3A_170 : i32 to index
      %swap3A_172 = arith.index_cast %mul3A_169 : i32 to index
      %swap3A_173 = tpu.vector_load %arg10[%swap3A_171, %swap3A_172] {strides = array<i32>} : memref<1x128xi32, #tpu.memory_space<vmem>>, vector<1x16xi32>,
      %swap3A_174 = vector.shape_cast %swap3A_173 : vector<1x16xi32> to vector<16xi32>
      %swap3A_175 = vector.shape_cast %select_n3A_167 : vector<16xi32> to vector<1x16xi32>
      tpu.vector_store %arg10[%swap3A_171, %swap3A_172], %swap3A_175 {strides = array<i32>} : memref<1x128xi32, #tpu.memory_space<vmem>>, vector<1x16xi32>,
      %scan3A_176 = arith.constant 6 : i32
      %mul3A_177 = arith.constant 16 : i32
      %mul3A_178 = arith.muli %scan3A_176, %mul3A_177 : i32
      %get3A_179 = arith.index_cast %scan3A_16 : i32 to index
      %get3A_180 = arith.index_cast %mul3A_178 : i32 to index
      %get3A_181 = tpu.vector_load %arg9[%get3A_179, %get3A_180] {strides = array<i32>} : memref<158x128xi32, #tpu.memory_space<vmem>>, vector<1x16xi32>,
      %get3A_182 = vector.shape_cast %get3A_181 : vector<1x16xi32> to vector<16xi32>
      %sub3A_183 = vector.broadcast %mul3A_2 : i32 to vector<16xi32>
      %sub3A_184 = arith.subi %get3A_182, %sub3A_183 : vector<16xi32>
      %ge3A_185 = arith.constant 0 : i32
      %ge3A_186 = vector.broadcast %ge3A_185 : i32 to vector<16xi32>
      %ge3A_187 = arith.cmpi sge, %sub3A_184, %ge3A_186 : vector<16xi32>
      %lt3A_188 = arith.constant 5120 : i32
      %lt3A_189 = vector.broadcast %lt3A_188 : i32 to vector<16xi32>
      %lt3A_190 = arith.cmpi slt, %sub3A_184, %lt3A_189 : vector<16xi32>
      %and3A_191 = arith.andi %ge3A_187, %lt3A_190 : vector<16xi1>
      %broadcast_in_dim3A_192 = vector.broadcast %add3A_5 : i32 to vector<16xi32>
      %select_n3A_193 = arith.select %and3A_191, %sub3A_184, %broadcast_in_dim3A_192 : vector<16xi1>, vector<16xi32>
      %mul3A_194 = arith.constant 16 : i32
      %mul3A_195 = arith.muli %scan3A_176, %mul3A_194 : i32
      %swap3A_196 = arith.constant 0 : i32
      %swap3A_197 = arith.index_cast %swap3A_196 : i32 to index
      %swap3A_198 = arith.index_cast %mul3A_195 : i32 to index
      %swap3A_199 = tpu.vector_load %arg10[%swap3A_197, %swap3A_198] {strides = array<i32>} : memref<1x128xi32, #tpu.memory_space<vmem>>, vector<1x16xi32>,
      %swap3A_200 = vector.shape_cast %swap3A_199 : vector<1x16xi32> to vector<16xi32>
      %swap3A_201 = vector.shape_cast %select_n3A_193 : vector<16xi32> to vector<1x16xi32>
      tpu.vector_store %arg10[%swap3A_197, %swap3A_198], %swap3A_201 {strides = array<i32>} : memref<1x128xi32, #tpu.memory_space<vmem>>, vector<1x16xi32>,
      %scan3A_202 = arith.constant 7 : i32
      %mul3A_203 = arith.constant 16 : i32
      %mul3A_204 = arith.muli %scan3A_202, %mul3A_203 : i32
      %get3A_205 = arith.index_cast %scan3A_16 : i32 to index
      %get3A_206 = arith.index_cast %mul3A_204 : i32 to index
      %get3A_207 = tpu.vector_load %arg9[%get3A_205, %get3A_206] {strides = array<i32>} : memref<158x128xi32, #tpu.memory_space<vmem>>, vector<1x16xi32>,
      %get3A_208 = vector.shape_cast %get3A_207 : vector<1x16xi32> to vector<16xi32>
      %sub3A_209 = vector.broadcast %mul3A_2 : i32 to vector<16xi32>
      %sub3A_210 = arith.subi %get3A_208, %sub3A_209 : vector<16xi32>
      %ge3A_211 = arith.constant 0 : i32
      %ge3A_212 = vector.broadcast %ge3A_211 : i32 to vector<16xi32>
      %ge3A_213 = arith.cmpi sge, %sub3A_210, %ge3A_212 : vector<16xi32>
      %lt3A_214 = arith.constant 5120 : i32
      %lt3A_215 = vector.broadcast %lt3A_214 : i32 to vector<16xi32>
      %lt3A_216 = arith.cmpi slt, %sub3A_210, %lt3A_215 : vector<16xi32>
      %and3A_217 = arith.andi %ge3A_213, %lt3A_216 : vector<16xi1>
      %broadcast_in_dim3A_218 = vector.broadcast %add3A_5 : i32 to vector<16xi32>
      %select_n3A_219 = arith.select %and3A_217, %sub3A_210, %broadcast_in_dim3A_218 : vector<16xi1>, vector<16xi32>
      %mul3A_220 = arith.constant 16 : i32
      %mul3A_221 = arith.muli %scan3A_202, %mul3A_220 : i32
      %swap3A_222 = arith.constant 0 : i32
      %swap3A_223 = arith.index_cast %swap3A_222 : i32 to index
      %swap3A_224 = arith.index_cast %mul3A_221 : i32 to index
      %swap3A_225 = tpu.vector_load %arg10[%swap3A_223, %swap3A_224] {strides = array<i32>} : memref<1x128xi32, #tpu.memory_space<vmem>>, vector<1x16xi32>,
      %swap3A_226 = vector.shape_cast %swap3A_225 : vector<1x16xi32> to vector<16xi32>
      %swap3A_227 = vector.shape_cast %select_n3A_219 : vector<16xi32> to vector<1x16xi32>
      tpu.vector_store %arg10[%swap3A_223, %swap3A_224], %swap3A_227 {strides = array<i32>} : memref<1x128xi32, #tpu.memory_space<vmem>>, vector<1x16xi32>,
      %scan3A_228 = arith.constant 8 : i32
      %dma_wait3A = arith.constant 0 : i32
      %dma_wait3A_229 = tpu.memref_slice %arg8[%scan3A_16, %dma_wait3A] : memref<158x128xi32, #tpu.memory_space<vmem>> -> memref<1x128xi32, #tpu.memory_space<vmem>>
      %dma_wait3A_230 = tpu.memref_squeeze %dma_wait3A_229 : memref<1x128xi32, #tpu.memory_space<vmem>> -> memref<128xi32, #tpu.memory_space<vmem>>
      %dma_wait3A_231 = arith.constant 0 : i32
      %dma_wait3A_232 = arith.constant 0 : i32
      %dma_wait3A_233 = tpu.memref_slice %arg2[%dma_wait3A_231, %dma_wait3A_232] : memref<10240x128xf32, #tpu.memory_space<hbm>> -> memref<10240x128xf32, #tpu.memory_space<hbm>>
      tpu.wait_indirect_dma semaphore(%arg14 : memref<!tpu.dma_semaphore, #tpu.memory_space<semaphore_mem>>) src(%dma_wait3A_233 : memref<10240x128xf32, #tpu.memory_space<hbm>>) dst(%arg11 : memref<128x128xf32, #tpu.memory_space<vmem>>)
      %scan3A_234 = arith.constant 0 : i32
      %scan3A_235 = arith.constant 0 : i32
      %scan3A_236 = arith.constant 128 : i32
      %scan3A_237 = arith.addi %scan3A_235, %scan3A_236 : i32
      %scan3A_238 = arith.constant 1 : i32
      scf.for %scan3A_240 = %scan3A_235 to %scan3A_237 step %scan3A_238  : i32 {
        %get3A_241 = arith.index_cast %scan3A_240 : i32 to index
        %get3A_242 = arith.constant 0 : index
        %get3A_243 = tpu.vector_load %arg11[%get3A_241, %get3A_242] {strides = array<i32>} : memref<128x128xf32, #tpu.memory_space<vmem>>, vector<1x16xf32>,
        %get3A_244 = vector.shape_cast %get3A_243 : vector<1x16xf32> to vector<16xf32>
        %get3A_245 = arith.index_cast %scan3A_240 : i32 to index
        %get3A_246 = arith.constant 0 : index
        %get3A_247 = tpu.vector_load %arg12[%get3A_245, %get3A_246] {strides = array<i32>} : memref<128x128xf32, #tpu.memory_space<vmem>>, vector<1x16xf32>,
        %get3A_248 = vector.shape_cast %get3A_247 : vector<1x16xf32> to vector<16xf32>
        %mul3A_249 = arith.mulf %get3A_244, %get3A_248 : vector<16xf32>
        %swap3A_250 = arith.index_cast %scan3A_240 : i32 to index
        %swap3A_251 = arith.constant 0 : index
        %swap3A_252 = tpu.vector_load %arg11[%swap3A_250, %swap3A_251] {strides = array<i32>} : memref<128x128xf32, #tpu.memory_space<vmem>>, vector<1x16xf32>,
        %swap3A_253 = vector.shape_cast %swap3A_252 : vector<1x16xf32> to vector<16xf32>
        %swap3A_254 = vector.shape_cast %mul3A_249 : vector<16xf32> to vector<1x16xf32>
        tpu.vector_store %arg11[%swap3A_250, %swap3A_251], %swap3A_254 {strides = array<i32>} : memref<128x128xf32, #tpu.memory_space<vmem>>, vector<1x16xf32>,
        %get3A_255 = arith.index_cast %scan3A_240 : i32 to index
        %get3A_256 = arith.constant 16 : index
        %get3A_257 = tpu.vector_load %arg11[%get3A_255, %get3A_256] {strides = array<i32>} : memref<128x128xf32, #tpu.memory_space<vmem>>, vector<1x16xf32>,
        %get3A_258 = vector.shape_cast %get3A_257 : vector<1x16xf32> to vector<16xf32>
        %get3A_259 = arith.index_cast %scan3A_240 : i32 to index
        %get3A_260 = arith.constant 16 : index
        %get3A_261 = tpu.vector_load %arg12[%get3A_259, %get3A_260] {strides = array<i32>} : memref<128x128xf32, #tpu.memory_space<vmem>>, vector<1x16xf32>,
        %get3A_262 = vector.shape_cast %get3A_261 : vector<1x16xf32> to vector<16xf32>
        %mul3A_263 = arith.mulf %get3A_258, %get3A_262 : vector<16xf32>
        %swap3A_264 = arith.index_cast %scan3A_240 : i32 to index
        %swap3A_265 = arith.constant 16 : index
        %swap3A_266 = tpu.vector_load %arg11[%swap3A_264, %swap3A_265] {strides = array<i32>} : memref<128x128xf32, #tpu.memory_space<vmem>>, vector<1x16xf32>,
        %swap3A_267 = vector.shape_cast %swap3A_266 : vector<1x16xf32> to vector<16xf32>
        %swap3A_268 = vector.shape_cast %mul3A_263 : vector<16xf32> to vector<1x16xf32>
        tpu.vector_store %arg11[%swap3A_264, %swap3A_265], %swap3A_268 {strides = array<i32>} : memref<128x128xf32, #tpu.memory_space<vmem>>, vector<1x16xf32>,
        %get3A_269 = arith.index_cast %scan3A_240 : i32 to index
        %get3A_270 = arith.constant 32 : index
        %get3A_271 = tpu.vector_load %arg11[%get3A_269, %get3A_270] {strides = array<i32>} : memref<128x128xf32, #tpu.memory_space<vmem>>, vector<1x16xf32>,
        %get3A_272 = vector.shape_cast %get3A_271 : vector<1x16xf32> to vector<16xf32>
        %get3A_273 = arith.index_cast %scan3A_240 : i32 to index
        %get3A_274 = arith.constant 32 : index
        %get3A_275 = tpu.vector_load %arg12[%get3A_273, %get3A_274] {strides = array<i32>} : memref<128x128xf32, #tpu.memory_space<vmem>>, vector<1x16xf32>,
        %get3A_276 = vector.shape_cast %get3A_275 : vector<1x16xf32> to vector<16xf32>
        %mul3A_277 = arith.mulf %get3A_272, %get3A_276 : vector<16xf32>
        %swap3A_278 = arith.index_cast %scan3A_240 : i32 to index
        %swap3A_279 = arith.constant 32 : index
        %swap3A_280 = tpu.vector_load %arg11[%swap3A_278, %swap3A_279] {strides = array<i32>} : memref<128x128xf32, #tpu.memory_space<vmem>>, vector<1x16xf32>,
        %swap3A_281 = vector.shape_cast %swap3A_280 : vector<1x16xf32> to vector<16xf32>
        %swap3A_282 = vector.shape_cast %mul3A_277 : vector<16xf32> to vector<1x16xf32>
        tpu.vector_store %arg11[%swap3A_278, %swap3A_279], %swap3A_282 {strides = array<i32>} : memref<128x128xf32, #tpu.memory_space<vmem>>, vector<1x16xf32>,
        %get3A_283 = arith.index_cast %scan3A_240 : i32 to index
        %get3A_284 = arith.constant 48 : index
        %get3A_285 = tpu.vector_load %arg11[%get3A_283, %get3A_284] {strides = array<i32>} : memref<128x128xf32, #tpu.memory_space<vmem>>, vector<1x16xf32>,
        %get3A_286 = vector.shape_cast %get3A_285 : vector<1x16xf32> to vector<16xf32>
        %get3A_287 = arith.index_cast %scan3A_240 : i32 to index
        %get3A_288 = arith.constant 48 : index
        %get3A_289 = tpu.vector_load %arg12[%get3A_287, %get3A_288] {strides = array<i32>} : memref<128x128xf32, #tpu.memory_space<vmem>>, vector<1x16xf32>,
        %get3A_290 = vector.shape_cast %get3A_289 : vector<1x16xf32> to vector<16xf32>
        %mul3A_291 = arith.mulf %get3A_286, %get3A_290 : vector<16xf32>
        %swap3A_292 = arith.index_cast %scan3A_240 : i32 to index
        %swap3A_293 = arith.constant 48 : index
        %swap3A_294 = tpu.vector_load %arg11[%swap3A_292, %swap3A_293] {strides = array<i32>} : memref<128x128xf32, #tpu.memory_space<vmem>>, vector<1x16xf32>,
        %swap3A_295 = vector.shape_cast %swap3A_294 : vector<1x16xf32> to vector<16xf32>
        %swap3A_296 = vector.shape_cast %mul3A_291 : vector<16xf32> to vector<1x16xf32>
        tpu.vector_store %arg11[%swap3A_292, %swap3A_293], %swap3A_296 {strides = array<i32>} : memref<128x128xf32, #tpu.memory_space<vmem>>, vector<1x16xf32>,
        %get3A_297 = arith.index_cast %scan3A_240 : i32 to index
        %get3A_298 = arith.constant 64 : index
        %get3A_299 = tpu.vector_load %arg11[%get3A_297, %get3A_298] {strides = array<i32>} : memref<128x128xf32, #tpu.memory_space<vmem>>, vector<1x16xf32>,
        %get3A_300 = vector.shape_cast %get3A_299 : vector<1x16xf32> to vector<16xf32>
        %get3A_301 = arith.index_cast %scan3A_240 : i32 to index
        %get3A_302 = arith.constant 64 : index
        %get3A_303 = tpu.vector_load %arg12[%get3A_301, %get3A_302] {strides = array<i32>} : memref<128x128xf32, #tpu.memory_space<vmem>>, vector<1x16xf32>,
        %get3A_304 = vector.shape_cast %get3A_303 : vector<1x16xf32> to vector<16xf32>
        %mul3A_305 = arith.mulf %get3A_300, %get3A_304 : vector<16xf32>
        %swap3A_306 = arith.index_cast %scan3A_240 : i32 to index
        %swap3A_307 = arith.constant 64 : index
        %swap3A_308 = tpu.vector_load %arg11[%swap3A_306, %swap3A_307] {strides = array<i32>} : memref<128x128xf32, #tpu.memory_space<vmem>>, vector<1x16xf32>,
        %swap3A_309 = vector.shape_cast %swap3A_308 : vector<1x16xf32> to vector<16xf32>
        %swap3A_310 = vector.shape_cast %mul3A_305 : vector<16xf32> to vector<1x16xf32>
        tpu.vector_store %arg11[%swap3A_306, %swap3A_307], %swap3A_310 {strides = array<i32>} : memref<128x128xf32, #tpu.memory_space<vmem>>, vector<1x16xf32>,
        %get3A_311 = arith.index_cast %scan3A_240 : i32 to index
        %get3A_312 = arith.constant 80 : index
        %get3A_313 = tpu.vector_load %arg11[%get3A_311, %get3A_312] {strides = array<i32>} : memref<128x128xf32, #tpu.memory_space<vmem>>, vector<1x16xf32>,
        %get3A_314 = vector.shape_cast %get3A_313 : vector<1x16xf32> to vector<16xf32>
        %get3A_315 = arith.index_cast %scan3A_240 : i32 to index
        %get3A_316 = arith.constant 80 : index
        %get3A_317 = tpu.vector_load %arg12[%get3A_315, %get3A_316] {strides = array<i32>} : memref<128x128xf32, #tpu.memory_space<vmem>>, vector<1x16xf32>,
        %get3A_318 = vector.shape_cast %get3A_317 : vector<1x16xf32> to vector<16xf32>
        %mul3A_319 = arith.mulf %get3A_314, %get3A_318 : vector<16xf32>
        %swap3A_320 = arith.index_cast %scan3A_240 : i32 to index
        %swap3A_321 = arith.constant 80 : index
        %swap3A_322 = tpu.vector_load %arg11[%swap3A_320, %swap3A_321] {strides = array<i32>} : memref<128x128xf32, #tpu.memory_space<vmem>>, vector<1x16xf32>,
        %swap3A_323 = vector.shape_cast %swap3A_322 : vector<1x16xf32> to vector<16xf32>
        %swap3A_324 = vector.shape_cast %mul3A_319 : vector<16xf32> to vector<1x16xf32>
        tpu.vector_store %arg11[%swap3A_320, %swap3A_321], %swap3A_324 {strides = array<i32>} : memref<128x128xf32, #tpu.memory_space<vmem>>, vector<1x16xf32>,
        %get3A_325 = arith.index_cast %scan3A_240 : i32 to index
        %get3A_326 = arith.constant 96 : index
        %get3A_327 = tpu.vector_load %arg11[%get3A_325, %get3A_326] {strides = array<i32>} : memref<128x128xf32, #tpu.memory_space<vmem>>, vector<1x16xf32>,
        %get3A_328 = vector.shape_cast %get3A_327 : vector<1x16xf32> to vector<16xf32>
        %get3A_329 = arith.index_cast %scan3A_240 : i32 to index
        %get3A_330 = arith.constant 96 : index
        %get3A_331 = tpu.vector_load %arg12[%get3A_329, %get3A_330] {strides = array<i32>} : memref<128x128xf32, #tpu.memory_space<vmem>>, vector<1x16xf32>,
        %get3A_332 = vector.shape_cast %get3A_331 : vector<1x16xf32> to vector<16xf32>
        %mul3A_333 = arith.mulf %get3A_328, %get3A_332 : vector<16xf32>
        %swap3A_334 = arith.index_cast %scan3A_240 : i32 to index
        %swap3A_335 = arith.constant 96 : index
        %swap3A_336 = tpu.vector_load %arg11[%swap3A_334, %swap3A_335] {strides = array<i32>} : memref<128x128xf32, #tpu.memory_space<vmem>>, vector<1x16xf32>,
        %swap3A_337 = vector.shape_cast %swap3A_336 : vector<1x16xf32> to vector<16xf32>
        %swap3A_338 = vector.shape_cast %mul3A_333 : vector<16xf32> to vector<1x16xf32>
        tpu.vector_store %arg11[%swap3A_334, %swap3A_335], %swap3A_338 {strides = array<i32>} : memref<128x128xf32, #tpu.memory_space<vmem>>, vector<1x16xf32>,
        %get3A_339 = arith.index_cast %scan3A_240 : i32 to index
        %get3A_340 = arith.constant 112 : index
        %get3A_341 = tpu.vector_load %arg11[%get3A_339, %get3A_340] {strides = array<i32>} : memref<128x128xf32, #tpu.memory_space<vmem>>, vector<1x16xf32>,
        %get3A_342 = vector.shape_cast %get3A_341 : vector<1x16xf32> to vector<16xf32>
        %get3A_343 = arith.index_cast %scan3A_240 : i32 to index
        %get3A_344 = arith.constant 112 : index
        %get3A_345 = tpu.vector_load %arg12[%get3A_343, %get3A_344] {strides = array<i32>} : memref<128x128xf32, #tpu.memory_space<vmem>>, vector<1x16xf32>,
        %get3A_346 = vector.shape_cast %get3A_345 : vector<1x16xf32> to vector<16xf32>
        %mul3A_347 = arith.mulf %get3A_342, %get3A_346 : vector<16xf32>
        %swap3A_348 = arith.index_cast %scan3A_240 : i32 to index
        %swap3A_349 = arith.constant 112 : index
        %swap3A_350 = tpu.vector_load %arg11[%swap3A_348, %swap3A_349] {strides = array<i32>} : memref<128x128xf32, #tpu.memory_space<vmem>>, vector<1x16xf32>,
        %swap3A_351 = vector.shape_cast %swap3A_350 : vector<1x16xf32> to vector<16xf32>
        %swap3A_352 = vector.shape_cast %mul3A_347 : vector<16xf32> to vector<1x16xf32>
        tpu.vector_store %arg11[%swap3A_348, %swap3A_349], %swap3A_352 {strides = array<i32>} : memref<128x128xf32, #tpu.memory_space<vmem>>, vector<1x16xf32>,
      }
      %scan3A_239 = arith.constant 128 : i32
      %run_scoped3A = arith.constant 0 : i32
      "tpu.region"() ({
        %run_scoped3A_240 = tpu.sem_alloc : memref<!tpu.dma_semaphore, #tpu.memory_space<semaphore_mem>>
        %dma_start3A_241 = arith.constant 0 : i32
        %dma_start3A_242 = tpu.memref_slice %arg10[%run_scoped3A, %dma_start3A_241] : memref<1x128xi32, #tpu.memory_space<vmem>> -> memref<1x128xi32, #tpu.memory_space<vmem>>
        %dma_start3A_243 = tpu.memref_squeeze %dma_start3A_242 : memref<1x128xi32, #tpu.memory_space<vmem>> -> memref<128xi32, #tpu.memory_space<vmem>>
        %dma_start3A_244 = arith.constant 0 : i32
        %dma_start3A_245 = arith.constant 0 : i32
        %dma_start3A_246 = tpu.memref_slice %arg13[%dma_start3A_244, %dma_start3A_245] : memref<5248x128xf32, #tpu.memory_space<vmem_shared>> -> memref<5248x128xf32, #tpu.memory_space<vmem_shared>>
        tpu.enqueue_indirect_dma source(%arg11 : memref<128x128xf32, #tpu.memory_space<vmem>>) target(%dma_start3A_246 : memref<5248x128xf32, #tpu.memory_space<vmem_shared>>) offsets(%dma_start3A_243 : memref<128xi32, #tpu.memory_space<vmem>>) semaphore(%run_scoped3A_240 : memref<!tpu.dma_semaphore, #tpu.memory_space<semaphore_mem>>) {add = true}
        %dma_wait3A_247 = arith.constant 0 : i32
        %dma_wait3A_248 = tpu.memref_slice %arg10[%run_scoped3A, %dma_wait3A_247] : memref<1x128xi32, #tpu.memory_space<vmem>> -> memref<1x128xi32, #tpu.memory_space<vmem>>
        %dma_wait3A_249 = tpu.memref_squeeze %dma_wait3A_248 : memref<1x128xi32, #tpu.memory_space<vmem>> -> memref<128xi32, #tpu.memory_space<vmem>>
        %dma_wait3A_250 = arith.constant 0 : i32
        %dma_wait3A_251 = arith.constant 0 : i32
        %dma_wait3A_252 = tpu.memref_slice %arg13[%dma_wait3A_250, %dma_wait3A_251] : memref<5248x128xf32, #tpu.memory_space<vmem_shared>> -> memref<5248x128xf32, #tpu.memory_space<vmem_shared>>
        tpu.wait_indirect_dma semaphore(%run_scoped3A_240 : memref<!tpu.dma_semaphore, #tpu.memory_space<semaphore_mem>>) src(%arg11 : memref<128x128xf32, #tpu.memory_space<vmem>>) dst(%dma_wait3A_252 : memref<5248x128xf32, #tpu.memory_space<vmem_shared>>)
        tpu.yield
      }) : () -> ()
    }
    %scan3A_10 = arith.constant 158 : i32
    %barrier3A_11 = arith.constant 0 : index
    tpu.barrier barrier_id(%barrier3A_11)
    %mul3A_12 = arith.constant 320 : i32
    %mul3A_13 = arith.muli %arg1, %mul3A_12 : i32
    %mul3A_14 = arith.constant 320 : i32
    %mul3A_15 = arith.muli %arg1, %mul3A_14 : i32
    "tpu.region"() ({
      %run_scoped3A = tpu.sem_alloc : memref<!tpu.dma_semaphore, #tpu.memory_space<semaphore_mem>>
      %dma_start3A = arith.constant 0 : i32
      %dma_start3A_16 = tpu.memref_slice %arg7[%arg0, %mul3A_15, %dma_start3A] : memref<2x5120x128xf32, #tpu.memory_space<hbm>> -> memref<1x320x128xf32, #tpu.memory_space<hbm>>
      %dma_start3A_17 = tpu.memref_squeeze %dma_start3A_16 : memref<1x320x128xf32, #tpu.memory_space<hbm>> -> memref<320x128xf32, #tpu.memory_space<hbm>>
      %dma_start3A_18 = arith.constant 0 : i32
      %dma_start3A_19 = tpu.memref_slice %arg13[%mul3A_13, %dma_start3A_18] : memref<5248x128xf32, #tpu.memory_space<vmem_shared>> -> memref<320x128xf32, #tpu.memory_space<vmem_shared>>
      tpu.enqueue_dma source(%dma_start3A_19 : memref<320x128xf32, #tpu.memory_space<vmem_shared>>) target(%dma_start3A_17 : memref<320x128xf32, #tpu.memory_space<hbm>>) target_semaphore(%run_scoped3A : memref<!tpu.dma_semaphore, #tpu.memory_space<semaphore_mem>>)
      %dma_wait3A = arith.constant 0 : i32
      %dma_wait3A_20 = tpu.memref_slice %arg7[%arg0, %mul3A_15, %dma_wait3A] : memref<2x5120x128xf32, #tpu.memory_space<hbm>> -> memref<1x320x128xf32, #tpu.memory_space<hbm>>
      %dma_wait3A_21 = tpu.memref_squeeze %dma_wait3A_20 : memref<1x320x128xf32, #tpu.memory_space<hbm>> -> memref<320x128xf32, #tpu.memory_space<hbm>>
      %dma_wait3A_22 = arith.constant 0 : i32
      %dma_wait3A_23 = tpu.memref_slice %arg13[%mul3A_13, %dma_wait3A_22] : memref<5248x128xf32, #tpu.memory_space<vmem_shared>> -> memref<320x128xf32, #tpu.memory_space<vmem_shared>>
      tpu.wait_dma2 semaphore(%run_scoped3A : memref<!tpu.dma_semaphore, #tpu.memory_space<semaphore_mem>>) src(%dma_wait3A_23 : memref<320x128xf32, #tpu.memory_space<vmem_shared>>) dst(%dma_wait3A_21 : memref<320x128xf32, #tpu.memory_space<hbm>>)
      tpu.yield
    }) : () -> ()
    return
  }
}

#map = affine_map<(d0, d1) -> (0, 0)>
#map1 = affine_map<(d0, d1) -> (0, 0, 0)>
module attributes {stable_mosaic.version = 14 : i64} {
  func.func @msg_scatter(%arg0: i32, %arg1: i32, %arg2: memref<10240x128xf32, #tpu.memory_space<hbm>>, %arg3: memref<323584x128xf32, #tpu.memory_space<hbm>>, %arg4: memref<16x158x128xi32, #tpu.memory_space<hbm>>, %arg5: memref<16x158x128xi32, #tpu.memory_space<hbm>>, %arg6: memref<320x128xf32, #tpu.memory_space<hbm>>, %arg7: memref<2x5120x128xf32, #tpu.memory_space<hbm>>, %arg8: memref<158x128xi32, #tpu.memory_space<vmem>>, %arg9: memref<158x128xi32, #tpu.memory_space<vmem>>, %arg10: memref<1x128xi32, #tpu.memory_space<vmem>>, %arg11: memref<128x128xf32, #tpu.memory_space<vmem>>, %arg12: memref<128x128xf32, #tpu.memory_space<vmem>>, %arg13: memref<5248x128xf32, #tpu.memory_space<vmem_shared>>, %arg14: memref<!tpu.dma_semaphore, #tpu.memory_space<semaphore_mem>>) attributes {dimension_semantics = [#tpu.dimension_semantics<core_parallel>, #tpu.dimension_semantics<subcore_parallel>], iteration_bounds = array<i64: 2, 16>, scalar_prefetch = 0 : i64, scratch_operands = 7 : i64, tpu.core_type = #tpu.core_type<sc_vector_subcore>, window_params = [{transform_indices = #map}, {transform_indices = #map}, {transform_indices = #map1}, {transform_indices = #map1}, {transform_indices = #map}, {transform_indices = #map1}]} {
    %mul3A = arith.constant 320 : i32
    %mul3A_0 = arith.muli %arg1, %mul3A : i32
    "tpu.region"() ({
      %run_scoped3A = tpu.sem_alloc : memref<!tpu.dma_semaphore, #tpu.memory_space<semaphore_mem>>
      %dma_start3A = arith.constant 0 : i32
      %dma_start3A_16 = tpu.memref_slice %arg13[%mul3A_0, %dma_start3A] : memref<5248x128xf32, #tpu.memory_space<vmem_shared>> -> memref<320x128xf32, #tpu.memory_space<vmem_shared>>
      tpu.enqueue_dma source(%arg6 : memref<320x128xf32, #tpu.memory_space<hbm>>) target(%dma_start3A_16 : memref<320x128xf32, #tpu.memory_space<vmem_shared>>) target_semaphore(%run_scoped3A : memref<!tpu.dma_semaphore, #tpu.memory_space<semaphore_mem>>)
      %dma_wait3A = arith.constant 0 : i32
      %dma_wait3A_17 = tpu.memref_slice %arg13[%mul3A_0, %dma_wait3A] : memref<5248x128xf32, #tpu.memory_space<vmem_shared>> -> memref<320x128xf32, #tpu.memory_space<vmem_shared>>
      tpu.wait_dma2 semaphore(%run_scoped3A : memref<!tpu.dma_semaphore, #tpu.memory_space<semaphore_mem>>) src(%arg6 : memref<320x128xf32, #tpu.memory_space<hbm>>) dst(%dma_wait3A_17 : memref<320x128xf32, #tpu.memory_space<vmem_shared>>)
      tpu.yield
    }) : () -> ()
    %barrier3A = arith.constant 0 : index
    tpu.barrier barrier_id(%barrier3A)
    "tpu.region"() ({
      %run_scoped3A = tpu.sem_alloc : memref<!tpu.dma_semaphore, #tpu.memory_space<semaphore_mem>>
      %dma_start3A = arith.constant 0 : i32
      %dma_start3A_16 = arith.constant 0 : i32
      %dma_start3A_17 = tpu.memref_slice %arg4[%arg1, %dma_start3A, %dma_start3A_16] : memref<16x158x128xi32, #tpu.memory_space<hbm>> -> memref<1x158x128xi32, #tpu.memory_space<hbm>>
      %dma_start3A_18 = tpu.memref_squeeze %dma_start3A_17 : memref<1x158x128xi32, #tpu.memory_space<hbm>> -> memref<158x128xi32, #tpu.memory_space<hbm>>
      %dma_start3A_19 = arith.constant 0 : i32
      %dma_start3A_20 = arith.constant 0 : i32
      %dma_start3A_21 = tpu.memref_slice %arg4[%arg1, %dma_start3A_19, %dma_start3A_20] : memref<16x158x128xi32, #tpu.memory_space<hbm>> -> memref<1x158x128xi32, #tpu.memory_space<hbm>>
      %dma_start3A_22 = tpu.memref_squeeze %dma_start3A_21 : memref<1x158x128xi32, #tpu.memory_space<hbm>> -> memref<158x128xi32, #tpu.memory_space<hbm>>
      tpu.enqueue_dma source(%dma_start3A_22 : memref<158x128xi32, #tpu.memory_space<hbm>>) target(%arg8 : memref<158x128xi32, #tpu.memory_space<vmem>>) target_semaphore(%run_scoped3A : memref<!tpu.dma_semaphore, #tpu.memory_space<semaphore_mem>>)
      %dma_wait3A = arith.constant 0 : i32
      %dma_wait3A_23 = arith.constant 0 : i32
      %dma_wait3A_24 = tpu.memref_slice %arg4[%arg1, %dma_wait3A, %dma_wait3A_23] : memref<16x158x128xi32, #tpu.memory_space<hbm>> -> memref<1x158x128xi32, #tpu.memory_space<hbm>>
      %dma_wait3A_25 = tpu.memref_squeeze %dma_wait3A_24 : memref<1x158x128xi32, #tpu.memory_space<hbm>> -> memref<158x128xi32, #tpu.memory_space<hbm>>
      %dma_wait3A_26 = arith.constant 0 : i32
      %dma_wait3A_27 = arith.constant 0 : i32
      %dma_wait3A_28 = tpu.memref_slice %arg4[%arg1, %dma_wait3A_26, %dma_wait3A_27] : memref<16x158x128xi32, #tpu.memory_space<hbm>> -> memref<1x158x128xi32, #tpu.memory_space<hbm>>
      %dma_wait3A_29 = tpu.memref_squeeze %dma_wait3A_28 : memref<1x158x128xi32, #tpu.memory_space<hbm>> -> memref<158x128xi32, #tpu.memory_space<hbm>>
      tpu.wait_dma2 semaphore(%run_scoped3A : memref<!tpu.dma_semaphore, #tpu.memory_space<semaphore_mem>>) src(%dma_wait3A_29 : memref<158x128xi32, #tpu.memory_space<hbm>>) dst(%arg8 : memref<158x128xi32, #tpu.memory_space<vmem>>)
      tpu.yield
    }) : () -> ()
    "tpu.region"() ({
      %run_scoped3A = tpu.sem_alloc : memref<!tpu.dma_semaphore, #tpu.memory_space<semaphore_mem>>
      %dma_start3A = arith.constant 0 : i32
      %dma_start3A_16 = arith.constant 0 : i32
      %dma_start3A_17 = tpu.memref_slice %arg5[%arg1, %dma_start3A, %dma_start3A_16] : memref<16x158x128xi32, #tpu.memory_space<hbm>> -> memref<1x158x128xi32, #tpu.memory_space<hbm>>
      %dma_start3A_18 = tpu.memref_squeeze %dma_start3A_17 : memref<1x158x128xi32, #tpu.memory_space<hbm>> -> memref<158x128xi32, #tpu.memory_space<hbm>>
      %dma_start3A_19 = arith.constant 0 : i32
      %dma_start3A_20 = arith.constant 0 : i32
      %dma_start3A_21 = tpu.memref_slice %arg5[%arg1, %dma_start3A_19, %dma_start3A_20] : memref<16x158x128xi32, #tpu.memory_space<hbm>> -> memref<1x158x128xi32, #tpu.memory_space<hbm>>
      %dma_start3A_22 = tpu.memref_squeeze %dma_start3A_21 : memref<1x158x128xi32, #tpu.memory_space<hbm>> -> memref<158x128xi32, #tpu.memory_space<hbm>>
      tpu.enqueue_dma source(%dma_start3A_22 : memref<158x128xi32, #tpu.memory_space<hbm>>) target(%arg9 : memref<158x128xi32, #tpu.memory_space<vmem>>) target_semaphore(%run_scoped3A : memref<!tpu.dma_semaphore, #tpu.memory_space<semaphore_mem>>)
      %dma_wait3A = arith.constant 0 : i32
      %dma_wait3A_23 = arith.constant 0 : i32
      %dma_wait3A_24 = tpu.memref_slice %arg5[%arg1, %dma_wait3A, %dma_wait3A_23] : memref<16x158x128xi32, #tpu.memory_space<hbm>> -> memref<1x158x128xi32, #tpu.memory_space<hbm>>
      %dma_wait3A_25 = tpu.memref_squeeze %dma_wait3A_24 : memref<1x158x128xi32, #tpu.memory_space<hbm>> -> memref<158x128xi32, #tpu.memory_space<hbm>>
      %dma_wait3A_26 = arith.constant 0 : i32
      %dma_wait3A_27 = arith.constant 0 : i32
      %dma_wait3A_28 = tpu.memref_slice %arg5[%arg1, %dma_wait3A_26, %dma_wait3A_27] : memref<16x158x128xi32, #tpu.memory_space<hbm>> -> memref<1x158x128xi32, #tpu.memory_space<hbm>>
      %dma_wait3A_29 = tpu.memref_squeeze %dma_wait3A_28 : memref<1x158x128xi32, #tpu.memory_space<hbm>> -> memref<158x128xi32, #tpu.memory_space<hbm>>
      tpu.wait_dma2 semaphore(%run_scoped3A : memref<!tpu.dma_semaphore, #tpu.memory_space<semaphore_mem>>) src(%dma_wait3A_29 : memref<158x128xi32, #tpu.memory_space<hbm>>) dst(%arg9 : memref<158x128xi32, #tpu.memory_space<vmem>>)
      tpu.yield
    }) : () -> ()
    %mul3A_1 = arith.constant 5120 : i32
    %mul3A_2 = arith.muli %arg0, %mul3A_1 : i32
    %mul3A_3 = arith.constant 8 : i32
    %mul3A_4 = arith.muli %arg1, %mul3A_3 : i32
    %add3A = arith.constant 5120 : i32
    %add3A_5 = arith.addi %add3A, %mul3A_4 : i32
    %scan3A = arith.constant 0 : i32
    %scan3A_6 = arith.constant 0 : i32
    %scan3A_7 = arith.constant 158 : i32
    %scan3A_8 = arith.addi %scan3A_6, %scan3A_7 : i32
    %scan3A_9 = arith.constant 1 : i32
    scf.for %scan3A_16 = %scan3A_6 to %scan3A_8 step %scan3A_9  : i32 {
      %dma_start3A = arith.constant 0 : i32
      %dma_start3A_17 = tpu.memref_slice %arg8[%scan3A_16, %dma_start3A] : memref<158x128xi32, #tpu.memory_space<vmem>> -> memref<1x128xi32, #tpu.memory_space<vmem>>
      %dma_start3A_18 = tpu.memref_squeeze %dma_start3A_17 : memref<1x128xi32, #tpu.memory_space<vmem>> -> memref<128xi32, #tpu.memory_space<vmem>>
      %dma_start3A_19 = arith.constant 0 : i32
      %dma_start3A_20 = arith.constant 0 : i32
      %dma_start3A_21 = tpu.memref_slice %arg2[%dma_start3A_19, %dma_start3A_20] : memref<10240x128xf32, #tpu.memory_space<hbm>> -> memref<10240x128xf32, #tpu.memory_space<hbm>>
      tpu.enqueue_indirect_dma source(%dma_start3A_21 : memref<10240x128xf32, #tpu.memory_space<hbm>>) target(%arg11 : memref<128x128xf32, #tpu.memory_space<vmem>>) offsets(%dma_start3A_18 : memref<128xi32, #tpu.memory_space<vmem>>) semaphore(%arg14 : memref<!tpu.dma_semaphore, #tpu.memory_space<semaphore_mem>>)
      %mul3A_22 = arith.constant 158 : i32
      %mul3A_23 = arith.muli %arg1, %mul3A_22 : i32
      %add3A_24 = arith.addi %mul3A_23, %scan3A_16 : i32
      %mul3A_25 = arith.constant 128 : i32
      %mul3A_26 = arith.muli %add3A_24, %mul3A_25 : i32
      "tpu.region"() ({
        %run_scoped3A_240 = tpu.sem_alloc : memref<!tpu.dma_semaphore, #tpu.memory_space<semaphore_mem>>
        %dma_start3A_241 = arith.constant 0 : i32
        %dma_start3A_242 = tpu.memref_slice %arg3[%mul3A_26, %dma_start3A_241] : memref<323584x128xf32, #tpu.memory_space<hbm>> -> memref<128x128xf32, #tpu.memory_space<hbm>>
        %dma_start3A_243 = arith.constant 0 : i32
        %dma_start3A_244 = tpu.memref_slice %arg3[%mul3A_26, %dma_start3A_243] : memref<323584x128xf32, #tpu.memory_space<hbm>> -> memref<128x128xf32, #tpu.memory_space<hbm>>
        tpu.enqueue_dma source(%dma_start3A_244 : memref<128x128xf32, #tpu.memory_space<hbm>>) target(%arg12 : memref<128x128xf32, #tpu.memory_space<vmem>>) target_semaphore(%run_scoped3A_240 : memref<!tpu.dma_semaphore, #tpu.memory_space<semaphore_mem>>)
        %dma_wait3A_245 = arith.constant 0 : i32
        %dma_wait3A_246 = tpu.memref_slice %arg3[%mul3A_26, %dma_wait3A_245] : memref<323584x128xf32, #tpu.memory_space<hbm>> -> memref<128x128xf32, #tpu.memory_space<hbm>>
        %dma_wait3A_247 = arith.constant 0 : i32
        %dma_wait3A_248 = tpu.memref_slice %arg3[%mul3A_26, %dma_wait3A_247] : memref<323584x128xf32, #tpu.memory_space<hbm>> -> memref<128x128xf32, #tpu.memory_space<hbm>>
        tpu.wait_dma2 semaphore(%run_scoped3A_240 : memref<!tpu.dma_semaphore, #tpu.memory_space<semaphore_mem>>) src(%dma_wait3A_248 : memref<128x128xf32, #tpu.memory_space<hbm>>) dst(%arg12 : memref<128x128xf32, #tpu.memory_space<vmem>>)
        tpu.yield
      }) : () -> ()
      %scan3A_27 = arith.constant 0 : i32
      %scan3A_28 = arith.constant 0 : i32
      %mul3A_29 = arith.constant 16 : i32
      %mul3A_30 = arith.muli %scan3A_28, %mul3A_29 : i32
      %get3A = arith.index_cast %scan3A_16 : i32 to index
      %get3A_31 = arith.index_cast %mul3A_30 : i32 to index
      %get3A_32 = tpu.vector_load %arg9[%get3A, %get3A_31] {strides = array<i32>} : memref<158x128xi32, #tpu.memory_space<vmem>>, vector<1x16xi32>,
      %get3A_33 = vector.shape_cast %get3A_32 : vector<1x16xi32> to vector<16xi32>
      %sub3A = vector.broadcast %mul3A_2 : i32 to vector<16xi32>
      %sub3A_34 = arith.subi %get3A_33, %sub3A : vector<16xi32>
      %ge3A = arith.constant 0 : i32
      %ge3A_35 = vector.broadcast %ge3A : i32 to vector<16xi32>
      %ge3A_36 = arith.cmpi sge, %sub3A_34, %ge3A_35 : vector<16xi32>
      %lt3A = arith.constant 5120 : i32
      %lt3A_37 = vector.broadcast %lt3A : i32 to vector<16xi32>
      %lt3A_38 = arith.cmpi slt, %sub3A_34, %lt3A_37 : vector<16xi32>
      %and3A = arith.andi %ge3A_36, %lt3A_38 : vector<16xi1>
      %broadcast_in_dim3A = vector.broadcast %add3A_5 : i32 to vector<16xi32>
      %select_n3A = arith.select %and3A, %sub3A_34, %broadcast_in_dim3A : vector<16xi1>, vector<16xi32>
      %mul3A_39 = arith.constant 16 : i32
      %mul3A_40 = arith.muli %scan3A_28, %mul3A_39 : i32
      %swap3A = arith.constant 0 : i32
      %swap3A_41 = arith.index_cast %swap3A : i32 to index
      %swap3A_42 = arith.index_cast %mul3A_40 : i32 to index
      %swap3A_43 = tpu.vector_load %arg10[%swap3A_41, %swap3A_42] {strides = array<i32>} : memref<1x128xi32, #tpu.memory_space<vmem>>, vector<1x16xi32>,
      %swap3A_44 = vector.shape_cast %swap3A_43 : vector<1x16xi32> to vector<16xi32>
      %swap3A_45 = vector.shape_cast %select_n3A : vector<16xi32> to vector<1x16xi32>
      tpu.vector_store %arg10[%swap3A_41, %swap3A_42], %swap3A_45 {strides = array<i32>} : memref<1x128xi32, #tpu.memory_space<vmem>>, vector<1x16xi32>,
      %scan3A_46 = arith.constant 1 : i32
      %mul3A_47 = arith.constant 16 : i32
      %mul3A_48 = arith.muli %scan3A_46, %mul3A_47 : i32
      %get3A_49 = arith.index_cast %scan3A_16 : i32 to index
      %get3A_50 = arith.index_cast %mul3A_48 : i32 to index
      %get3A_51 = tpu.vector_load %arg9[%get3A_49, %get3A_50] {strides = array<i32>} : memref<158x128xi32, #tpu.memory_space<vmem>>, vector<1x16xi32>,
      %get3A_52 = vector.shape_cast %get3A_51 : vector<1x16xi32> to vector<16xi32>
      %sub3A_53 = vector.broadcast %mul3A_2 : i32 to vector<16xi32>
      %sub3A_54 = arith.subi %get3A_52, %sub3A_53 : vector<16xi32>
      %ge3A_55 = arith.constant 0 : i32
      %ge3A_56 = vector.broadcast %ge3A_55 : i32 to vector<16xi32>
      %ge3A_57 = arith.cmpi sge, %sub3A_54, %ge3A_56 : vector<16xi32>
      %lt3A_58 = arith.constant 5120 : i32
      %lt3A_59 = vector.broadcast %lt3A_58 : i32 to vector<16xi32>
      %lt3A_60 = arith.cmpi slt, %sub3A_54, %lt3A_59 : vector<16xi32>
      %and3A_61 = arith.andi %ge3A_57, %lt3A_60 : vector<16xi1>
      %broadcast_in_dim3A_62 = vector.broadcast %add3A_5 : i32 to vector<16xi32>
      %select_n3A_63 = arith.select %and3A_61, %sub3A_54, %broadcast_in_dim3A_62 : vector<16xi1>, vector<16xi32>
      %mul3A_64 = arith.constant 16 : i32
      %mul3A_65 = arith.muli %scan3A_46, %mul3A_64 : i32
      %swap3A_66 = arith.constant 0 : i32
      %swap3A_67 = arith.index_cast %swap3A_66 : i32 to index
      %swap3A_68 = arith.index_cast %mul3A_65 : i32 to index
      %swap3A_69 = tpu.vector_load %arg10[%swap3A_67, %swap3A_68] {strides = array<i32>} : memref<1x128xi32, #tpu.memory_space<vmem>>, vector<1x16xi32>,
      %swap3A_70 = vector.shape_cast %swap3A_69 : vector<1x16xi32> to vector<16xi32>
      %swap3A_71 = vector.shape_cast %select_n3A_63 : vector<16xi32> to vector<1x16xi32>
      tpu.vector_store %arg10[%swap3A_67, %swap3A_68], %swap3A_71 {strides = array<i32>} : memref<1x128xi32, #tpu.memory_space<vmem>>, vector<1x16xi32>,
      %scan3A_72 = arith.constant 2 : i32
      %mul3A_73 = arith.constant 16 : i32
      %mul3A_74 = arith.muli %scan3A_72, %mul3A_73 : i32
      %get3A_75 = arith.index_cast %scan3A_16 : i32 to index
      %get3A_76 = arith.index_cast %mul3A_74 : i32 to index
      %get3A_77 = tpu.vector_load %arg9[%get3A_75, %get3A_76] {strides = array<i32>} : memref<158x128xi32, #tpu.memory_space<vmem>>, vector<1x16xi32>,
      %get3A_78 = vector.shape_cast %get3A_77 : vector<1x16xi32> to vector<16xi32>
      %sub3A_79 = vector.broadcast %mul3A_2 : i32 to vector<16xi32>
      %sub3A_80 = arith.subi %get3A_78, %sub3A_79 : vector<16xi32>
      %ge3A_81 = arith.constant 0 : i32
      %ge3A_82 = vector.broadcast %ge3A_81 : i32 to vector<16xi32>
      %ge3A_83 = arith.cmpi sge, %sub3A_80, %ge3A_82 : vector<16xi32>
      %lt3A_84 = arith.constant 5120 : i32
      %lt3A_85 = vector.broadcast %lt3A_84 : i32 to vector<16xi32>
      %lt3A_86 = arith.cmpi slt, %sub3A_80, %lt3A_85 : vector<16xi32>
      %and3A_87 = arith.andi %ge3A_83, %lt3A_86 : vector<16xi1>
      %broadcast_in_dim3A_88 = vector.broadcast %add3A_5 : i32 to vector<16xi32>
      %select_n3A_89 = arith.select %and3A_87, %sub3A_80, %broadcast_in_dim3A_88 : vector<16xi1>, vector<16xi32>
      %mul3A_90 = arith.constant 16 : i32
      %mul3A_91 = arith.muli %scan3A_72, %mul3A_90 : i32
      %swap3A_92 = arith.constant 0 : i32
      %swap3A_93 = arith.index_cast %swap3A_92 : i32 to index
      %swap3A_94 = arith.index_cast %mul3A_91 : i32 to index
      %swap3A_95 = tpu.vector_load %arg10[%swap3A_93, %swap3A_94] {strides = array<i32>} : memref<1x128xi32, #tpu.memory_space<vmem>>, vector<1x16xi32>,
      %swap3A_96 = vector.shape_cast %swap3A_95 : vector<1x16xi32> to vector<16xi32>
      %swap3A_97 = vector.shape_cast %select_n3A_89 : vector<16xi32> to vector<1x16xi32>
      tpu.vector_store %arg10[%swap3A_93, %swap3A_94], %swap3A_97 {strides = array<i32>} : memref<1x128xi32, #tpu.memory_space<vmem>>, vector<1x16xi32>,
      %scan3A_98 = arith.constant 3 : i32
      %mul3A_99 = arith.constant 16 : i32
      %mul3A_100 = arith.muli %scan3A_98, %mul3A_99 : i32
      %get3A_101 = arith.index_cast %scan3A_16 : i32 to index
      %get3A_102 = arith.index_cast %mul3A_100 : i32 to index
      %get3A_103 = tpu.vector_load %arg9[%get3A_101, %get3A_102] {strides = array<i32>} : memref<158x128xi32, #tpu.memory_space<vmem>>, vector<1x16xi32>,
      %get3A_104 = vector.shape_cast %get3A_103 : vector<1x16xi32> to vector<16xi32>
      %sub3A_105 = vector.broadcast %mul3A_2 : i32 to vector<16xi32>
      %sub3A_106 = arith.subi %get3A_104, %sub3A_105 : vector<16xi32>
      %ge3A_107 = arith.constant 0 : i32
      %ge3A_108 = vector.broadcast %ge3A_107 : i32 to vector<16xi32>
      %ge3A_109 = arith.cmpi sge, %sub3A_106, %ge3A_108 : vector<16xi32>
      %lt3A_110 = arith.constant 5120 : i32
      %lt3A_111 = vector.broadcast %lt3A_110 : i32 to vector<16xi32>
      %lt3A_112 = arith.cmpi slt, %sub3A_106, %lt3A_111 : vector<16xi32>
      %and3A_113 = arith.andi %ge3A_109, %lt3A_112 : vector<16xi1>
      %broadcast_in_dim3A_114 = vector.broadcast %add3A_5 : i32 to vector<16xi32>
      %select_n3A_115 = arith.select %and3A_113, %sub3A_106, %broadcast_in_dim3A_114 : vector<16xi1>, vector<16xi32>
      %mul3A_116 = arith.constant 16 : i32
      %mul3A_117 = arith.muli %scan3A_98, %mul3A_116 : i32
      %swap3A_118 = arith.constant 0 : i32
      %swap3A_119 = arith.index_cast %swap3A_118 : i32 to index
      %swap3A_120 = arith.index_cast %mul3A_117 : i32 to index
      %swap3A_121 = tpu.vector_load %arg10[%swap3A_119, %swap3A_120] {strides = array<i32>} : memref<1x128xi32, #tpu.memory_space<vmem>>, vector<1x16xi32>,
      %swap3A_122 = vector.shape_cast %swap3A_121 : vector<1x16xi32> to vector<16xi32>
      %swap3A_123 = vector.shape_cast %select_n3A_115 : vector<16xi32> to vector<1x16xi32>
      tpu.vector_store %arg10[%swap3A_119, %swap3A_120], %swap3A_123 {strides = array<i32>} : memref<1x128xi32, #tpu.memory_space<vmem>>, vector<1x16xi32>,
      %scan3A_124 = arith.constant 4 : i32
      %mul3A_125 = arith.constant 16 : i32
      %mul3A_126 = arith.muli %scan3A_124, %mul3A_125 : i32
      %get3A_127 = arith.index_cast %scan3A_16 : i32 to index
      %get3A_128 = arith.index_cast %mul3A_126 : i32 to index
      %get3A_129 = tpu.vector_load %arg9[%get3A_127, %get3A_128] {strides = array<i32>} : memref<158x128xi32, #tpu.memory_space<vmem>>, vector<1x16xi32>,
      %get3A_130 = vector.shape_cast %get3A_129 : vector<1x16xi32> to vector<16xi32>
      %sub3A_131 = vector.broadcast %mul3A_2 : i32 to vector<16xi32>
      %sub3A_132 = arith.subi %get3A_130, %sub3A_131 : vector<16xi32>
      %ge3A_133 = arith.constant 0 : i32
      %ge3A_134 = vector.broadcast %ge3A_133 : i32 to vector<16xi32>
      %ge3A_135 = arith.cmpi sge, %sub3A_132, %ge3A_134 : vector<16xi32>
      %lt3A_136 = arith.constant 5120 : i32
      %lt3A_137 = vector.broadcast %lt3A_136 : i32 to vector<16xi32>
      %lt3A_138 = arith.cmpi slt, %sub3A_132, %lt3A_137 : vector<16xi32>
      %and3A_139 = arith.andi %ge3A_135, %lt3A_138 : vector<16xi1>
      %broadcast_in_dim3A_140 = vector.broadcast %add3A_5 : i32 to vector<16xi32>
      %select_n3A_141 = arith.select %and3A_139, %sub3A_132, %broadcast_in_dim3A_140 : vector<16xi1>, vector<16xi32>
      %mul3A_142 = arith.constant 16 : i32
      %mul3A_143 = arith.muli %scan3A_124, %mul3A_142 : i32
      %swap3A_144 = arith.constant 0 : i32
      %swap3A_145 = arith.index_cast %swap3A_144 : i32 to index
      %swap3A_146 = arith.index_cast %mul3A_143 : i32 to index
      %swap3A_147 = tpu.vector_load %arg10[%swap3A_145, %swap3A_146] {strides = array<i32>} : memref<1x128xi32, #tpu.memory_space<vmem>>, vector<1x16xi32>,
      %swap3A_148 = vector.shape_cast %swap3A_147 : vector<1x16xi32> to vector<16xi32>
      %swap3A_149 = vector.shape_cast %select_n3A_141 : vector<16xi32> to vector<1x16xi32>
      tpu.vector_store %arg10[%swap3A_145, %swap3A_146], %swap3A_149 {strides = array<i32>} : memref<1x128xi32, #tpu.memory_space<vmem>>, vector<1x16xi32>,
      %scan3A_150 = arith.constant 5 : i32
      %mul3A_151 = arith.constant 16 : i32
      %mul3A_152 = arith.muli %scan3A_150, %mul3A_151 : i32
      %get3A_153 = arith.index_cast %scan3A_16 : i32 to index
      %get3A_154 = arith.index_cast %mul3A_152 : i32 to index
      %get3A_155 = tpu.vector_load %arg9[%get3A_153, %get3A_154] {strides = array<i32>} : memref<158x128xi32, #tpu.memory_space<vmem>>, vector<1x16xi32>,
      %get3A_156 = vector.shape_cast %get3A_155 : vector<1x16xi32> to vector<16xi32>
      %sub3A_157 = vector.broadcast %mul3A_2 : i32 to vector<16xi32>
      %sub3A_158 = arith.subi %get3A_156, %sub3A_157 : vector<16xi32>
      %ge3A_159 = arith.constant 0 : i32
      %ge3A_160 = vector.broadcast %ge3A_159 : i32 to vector<16xi32>
      %ge3A_161 = arith.cmpi sge, %sub3A_158, %ge3A_160 : vector<16xi32>
      %lt3A_162 = arith.constant 5120 : i32
      %lt3A_163 = vector.broadcast %lt3A_162 : i32 to vector<16xi32>
      %lt3A_164 = arith.cmpi slt, %sub3A_158, %lt3A_163 : vector<16xi32>
      %and3A_165 = arith.andi %ge3A_161, %lt3A_164 : vector<16xi1>
      %broadcast_in_dim3A_166 = vector.broadcast %add3A_5 : i32 to vector<16xi32>
      %select_n3A_167 = arith.select %and3A_165, %sub3A_158, %broadcast_in_dim3A_166 : vector<16xi1>, vector<16xi32>
      %mul3A_168 = arith.constant 16 : i32
      %mul3A_169 = arith.muli %scan3A_150, %mul3A_168 : i32
      %swap3A_170 = arith.constant 0 : i32
      %swap3A_171 = arith.index_cast %swap3A_170 : i32 to index
      %swap3A_172 = arith.index_cast %mul3A_169 : i32 to index
      %swap3A_173 = tpu.vector_load %arg10[%swap3A_171, %swap3A_172] {strides = array<i32>} : memref<1x128xi32, #tpu.memory_space<vmem>>, vector<1x16xi32>,
      %swap3A_174 = vector.shape_cast %swap3A_173 : vector<1x16xi32> to vector<16xi32>
      %swap3A_175 = vector.shape_cast %select_n3A_167 : vector<16xi32> to vector<1x16xi32>
      tpu.vector_store %arg10[%swap3A_171, %swap3A_172], %swap3A_175 {strides = array<i32>} : memref<1x128xi32, #tpu.memory_space<vmem>>, vector<1x16xi32>,
      %scan3A_176 = arith.constant 6 : i32
      %mul3A_177 = arith.constant 16 : i32
      %mul3A_178 = arith.muli %scan3A_176, %mul3A_177 : i32
      %get3A_179 = arith.index_cast %scan3A_16 : i32 to index
      %get3A_180 = arith.index_cast %mul3A_178 : i32 to index
      %get3A_181 = tpu.vector_load %arg9[%get3A_179, %get3A_180] {strides = array<i32>} : memref<158x128xi32, #tpu.memory_space<vmem>>, vector<1x16xi32>,
      %get3A_182 = vector.shape_cast %get3A_181 : vector<1x16xi32> to vector<16xi32>
      %sub3A_183 = vector.broadcast %mul3A_2 : i32 to vector<16xi32>
      %sub3A_184 = arith.subi %get3A_182, %sub3A_183 : vector<16xi32>
      %ge3A_185 = arith.constant 0 : i32
      %ge3A_186 = vector.broadcast %ge3A_185 : i32 to vector<16xi32>
      %ge3A_187 = arith.cmpi sge, %sub3A_184, %ge3A_186 : vector<16xi32>
      %lt3A_188 = arith.constant 5120 : i32
      %lt3A_189 = vector.broadcast %lt3A_188 : i32 to vector<16xi32>
      %lt3A_190 = arith.cmpi slt, %sub3A_184, %lt3A_189 : vector<16xi32>
      %and3A_191 = arith.andi %ge3A_187, %lt3A_190 : vector<16xi1>
      %broadcast_in_dim3A_192 = vector.broadcast %add3A_5 : i32 to vector<16xi32>
      %select_n3A_193 = arith.select %and3A_191, %sub3A_184, %broadcast_in_dim3A_192 : vector<16xi1>, vector<16xi32>
      %mul3A_194 = arith.constant 16 : i32
      %mul3A_195 = arith.muli %scan3A_176, %mul3A_194 : i32
      %swap3A_196 = arith.constant 0 : i32
      %swap3A_197 = arith.index_cast %swap3A_196 : i32 to index
      %swap3A_198 = arith.index_cast %mul3A_195 : i32 to index
      %swap3A_199 = tpu.vector_load %arg10[%swap3A_197, %swap3A_198] {strides = array<i32>} : memref<1x128xi32, #tpu.memory_space<vmem>>, vector<1x16xi32>,
      %swap3A_200 = vector.shape_cast %swap3A_199 : vector<1x16xi32> to vector<16xi32>
      %swap3A_201 = vector.shape_cast %select_n3A_193 : vector<16xi32> to vector<1x16xi32>
      tpu.vector_store %arg10[%swap3A_197, %swap3A_198], %swap3A_201 {strides = array<i32>} : memref<1x128xi32, #tpu.memory_space<vmem>>, vector<1x16xi32>,
      %scan3A_202 = arith.constant 7 : i32
      %mul3A_203 = arith.constant 16 : i32
      %mul3A_204 = arith.muli %scan3A_202, %mul3A_203 : i32
      %get3A_205 = arith.index_cast %scan3A_16 : i32 to index
      %get3A_206 = arith.index_cast %mul3A_204 : i32 to index
      %get3A_207 = tpu.vector_load %arg9[%get3A_205, %get3A_206] {strides = array<i32>} : memref<158x128xi32, #tpu.memory_space<vmem>>, vector<1x16xi32>,
      %get3A_208 = vector.shape_cast %get3A_207 : vector<1x16xi32> to vector<16xi32>
      %sub3A_209 = vector.broadcast %mul3A_2 : i32 to vector<16xi32>
      %sub3A_210 = arith.subi %get3A_208, %sub3A_209 : vector<16xi32>
      %ge3A_211 = arith.constant 0 : i32
      %ge3A_212 = vector.broadcast %ge3A_211 : i32 to vector<16xi32>
      %ge3A_213 = arith.cmpi sge, %sub3A_210, %ge3A_212 : vector<16xi32>
      %lt3A_214 = arith.constant 5120 : i32
      %lt3A_215 = vector.broadcast %lt3A_214 : i32 to vector<16xi32>
      %lt3A_216 = arith.cmpi slt, %sub3A_210, %lt3A_215 : vector<16xi32>
      %and3A_217 = arith.andi %ge3A_213, %lt3A_216 : vector<16xi1>
      %broadcast_in_dim3A_218 = vector.broadcast %add3A_5 : i32 to vector<16xi32>
      %select_n3A_219 = arith.select %and3A_217, %sub3A_210, %broadcast_in_dim3A_218 : vector<16xi1>, vector<16xi32>
      %mul3A_220 = arith.constant 16 : i32
      %mul3A_221 = arith.muli %scan3A_202, %mul3A_220 : i32
      %swap3A_222 = arith.constant 0 : i32
      %swap3A_223 = arith.index_cast %swap3A_222 : i32 to index
      %swap3A_224 = arith.index_cast %mul3A_221 : i32 to index
      %swap3A_225 = tpu.vector_load %arg10[%swap3A_223, %swap3A_224] {strides = array<i32>} : memref<1x128xi32, #tpu.memory_space<vmem>>, vector<1x16xi32>,
      %swap3A_226 = vector.shape_cast %swap3A_225 : vector<1x16xi32> to vector<16xi32>
      %swap3A_227 = vector.shape_cast %select_n3A_219 : vector<16xi32> to vector<1x16xi32>
      tpu.vector_store %arg10[%swap3A_223, %swap3A_224], %swap3A_227 {strides = array<i32>} : memref<1x128xi32, #tpu.memory_space<vmem>>, vector<1x16xi32>,
      %scan3A_228 = arith.constant 8 : i32
      %dma_wait3A = arith.constant 0 : i32
      %dma_wait3A_229 = tpu.memref_slice %arg8[%scan3A_16, %dma_wait3A] : memref<158x128xi32, #tpu.memory_space<vmem>> -> memref<1x128xi32, #tpu.memory_space<vmem>>
      %dma_wait3A_230 = tpu.memref_squeeze %dma_wait3A_229 : memref<1x128xi32, #tpu.memory_space<vmem>> -> memref<128xi32, #tpu.memory_space<vmem>>
      %dma_wait3A_231 = arith.constant 0 : i32
      %dma_wait3A_232 = arith.constant 0 : i32
      %dma_wait3A_233 = tpu.memref_slice %arg2[%dma_wait3A_231, %dma_wait3A_232] : memref<10240x128xf32, #tpu.memory_space<hbm>> -> memref<10240x128xf32, #tpu.memory_space<hbm>>
      tpu.wait_indirect_dma semaphore(%arg14 : memref<!tpu.dma_semaphore, #tpu.memory_space<semaphore_mem>>) src(%dma_wait3A_233 : memref<10240x128xf32, #tpu.memory_space<hbm>>) dst(%arg11 : memref<128x128xf32, #tpu.memory_space<vmem>>)
      %scan3A_234 = arith.constant 0 : i32
      %scan3A_235 = arith.constant 0 : i32
      %scan3A_236 = arith.constant 128 : i32
      %scan3A_237 = arith.addi %scan3A_235, %scan3A_236 : i32
      %scan3A_238 = arith.constant 1 : i32
      scf.for %scan3A_240 = %scan3A_235 to %scan3A_237 step %scan3A_238  : i32 {
        %get3A_241 = arith.index_cast %scan3A_240 : i32 to index
        %get3A_242 = arith.constant 0 : index
        %get3A_243 = tpu.vector_load %arg11[%get3A_241, %get3A_242] {strides = array<i32>} : memref<128x128xf32, #tpu.memory_space<vmem>>, vector<1x16xf32>,
        %get3A_244 = vector.shape_cast %get3A_243 : vector<1x16xf32> to vector<16xf32>
        %get3A_245 = arith.index_cast %scan3A_240 : i32 to index
        %get3A_246 = arith.constant 0 : index
        %get3A_247 = tpu.vector_load %arg12[%get3A_245, %get3A_246] {strides = array<i32>} : memref<128x128xf32, #tpu.memory_space<vmem>>, vector<1x16xf32>,
        %get3A_248 = vector.shape_cast %get3A_247 : vector<1x16xf32> to vector<16xf32>
        %mul3A_249 = arith.mulf %get3A_244, %get3A_248 : vector<16xf32>
        %swap3A_250 = arith.index_cast %scan3A_240 : i32 to index
        %swap3A_251 = arith.constant 0 : index
        %swap3A_252 = tpu.vector_load %arg11[%swap3A_250, %swap3A_251] {strides = array<i32>} : memref<128x128xf32, #tpu.memory_space<vmem>>, vector<1x16xf32>,
        %swap3A_253 = vector.shape_cast %swap3A_252 : vector<1x16xf32> to vector<16xf32>
        %swap3A_254 = vector.shape_cast %mul3A_249 : vector<16xf32> to vector<1x16xf32>
        tpu.vector_store %arg11[%swap3A_250, %swap3A_251], %swap3A_254 {strides = array<i32>} : memref<128x128xf32, #tpu.memory_space<vmem>>, vector<1x16xf32>,
        %get3A_255 = arith.index_cast %scan3A_240 : i32 to index
        %get3A_256 = arith.constant 16 : index
        %get3A_257 = tpu.vector_load %arg11[%get3A_255, %get3A_256] {strides = array<i32>} : memref<128x128xf32, #tpu.memory_space<vmem>>, vector<1x16xf32>,
        %get3A_258 = vector.shape_cast %get3A_257 : vector<1x16xf32> to vector<16xf32>
        %get3A_259 = arith.index_cast %scan3A_240 : i32 to index
        %get3A_260 = arith.constant 16 : index
        %get3A_261 = tpu.vector_load %arg12[%get3A_259, %get3A_260] {strides = array<i32>} : memref<128x128xf32, #tpu.memory_space<vmem>>, vector<1x16xf32>,
        %get3A_262 = vector.shape_cast %get3A_261 : vector<1x16xf32> to vector<16xf32>
        %mul3A_263 = arith.mulf %get3A_258, %get3A_262 : vector<16xf32>
        %swap3A_264 = arith.index_cast %scan3A_240 : i32 to index
        %swap3A_265 = arith.constant 16 : index
        %swap3A_266 = tpu.vector_load %arg11[%swap3A_264, %swap3A_265] {strides = array<i32>} : memref<128x128xf32, #tpu.memory_space<vmem>>, vector<1x16xf32>,
        %swap3A_267 = vector.shape_cast %swap3A_266 : vector<1x16xf32> to vector<16xf32>
        %swap3A_268 = vector.shape_cast %mul3A_263 : vector<16xf32> to vector<1x16xf32>
        tpu.vector_store %arg11[%swap3A_264, %swap3A_265], %swap3A_268 {strides = array<i32>} : memref<128x128xf32, #tpu.memory_space<vmem>>, vector<1x16xf32>,
        %get3A_269 = arith.index_cast %scan3A_240 : i32 to index
        %get3A_270 = arith.constant 32 : index
        %get3A_271 = tpu.vector_load %arg11[%get3A_269, %get3A_270] {strides = array<i32>} : memref<128x128xf32, #tpu.memory_space<vmem>>, vector<1x16xf32>,
        %get3A_272 = vector.shape_cast %get3A_271 : vector<1x16xf32> to vector<16xf32>
        %get3A_273 = arith.index_cast %scan3A_240 : i32 to index
        %get3A_274 = arith.constant 32 : index
        %get3A_275 = tpu.vector_load %arg12[%get3A_273, %get3A_274] {strides = array<i32>} : memref<128x128xf32, #tpu.memory_space<vmem>>, vector<1x16xf32>,
        %get3A_276 = vector.shape_cast %get3A_275 : vector<1x16xf32> to vector<16xf32>
        %mul3A_277 = arith.mulf %get3A_272, %get3A_276 : vector<16xf32>
        %swap3A_278 = arith.index_cast %scan3A_240 : i32 to index
        %swap3A_279 = arith.constant 32 : index
        %swap3A_280 = tpu.vector_load %arg11[%swap3A_278, %swap3A_279] {strides = array<i32>} : memref<128x128xf32, #tpu.memory_space<vmem>>, vector<1x16xf32>,
        %swap3A_281 = vector.shape_cast %swap3A_280 : vector<1x16xf32> to vector<16xf32>
        %swap3A_282 = vector.shape_cast %mul3A_277 : vector<16xf32> to vector<1x16xf32>
        tpu.vector_store %arg11[%swap3A_278, %swap3A_279], %swap3A_282 {strides = array<i32>} : memref<128x128xf32, #tpu.memory_space<vmem>>, vector<1x16xf32>,
        %get3A_283 = arith.index_cast %scan3A_240 : i32 to index
        %get3A_284 = arith.constant 48 : index
        %get3A_285 = tpu.vector_load %arg11[%get3A_283, %get3A_284] {strides = array<i32>} : memref<128x128xf32, #tpu.memory_space<vmem>>, vector<1x16xf32>,
        %get3A_286 = vector.shape_cast %get3A_285 : vector<1x16xf32> to vector<16xf32>
        %get3A_287 = arith.index_cast %scan3A_240 : i32 to index
        %get3A_288 = arith.constant 48 : index
        %get3A_289 = tpu.vector_load %arg12[%get3A_287, %get3A_288] {strides = array<i32>} : memref<128x128xf32, #tpu.memory_space<vmem>>, vector<1x16xf32>,
        %get3A_290 = vector.shape_cast %get3A_289 : vector<1x16xf32> to vector<16xf32>
        %mul3A_291 = arith.mulf %get3A_286, %get3A_290 : vector<16xf32>
        %swap3A_292 = arith.index_cast %scan3A_240 : i32 to index
        %swap3A_293 = arith.constant 48 : index
        %swap3A_294 = tpu.vector_load %arg11[%swap3A_292, %swap3A_293] {strides = array<i32>} : memref<128x128xf32, #tpu.memory_space<vmem>>, vector<1x16xf32>,
        %swap3A_295 = vector.shape_cast %swap3A_294 : vector<1x16xf32> to vector<16xf32>
        %swap3A_296 = vector.shape_cast %mul3A_291 : vector<16xf32> to vector<1x16xf32>
        tpu.vector_store %arg11[%swap3A_292, %swap3A_293], %swap3A_296 {strides = array<i32>} : memref<128x128xf32, #tpu.memory_space<vmem>>, vector<1x16xf32>,
        %get3A_297 = arith.index_cast %scan3A_240 : i32 to index
        %get3A_298 = arith.constant 64 : index
        %get3A_299 = tpu.vector_load %arg11[%get3A_297, %get3A_298] {strides = array<i32>} : memref<128x128xf32, #tpu.memory_space<vmem>>, vector<1x16xf32>,
        %get3A_300 = vector.shape_cast %get3A_299 : vector<1x16xf32> to vector<16xf32>
        %get3A_301 = arith.index_cast %scan3A_240 : i32 to index
        %get3A_302 = arith.constant 64 : index
        %get3A_303 = tpu.vector_load %arg12[%get3A_301, %get3A_302] {strides = array<i32>} : memref<128x128xf32, #tpu.memory_space<vmem>>, vector<1x16xf32>,
        %get3A_304 = vector.shape_cast %get3A_303 : vector<1x16xf32> to vector<16xf32>
        %mul3A_305 = arith.mulf %get3A_300, %get3A_304 : vector<16xf32>
        %swap3A_306 = arith.index_cast %scan3A_240 : i32 to index
        %swap3A_307 = arith.constant 64 : index
        %swap3A_308 = tpu.vector_load %arg11[%swap3A_306, %swap3A_307] {strides = array<i32>} : memref<128x128xf32, #tpu.memory_space<vmem>>, vector<1x16xf32>,
        %swap3A_309 = vector.shape_cast %swap3A_308 : vector<1x16xf32> to vector<16xf32>
        %swap3A_310 = vector.shape_cast %mul3A_305 : vector<16xf32> to vector<1x16xf32>
        tpu.vector_store %arg11[%swap3A_306, %swap3A_307], %swap3A_310 {strides = array<i32>} : memref<128x128xf32, #tpu.memory_space<vmem>>, vector<1x16xf32>,
        %get3A_311 = arith.index_cast %scan3A_240 : i32 to index
        %get3A_312 = arith.constant 80 : index
        %get3A_313 = tpu.vector_load %arg11[%get3A_311, %get3A_312] {strides = array<i32>} : memref<128x128xf32, #tpu.memory_space<vmem>>, vector<1x16xf32>,
        %get3A_314 = vector.shape_cast %get3A_313 : vector<1x16xf32> to vector<16xf32>
        %get3A_315 = arith.index_cast %scan3A_240 : i32 to index
        %get3A_316 = arith.constant 80 : index
        %get3A_317 = tpu.vector_load %arg12[%get3A_315, %get3A_316] {strides = array<i32>} : memref<128x128xf32, #tpu.memory_space<vmem>>, vector<1x16xf32>,
        %get3A_318 = vector.shape_cast %get3A_317 : vector<1x16xf32> to vector<16xf32>
        %mul3A_319 = arith.mulf %get3A_314, %get3A_318 : vector<16xf32>
        %swap3A_320 = arith.index_cast %scan3A_240 : i32 to index
        %swap3A_321 = arith.constant 80 : index
        %swap3A_322 = tpu.vector_load %arg11[%swap3A_320, %swap3A_321] {strides = array<i32>} : memref<128x128xf32, #tpu.memory_space<vmem>>, vector<1x16xf32>,
        %swap3A_323 = vector.shape_cast %swap3A_322 : vector<1x16xf32> to vector<16xf32>
        %swap3A_324 = vector.shape_cast %mul3A_319 : vector<16xf32> to vector<1x16xf32>
        tpu.vector_store %arg11[%swap3A_320, %swap3A_321], %swap3A_324 {strides = array<i32>} : memref<128x128xf32, #tpu.memory_space<vmem>>, vector<1x16xf32>,
        %get3A_325 = arith.index_cast %scan3A_240 : i32 to index
        %get3A_326 = arith.constant 96 : index
        %get3A_327 = tpu.vector_load %arg11[%get3A_325, %get3A_326] {strides = array<i32>} : memref<128x128xf32, #tpu.memory_space<vmem>>, vector<1x16xf32>,
        %get3A_328 = vector.shape_cast %get3A_327 : vector<1x16xf32> to vector<16xf32>
        %get3A_329 = arith.index_cast %scan3A_240 : i32 to index
        %get3A_330 = arith.constant 96 : index
        %get3A_331 = tpu.vector_load %arg12[%get3A_329, %get3A_330] {strides = array<i32>} : memref<128x128xf32, #tpu.memory_space<vmem>>, vector<1x16xf32>,
        %get3A_332 = vector.shape_cast %get3A_331 : vector<1x16xf32> to vector<16xf32>
        %mul3A_333 = arith.mulf %get3A_328, %get3A_332 : vector<16xf32>
        %swap3A_334 = arith.index_cast %scan3A_240 : i32 to index
        %swap3A_335 = arith.constant 96 : index
        %swap3A_336 = tpu.vector_load %arg11[%swap3A_334, %swap3A_335] {strides = array<i32>} : memref<128x128xf32, #tpu.memory_space<vmem>>, vector<1x16xf32>,
        %swap3A_337 = vector.shape_cast %swap3A_336 : vector<1x16xf32> to vector<16xf32>
        %swap3A_338 = vector.shape_cast %mul3A_333 : vector<16xf32> to vector<1x16xf32>
        tpu.vector_store %arg11[%swap3A_334, %swap3A_335], %swap3A_338 {strides = array<i32>} : memref<128x128xf32, #tpu.memory_space<vmem>>, vector<1x16xf32>,
        %get3A_339 = arith.index_cast %scan3A_240 : i32 to index
        %get3A_340 = arith.constant 112 : index
        %get3A_341 = tpu.vector_load %arg11[%get3A_339, %get3A_340] {strides = array<i32>} : memref<128x128xf32, #tpu.memory_space<vmem>>, vector<1x16xf32>,
        %get3A_342 = vector.shape_cast %get3A_341 : vector<1x16xf32> to vector<16xf32>
        %get3A_343 = arith.index_cast %scan3A_240 : i32 to index
        %get3A_344 = arith.constant 112 : index
        %get3A_345 = tpu.vector_load %arg12[%get3A_343, %get3A_344] {strides = array<i32>} : memref<128x128xf32, #tpu.memory_space<vmem>>, vector<1x16xf32>,
        %get3A_346 = vector.shape_cast %get3A_345 : vector<1x16xf32> to vector<16xf32>
        %mul3A_347 = arith.mulf %get3A_342, %get3A_346 : vector<16xf32>
        %swap3A_348 = arith.index_cast %scan3A_240 : i32 to index
        %swap3A_349 = arith.constant 112 : index
        %swap3A_350 = tpu.vector_load %arg11[%swap3A_348, %swap3A_349] {strides = array<i32>} : memref<128x128xf32, #tpu.memory_space<vmem>>, vector<1x16xf32>,
        %swap3A_351 = vector.shape_cast %swap3A_350 : vector<1x16xf32> to vector<16xf32>
        %swap3A_352 = vector.shape_cast %mul3A_347 : vector<16xf32> to vector<1x16xf32>
        tpu.vector_store %arg11[%swap3A_348, %swap3A_349], %swap3A_352 {strides = array<i32>} : memref<128x128xf32, #tpu.memory_space<vmem>>, vector<1x16xf32>,
      }
      %scan3A_239 = arith.constant 128 : i32
      %run_scoped3A = arith.constant 0 : i32
      "tpu.region"() ({
        %run_scoped3A_240 = tpu.sem_alloc : memref<!tpu.dma_semaphore, #tpu.memory_space<semaphore_mem>>
        %dma_start3A_241 = arith.constant 0 : i32
        %dma_start3A_242 = tpu.memref_slice %arg10[%run_scoped3A, %dma_start3A_241] : memref<1x128xi32, #tpu.memory_space<vmem>> -> memref<1x128xi32, #tpu.memory_space<vmem>>
        %dma_start3A_243 = tpu.memref_squeeze %dma_start3A_242 : memref<1x128xi32, #tpu.memory_space<vmem>> -> memref<128xi32, #tpu.memory_space<vmem>>
        %dma_start3A_244 = arith.constant 0 : i32
        %dma_start3A_245 = arith.constant 0 : i32
        %dma_start3A_246 = tpu.memref_slice %arg13[%dma_start3A_244, %dma_start3A_245] : memref<5248x128xf32, #tpu.memory_space<vmem_shared>> -> memref<5248x128xf32, #tpu.memory_space<vmem_shared>>
        tpu.enqueue_indirect_dma source(%arg11 : memref<128x128xf32, #tpu.memory_space<vmem>>) target(%dma_start3A_246 : memref<5248x128xf32, #tpu.memory_space<vmem_shared>>) offsets(%dma_start3A_243 : memref<128xi32, #tpu.memory_space<vmem>>) semaphore(%run_scoped3A_240 : memref<!tpu.dma_semaphore, #tpu.memory_space<semaphore_mem>>) {add = true}
        %dma_wait3A_247 = arith.constant 0 : i32
        %dma_wait3A_248 = tpu.memref_slice %arg10[%run_scoped3A, %dma_wait3A_247] : memref<1x128xi32, #tpu.memory_space<vmem>> -> memref<1x128xi32, #tpu.memory_space<vmem>>
        %dma_wait3A_249 = tpu.memref_squeeze %dma_wait3A_248 : memref<1x128xi32, #tpu.memory_space<vmem>> -> memref<128xi32, #tpu.memory_space<vmem>>
        %dma_wait3A_250 = arith.constant 0 : i32
        %dma_wait3A_251 = arith.constant 0 : i32
        %dma_wait3A_252 = tpu.memref_slice %arg13[%dma_wait3A_250, %dma_wait3A_251] : memref<5248x128xf32, #tpu.memory_space<vmem_shared>> -> memref<5248x128xf32, #tpu.memory_space<vmem_shared>>
        tpu.wait_indirect_dma semaphore(%run_scoped3A_240 : memref<!tpu.dma_semaphore, #tpu.memory_space<semaphore_mem>>) src(%arg11 : memref<128x128xf32, #tpu.memory_space<vmem>>) dst(%dma_wait3A_252 : memref<5248x128xf32, #tpu.memory_space<vmem_shared>>)
        tpu.yield
      }) : () -> ()
    }
    %scan3A_10 = arith.constant 158 : i32
    %barrier3A_11 = arith.constant 0 : index
    tpu.barrier barrier_id(%barrier3A_11)
    %mul3A_12 = arith.constant 320 : i32
    %mul3A_13 = arith.muli %arg1, %mul3A_12 : i32
    %mul3A_14 = arith.constant 320 : i32
    %mul3A_15 = arith.muli %arg1, %mul3A_14 : i32
    "tpu.region"() ({
      %run_scoped3A = tpu.sem_alloc : memref<!tpu.dma_semaphore, #tpu.memory_space<semaphore_mem>>
      %dma_start3A = arith.constant 0 : i32
      %dma_start3A_16 = tpu.memref_slice %arg7[%arg0, %mul3A_15, %dma_start3A] : memref<2x5120x128xf32, #tpu.memory_space<hbm>> -> memref<1x320x128xf32, #tpu.memory_space<hbm>>
      %dma_start3A_17 = tpu.memref_squeeze %dma_start3A_16 : memref<1x320x128xf32, #tpu.memory_space<hbm>> -> memref<320x128xf32, #tpu.memory_space<hbm>>
      %dma_start3A_18 = arith.constant 0 : i32
      %dma_start3A_19 = tpu.memref_slice %arg13[%mul3A_13, %dma_start3A_18] : memref<5248x128xf32, #tpu.memory_space<vmem_shared>> -> memref<320x128xf32, #tpu.memory_space<vmem_shared>>
      tpu.enqueue_dma source(%dma_start3A_19 : memref<320x128xf32, #tpu.memory_space<vmem_shared>>) target(%dma_start3A_17 : memref<320x128xf32, #tpu.memory_space<hbm>>) target_semaphore(%run_scoped3A : memref<!tpu.dma_semaphore, #tpu.memory_space<semaphore_mem>>)
      %dma_wait3A = arith.constant 0 : i32
      %dma_wait3A_20 = tpu.memref_slice %arg7[%arg0, %mul3A_15, %dma_wait3A] : memref<2x5120x128xf32, #tpu.memory_space<hbm>> -> memref<1x320x128xf32, #tpu.memory_space<hbm>>
      %dma_wait3A_21 = tpu.memref_squeeze %dma_wait3A_20 : memref<1x320x128xf32, #tpu.memory_space<hbm>> -> memref<320x128xf32, #tpu.memory_space<hbm>>
      %dma_wait3A_22 = arith.constant 0 : i32
      %dma_wait3A_23 = tpu.memref_slice %arg13[%mul3A_13, %dma_wait3A_22] : memref<5248x128xf32, #tpu.memory_space<vmem_shared>> -> memref<320x128xf32, #tpu.memory_space<vmem_shared>>
      tpu.wait_dma2 semaphore(%run_scoped3A : memref<!tpu.dma_semaphore, #tpu.memory_space<semaphore_mem>>) src(%dma_wait3A_23 : memref<320x128xf32, #tpu.memory_space<vmem_shared>>) dst(%dma_wait3A_21 : memref<320x128xf32, #tpu.memory_space<hbm>>)
      tpu.yield
    }) : () -> ()
    return
  }
}

#map = affine_map<(d0, d1) -> (0, 0)>
#map1 = affine_map<(d0, d1) -> (0, 0, 0)>
module attributes {stable_mosaic.version = 14 : i64} {
  func.func @msg_scatter(%arg0: i32, %arg1: i32, %arg2: memref<10240x128xf32, #tpu.memory_space<hbm>>, %arg3: memref<323584x128xf32, #tpu.memory_space<hbm>>, %arg4: memref<16x158x128xi32, #tpu.memory_space<hbm>>, %arg5: memref<16x158x128xi32, #tpu.memory_space<hbm>>, %arg6: memref<320x128xf32, #tpu.memory_space<hbm>>, %arg7: memref<2x5120x128xf32, #tpu.memory_space<hbm>>, %arg8: memref<158x128xi32, #tpu.memory_space<vmem>>, %arg9: memref<158x128xi32, #tpu.memory_space<vmem>>, %arg10: memref<1x128xi32, #tpu.memory_space<vmem>>, %arg11: memref<128x128xf32, #tpu.memory_space<vmem>>, %arg12: memref<128x128xf32, #tpu.memory_space<vmem>>, %arg13: memref<5248x128xf32, #tpu.memory_space<vmem_shared>>, %arg14: memref<!tpu.dma_semaphore, #tpu.memory_space<semaphore_mem>>) attributes {dimension_semantics = [#tpu.dimension_semantics<core_parallel>, #tpu.dimension_semantics<subcore_parallel>], iteration_bounds = array<i64: 2, 16>, scalar_prefetch = 0 : i64, scratch_operands = 7 : i64, tpu.core_type = #tpu.core_type<sc_vector_subcore>, window_params = [{transform_indices = #map}, {transform_indices = #map}, {transform_indices = #map1}, {transform_indices = #map1}, {transform_indices = #map}, {transform_indices = #map1}]} {
    %mul3A = arith.constant 320 : i32
    %mul3A_0 = arith.muli %arg1, %mul3A : i32
    "tpu.region"() ({
      %run_scoped3A = tpu.sem_alloc : memref<!tpu.dma_semaphore, #tpu.memory_space<semaphore_mem>>
      %dma_start3A = arith.constant 0 : i32
      %dma_start3A_16 = tpu.memref_slice %arg13[%mul3A_0, %dma_start3A] : memref<5248x128xf32, #tpu.memory_space<vmem_shared>> -> memref<320x128xf32, #tpu.memory_space<vmem_shared>>
      tpu.enqueue_dma source(%arg6 : memref<320x128xf32, #tpu.memory_space<hbm>>) target(%dma_start3A_16 : memref<320x128xf32, #tpu.memory_space<vmem_shared>>) target_semaphore(%run_scoped3A : memref<!tpu.dma_semaphore, #tpu.memory_space<semaphore_mem>>)
      %dma_wait3A = arith.constant 0 : i32
      %dma_wait3A_17 = tpu.memref_slice %arg13[%mul3A_0, %dma_wait3A] : memref<5248x128xf32, #tpu.memory_space<vmem_shared>> -> memref<320x128xf32, #tpu.memory_space<vmem_shared>>
      tpu.wait_dma2 semaphore(%run_scoped3A : memref<!tpu.dma_semaphore, #tpu.memory_space<semaphore_mem>>) src(%arg6 : memref<320x128xf32, #tpu.memory_space<hbm>>) dst(%dma_wait3A_17 : memref<320x128xf32, #tpu.memory_space<vmem_shared>>)
      tpu.yield
    }) : () -> ()
    %barrier3A = arith.constant 0 : index
    tpu.barrier barrier_id(%barrier3A)
    "tpu.region"() ({
      %run_scoped3A = tpu.sem_alloc : memref<!tpu.dma_semaphore, #tpu.memory_space<semaphore_mem>>
      %dma_start3A = arith.constant 0 : i32
      %dma_start3A_16 = arith.constant 0 : i32
      %dma_start3A_17 = tpu.memref_slice %arg4[%arg1, %dma_start3A, %dma_start3A_16] : memref<16x158x128xi32, #tpu.memory_space<hbm>> -> memref<1x158x128xi32, #tpu.memory_space<hbm>>
      %dma_start3A_18 = tpu.memref_squeeze %dma_start3A_17 : memref<1x158x128xi32, #tpu.memory_space<hbm>> -> memref<158x128xi32, #tpu.memory_space<hbm>>
      %dma_start3A_19 = arith.constant 0 : i32
      %dma_start3A_20 = arith.constant 0 : i32
      %dma_start3A_21 = tpu.memref_slice %arg4[%arg1, %dma_start3A_19, %dma_start3A_20] : memref<16x158x128xi32, #tpu.memory_space<hbm>> -> memref<1x158x128xi32, #tpu.memory_space<hbm>>
      %dma_start3A_22 = tpu.memref_squeeze %dma_start3A_21 : memref<1x158x128xi32, #tpu.memory_space<hbm>> -> memref<158x128xi32, #tpu.memory_space<hbm>>
      tpu.enqueue_dma source(%dma_start3A_22 : memref<158x128xi32, #tpu.memory_space<hbm>>) target(%arg8 : memref<158x128xi32, #tpu.memory_space<vmem>>) target_semaphore(%run_scoped3A : memref<!tpu.dma_semaphore, #tpu.memory_space<semaphore_mem>>)
      %dma_wait3A = arith.constant 0 : i32
      %dma_wait3A_23 = arith.constant 0 : i32
      %dma_wait3A_24 = tpu.memref_slice %arg4[%arg1, %dma_wait3A, %dma_wait3A_23] : memref<16x158x128xi32, #tpu.memory_space<hbm>> -> memref<1x158x128xi32, #tpu.memory_space<hbm>>
      %dma_wait3A_25 = tpu.memref_squeeze %dma_wait3A_24 : memref<1x158x128xi32, #tpu.memory_space<hbm>> -> memref<158x128xi32, #tpu.memory_space<hbm>>
      %dma_wait3A_26 = arith.constant 0 : i32
      %dma_wait3A_27 = arith.constant 0 : i32
      %dma_wait3A_28 = tpu.memref_slice %arg4[%arg1, %dma_wait3A_26, %dma_wait3A_27] : memref<16x158x128xi32, #tpu.memory_space<hbm>> -> memref<1x158x128xi32, #tpu.memory_space<hbm>>
      %dma_wait3A_29 = tpu.memref_squeeze %dma_wait3A_28 : memref<1x158x128xi32, #tpu.memory_space<hbm>> -> memref<158x128xi32, #tpu.memory_space<hbm>>
      tpu.wait_dma2 semaphore(%run_scoped3A : memref<!tpu.dma_semaphore, #tpu.memory_space<semaphore_mem>>) src(%dma_wait3A_29 : memref<158x128xi32, #tpu.memory_space<hbm>>) dst(%arg8 : memref<158x128xi32, #tpu.memory_space<vmem>>)
      tpu.yield
    }) : () -> ()
    "tpu.region"() ({
      %run_scoped3A = tpu.sem_alloc : memref<!tpu.dma_semaphore, #tpu.memory_space<semaphore_mem>>
      %dma_start3A = arith.constant 0 : i32
      %dma_start3A_16 = arith.constant 0 : i32
      %dma_start3A_17 = tpu.memref_slice %arg5[%arg1, %dma_start3A, %dma_start3A_16] : memref<16x158x128xi32, #tpu.memory_space<hbm>> -> memref<1x158x128xi32, #tpu.memory_space<hbm>>
      %dma_start3A_18 = tpu.memref_squeeze %dma_start3A_17 : memref<1x158x128xi32, #tpu.memory_space<hbm>> -> memref<158x128xi32, #tpu.memory_space<hbm>>
      %dma_start3A_19 = arith.constant 0 : i32
      %dma_start3A_20 = arith.constant 0 : i32
      %dma_start3A_21 = tpu.memref_slice %arg5[%arg1, %dma_start3A_19, %dma_start3A_20] : memref<16x158x128xi32, #tpu.memory_space<hbm>> -> memref<1x158x128xi32, #tpu.memory_space<hbm>>
      %dma_start3A_22 = tpu.memref_squeeze %dma_start3A_21 : memref<1x158x128xi32, #tpu.memory_space<hbm>> -> memref<158x128xi32, #tpu.memory_space<hbm>>
      tpu.enqueue_dma source(%dma_start3A_22 : memref<158x128xi32, #tpu.memory_space<hbm>>) target(%arg9 : memref<158x128xi32, #tpu.memory_space<vmem>>) target_semaphore(%run_scoped3A : memref<!tpu.dma_semaphore, #tpu.memory_space<semaphore_mem>>)
      %dma_wait3A = arith.constant 0 : i32
      %dma_wait3A_23 = arith.constant 0 : i32
      %dma_wait3A_24 = tpu.memref_slice %arg5[%arg1, %dma_wait3A, %dma_wait3A_23] : memref<16x158x128xi32, #tpu.memory_space<hbm>> -> memref<1x158x128xi32, #tpu.memory_space<hbm>>
      %dma_wait3A_25 = tpu.memref_squeeze %dma_wait3A_24 : memref<1x158x128xi32, #tpu.memory_space<hbm>> -> memref<158x128xi32, #tpu.memory_space<hbm>>
      %dma_wait3A_26 = arith.constant 0 : i32
      %dma_wait3A_27 = arith.constant 0 : i32
      %dma_wait3A_28 = tpu.memref_slice %arg5[%arg1, %dma_wait3A_26, %dma_wait3A_27] : memref<16x158x128xi32, #tpu.memory_space<hbm>> -> memref<1x158x128xi32, #tpu.memory_space<hbm>>
      %dma_wait3A_29 = tpu.memref_squeeze %dma_wait3A_28 : memref<1x158x128xi32, #tpu.memory_space<hbm>> -> memref<158x128xi32, #tpu.memory_space<hbm>>
      tpu.wait_dma2 semaphore(%run_scoped3A : memref<!tpu.dma_semaphore, #tpu.memory_space<semaphore_mem>>) src(%dma_wait3A_29 : memref<158x128xi32, #tpu.memory_space<hbm>>) dst(%arg9 : memref<158x128xi32, #tpu.memory_space<vmem>>)
      tpu.yield
    }) : () -> ()
    %mul3A_1 = arith.constant 5120 : i32
    %mul3A_2 = arith.muli %arg0, %mul3A_1 : i32
    %mul3A_3 = arith.constant 8 : i32
    %mul3A_4 = arith.muli %arg1, %mul3A_3 : i32
    %add3A = arith.constant 5120 : i32
    %add3A_5 = arith.addi %add3A, %mul3A_4 : i32
    %scan3A = arith.constant 0 : i32
    %scan3A_6 = arith.constant 0 : i32
    %scan3A_7 = arith.constant 158 : i32
    %scan3A_8 = arith.addi %scan3A_6, %scan3A_7 : i32
    %scan3A_9 = arith.constant 1 : i32
    scf.for %scan3A_16 = %scan3A_6 to %scan3A_8 step %scan3A_9  : i32 {
      %dma_start3A = arith.constant 0 : i32
      %dma_start3A_17 = tpu.memref_slice %arg8[%scan3A_16, %dma_start3A] : memref<158x128xi32, #tpu.memory_space<vmem>> -> memref<1x128xi32, #tpu.memory_space<vmem>>
      %dma_start3A_18 = tpu.memref_squeeze %dma_start3A_17 : memref<1x128xi32, #tpu.memory_space<vmem>> -> memref<128xi32, #tpu.memory_space<vmem>>
      %dma_start3A_19 = arith.constant 0 : i32
      %dma_start3A_20 = arith.constant 0 : i32
      %dma_start3A_21 = tpu.memref_slice %arg2[%dma_start3A_19, %dma_start3A_20] : memref<10240x128xf32, #tpu.memory_space<hbm>> -> memref<10240x128xf32, #tpu.memory_space<hbm>>
      tpu.enqueue_indirect_dma source(%dma_start3A_21 : memref<10240x128xf32, #tpu.memory_space<hbm>>) target(%arg11 : memref<128x128xf32, #tpu.memory_space<vmem>>) offsets(%dma_start3A_18 : memref<128xi32, #tpu.memory_space<vmem>>) semaphore(%arg14 : memref<!tpu.dma_semaphore, #tpu.memory_space<semaphore_mem>>)
      %mul3A_22 = arith.constant 158 : i32
      %mul3A_23 = arith.muli %arg1, %mul3A_22 : i32
      %add3A_24 = arith.addi %mul3A_23, %scan3A_16 : i32
      %mul3A_25 = arith.constant 128 : i32
      %mul3A_26 = arith.muli %add3A_24, %mul3A_25 : i32
      "tpu.region"() ({
        %run_scoped3A_240 = tpu.sem_alloc : memref<!tpu.dma_semaphore, #tpu.memory_space<semaphore_mem>>
        %dma_start3A_241 = arith.constant 0 : i32
        %dma_start3A_242 = tpu.memref_slice %arg3[%mul3A_26, %dma_start3A_241] : memref<323584x128xf32, #tpu.memory_space<hbm>> -> memref<128x128xf32, #tpu.memory_space<hbm>>
        %dma_start3A_243 = arith.constant 0 : i32
        %dma_start3A_244 = tpu.memref_slice %arg3[%mul3A_26, %dma_start3A_243] : memref<323584x128xf32, #tpu.memory_space<hbm>> -> memref<128x128xf32, #tpu.memory_space<hbm>>
        tpu.enqueue_dma source(%dma_start3A_244 : memref<128x128xf32, #tpu.memory_space<hbm>>) target(%arg12 : memref<128x128xf32, #tpu.memory_space<vmem>>) target_semaphore(%run_scoped3A_240 : memref<!tpu.dma_semaphore, #tpu.memory_space<semaphore_mem>>)
        %dma_wait3A_245 = arith.constant 0 : i32
        %dma_wait3A_246 = tpu.memref_slice %arg3[%mul3A_26, %dma_wait3A_245] : memref<323584x128xf32, #tpu.memory_space<hbm>> -> memref<128x128xf32, #tpu.memory_space<hbm>>
        %dma_wait3A_247 = arith.constant 0 : i32
        %dma_wait3A_248 = tpu.memref_slice %arg3[%mul3A_26, %dma_wait3A_247] : memref<323584x128xf32, #tpu.memory_space<hbm>> -> memref<128x128xf32, #tpu.memory_space<hbm>>
        tpu.wait_dma2 semaphore(%run_scoped3A_240 : memref<!tpu.dma_semaphore, #tpu.memory_space<semaphore_mem>>) src(%dma_wait3A_248 : memref<128x128xf32, #tpu.memory_space<hbm>>) dst(%arg12 : memref<128x128xf32, #tpu.memory_space<vmem>>)
        tpu.yield
      }) : () -> ()
      %scan3A_27 = arith.constant 0 : i32
      %scan3A_28 = arith.constant 0 : i32
      %mul3A_29 = arith.constant 16 : i32
      %mul3A_30 = arith.muli %scan3A_28, %mul3A_29 : i32
      %get3A = arith.index_cast %scan3A_16 : i32 to index
      %get3A_31 = arith.index_cast %mul3A_30 : i32 to index
      %get3A_32 = tpu.vector_load %arg9[%get3A, %get3A_31] {strides = array<i32>} : memref<158x128xi32, #tpu.memory_space<vmem>>, vector<1x16xi32>,
      %get3A_33 = vector.shape_cast %get3A_32 : vector<1x16xi32> to vector<16xi32>
      %sub3A = vector.broadcast %mul3A_2 : i32 to vector<16xi32>
      %sub3A_34 = arith.subi %get3A_33, %sub3A : vector<16xi32>
      %ge3A = arith.constant 0 : i32
      %ge3A_35 = vector.broadcast %ge3A : i32 to vector<16xi32>
      %ge3A_36 = arith.cmpi sge, %sub3A_34, %ge3A_35 : vector<16xi32>
      %lt3A = arith.constant 5120 : i32
      %lt3A_37 = vector.broadcast %lt3A : i32 to vector<16xi32>
      %lt3A_38 = arith.cmpi slt, %sub3A_34, %lt3A_37 : vector<16xi32>
      %and3A = arith.andi %ge3A_36, %lt3A_38 : vector<16xi1>
      %broadcast_in_dim3A = vector.broadcast %add3A_5 : i32 to vector<16xi32>
      %select_n3A = arith.select %and3A, %sub3A_34, %broadcast_in_dim3A : vector<16xi1>, vector<16xi32>
      %mul3A_39 = arith.constant 16 : i32
      %mul3A_40 = arith.muli %scan3A_28, %mul3A_39 : i32
      %swap3A = arith.constant 0 : i32
      %swap3A_41 = arith.index_cast %swap3A : i32 to index
      %swap3A_42 = arith.index_cast %mul3A_40 : i32 to index
      %swap3A_43 = tpu.vector_load %arg10[%swap3A_41, %swap3A_42] {strides = array<i32>} : memref<1x128xi32, #tpu.memory_space<vmem>>, vector<1x16xi32>,
      %swap3A_44 = vector.shape_cast %swap3A_43 : vector<1x16xi32> to vector<16xi32>
      %swap3A_45 = vector.shape_cast %select_n3A : vector<16xi32> to vector<1x16xi32>
      tpu.vector_store %arg10[%swap3A_41, %swap3A_42], %swap3A_45 {strides = array<i32>} : memref<1x128xi32, #tpu.memory_space<vmem>>, vector<1x16xi32>,
      %scan3A_46 = arith.constant 1 : i32
      %mul3A_47 = arith.constant 16 : i32
      %mul3A_48 = arith.muli %scan3A_46, %mul3A_47 : i32
      %get3A_49 = arith.index_cast %scan3A_16 : i32 to index
      %get3A_50 = arith.index_cast %mul3A_48 : i32 to index
      %get3A_51 = tpu.vector_load %arg9[%get3A_49, %get3A_50] {strides = array<i32>} : memref<158x128xi32, #tpu.memory_space<vmem>>, vector<1x16xi32>,
      %get3A_52 = vector.shape_cast %get3A_51 : vector<1x16xi32> to vector<16xi32>
      %sub3A_53 = vector.broadcast %mul3A_2 : i32 to vector<16xi32>
      %sub3A_54 = arith.subi %get3A_52, %sub3A_53 : vector<16xi32>
      %ge3A_55 = arith.constant 0 : i32
      %ge3A_56 = vector.broadcast %ge3A_55 : i32 to vector<16xi32>
      %ge3A_57 = arith.cmpi sge, %sub3A_54, %ge3A_56 : vector<16xi32>
      %lt3A_58 = arith.constant 5120 : i32
      %lt3A_59 = vector.broadcast %lt3A_58 : i32 to vector<16xi32>
      %lt3A_60 = arith.cmpi slt, %sub3A_54, %lt3A_59 : vector<16xi32>
      %and3A_61 = arith.andi %ge3A_57, %lt3A_60 : vector<16xi1>
      %broadcast_in_dim3A_62 = vector.broadcast %add3A_5 : i32 to vector<16xi32>
      %select_n3A_63 = arith.select %and3A_61, %sub3A_54, %broadcast_in_dim3A_62 : vector<16xi1>, vector<16xi32>
      %mul3A_64 = arith.constant 16 : i32
      %mul3A_65 = arith.muli %scan3A_46, %mul3A_64 : i32
      %swap3A_66 = arith.constant 0 : i32
      %swap3A_67 = arith.index_cast %swap3A_66 : i32 to index
      %swap3A_68 = arith.index_cast %mul3A_65 : i32 to index
      %swap3A_69 = tpu.vector_load %arg10[%swap3A_67, %swap3A_68] {strides = array<i32>} : memref<1x128xi32, #tpu.memory_space<vmem>>, vector<1x16xi32>,
      %swap3A_70 = vector.shape_cast %swap3A_69 : vector<1x16xi32> to vector<16xi32>
      %swap3A_71 = vector.shape_cast %select_n3A_63 : vector<16xi32> to vector<1x16xi32>
      tpu.vector_store %arg10[%swap3A_67, %swap3A_68], %swap3A_71 {strides = array<i32>} : memref<1x128xi32, #tpu.memory_space<vmem>>, vector<1x16xi32>,
      %scan3A_72 = arith.constant 2 : i32
      %mul3A_73 = arith.constant 16 : i32
      %mul3A_74 = arith.muli %scan3A_72, %mul3A_73 : i32
      %get3A_75 = arith.index_cast %scan3A_16 : i32 to index
      %get3A_76 = arith.index_cast %mul3A_74 : i32 to index
      %get3A_77 = tpu.vector_load %arg9[%get3A_75, %get3A_76] {strides = array<i32>} : memref<158x128xi32, #tpu.memory_space<vmem>>, vector<1x16xi32>,
      %get3A_78 = vector.shape_cast %get3A_77 : vector<1x16xi32> to vector<16xi32>
      %sub3A_79 = vector.broadcast %mul3A_2 : i32 to vector<16xi32>
      %sub3A_80 = arith.subi %get3A_78, %sub3A_79 : vector<16xi32>
      %ge3A_81 = arith.constant 0 : i32
      %ge3A_82 = vector.broadcast %ge3A_81 : i32 to vector<16xi32>
      %ge3A_83 = arith.cmpi sge, %sub3A_80, %ge3A_82 : vector<16xi32>
      %lt3A_84 = arith.constant 5120 : i32
      %lt3A_85 = vector.broadcast %lt3A_84 : i32 to vector<16xi32>
      %lt3A_86 = arith.cmpi slt, %sub3A_80, %lt3A_85 : vector<16xi32>
      %and3A_87 = arith.andi %ge3A_83, %lt3A_86 : vector<16xi1>
      %broadcast_in_dim3A_88 = vector.broadcast %add3A_5 : i32 to vector<16xi32>
      %select_n3A_89 = arith.select %and3A_87, %sub3A_80, %broadcast_in_dim3A_88 : vector<16xi1>, vector<16xi32>
      %mul3A_90 = arith.constant 16 : i32
      %mul3A_91 = arith.muli %scan3A_72, %mul3A_90 : i32
      %swap3A_92 = arith.constant 0 : i32
      %swap3A_93 = arith.index_cast %swap3A_92 : i32 to index
      %swap3A_94 = arith.index_cast %mul3A_91 : i32 to index
      %swap3A_95 = tpu.vector_load %arg10[%swap3A_93, %swap3A_94] {strides = array<i32>} : memref<1x128xi32, #tpu.memory_space<vmem>>, vector<1x16xi32>,
      %swap3A_96 = vector.shape_cast %swap3A_95 : vector<1x16xi32> to vector<16xi32>
      %swap3A_97 = vector.shape_cast %select_n3A_89 : vector<16xi32> to vector<1x16xi32>
      tpu.vector_store %arg10[%swap3A_93, %swap3A_94], %swap3A_97 {strides = array<i32>} : memref<1x128xi32, #tpu.memory_space<vmem>>, vector<1x16xi32>,
      %scan3A_98 = arith.constant 3 : i32
      %mul3A_99 = arith.constant 16 : i32
      %mul3A_100 = arith.muli %scan3A_98, %mul3A_99 : i32
      %get3A_101 = arith.index_cast %scan3A_16 : i32 to index
      %get3A_102 = arith.index_cast %mul3A_100 : i32 to index
      %get3A_103 = tpu.vector_load %arg9[%get3A_101, %get3A_102] {strides = array<i32>} : memref<158x128xi32, #tpu.memory_space<vmem>>, vector<1x16xi32>,
      %get3A_104 = vector.shape_cast %get3A_103 : vector<1x16xi32> to vector<16xi32>
      %sub3A_105 = vector.broadcast %mul3A_2 : i32 to vector<16xi32>
      %sub3A_106 = arith.subi %get3A_104, %sub3A_105 : vector<16xi32>
      %ge3A_107 = arith.constant 0 : i32
      %ge3A_108 = vector.broadcast %ge3A_107 : i32 to vector<16xi32>
      %ge3A_109 = arith.cmpi sge, %sub3A_106, %ge3A_108 : vector<16xi32>
      %lt3A_110 = arith.constant 5120 : i32
      %lt3A_111 = vector.broadcast %lt3A_110 : i32 to vector<16xi32>
      %lt3A_112 = arith.cmpi slt, %sub3A_106, %lt3A_111 : vector<16xi32>
      %and3A_113 = arith.andi %ge3A_109, %lt3A_112 : vector<16xi1>
      %broadcast_in_dim3A_114 = vector.broadcast %add3A_5 : i32 to vector<16xi32>
      %select_n3A_115 = arith.select %and3A_113, %sub3A_106, %broadcast_in_dim3A_114 : vector<16xi1>, vector<16xi32>
      %mul3A_116 = arith.constant 16 : i32
      %mul3A_117 = arith.muli %scan3A_98, %mul3A_116 : i32
      %swap3A_118 = arith.constant 0 : i32
      %swap3A_119 = arith.index_cast %swap3A_118 : i32 to index
      %swap3A_120 = arith.index_cast %mul3A_117 : i32 to index
      %swap3A_121 = tpu.vector_load %arg10[%swap3A_119, %swap3A_120] {strides = array<i32>} : memref<1x128xi32, #tpu.memory_space<vmem>>, vector<1x16xi32>,
      %swap3A_122 = vector.shape_cast %swap3A_121 : vector<1x16xi32> to vector<16xi32>
      %swap3A_123 = vector.shape_cast %select_n3A_115 : vector<16xi32> to vector<1x16xi32>
      tpu.vector_store %arg10[%swap3A_119, %swap3A_120], %swap3A_123 {strides = array<i32>} : memref<1x128xi32, #tpu.memory_space<vmem>>, vector<1x16xi32>,
      %scan3A_124 = arith.constant 4 : i32
      %mul3A_125 = arith.constant 16 : i32
      %mul3A_126 = arith.muli %scan3A_124, %mul3A_125 : i32
      %get3A_127 = arith.index_cast %scan3A_16 : i32 to index
      %get3A_128 = arith.index_cast %mul3A_126 : i32 to index
      %get3A_129 = tpu.vector_load %arg9[%get3A_127, %get3A_128] {strides = array<i32>} : memref<158x128xi32, #tpu.memory_space<vmem>>, vector<1x16xi32>,
      %get3A_130 = vector.shape_cast %get3A_129 : vector<1x16xi32> to vector<16xi32>
      %sub3A_131 = vector.broadcast %mul3A_2 : i32 to vector<16xi32>
      %sub3A_132 = arith.subi %get3A_130, %sub3A_131 : vector<16xi32>
      %ge3A_133 = arith.constant 0 : i32
      %ge3A_134 = vector.broadcast %ge3A_133 : i32 to vector<16xi32>
      %ge3A_135 = arith.cmpi sge, %sub3A_132, %ge3A_134 : vector<16xi32>
      %lt3A_136 = arith.constant 5120 : i32
      %lt3A_137 = vector.broadcast %lt3A_136 : i32 to vector<16xi32>
      %lt3A_138 = arith.cmpi slt, %sub3A_132, %lt3A_137 : vector<16xi32>
      %and3A_139 = arith.andi %ge3A_135, %lt3A_138 : vector<16xi1>
      %broadcast_in_dim3A_140 = vector.broadcast %add3A_5 : i32 to vector<16xi32>
      %select_n3A_141 = arith.select %and3A_139, %sub3A_132, %broadcast_in_dim3A_140 : vector<16xi1>, vector<16xi32>
      %mul3A_142 = arith.constant 16 : i32
      %mul3A_143 = arith.muli %scan3A_124, %mul3A_142 : i32
      %swap3A_144 = arith.constant 0 : i32
      %swap3A_145 = arith.index_cast %swap3A_144 : i32 to index
      %swap3A_146 = arith.index_cast %mul3A_143 : i32 to index
      %swap3A_147 = tpu.vector_load %arg10[%swap3A_145, %swap3A_146] {strides = array<i32>} : memref<1x128xi32, #tpu.memory_space<vmem>>, vector<1x16xi32>,
      %swap3A_148 = vector.shape_cast %swap3A_147 : vector<1x16xi32> to vector<16xi32>
      %swap3A_149 = vector.shape_cast %select_n3A_141 : vector<16xi32> to vector<1x16xi32>
      tpu.vector_store %arg10[%swap3A_145, %swap3A_146], %swap3A_149 {strides = array<i32>} : memref<1x128xi32, #tpu.memory_space<vmem>>, vector<1x16xi32>,
      %scan3A_150 = arith.constant 5 : i32
      %mul3A_151 = arith.constant 16 : i32
      %mul3A_152 = arith.muli %scan3A_150, %mul3A_151 : i32
      %get3A_153 = arith.index_cast %scan3A_16 : i32 to index
      %get3A_154 = arith.index_cast %mul3A_152 : i32 to index
      %get3A_155 = tpu.vector_load %arg9[%get3A_153, %get3A_154] {strides = array<i32>} : memref<158x128xi32, #tpu.memory_space<vmem>>, vector<1x16xi32>,
      %get3A_156 = vector.shape_cast %get3A_155 : vector<1x16xi32> to vector<16xi32>
      %sub3A_157 = vector.broadcast %mul3A_2 : i32 to vector<16xi32>
      %sub3A_158 = arith.subi %get3A_156, %sub3A_157 : vector<16xi32>
      %ge3A_159 = arith.constant 0 : i32
      %ge3A_160 = vector.broadcast %ge3A_159 : i32 to vector<16xi32>
      %ge3A_161 = arith.cmpi sge, %sub3A_158, %ge3A_160 : vector<16xi32>
      %lt3A_162 = arith.constant 5120 : i32
      %lt3A_163 = vector.broadcast %lt3A_162 : i32 to vector<16xi32>
      %lt3A_164 = arith.cmpi slt, %sub3A_158, %lt3A_163 : vector<16xi32>
      %and3A_165 = arith.andi %ge3A_161, %lt3A_164 : vector<16xi1>
      %broadcast_in_dim3A_166 = vector.broadcast %add3A_5 : i32 to vector<16xi32>
      %select_n3A_167 = arith.select %and3A_165, %sub3A_158, %broadcast_in_dim3A_166 : vector<16xi1>, vector<16xi32>
      %mul3A_168 = arith.constant 16 : i32
      %mul3A_169 = arith.muli %scan3A_150, %mul3A_168 : i32
      %swap3A_170 = arith.constant 0 : i32
      %swap3A_171 = arith.index_cast %swap3A_170 : i32 to index
      %swap3A_172 = arith.index_cast %mul3A_169 : i32 to index
      %swap3A_173 = tpu.vector_load %arg10[%swap3A_171, %swap3A_172] {strides = array<i32>} : memref<1x128xi32, #tpu.memory_space<vmem>>, vector<1x16xi32>,
      %swap3A_174 = vector.shape_cast %swap3A_173 : vector<1x16xi32> to vector<16xi32>
      %swap3A_175 = vector.shape_cast %select_n3A_167 : vector<16xi32> to vector<1x16xi32>
      tpu.vector_store %arg10[%swap3A_171, %swap3A_172], %swap3A_175 {strides = array<i32>} : memref<1x128xi32, #tpu.memory_space<vmem>>, vector<1x16xi32>,
      %scan3A_176 = arith.constant 6 : i32
      %mul3A_177 = arith.constant 16 : i32
      %mul3A_178 = arith.muli %scan3A_176, %mul3A_177 : i32
      %get3A_179 = arith.index_cast %scan3A_16 : i32 to index
      %get3A_180 = arith.index_cast %mul3A_178 : i32 to index
      %get3A_181 = tpu.vector_load %arg9[%get3A_179, %get3A_180] {strides = array<i32>} : memref<158x128xi32, #tpu.memory_space<vmem>>, vector<1x16xi32>,
      %get3A_182 = vector.shape_cast %get3A_181 : vector<1x16xi32> to vector<16xi32>
      %sub3A_183 = vector.broadcast %mul3A_2 : i32 to vector<16xi32>
      %sub3A_184 = arith.subi %get3A_182, %sub3A_183 : vector<16xi32>
      %ge3A_185 = arith.constant 0 : i32
      %ge3A_186 = vector.broadcast %ge3A_185 : i32 to vector<16xi32>
      %ge3A_187 = arith.cmpi sge, %sub3A_184, %ge3A_186 : vector<16xi32>
      %lt3A_188 = arith.constant 5120 : i32
      %lt3A_189 = vector.broadcast %lt3A_188 : i32 to vector<16xi32>
      %lt3A_190 = arith.cmpi slt, %sub3A_184, %lt3A_189 : vector<16xi32>
      %and3A_191 = arith.andi %ge3A_187, %lt3A_190 : vector<16xi1>
      %broadcast_in_dim3A_192 = vector.broadcast %add3A_5 : i32 to vector<16xi32>
      %select_n3A_193 = arith.select %and3A_191, %sub3A_184, %broadcast_in_dim3A_192 : vector<16xi1>, vector<16xi32>
      %mul3A_194 = arith.constant 16 : i32
      %mul3A_195 = arith.muli %scan3A_176, %mul3A_194 : i32
      %swap3A_196 = arith.constant 0 : i32
      %swap3A_197 = arith.index_cast %swap3A_196 : i32 to index
      %swap3A_198 = arith.index_cast %mul3A_195 : i32 to index
      %swap3A_199 = tpu.vector_load %arg10[%swap3A_197, %swap3A_198] {strides = array<i32>} : memref<1x128xi32, #tpu.memory_space<vmem>>, vector<1x16xi32>,
      %swap3A_200 = vector.shape_cast %swap3A_199 : vector<1x16xi32> to vector<16xi32>
      %swap3A_201 = vector.shape_cast %select_n3A_193 : vector<16xi32> to vector<1x16xi32>
      tpu.vector_store %arg10[%swap3A_197, %swap3A_198], %swap3A_201 {strides = array<i32>} : memref<1x128xi32, #tpu.memory_space<vmem>>, vector<1x16xi32>,
      %scan3A_202 = arith.constant 7 : i32
      %mul3A_203 = arith.constant 16 : i32
      %mul3A_204 = arith.muli %scan3A_202, %mul3A_203 : i32
      %get3A_205 = arith.index_cast %scan3A_16 : i32 to index
      %get3A_206 = arith.index_cast %mul3A_204 : i32 to index
      %get3A_207 = tpu.vector_load %arg9[%get3A_205, %get3A_206] {strides = array<i32>} : memref<158x128xi32, #tpu.memory_space<vmem>>, vector<1x16xi32>,
      %get3A_208 = vector.shape_cast %get3A_207 : vector<1x16xi32> to vector<16xi32>
      %sub3A_209 = vector.broadcast %mul3A_2 : i32 to vector<16xi32>
      %sub3A_210 = arith.subi %get3A_208, %sub3A_209 : vector<16xi32>
      %ge3A_211 = arith.constant 0 : i32
      %ge3A_212 = vector.broadcast %ge3A_211 : i32 to vector<16xi32>
      %ge3A_213 = arith.cmpi sge, %sub3A_210, %ge3A_212 : vector<16xi32>
      %lt3A_214 = arith.constant 5120 : i32
      %lt3A_215 = vector.broadcast %lt3A_214 : i32 to vector<16xi32>
      %lt3A_216 = arith.cmpi slt, %sub3A_210, %lt3A_215 : vector<16xi32>
      %and3A_217 = arith.andi %ge3A_213, %lt3A_216 : vector<16xi1>
      %broadcast_in_dim3A_218 = vector.broadcast %add3A_5 : i32 to vector<16xi32>
      %select_n3A_219 = arith.select %and3A_217, %sub3A_210, %broadcast_in_dim3A_218 : vector<16xi1>, vector<16xi32>
      %mul3A_220 = arith.constant 16 : i32
      %mul3A_221 = arith.muli %scan3A_202, %mul3A_220 : i32
      %swap3A_222 = arith.constant 0 : i32
      %swap3A_223 = arith.index_cast %swap3A_222 : i32 to index
      %swap3A_224 = arith.index_cast %mul3A_221 : i32 to index
      %swap3A_225 = tpu.vector_load %arg10[%swap3A_223, %swap3A_224] {strides = array<i32>} : memref<1x128xi32, #tpu.memory_space<vmem>>, vector<1x16xi32>,
      %swap3A_226 = vector.shape_cast %swap3A_225 : vector<1x16xi32> to vector<16xi32>
      %swap3A_227 = vector.shape_cast %select_n3A_219 : vector<16xi32> to vector<1x16xi32>
      tpu.vector_store %arg10[%swap3A_223, %swap3A_224], %swap3A_227 {strides = array<i32>} : memref<1x128xi32, #tpu.memory_space<vmem>>, vector<1x16xi32>,
      %scan3A_228 = arith.constant 8 : i32
      %dma_wait3A = arith.constant 0 : i32
      %dma_wait3A_229 = tpu.memref_slice %arg8[%scan3A_16, %dma_wait3A] : memref<158x128xi32, #tpu.memory_space<vmem>> -> memref<1x128xi32, #tpu.memory_space<vmem>>
      %dma_wait3A_230 = tpu.memref_squeeze %dma_wait3A_229 : memref<1x128xi32, #tpu.memory_space<vmem>> -> memref<128xi32, #tpu.memory_space<vmem>>
      %dma_wait3A_231 = arith.constant 0 : i32
      %dma_wait3A_232 = arith.constant 0 : i32
      %dma_wait3A_233 = tpu.memref_slice %arg2[%dma_wait3A_231, %dma_wait3A_232] : memref<10240x128xf32, #tpu.memory_space<hbm>> -> memref<10240x128xf32, #tpu.memory_space<hbm>>
      tpu.wait_indirect_dma semaphore(%arg14 : memref<!tpu.dma_semaphore, #tpu.memory_space<semaphore_mem>>) src(%dma_wait3A_233 : memref<10240x128xf32, #tpu.memory_space<hbm>>) dst(%arg11 : memref<128x128xf32, #tpu.memory_space<vmem>>)
      %scan3A_234 = arith.constant 0 : i32
      %scan3A_235 = arith.constant 0 : i32
      %scan3A_236 = arith.constant 128 : i32
      %scan3A_237 = arith.addi %scan3A_235, %scan3A_236 : i32
      %scan3A_238 = arith.constant 1 : i32
      scf.for %scan3A_240 = %scan3A_235 to %scan3A_237 step %scan3A_238  : i32 {
        %get3A_241 = arith.index_cast %scan3A_240 : i32 to index
        %get3A_242 = arith.constant 0 : index
        %get3A_243 = tpu.vector_load %arg11[%get3A_241, %get3A_242] {strides = array<i32>} : memref<128x128xf32, #tpu.memory_space<vmem>>, vector<1x16xf32>,
        %get3A_244 = vector.shape_cast %get3A_243 : vector<1x16xf32> to vector<16xf32>
        %get3A_245 = arith.index_cast %scan3A_240 : i32 to index
        %get3A_246 = arith.constant 0 : index
        %get3A_247 = tpu.vector_load %arg12[%get3A_245, %get3A_246] {strides = array<i32>} : memref<128x128xf32, #tpu.memory_space<vmem>>, vector<1x16xf32>,
        %get3A_248 = vector.shape_cast %get3A_247 : vector<1x16xf32> to vector<16xf32>
        %mul3A_249 = arith.mulf %get3A_244, %get3A_248 : vector<16xf32>
        %swap3A_250 = arith.index_cast %scan3A_240 : i32 to index
        %swap3A_251 = arith.constant 0 : index
        %swap3A_252 = tpu.vector_load %arg11[%swap3A_250, %swap3A_251] {strides = array<i32>} : memref<128x128xf32, #tpu.memory_space<vmem>>, vector<1x16xf32>,
        %swap3A_253 = vector.shape_cast %swap3A_252 : vector<1x16xf32> to vector<16xf32>
        %swap3A_254 = vector.shape_cast %mul3A_249 : vector<16xf32> to vector<1x16xf32>
        tpu.vector_store %arg11[%swap3A_250, %swap3A_251], %swap3A_254 {strides = array<i32>} : memref<128x128xf32, #tpu.memory_space<vmem>>, vector<1x16xf32>,
        %get3A_255 = arith.index_cast %scan3A_240 : i32 to index
        %get3A_256 = arith.constant 16 : index
        %get3A_257 = tpu.vector_load %arg11[%get3A_255, %get3A_256] {strides = array<i32>} : memref<128x128xf32, #tpu.memory_space<vmem>>, vector<1x16xf32>,
        %get3A_258 = vector.shape_cast %get3A_257 : vector<1x16xf32> to vector<16xf32>
        %get3A_259 = arith.index_cast %scan3A_240 : i32 to index
        %get3A_260 = arith.constant 16 : index
        %get3A_261 = tpu.vector_load %arg12[%get3A_259, %get3A_260] {strides = array<i32>} : memref<128x128xf32, #tpu.memory_space<vmem>>, vector<1x16xf32>,
        %get3A_262 = vector.shape_cast %get3A_261 : vector<1x16xf32> to vector<16xf32>
        %mul3A_263 = arith.mulf %get3A_258, %get3A_262 : vector<16xf32>
        %swap3A_264 = arith.index_cast %scan3A_240 : i32 to index
        %swap3A_265 = arith.constant 16 : index
        %swap3A_266 = tpu.vector_load %arg11[%swap3A_264, %swap3A_265] {strides = array<i32>} : memref<128x128xf32, #tpu.memory_space<vmem>>, vector<1x16xf32>,
        %swap3A_267 = vector.shape_cast %swap3A_266 : vector<1x16xf32> to vector<16xf32>
        %swap3A_268 = vector.shape_cast %mul3A_263 : vector<16xf32> to vector<1x16xf32>
        tpu.vector_store %arg11[%swap3A_264, %swap3A_265], %swap3A_268 {strides = array<i32>} : memref<128x128xf32, #tpu.memory_space<vmem>>, vector<1x16xf32>,
        %get3A_269 = arith.index_cast %scan3A_240 : i32 to index
        %get3A_270 = arith.constant 32 : index
        %get3A_271 = tpu.vector_load %arg11[%get3A_269, %get3A_270] {strides = array<i32>} : memref<128x128xf32, #tpu.memory_space<vmem>>, vector<1x16xf32>,
        %get3A_272 = vector.shape_cast %get3A_271 : vector<1x16xf32> to vector<16xf32>
        %get3A_273 = arith.index_cast %scan3A_240 : i32 to index
        %get3A_274 = arith.constant 32 : index
        %get3A_275 = tpu.vector_load %arg12[%get3A_273, %get3A_274] {strides = array<i32>} : memref<128x128xf32, #tpu.memory_space<vmem>>, vector<1x16xf32>,
        %get3A_276 = vector.shape_cast %get3A_275 : vector<1x16xf32> to vector<16xf32>
        %mul3A_277 = arith.mulf %get3A_272, %get3A_276 : vector<16xf32>
        %swap3A_278 = arith.index_cast %scan3A_240 : i32 to index
        %swap3A_279 = arith.constant 32 : index
        %swap3A_280 = tpu.vector_load %arg11[%swap3A_278, %swap3A_279] {strides = array<i32>} : memref<128x128xf32, #tpu.memory_space<vmem>>, vector<1x16xf32>,
        %swap3A_281 = vector.shape_cast %swap3A_280 : vector<1x16xf32> to vector<16xf32>
        %swap3A_282 = vector.shape_cast %mul3A_277 : vector<16xf32> to vector<1x16xf32>
        tpu.vector_store %arg11[%swap3A_278, %swap3A_279], %swap3A_282 {strides = array<i32>} : memref<128x128xf32, #tpu.memory_space<vmem>>, vector<1x16xf32>,
        %get3A_283 = arith.index_cast %scan3A_240 : i32 to index
        %get3A_284 = arith.constant 48 : index
        %get3A_285 = tpu.vector_load %arg11[%get3A_283, %get3A_284] {strides = array<i32>} : memref<128x128xf32, #tpu.memory_space<vmem>>, vector<1x16xf32>,
        %get3A_286 = vector.shape_cast %get3A_285 : vector<1x16xf32> to vector<16xf32>
        %get3A_287 = arith.index_cast %scan3A_240 : i32 to index
        %get3A_288 = arith.constant 48 : index
        %get3A_289 = tpu.vector_load %arg12[%get3A_287, %get3A_288] {strides = array<i32>} : memref<128x128xf32, #tpu.memory_space<vmem>>, vector<1x16xf32>,
        %get3A_290 = vector.shape_cast %get3A_289 : vector<1x16xf32> to vector<16xf32>
        %mul3A_291 = arith.mulf %get3A_286, %get3A_290 : vector<16xf32>
        %swap3A_292 = arith.index_cast %scan3A_240 : i32 to index
        %swap3A_293 = arith.constant 48 : index
        %swap3A_294 = tpu.vector_load %arg11[%swap3A_292, %swap3A_293] {strides = array<i32>} : memref<128x128xf32, #tpu.memory_space<vmem>>, vector<1x16xf32>,
        %swap3A_295 = vector.shape_cast %swap3A_294 : vector<1x16xf32> to vector<16xf32>
        %swap3A_296 = vector.shape_cast %mul3A_291 : vector<16xf32> to vector<1x16xf32>
        tpu.vector_store %arg11[%swap3A_292, %swap3A_293], %swap3A_296 {strides = array<i32>} : memref<128x128xf32, #tpu.memory_space<vmem>>, vector<1x16xf32>,
        %get3A_297 = arith.index_cast %scan3A_240 : i32 to index
        %get3A_298 = arith.constant 64 : index
        %get3A_299 = tpu.vector_load %arg11[%get3A_297, %get3A_298] {strides = array<i32>} : memref<128x128xf32, #tpu.memory_space<vmem>>, vector<1x16xf32>,
        %get3A_300 = vector.shape_cast %get3A_299 : vector<1x16xf32> to vector<16xf32>
        %get3A_301 = arith.index_cast %scan3A_240 : i32 to index
        %get3A_302 = arith.constant 64 : index
        %get3A_303 = tpu.vector_load %arg12[%get3A_301, %get3A_302] {strides = array<i32>} : memref<128x128xf32, #tpu.memory_space<vmem>>, vector<1x16xf32>,
        %get3A_304 = vector.shape_cast %get3A_303 : vector<1x16xf32> to vector<16xf32>
        %mul3A_305 = arith.mulf %get3A_300, %get3A_304 : vector<16xf32>
        %swap3A_306 = arith.index_cast %scan3A_240 : i32 to index
        %swap3A_307 = arith.constant 64 : index
        %swap3A_308 = tpu.vector_load %arg11[%swap3A_306, %swap3A_307] {strides = array<i32>} : memref<128x128xf32, #tpu.memory_space<vmem>>, vector<1x16xf32>,
        %swap3A_309 = vector.shape_cast %swap3A_308 : vector<1x16xf32> to vector<16xf32>
        %swap3A_310 = vector.shape_cast %mul3A_305 : vector<16xf32> to vector<1x16xf32>
        tpu.vector_store %arg11[%swap3A_306, %swap3A_307], %swap3A_310 {strides = array<i32>} : memref<128x128xf32, #tpu.memory_space<vmem>>, vector<1x16xf32>,
        %get3A_311 = arith.index_cast %scan3A_240 : i32 to index
        %get3A_312 = arith.constant 80 : index
        %get3A_313 = tpu.vector_load %arg11[%get3A_311, %get3A_312] {strides = array<i32>} : memref<128x128xf32, #tpu.memory_space<vmem>>, vector<1x16xf32>,
        %get3A_314 = vector.shape_cast %get3A_313 : vector<1x16xf32> to vector<16xf32>
        %get3A_315 = arith.index_cast %scan3A_240 : i32 to index
        %get3A_316 = arith.constant 80 : index
        %get3A_317 = tpu.vector_load %arg12[%get3A_315, %get3A_316] {strides = array<i32>} : memref<128x128xf32, #tpu.memory_space<vmem>>, vector<1x16xf32>,
        %get3A_318 = vector.shape_cast %get3A_317 : vector<1x16xf32> to vector<16xf32>
        %mul3A_319 = arith.mulf %get3A_314, %get3A_318 : vector<16xf32>
        %swap3A_320 = arith.index_cast %scan3A_240 : i32 to index
        %swap3A_321 = arith.constant 80 : index
        %swap3A_322 = tpu.vector_load %arg11[%swap3A_320, %swap3A_321] {strides = array<i32>} : memref<128x128xf32, #tpu.memory_space<vmem>>, vector<1x16xf32>,
        %swap3A_323 = vector.shape_cast %swap3A_322 : vector<1x16xf32> to vector<16xf32>
        %swap3A_324 = vector.shape_cast %mul3A_319 : vector<16xf32> to vector<1x16xf32>
        tpu.vector_store %arg11[%swap3A_320, %swap3A_321], %swap3A_324 {strides = array<i32>} : memref<128x128xf32, #tpu.memory_space<vmem>>, vector<1x16xf32>,
        %get3A_325 = arith.index_cast %scan3A_240 : i32 to index
        %get3A_326 = arith.constant 96 : index
        %get3A_327 = tpu.vector_load %arg11[%get3A_325, %get3A_326] {strides = array<i32>} : memref<128x128xf32, #tpu.memory_space<vmem>>, vector<1x16xf32>,
        %get3A_328 = vector.shape_cast %get3A_327 : vector<1x16xf32> to vector<16xf32>
        %get3A_329 = arith.index_cast %scan3A_240 : i32 to index
        %get3A_330 = arith.constant 96 : index
        %get3A_331 = tpu.vector_load %arg12[%get3A_329, %get3A_330] {strides = array<i32>} : memref<128x128xf32, #tpu.memory_space<vmem>>, vector<1x16xf32>,
        %get3A_332 = vector.shape_cast %get3A_331 : vector<1x16xf32> to vector<16xf32>
        %mul3A_333 = arith.mulf %get3A_328, %get3A_332 : vector<16xf32>
        %swap3A_334 = arith.index_cast %scan3A_240 : i32 to index
        %swap3A_335 = arith.constant 96 : index
        %swap3A_336 = tpu.vector_load %arg11[%swap3A_334, %swap3A_335] {strides = array<i32>} : memref<128x128xf32, #tpu.memory_space<vmem>>, vector<1x16xf32>,
        %swap3A_337 = vector.shape_cast %swap3A_336 : vector<1x16xf32> to vector<16xf32>
        %swap3A_338 = vector.shape_cast %mul3A_333 : vector<16xf32> to vector<1x16xf32>
        tpu.vector_store %arg11[%swap3A_334, %swap3A_335], %swap3A_338 {strides = array<i32>} : memref<128x128xf32, #tpu.memory_space<vmem>>, vector<1x16xf32>,
        %get3A_339 = arith.index_cast %scan3A_240 : i32 to index
        %get3A_340 = arith.constant 112 : index
        %get3A_341 = tpu.vector_load %arg11[%get3A_339, %get3A_340] {strides = array<i32>} : memref<128x128xf32, #tpu.memory_space<vmem>>, vector<1x16xf32>,
        %get3A_342 = vector.shape_cast %get3A_341 : vector<1x16xf32> to vector<16xf32>
        %get3A_343 = arith.index_cast %scan3A_240 : i32 to index
        %get3A_344 = arith.constant 112 : index
        %get3A_345 = tpu.vector_load %arg12[%get3A_343, %get3A_344] {strides = array<i32>} : memref<128x128xf32, #tpu.memory_space<vmem>>, vector<1x16xf32>,
        %get3A_346 = vector.shape_cast %get3A_345 : vector<1x16xf32> to vector<16xf32>
        %mul3A_347 = arith.mulf %get3A_342, %get3A_346 : vector<16xf32>
        %swap3A_348 = arith.index_cast %scan3A_240 : i32 to index
        %swap3A_349 = arith.constant 112 : index
        %swap3A_350 = tpu.vector_load %arg11[%swap3A_348, %swap3A_349] {strides = array<i32>} : memref<128x128xf32, #tpu.memory_space<vmem>>, vector<1x16xf32>,
        %swap3A_351 = vector.shape_cast %swap3A_350 : vector<1x16xf32> to vector<16xf32>
        %swap3A_352 = vector.shape_cast %mul3A_347 : vector<16xf32> to vector<1x16xf32>
        tpu.vector_store %arg11[%swap3A_348, %swap3A_349], %swap3A_352 {strides = array<i32>} : memref<128x128xf32, #tpu.memory_space<vmem>>, vector<1x16xf32>,
      }
      %scan3A_239 = arith.constant 128 : i32
      %run_scoped3A = arith.constant 0 : i32
      "tpu.region"() ({
        %run_scoped3A_240 = tpu.sem_alloc : memref<!tpu.dma_semaphore, #tpu.memory_space<semaphore_mem>>
        %dma_start3A_241 = arith.constant 0 : i32
        %dma_start3A_242 = tpu.memref_slice %arg10[%run_scoped3A, %dma_start3A_241] : memref<1x128xi32, #tpu.memory_space<vmem>> -> memref<1x128xi32, #tpu.memory_space<vmem>>
        %dma_start3A_243 = tpu.memref_squeeze %dma_start3A_242 : memref<1x128xi32, #tpu.memory_space<vmem>> -> memref<128xi32, #tpu.memory_space<vmem>>
        %dma_start3A_244 = arith.constant 0 : i32
        %dma_start3A_245 = arith.constant 0 : i32
        %dma_start3A_246 = tpu.memref_slice %arg13[%dma_start3A_244, %dma_start3A_245] : memref<5248x128xf32, #tpu.memory_space<vmem_shared>> -> memref<5248x128xf32, #tpu.memory_space<vmem_shared>>
        tpu.enqueue_indirect_dma source(%arg11 : memref<128x128xf32, #tpu.memory_space<vmem>>) target(%dma_start3A_246 : memref<5248x128xf32, #tpu.memory_space<vmem_shared>>) offsets(%dma_start3A_243 : memref<128xi32, #tpu.memory_space<vmem>>) semaphore(%run_scoped3A_240 : memref<!tpu.dma_semaphore, #tpu.memory_space<semaphore_mem>>) {add = true}
        %dma_wait3A_247 = arith.constant 0 : i32
        %dma_wait3A_248 = tpu.memref_slice %arg10[%run_scoped3A, %dma_wait3A_247] : memref<1x128xi32, #tpu.memory_space<vmem>> -> memref<1x128xi32, #tpu.memory_space<vmem>>
        %dma_wait3A_249 = tpu.memref_squeeze %dma_wait3A_248 : memref<1x128xi32, #tpu.memory_space<vmem>> -> memref<128xi32, #tpu.memory_space<vmem>>
        %dma_wait3A_250 = arith.constant 0 : i32
        %dma_wait3A_251 = arith.constant 0 : i32
        %dma_wait3A_252 = tpu.memref_slice %arg13[%dma_wait3A_250, %dma_wait3A_251] : memref<5248x128xf32, #tpu.memory_space<vmem_shared>> -> memref<5248x128xf32, #tpu.memory_space<vmem_shared>>
        tpu.wait_indirect_dma semaphore(%run_scoped3A_240 : memref<!tpu.dma_semaphore, #tpu.memory_space<semaphore_mem>>) src(%arg11 : memref<128x128xf32, #tpu.memory_space<vmem>>) dst(%dma_wait3A_252 : memref<5248x128xf32, #tpu.memory_space<vmem_shared>>)
        tpu.yield
      }) : () -> ()
    }
    %scan3A_10 = arith.constant 158 : i32
    %barrier3A_11 = arith.constant 0 : index
    tpu.barrier barrier_id(%barrier3A_11)
    %mul3A_12 = arith.constant 320 : i32
    %mul3A_13 = arith.muli %arg1, %mul3A_12 : i32
    %mul3A_14 = arith.constant 320 : i32
    %mul3A_15 = arith.muli %arg1, %mul3A_14 : i32
    "tpu.region"() ({
      %run_scoped3A = tpu.sem_alloc : memref<!tpu.dma_semaphore, #tpu.memory_space<semaphore_mem>>
      %dma_start3A = arith.constant 0 : i32
      %dma_start3A_16 = tpu.memref_slice %arg7[%arg0, %mul3A_15, %dma_start3A] : memref<2x5120x128xf32, #tpu.memory_space<hbm>> -> memref<1x320x128xf32, #tpu.memory_space<hbm>>
      %dma_start3A_17 = tpu.memref_squeeze %dma_start3A_16 : memref<1x320x128xf32, #tpu.memory_space<hbm>> -> memref<320x128xf32, #tpu.memory_space<hbm>>
      %dma_start3A_18 = arith.constant 0 : i32
      %dma_start3A_19 = tpu.memref_slice %arg13[%mul3A_13, %dma_start3A_18] : memref<5248x128xf32, #tpu.memory_space<vmem_shared>> -> memref<320x128xf32, #tpu.memory_space<vmem_shared>>
      tpu.enqueue_dma source(%dma_start3A_19 : memref<320x128xf32, #tpu.memory_space<vmem_shared>>) target(%dma_start3A_17 : memref<320x128xf32, #tpu.memory_space<hbm>>) target_semaphore(%run_scoped3A : memref<!tpu.dma_semaphore, #tpu.memory_space<semaphore_mem>>)
      %dma_wait3A = arith.constant 0 : i32
      %dma_wait3A_20 = tpu.memref_slice %arg7[%arg0, %mul3A_15, %dma_wait3A] : memref<2x5120x128xf32, #tpu.memory_space<hbm>> -> memref<1x320x128xf32, #tpu.memory_space<hbm>>
      %dma_wait3A_21 = tpu.memref_squeeze %dma_wait3A_20 : memref<1x320x128xf32, #tpu.memory_space<hbm>> -> memref<320x128xf32, #tpu.memory_space<hbm>>
      %dma_wait3A_22 = arith.constant 0 : i32
      %dma_wait3A_23 = tpu.memref_slice %arg13[%mul3A_13, %dma_wait3A_22] : memref<5248x128xf32, #tpu.memory_space<vmem_shared>> -> memref<320x128xf32, #tpu.memory_space<vmem_shared>>
      tpu.wait_dma2 semaphore(%run_scoped3A : memref<!tpu.dma_semaphore, #tpu.memory_space<semaphore_mem>>) src(%dma_wait3A_23 : memref<320x128xf32, #tpu.memory_space<vmem_shared>>) dst(%dma_wait3A_21 : memref<320x128xf32, #tpu.memory_space<hbm>>)
      tpu.yield
    }) : () -> ()
    return
  }
}

#map = affine_map<(d0, d1) -> (0, 0)>
#map1 = affine_map<(d0, d1) -> (0, 0, 0)>
module attributes {stable_mosaic.version = 14 : i64} {
  func.func @msg_scatter(%arg0: i32, %arg1: i32, %arg2: memref<10240x128xf32, #tpu.memory_space<hbm>>, %arg3: memref<323584x128xf32, #tpu.memory_space<hbm>>, %arg4: memref<16x158x128xi32, #tpu.memory_space<hbm>>, %arg5: memref<16x158x128xi32, #tpu.memory_space<hbm>>, %arg6: memref<320x128xf32, #tpu.memory_space<hbm>>, %arg7: memref<2x5120x128xf32, #tpu.memory_space<hbm>>, %arg8: memref<158x128xi32, #tpu.memory_space<vmem>>, %arg9: memref<158x128xi32, #tpu.memory_space<vmem>>, %arg10: memref<1x128xi32, #tpu.memory_space<vmem>>, %arg11: memref<128x128xf32, #tpu.memory_space<vmem>>, %arg12: memref<128x128xf32, #tpu.memory_space<vmem>>, %arg13: memref<5248x128xf32, #tpu.memory_space<vmem_shared>>, %arg14: memref<!tpu.dma_semaphore, #tpu.memory_space<semaphore_mem>>) attributes {dimension_semantics = [#tpu.dimension_semantics<core_parallel>, #tpu.dimension_semantics<subcore_parallel>], iteration_bounds = array<i64: 2, 16>, scalar_prefetch = 0 : i64, scratch_operands = 7 : i64, tpu.core_type = #tpu.core_type<sc_vector_subcore>, window_params = [{transform_indices = #map}, {transform_indices = #map}, {transform_indices = #map1}, {transform_indices = #map1}, {transform_indices = #map}, {transform_indices = #map1}]} {
    %mul3A = arith.constant 320 : i32
    %mul3A_0 = arith.muli %arg1, %mul3A : i32
    "tpu.region"() ({
      %run_scoped3A = tpu.sem_alloc : memref<!tpu.dma_semaphore, #tpu.memory_space<semaphore_mem>>
      %dma_start3A = arith.constant 0 : i32
      %dma_start3A_16 = tpu.memref_slice %arg13[%mul3A_0, %dma_start3A] : memref<5248x128xf32, #tpu.memory_space<vmem_shared>> -> memref<320x128xf32, #tpu.memory_space<vmem_shared>>
      tpu.enqueue_dma source(%arg6 : memref<320x128xf32, #tpu.memory_space<hbm>>) target(%dma_start3A_16 : memref<320x128xf32, #tpu.memory_space<vmem_shared>>) target_semaphore(%run_scoped3A : memref<!tpu.dma_semaphore, #tpu.memory_space<semaphore_mem>>)
      %dma_wait3A = arith.constant 0 : i32
      %dma_wait3A_17 = tpu.memref_slice %arg13[%mul3A_0, %dma_wait3A] : memref<5248x128xf32, #tpu.memory_space<vmem_shared>> -> memref<320x128xf32, #tpu.memory_space<vmem_shared>>
      tpu.wait_dma2 semaphore(%run_scoped3A : memref<!tpu.dma_semaphore, #tpu.memory_space<semaphore_mem>>) src(%arg6 : memref<320x128xf32, #tpu.memory_space<hbm>>) dst(%dma_wait3A_17 : memref<320x128xf32, #tpu.memory_space<vmem_shared>>)
      tpu.yield
    }) : () -> ()
    %barrier3A = arith.constant 0 : index
    tpu.barrier barrier_id(%barrier3A)
    "tpu.region"() ({
      %run_scoped3A = tpu.sem_alloc : memref<!tpu.dma_semaphore, #tpu.memory_space<semaphore_mem>>
      %dma_start3A = arith.constant 0 : i32
      %dma_start3A_16 = arith.constant 0 : i32
      %dma_start3A_17 = tpu.memref_slice %arg4[%arg1, %dma_start3A, %dma_start3A_16] : memref<16x158x128xi32, #tpu.memory_space<hbm>> -> memref<1x158x128xi32, #tpu.memory_space<hbm>>
      %dma_start3A_18 = tpu.memref_squeeze %dma_start3A_17 : memref<1x158x128xi32, #tpu.memory_space<hbm>> -> memref<158x128xi32, #tpu.memory_space<hbm>>
      %dma_start3A_19 = arith.constant 0 : i32
      %dma_start3A_20 = arith.constant 0 : i32
      %dma_start3A_21 = tpu.memref_slice %arg4[%arg1, %dma_start3A_19, %dma_start3A_20] : memref<16x158x128xi32, #tpu.memory_space<hbm>> -> memref<1x158x128xi32, #tpu.memory_space<hbm>>
      %dma_start3A_22 = tpu.memref_squeeze %dma_start3A_21 : memref<1x158x128xi32, #tpu.memory_space<hbm>> -> memref<158x128xi32, #tpu.memory_space<hbm>>
      tpu.enqueue_dma source(%dma_start3A_22 : memref<158x128xi32, #tpu.memory_space<hbm>>) target(%arg8 : memref<158x128xi32, #tpu.memory_space<vmem>>) target_semaphore(%run_scoped3A : memref<!tpu.dma_semaphore, #tpu.memory_space<semaphore_mem>>)
      %dma_wait3A = arith.constant 0 : i32
      %dma_wait3A_23 = arith.constant 0 : i32
      %dma_wait3A_24 = tpu.memref_slice %arg4[%arg1, %dma_wait3A, %dma_wait3A_23] : memref<16x158x128xi32, #tpu.memory_space<hbm>> -> memref<1x158x128xi32, #tpu.memory_space<hbm>>
      %dma_wait3A_25 = tpu.memref_squeeze %dma_wait3A_24 : memref<1x158x128xi32, #tpu.memory_space<hbm>> -> memref<158x128xi32, #tpu.memory_space<hbm>>
      %dma_wait3A_26 = arith.constant 0 : i32
      %dma_wait3A_27 = arith.constant 0 : i32
      %dma_wait3A_28 = tpu.memref_slice %arg4[%arg1, %dma_wait3A_26, %dma_wait3A_27] : memref<16x158x128xi32, #tpu.memory_space<hbm>> -> memref<1x158x128xi32, #tpu.memory_space<hbm>>
      %dma_wait3A_29 = tpu.memref_squeeze %dma_wait3A_28 : memref<1x158x128xi32, #tpu.memory_space<hbm>> -> memref<158x128xi32, #tpu.memory_space<hbm>>
      tpu.wait_dma2 semaphore(%run_scoped3A : memref<!tpu.dma_semaphore, #tpu.memory_space<semaphore_mem>>) src(%dma_wait3A_29 : memref<158x128xi32, #tpu.memory_space<hbm>>) dst(%arg8 : memref<158x128xi32, #tpu.memory_space<vmem>>)
      tpu.yield
    }) : () -> ()
    "tpu.region"() ({
      %run_scoped3A = tpu.sem_alloc : memref<!tpu.dma_semaphore, #tpu.memory_space<semaphore_mem>>
      %dma_start3A = arith.constant 0 : i32
      %dma_start3A_16 = arith.constant 0 : i32
      %dma_start3A_17 = tpu.memref_slice %arg5[%arg1, %dma_start3A, %dma_start3A_16] : memref<16x158x128xi32, #tpu.memory_space<hbm>> -> memref<1x158x128xi32, #tpu.memory_space<hbm>>
      %dma_start3A_18 = tpu.memref_squeeze %dma_start3A_17 : memref<1x158x128xi32, #tpu.memory_space<hbm>> -> memref<158x128xi32, #tpu.memory_space<hbm>>
      %dma_start3A_19 = arith.constant 0 : i32
      %dma_start3A_20 = arith.constant 0 : i32
      %dma_start3A_21 = tpu.memref_slice %arg5[%arg1, %dma_start3A_19, %dma_start3A_20] : memref<16x158x128xi32, #tpu.memory_space<hbm>> -> memref<1x158x128xi32, #tpu.memory_space<hbm>>
      %dma_start3A_22 = tpu.memref_squeeze %dma_start3A_21 : memref<1x158x128xi32, #tpu.memory_space<hbm>> -> memref<158x128xi32, #tpu.memory_space<hbm>>
      tpu.enqueue_dma source(%dma_start3A_22 : memref<158x128xi32, #tpu.memory_space<hbm>>) target(%arg9 : memref<158x128xi32, #tpu.memory_space<vmem>>) target_semaphore(%run_scoped3A : memref<!tpu.dma_semaphore, #tpu.memory_space<semaphore_mem>>)
      %dma_wait3A = arith.constant 0 : i32
      %dma_wait3A_23 = arith.constant 0 : i32
      %dma_wait3A_24 = tpu.memref_slice %arg5[%arg1, %dma_wait3A, %dma_wait3A_23] : memref<16x158x128xi32, #tpu.memory_space<hbm>> -> memref<1x158x128xi32, #tpu.memory_space<hbm>>
      %dma_wait3A_25 = tpu.memref_squeeze %dma_wait3A_24 : memref<1x158x128xi32, #tpu.memory_space<hbm>> -> memref<158x128xi32, #tpu.memory_space<hbm>>
      %dma_wait3A_26 = arith.constant 0 : i32
      %dma_wait3A_27 = arith.constant 0 : i32
      %dma_wait3A_28 = tpu.memref_slice %arg5[%arg1, %dma_wait3A_26, %dma_wait3A_27] : memref<16x158x128xi32, #tpu.memory_space<hbm>> -> memref<1x158x128xi32, #tpu.memory_space<hbm>>
      %dma_wait3A_29 = tpu.memref_squeeze %dma_wait3A_28 : memref<1x158x128xi32, #tpu.memory_space<hbm>> -> memref<158x128xi32, #tpu.memory_space<hbm>>
      tpu.wait_dma2 semaphore(%run_scoped3A : memref<!tpu.dma_semaphore, #tpu.memory_space<semaphore_mem>>) src(%dma_wait3A_29 : memref<158x128xi32, #tpu.memory_space<hbm>>) dst(%arg9 : memref<158x128xi32, #tpu.memory_space<vmem>>)
      tpu.yield
    }) : () -> ()
    %mul3A_1 = arith.constant 5120 : i32
    %mul3A_2 = arith.muli %arg0, %mul3A_1 : i32
    %mul3A_3 = arith.constant 8 : i32
    %mul3A_4 = arith.muli %arg1, %mul3A_3 : i32
    %add3A = arith.constant 5120 : i32
    %add3A_5 = arith.addi %add3A, %mul3A_4 : i32
    %scan3A = arith.constant 0 : i32
    %scan3A_6 = arith.constant 0 : i32
    %scan3A_7 = arith.constant 158 : i32
    %scan3A_8 = arith.addi %scan3A_6, %scan3A_7 : i32
    %scan3A_9 = arith.constant 1 : i32
    scf.for %scan3A_16 = %scan3A_6 to %scan3A_8 step %scan3A_9  : i32 {
      %dma_start3A = arith.constant 0 : i32
      %dma_start3A_17 = tpu.memref_slice %arg8[%scan3A_16, %dma_start3A] : memref<158x128xi32, #tpu.memory_space<vmem>> -> memref<1x128xi32, #tpu.memory_space<vmem>>
      %dma_start3A_18 = tpu.memref_squeeze %dma_start3A_17 : memref<1x128xi32, #tpu.memory_space<vmem>> -> memref<128xi32, #tpu.memory_space<vmem>>
      %dma_start3A_19 = arith.constant 0 : i32
      %dma_start3A_20 = arith.constant 0 : i32
      %dma_start3A_21 = tpu.memref_slice %arg2[%dma_start3A_19, %dma_start3A_20] : memref<10240x128xf32, #tpu.memory_space<hbm>> -> memref<10240x128xf32, #tpu.memory_space<hbm>>
      tpu.enqueue_indirect_dma source(%dma_start3A_21 : memref<10240x128xf32, #tpu.memory_space<hbm>>) target(%arg11 : memref<128x128xf32, #tpu.memory_space<vmem>>) offsets(%dma_start3A_18 : memref<128xi32, #tpu.memory_space<vmem>>) semaphore(%arg14 : memref<!tpu.dma_semaphore, #tpu.memory_space<semaphore_mem>>)
      %mul3A_22 = arith.constant 158 : i32
      %mul3A_23 = arith.muli %arg1, %mul3A_22 : i32
      %add3A_24 = arith.addi %mul3A_23, %scan3A_16 : i32
      %mul3A_25 = arith.constant 128 : i32
      %mul3A_26 = arith.muli %add3A_24, %mul3A_25 : i32
      "tpu.region"() ({
        %run_scoped3A_240 = tpu.sem_alloc : memref<!tpu.dma_semaphore, #tpu.memory_space<semaphore_mem>>
        %dma_start3A_241 = arith.constant 0 : i32
        %dma_start3A_242 = tpu.memref_slice %arg3[%mul3A_26, %dma_start3A_241] : memref<323584x128xf32, #tpu.memory_space<hbm>> -> memref<128x128xf32, #tpu.memory_space<hbm>>
        %dma_start3A_243 = arith.constant 0 : i32
        %dma_start3A_244 = tpu.memref_slice %arg3[%mul3A_26, %dma_start3A_243] : memref<323584x128xf32, #tpu.memory_space<hbm>> -> memref<128x128xf32, #tpu.memory_space<hbm>>
        tpu.enqueue_dma source(%dma_start3A_244 : memref<128x128xf32, #tpu.memory_space<hbm>>) target(%arg12 : memref<128x128xf32, #tpu.memory_space<vmem>>) target_semaphore(%run_scoped3A_240 : memref<!tpu.dma_semaphore, #tpu.memory_space<semaphore_mem>>)
        %dma_wait3A_245 = arith.constant 0 : i32
        %dma_wait3A_246 = tpu.memref_slice %arg3[%mul3A_26, %dma_wait3A_245] : memref<323584x128xf32, #tpu.memory_space<hbm>> -> memref<128x128xf32, #tpu.memory_space<hbm>>
        %dma_wait3A_247 = arith.constant 0 : i32
        %dma_wait3A_248 = tpu.memref_slice %arg3[%mul3A_26, %dma_wait3A_247] : memref<323584x128xf32, #tpu.memory_space<hbm>> -> memref<128x128xf32, #tpu.memory_space<hbm>>
        tpu.wait_dma2 semaphore(%run_scoped3A_240 : memref<!tpu.dma_semaphore, #tpu.memory_space<semaphore_mem>>) src(%dma_wait3A_248 : memref<128x128xf32, #tpu.memory_space<hbm>>) dst(%arg12 : memref<128x128xf32, #tpu.memory_space<vmem>>)
        tpu.yield
      }) : () -> ()
      %scan3A_27 = arith.constant 0 : i32
      %scan3A_28 = arith.constant 0 : i32
      %mul3A_29 = arith.constant 16 : i32
      %mul3A_30 = arith.muli %scan3A_28, %mul3A_29 : i32
      %get3A = arith.index_cast %scan3A_16 : i32 to index
      %get3A_31 = arith.index_cast %mul3A_30 : i32 to index
      %get3A_32 = tpu.vector_load %arg9[%get3A, %get3A_31] {strides = array<i32>} : memref<158x128xi32, #tpu.memory_space<vmem>>, vector<1x16xi32>,
      %get3A_33 = vector.shape_cast %get3A_32 : vector<1x16xi32> to vector<16xi32>
      %sub3A = vector.broadcast %mul3A_2 : i32 to vector<16xi32>
      %sub3A_34 = arith.subi %get3A_33, %sub3A : vector<16xi32>
      %ge3A = arith.constant 0 : i32
      %ge3A_35 = vector.broadcast %ge3A : i32 to vector<16xi32>
      %ge3A_36 = arith.cmpi sge, %sub3A_34, %ge3A_35 : vector<16xi32>
      %lt3A = arith.constant 5120 : i32
      %lt3A_37 = vector.broadcast %lt3A : i32 to vector<16xi32>
      %lt3A_38 = arith.cmpi slt, %sub3A_34, %lt3A_37 : vector<16xi32>
      %and3A = arith.andi %ge3A_36, %lt3A_38 : vector<16xi1>
      %broadcast_in_dim3A = vector.broadcast %add3A_5 : i32 to vector<16xi32>
      %select_n3A = arith.select %and3A, %sub3A_34, %broadcast_in_dim3A : vector<16xi1>, vector<16xi32>
      %mul3A_39 = arith.constant 16 : i32
      %mul3A_40 = arith.muli %scan3A_28, %mul3A_39 : i32
      %swap3A = arith.constant 0 : i32
      %swap3A_41 = arith.index_cast %swap3A : i32 to index
      %swap3A_42 = arith.index_cast %mul3A_40 : i32 to index
      %swap3A_43 = tpu.vector_load %arg10[%swap3A_41, %swap3A_42] {strides = array<i32>} : memref<1x128xi32, #tpu.memory_space<vmem>>, vector<1x16xi32>,
      %swap3A_44 = vector.shape_cast %swap3A_43 : vector<1x16xi32> to vector<16xi32>
      %swap3A_45 = vector.shape_cast %select_n3A : vector<16xi32> to vector<1x16xi32>
      tpu.vector_store %arg10[%swap3A_41, %swap3A_42], %swap3A_45 {strides = array<i32>} : memref<1x128xi32, #tpu.memory_space<vmem>>, vector<1x16xi32>,
      %scan3A_46 = arith.constant 1 : i32
      %mul3A_47 = arith.constant 16 : i32
      %mul3A_48 = arith.muli %scan3A_46, %mul3A_47 : i32
      %get3A_49 = arith.index_cast %scan3A_16 : i32 to index
      %get3A_50 = arith.index_cast %mul3A_48 : i32 to index
      %get3A_51 = tpu.vector_load %arg9[%get3A_49, %get3A_50] {strides = array<i32>} : memref<158x128xi32, #tpu.memory_space<vmem>>, vector<1x16xi32>,
      %get3A_52 = vector.shape_cast %get3A_51 : vector<1x16xi32> to vector<16xi32>
      %sub3A_53 = vector.broadcast %mul3A_2 : i32 to vector<16xi32>
      %sub3A_54 = arith.subi %get3A_52, %sub3A_53 : vector<16xi32>
      %ge3A_55 = arith.constant 0 : i32
      %ge3A_56 = vector.broadcast %ge3A_55 : i32 to vector<16xi32>
      %ge3A_57 = arith.cmpi sge, %sub3A_54, %ge3A_56 : vector<16xi32>
      %lt3A_58 = arith.constant 5120 : i32
      %lt3A_59 = vector.broadcast %lt3A_58 : i32 to vector<16xi32>
      %lt3A_60 = arith.cmpi slt, %sub3A_54, %lt3A_59 : vector<16xi32>
      %and3A_61 = arith.andi %ge3A_57, %lt3A_60 : vector<16xi1>
      %broadcast_in_dim3A_62 = vector.broadcast %add3A_5 : i32 to vector<16xi32>
      %select_n3A_63 = arith.select %and3A_61, %sub3A_54, %broadcast_in_dim3A_62 : vector<16xi1>, vector<16xi32>
      %mul3A_64 = arith.constant 16 : i32
      %mul3A_65 = arith.muli %scan3A_46, %mul3A_64 : i32
      %swap3A_66 = arith.constant 0 : i32
      %swap3A_67 = arith.index_cast %swap3A_66 : i32 to index
      %swap3A_68 = arith.index_cast %mul3A_65 : i32 to index
      %swap3A_69 = tpu.vector_load %arg10[%swap3A_67, %swap3A_68] {strides = array<i32>} : memref<1x128xi32, #tpu.memory_space<vmem>>, vector<1x16xi32>,
      %swap3A_70 = vector.shape_cast %swap3A_69 : vector<1x16xi32> to vector<16xi32>
      %swap3A_71 = vector.shape_cast %select_n3A_63 : vector<16xi32> to vector<1x16xi32>
      tpu.vector_store %arg10[%swap3A_67, %swap3A_68], %swap3A_71 {strides = array<i32>} : memref<1x128xi32, #tpu.memory_space<vmem>>, vector<1x16xi32>,
      %scan3A_72 = arith.constant 2 : i32
      %mul3A_73 = arith.constant 16 : i32
      %mul3A_74 = arith.muli %scan3A_72, %mul3A_73 : i32
      %get3A_75 = arith.index_cast %scan3A_16 : i32 to index
      %get3A_76 = arith.index_cast %mul3A_74 : i32 to index
      %get3A_77 = tpu.vector_load %arg9[%get3A_75, %get3A_76] {strides = array<i32>} : memref<158x128xi32, #tpu.memory_space<vmem>>, vector<1x16xi32>,
      %get3A_78 = vector.shape_cast %get3A_77 : vector<1x16xi32> to vector<16xi32>
      %sub3A_79 = vector.broadcast %mul3A_2 : i32 to vector<16xi32>
      %sub3A_80 = arith.subi %get3A_78, %sub3A_79 : vector<16xi32>
      %ge3A_81 = arith.constant 0 : i32
      %ge3A_82 = vector.broadcast %ge3A_81 : i32 to vector<16xi32>
      %ge3A_83 = arith.cmpi sge, %sub3A_80, %ge3A_82 : vector<16xi32>
      %lt3A_84 = arith.constant 5120 : i32
      %lt3A_85 = vector.broadcast %lt3A_84 : i32 to vector<16xi32>
      %lt3A_86 = arith.cmpi slt, %sub3A_80, %lt3A_85 : vector<16xi32>
      %and3A_87 = arith.andi %ge3A_83, %lt3A_86 : vector<16xi1>
      %broadcast_in_dim3A_88 = vector.broadcast %add3A_5 : i32 to vector<16xi32>
      %select_n3A_89 = arith.select %and3A_87, %sub3A_80, %broadcast_in_dim3A_88 : vector<16xi1>, vector<16xi32>
      %mul3A_90 = arith.constant 16 : i32
      %mul3A_91 = arith.muli %scan3A_72, %mul3A_90 : i32
      %swap3A_92 = arith.constant 0 : i32
      %swap3A_93 = arith.index_cast %swap3A_92 : i32 to index
      %swap3A_94 = arith.index_cast %mul3A_91 : i32 to index
      %swap3A_95 = tpu.vector_load %arg10[%swap3A_93, %swap3A_94] {strides = array<i32>} : memref<1x128xi32, #tpu.memory_space<vmem>>, vector<1x16xi32>,
      %swap3A_96 = vector.shape_cast %swap3A_95 : vector<1x16xi32> to vector<16xi32>
      %swap3A_97 = vector.shape_cast %select_n3A_89 : vector<16xi32> to vector<1x16xi32>
      tpu.vector_store %arg10[%swap3A_93, %swap3A_94], %swap3A_97 {strides = array<i32>} : memref<1x128xi32, #tpu.memory_space<vmem>>, vector<1x16xi32>,
      %scan3A_98 = arith.constant 3 : i32
      %mul3A_99 = arith.constant 16 : i32
      %mul3A_100 = arith.muli %scan3A_98, %mul3A_99 : i32
      %get3A_101 = arith.index_cast %scan3A_16 : i32 to index
      %get3A_102 = arith.index_cast %mul3A_100 : i32 to index
      %get3A_103 = tpu.vector_load %arg9[%get3A_101, %get3A_102] {strides = array<i32>} : memref<158x128xi32, #tpu.memory_space<vmem>>, vector<1x16xi32>,
      %get3A_104 = vector.shape_cast %get3A_103 : vector<1x16xi32> to vector<16xi32>
      %sub3A_105 = vector.broadcast %mul3A_2 : i32 to vector<16xi32>
      %sub3A_106 = arith.subi %get3A_104, %sub3A_105 : vector<16xi32>
      %ge3A_107 = arith.constant 0 : i32
      %ge3A_108 = vector.broadcast %ge3A_107 : i32 to vector<16xi32>
      %ge3A_109 = arith.cmpi sge, %sub3A_106, %ge3A_108 : vector<16xi32>
      %lt3A_110 = arith.constant 5120 : i32
      %lt3A_111 = vector.broadcast %lt3A_110 : i32 to vector<16xi32>
      %lt3A_112 = arith.cmpi slt, %sub3A_106, %lt3A_111 : vector<16xi32>
      %and3A_113 = arith.andi %ge3A_109, %lt3A_112 : vector<16xi1>
      %broadcast_in_dim3A_114 = vector.broadcast %add3A_5 : i32 to vector<16xi32>
      %select_n3A_115 = arith.select %and3A_113, %sub3A_106, %broadcast_in_dim3A_114 : vector<16xi1>, vector<16xi32>
      %mul3A_116 = arith.constant 16 : i32
      %mul3A_117 = arith.muli %scan3A_98, %mul3A_116 : i32
      %swap3A_118 = arith.constant 0 : i32
      %swap3A_119 = arith.index_cast %swap3A_118 : i32 to index
      %swap3A_120 = arith.index_cast %mul3A_117 : i32 to index
      %swap3A_121 = tpu.vector_load %arg10[%swap3A_119, %swap3A_120] {strides = array<i32>} : memref<1x128xi32, #tpu.memory_space<vmem>>, vector<1x16xi32>,
      %swap3A_122 = vector.shape_cast %swap3A_121 : vector<1x16xi32> to vector<16xi32>
      %swap3A_123 = vector.shape_cast %select_n3A_115 : vector<16xi32> to vector<1x16xi32>
      tpu.vector_store %arg10[%swap3A_119, %swap3A_120], %swap3A_123 {strides = array<i32>} : memref<1x128xi32, #tpu.memory_space<vmem>>, vector<1x16xi32>,
      %scan3A_124 = arith.constant 4 : i32
      %mul3A_125 = arith.constant 16 : i32
      %mul3A_126 = arith.muli %scan3A_124, %mul3A_125 : i32
      %get3A_127 = arith.index_cast %scan3A_16 : i32 to index
      %get3A_128 = arith.index_cast %mul3A_126 : i32 to index
      %get3A_129 = tpu.vector_load %arg9[%get3A_127, %get3A_128] {strides = array<i32>} : memref<158x128xi32, #tpu.memory_space<vmem>>, vector<1x16xi32>,
      %get3A_130 = vector.shape_cast %get3A_129 : vector<1x16xi32> to vector<16xi32>
      %sub3A_131 = vector.broadcast %mul3A_2 : i32 to vector<16xi32>
      %sub3A_132 = arith.subi %get3A_130, %sub3A_131 : vector<16xi32>
      %ge3A_133 = arith.constant 0 : i32
      %ge3A_134 = vector.broadcast %ge3A_133 : i32 to vector<16xi32>
      %ge3A_135 = arith.cmpi sge, %sub3A_132, %ge3A_134 : vector<16xi32>
      %lt3A_136 = arith.constant 5120 : i32
      %lt3A_137 = vector.broadcast %lt3A_136 : i32 to vector<16xi32>
      %lt3A_138 = arith.cmpi slt, %sub3A_132, %lt3A_137 : vector<16xi32>
      %and3A_139 = arith.andi %ge3A_135, %lt3A_138 : vector<16xi1>
      %broadcast_in_dim3A_140 = vector.broadcast %add3A_5 : i32 to vector<16xi32>
      %select_n3A_141 = arith.select %and3A_139, %sub3A_132, %broadcast_in_dim3A_140 : vector<16xi1>, vector<16xi32>
      %mul3A_142 = arith.constant 16 : i32
      %mul3A_143 = arith.muli %scan3A_124, %mul3A_142 : i32
      %swap3A_144 = arith.constant 0 : i32
      %swap3A_145 = arith.index_cast %swap3A_144 : i32 to index
      %swap3A_146 = arith.index_cast %mul3A_143 : i32 to index
      %swap3A_147 = tpu.vector_load %arg10[%swap3A_145, %swap3A_146] {strides = array<i32>} : memref<1x128xi32, #tpu.memory_space<vmem>>, vector<1x16xi32>,
      %swap3A_148 = vector.shape_cast %swap3A_147 : vector<1x16xi32> to vector<16xi32>
      %swap3A_149 = vector.shape_cast %select_n3A_141 : vector<16xi32> to vector<1x16xi32>
      tpu.vector_store %arg10[%swap3A_145, %swap3A_146], %swap3A_149 {strides = array<i32>} : memref<1x128xi32, #tpu.memory_space<vmem>>, vector<1x16xi32>,
      %scan3A_150 = arith.constant 5 : i32
      %mul3A_151 = arith.constant 16 : i32
      %mul3A_152 = arith.muli %scan3A_150, %mul3A_151 : i32
      %get3A_153 = arith.index_cast %scan3A_16 : i32 to index
      %get3A_154 = arith.index_cast %mul3A_152 : i32 to index
      %get3A_155 = tpu.vector_load %arg9[%get3A_153, %get3A_154] {strides = array<i32>} : memref<158x128xi32, #tpu.memory_space<vmem>>, vector<1x16xi32>,
      %get3A_156 = vector.shape_cast %get3A_155 : vector<1x16xi32> to vector<16xi32>
      %sub3A_157 = vector.broadcast %mul3A_2 : i32 to vector<16xi32>
      %sub3A_158 = arith.subi %get3A_156, %sub3A_157 : vector<16xi32>
      %ge3A_159 = arith.constant 0 : i32
      %ge3A_160 = vector.broadcast %ge3A_159 : i32 to vector<16xi32>
      %ge3A_161 = arith.cmpi sge, %sub3A_158, %ge3A_160 : vector<16xi32>
      %lt3A_162 = arith.constant 5120 : i32
      %lt3A_163 = vector.broadcast %lt3A_162 : i32 to vector<16xi32>
      %lt3A_164 = arith.cmpi slt, %sub3A_158, %lt3A_163 : vector<16xi32>
      %and3A_165 = arith.andi %ge3A_161, %lt3A_164 : vector<16xi1>
      %broadcast_in_dim3A_166 = vector.broadcast %add3A_5 : i32 to vector<16xi32>
      %select_n3A_167 = arith.select %and3A_165, %sub3A_158, %broadcast_in_dim3A_166 : vector<16xi1>, vector<16xi32>
      %mul3A_168 = arith.constant 16 : i32
      %mul3A_169 = arith.muli %scan3A_150, %mul3A_168 : i32
      %swap3A_170 = arith.constant 0 : i32
      %swap3A_171 = arith.index_cast %swap3A_170 : i32 to index
      %swap3A_172 = arith.index_cast %mul3A_169 : i32 to index
      %swap3A_173 = tpu.vector_load %arg10[%swap3A_171, %swap3A_172] {strides = array<i32>} : memref<1x128xi32, #tpu.memory_space<vmem>>, vector<1x16xi32>,
      %swap3A_174 = vector.shape_cast %swap3A_173 : vector<1x16xi32> to vector<16xi32>
      %swap3A_175 = vector.shape_cast %select_n3A_167 : vector<16xi32> to vector<1x16xi32>
      tpu.vector_store %arg10[%swap3A_171, %swap3A_172], %swap3A_175 {strides = array<i32>} : memref<1x128xi32, #tpu.memory_space<vmem>>, vector<1x16xi32>,
      %scan3A_176 = arith.constant 6 : i32
      %mul3A_177 = arith.constant 16 : i32
      %mul3A_178 = arith.muli %scan3A_176, %mul3A_177 : i32
      %get3A_179 = arith.index_cast %scan3A_16 : i32 to index
      %get3A_180 = arith.index_cast %mul3A_178 : i32 to index
      %get3A_181 = tpu.vector_load %arg9[%get3A_179, %get3A_180] {strides = array<i32>} : memref<158x128xi32, #tpu.memory_space<vmem>>, vector<1x16xi32>,
      %get3A_182 = vector.shape_cast %get3A_181 : vector<1x16xi32> to vector<16xi32>
      %sub3A_183 = vector.broadcast %mul3A_2 : i32 to vector<16xi32>
      %sub3A_184 = arith.subi %get3A_182, %sub3A_183 : vector<16xi32>
      %ge3A_185 = arith.constant 0 : i32
      %ge3A_186 = vector.broadcast %ge3A_185 : i32 to vector<16xi32>
      %ge3A_187 = arith.cmpi sge, %sub3A_184, %ge3A_186 : vector<16xi32>
      %lt3A_188 = arith.constant 5120 : i32
      %lt3A_189 = vector.broadcast %lt3A_188 : i32 to vector<16xi32>
      %lt3A_190 = arith.cmpi slt, %sub3A_184, %lt3A_189 : vector<16xi32>
      %and3A_191 = arith.andi %ge3A_187, %lt3A_190 : vector<16xi1>
      %broadcast_in_dim3A_192 = vector.broadcast %add3A_5 : i32 to vector<16xi32>
      %select_n3A_193 = arith.select %and3A_191, %sub3A_184, %broadcast_in_dim3A_192 : vector<16xi1>, vector<16xi32>
      %mul3A_194 = arith.constant 16 : i32
      %mul3A_195 = arith.muli %scan3A_176, %mul3A_194 : i32
      %swap3A_196 = arith.constant 0 : i32
      %swap3A_197 = arith.index_cast %swap3A_196 : i32 to index
      %swap3A_198 = arith.index_cast %mul3A_195 : i32 to index
      %swap3A_199 = tpu.vector_load %arg10[%swap3A_197, %swap3A_198] {strides = array<i32>} : memref<1x128xi32, #tpu.memory_space<vmem>>, vector<1x16xi32>,
      %swap3A_200 = vector.shape_cast %swap3A_199 : vector<1x16xi32> to vector<16xi32>
      %swap3A_201 = vector.shape_cast %select_n3A_193 : vector<16xi32> to vector<1x16xi32>
      tpu.vector_store %arg10[%swap3A_197, %swap3A_198], %swap3A_201 {strides = array<i32>} : memref<1x128xi32, #tpu.memory_space<vmem>>, vector<1x16xi32>,
      %scan3A_202 = arith.constant 7 : i32
      %mul3A_203 = arith.constant 16 : i32
      %mul3A_204 = arith.muli %scan3A_202, %mul3A_203 : i32
      %get3A_205 = arith.index_cast %scan3A_16 : i32 to index
      %get3A_206 = arith.index_cast %mul3A_204 : i32 to index
      %get3A_207 = tpu.vector_load %arg9[%get3A_205, %get3A_206] {strides = array<i32>} : memref<158x128xi32, #tpu.memory_space<vmem>>, vector<1x16xi32>,
      %get3A_208 = vector.shape_cast %get3A_207 : vector<1x16xi32> to vector<16xi32>
      %sub3A_209 = vector.broadcast %mul3A_2 : i32 to vector<16xi32>
      %sub3A_210 = arith.subi %get3A_208, %sub3A_209 : vector<16xi32>
      %ge3A_211 = arith.constant 0 : i32
      %ge3A_212 = vector.broadcast %ge3A_211 : i32 to vector<16xi32>
      %ge3A_213 = arith.cmpi sge, %sub3A_210, %ge3A_212 : vector<16xi32>
      %lt3A_214 = arith.constant 5120 : i32
      %lt3A_215 = vector.broadcast %lt3A_214 : i32 to vector<16xi32>
      %lt3A_216 = arith.cmpi slt, %sub3A_210, %lt3A_215 : vector<16xi32>
      %and3A_217 = arith.andi %ge3A_213, %lt3A_216 : vector<16xi1>
      %broadcast_in_dim3A_218 = vector.broadcast %add3A_5 : i32 to vector<16xi32>
      %select_n3A_219 = arith.select %and3A_217, %sub3A_210, %broadcast_in_dim3A_218 : vector<16xi1>, vector<16xi32>
      %mul3A_220 = arith.constant 16 : i32
      %mul3A_221 = arith.muli %scan3A_202, %mul3A_220 : i32
      %swap3A_222 = arith.constant 0 : i32
      %swap3A_223 = arith.index_cast %swap3A_222 : i32 to index
      %swap3A_224 = arith.index_cast %mul3A_221 : i32 to index
      %swap3A_225 = tpu.vector_load %arg10[%swap3A_223, %swap3A_224] {strides = array<i32>} : memref<1x128xi32, #tpu.memory_space<vmem>>, vector<1x16xi32>,
      %swap3A_226 = vector.shape_cast %swap3A_225 : vector<1x16xi32> to vector<16xi32>
      %swap3A_227 = vector.shape_cast %select_n3A_219 : vector<16xi32> to vector<1x16xi32>
      tpu.vector_store %arg10[%swap3A_223, %swap3A_224], %swap3A_227 {strides = array<i32>} : memref<1x128xi32, #tpu.memory_space<vmem>>, vector<1x16xi32>,
      %scan3A_228 = arith.constant 8 : i32
      %dma_wait3A = arith.constant 0 : i32
      %dma_wait3A_229 = tpu.memref_slice %arg8[%scan3A_16, %dma_wait3A] : memref<158x128xi32, #tpu.memory_space<vmem>> -> memref<1x128xi32, #tpu.memory_space<vmem>>
      %dma_wait3A_230 = tpu.memref_squeeze %dma_wait3A_229 : memref<1x128xi32, #tpu.memory_space<vmem>> -> memref<128xi32, #tpu.memory_space<vmem>>
      %dma_wait3A_231 = arith.constant 0 : i32
      %dma_wait3A_232 = arith.constant 0 : i32
      %dma_wait3A_233 = tpu.memref_slice %arg2[%dma_wait3A_231, %dma_wait3A_232] : memref<10240x128xf32, #tpu.memory_space<hbm>> -> memref<10240x128xf32, #tpu.memory_space<hbm>>
      tpu.wait_indirect_dma semaphore(%arg14 : memref<!tpu.dma_semaphore, #tpu.memory_space<semaphore_mem>>) src(%dma_wait3A_233 : memref<10240x128xf32, #tpu.memory_space<hbm>>) dst(%arg11 : memref<128x128xf32, #tpu.memory_space<vmem>>)
      %scan3A_234 = arith.constant 0 : i32
      %scan3A_235 = arith.constant 0 : i32
      %scan3A_236 = arith.constant 128 : i32
      %scan3A_237 = arith.addi %scan3A_235, %scan3A_236 : i32
      %scan3A_238 = arith.constant 1 : i32
      scf.for %scan3A_240 = %scan3A_235 to %scan3A_237 step %scan3A_238  : i32 {
        %get3A_241 = arith.index_cast %scan3A_240 : i32 to index
        %get3A_242 = arith.constant 0 : index
        %get3A_243 = tpu.vector_load %arg11[%get3A_241, %get3A_242] {strides = array<i32>} : memref<128x128xf32, #tpu.memory_space<vmem>>, vector<1x16xf32>,
        %get3A_244 = vector.shape_cast %get3A_243 : vector<1x16xf32> to vector<16xf32>
        %get3A_245 = arith.index_cast %scan3A_240 : i32 to index
        %get3A_246 = arith.constant 0 : index
        %get3A_247 = tpu.vector_load %arg12[%get3A_245, %get3A_246] {strides = array<i32>} : memref<128x128xf32, #tpu.memory_space<vmem>>, vector<1x16xf32>,
        %get3A_248 = vector.shape_cast %get3A_247 : vector<1x16xf32> to vector<16xf32>
        %mul3A_249 = arith.mulf %get3A_244, %get3A_248 : vector<16xf32>
        %swap3A_250 = arith.index_cast %scan3A_240 : i32 to index
        %swap3A_251 = arith.constant 0 : index
        %swap3A_252 = tpu.vector_load %arg11[%swap3A_250, %swap3A_251] {strides = array<i32>} : memref<128x128xf32, #tpu.memory_space<vmem>>, vector<1x16xf32>,
        %swap3A_253 = vector.shape_cast %swap3A_252 : vector<1x16xf32> to vector<16xf32>
        %swap3A_254 = vector.shape_cast %mul3A_249 : vector<16xf32> to vector<1x16xf32>
        tpu.vector_store %arg11[%swap3A_250, %swap3A_251], %swap3A_254 {strides = array<i32>} : memref<128x128xf32, #tpu.memory_space<vmem>>, vector<1x16xf32>,
        %get3A_255 = arith.index_cast %scan3A_240 : i32 to index
        %get3A_256 = arith.constant 16 : index
        %get3A_257 = tpu.vector_load %arg11[%get3A_255, %get3A_256] {strides = array<i32>} : memref<128x128xf32, #tpu.memory_space<vmem>>, vector<1x16xf32>,
        %get3A_258 = vector.shape_cast %get3A_257 : vector<1x16xf32> to vector<16xf32>
        %get3A_259 = arith.index_cast %scan3A_240 : i32 to index
        %get3A_260 = arith.constant 16 : index
        %get3A_261 = tpu.vector_load %arg12[%get3A_259, %get3A_260] {strides = array<i32>} : memref<128x128xf32, #tpu.memory_space<vmem>>, vector<1x16xf32>,
        %get3A_262 = vector.shape_cast %get3A_261 : vector<1x16xf32> to vector<16xf32>
        %mul3A_263 = arith.mulf %get3A_258, %get3A_262 : vector<16xf32>
        %swap3A_264 = arith.index_cast %scan3A_240 : i32 to index
        %swap3A_265 = arith.constant 16 : index
        %swap3A_266 = tpu.vector_load %arg11[%swap3A_264, %swap3A_265] {strides = array<i32>} : memref<128x128xf32, #tpu.memory_space<vmem>>, vector<1x16xf32>,
        %swap3A_267 = vector.shape_cast %swap3A_266 : vector<1x16xf32> to vector<16xf32>
        %swap3A_268 = vector.shape_cast %mul3A_263 : vector<16xf32> to vector<1x16xf32>
        tpu.vector_store %arg11[%swap3A_264, %swap3A_265], %swap3A_268 {strides = array<i32>} : memref<128x128xf32, #tpu.memory_space<vmem>>, vector<1x16xf32>,
        %get3A_269 = arith.index_cast %scan3A_240 : i32 to index
        %get3A_270 = arith.constant 32 : index
        %get3A_271 = tpu.vector_load %arg11[%get3A_269, %get3A_270] {strides = array<i32>} : memref<128x128xf32, #tpu.memory_space<vmem>>, vector<1x16xf32>,
        %get3A_272 = vector.shape_cast %get3A_271 : vector<1x16xf32> to vector<16xf32>
        %get3A_273 = arith.index_cast %scan3A_240 : i32 to index
        %get3A_274 = arith.constant 32 : index
        %get3A_275 = tpu.vector_load %arg12[%get3A_273, %get3A_274] {strides = array<i32>} : memref<128x128xf32, #tpu.memory_space<vmem>>, vector<1x16xf32>,
        %get3A_276 = vector.shape_cast %get3A_275 : vector<1x16xf32> to vector<16xf32>
        %mul3A_277 = arith.mulf %get3A_272, %get3A_276 : vector<16xf32>
        %swap3A_278 = arith.index_cast %scan3A_240 : i32 to index
        %swap3A_279 = arith.constant 32 : index
        %swap3A_280 = tpu.vector_load %arg11[%swap3A_278, %swap3A_279] {strides = array<i32>} : memref<128x128xf32, #tpu.memory_space<vmem>>, vector<1x16xf32>,
        %swap3A_281 = vector.shape_cast %swap3A_280 : vector<1x16xf32> to vector<16xf32>
        %swap3A_282 = vector.shape_cast %mul3A_277 : vector<16xf32> to vector<1x16xf32>
        tpu.vector_store %arg11[%swap3A_278, %swap3A_279], %swap3A_282 {strides = array<i32>} : memref<128x128xf32, #tpu.memory_space<vmem>>, vector<1x16xf32>,
        %get3A_283 = arith.index_cast %scan3A_240 : i32 to index
        %get3A_284 = arith.constant 48 : index
        %get3A_285 = tpu.vector_load %arg11[%get3A_283, %get3A_284] {strides = array<i32>} : memref<128x128xf32, #tpu.memory_space<vmem>>, vector<1x16xf32>,
        %get3A_286 = vector.shape_cast %get3A_285 : vector<1x16xf32> to vector<16xf32>
        %get3A_287 = arith.index_cast %scan3A_240 : i32 to index
        %get3A_288 = arith.constant 48 : index
        %get3A_289 = tpu.vector_load %arg12[%get3A_287, %get3A_288] {strides = array<i32>} : memref<128x128xf32, #tpu.memory_space<vmem>>, vector<1x16xf32>,
        %get3A_290 = vector.shape_cast %get3A_289 : vector<1x16xf32> to vector<16xf32>
        %mul3A_291 = arith.mulf %get3A_286, %get3A_290 : vector<16xf32>
        %swap3A_292 = arith.index_cast %scan3A_240 : i32 to index
        %swap3A_293 = arith.constant 48 : index
        %swap3A_294 = tpu.vector_load %arg11[%swap3A_292, %swap3A_293] {strides = array<i32>} : memref<128x128xf32, #tpu.memory_space<vmem>>, vector<1x16xf32>,
        %swap3A_295 = vector.shape_cast %swap3A_294 : vector<1x16xf32> to vector<16xf32>
        %swap3A_296 = vector.shape_cast %mul3A_291 : vector<16xf32> to vector<1x16xf32>
        tpu.vector_store %arg11[%swap3A_292, %swap3A_293], %swap3A_296 {strides = array<i32>} : memref<128x128xf32, #tpu.memory_space<vmem>>, vector<1x16xf32>,
        %get3A_297 = arith.index_cast %scan3A_240 : i32 to index
        %get3A_298 = arith.constant 64 : index
        %get3A_299 = tpu.vector_load %arg11[%get3A_297, %get3A_298] {strides = array<i32>} : memref<128x128xf32, #tpu.memory_space<vmem>>, vector<1x16xf32>,
        %get3A_300 = vector.shape_cast %get3A_299 : vector<1x16xf32> to vector<16xf32>
        %get3A_301 = arith.index_cast %scan3A_240 : i32 to index
        %get3A_302 = arith.constant 64 : index
        %get3A_303 = tpu.vector_load %arg12[%get3A_301, %get3A_302] {strides = array<i32>} : memref<128x128xf32, #tpu.memory_space<vmem>>, vector<1x16xf32>,
        %get3A_304 = vector.shape_cast %get3A_303 : vector<1x16xf32> to vector<16xf32>
        %mul3A_305 = arith.mulf %get3A_300, %get3A_304 : vector<16xf32>
        %swap3A_306 = arith.index_cast %scan3A_240 : i32 to index
        %swap3A_307 = arith.constant 64 : index
        %swap3A_308 = tpu.vector_load %arg11[%swap3A_306, %swap3A_307] {strides = array<i32>} : memref<128x128xf32, #tpu.memory_space<vmem>>, vector<1x16xf32>,
        %swap3A_309 = vector.shape_cast %swap3A_308 : vector<1x16xf32> to vector<16xf32>
        %swap3A_310 = vector.shape_cast %mul3A_305 : vector<16xf32> to vector<1x16xf32>
        tpu.vector_store %arg11[%swap3A_306, %swap3A_307], %swap3A_310 {strides = array<i32>} : memref<128x128xf32, #tpu.memory_space<vmem>>, vector<1x16xf32>,
        %get3A_311 = arith.index_cast %scan3A_240 : i32 to index
        %get3A_312 = arith.constant 80 : index
        %get3A_313 = tpu.vector_load %arg11[%get3A_311, %get3A_312] {strides = array<i32>} : memref<128x128xf32, #tpu.memory_space<vmem>>, vector<1x16xf32>,
        %get3A_314 = vector.shape_cast %get3A_313 : vector<1x16xf32> to vector<16xf32>
        %get3A_315 = arith.index_cast %scan3A_240 : i32 to index
        %get3A_316 = arith.constant 80 : index
        %get3A_317 = tpu.vector_load %arg12[%get3A_315, %get3A_316] {strides = array<i32>} : memref<128x128xf32, #tpu.memory_space<vmem>>, vector<1x16xf32>,
        %get3A_318 = vector.shape_cast %get3A_317 : vector<1x16xf32> to vector<16xf32>
        %mul3A_319 = arith.mulf %get3A_314, %get3A_318 : vector<16xf32>
        %swap3A_320 = arith.index_cast %scan3A_240 : i32 to index
        %swap3A_321 = arith.constant 80 : index
        %swap3A_322 = tpu.vector_load %arg11[%swap3A_320, %swap3A_321] {strides = array<i32>} : memref<128x128xf32, #tpu.memory_space<vmem>>, vector<1x16xf32>,
        %swap3A_323 = vector.shape_cast %swap3A_322 : vector<1x16xf32> to vector<16xf32>
        %swap3A_324 = vector.shape_cast %mul3A_319 : vector<16xf32> to vector<1x16xf32>
        tpu.vector_store %arg11[%swap3A_320, %swap3A_321], %swap3A_324 {strides = array<i32>} : memref<128x128xf32, #tpu.memory_space<vmem>>, vector<1x16xf32>,
        %get3A_325 = arith.index_cast %scan3A_240 : i32 to index
        %get3A_326 = arith.constant 96 : index
        %get3A_327 = tpu.vector_load %arg11[%get3A_325, %get3A_326] {strides = array<i32>} : memref<128x128xf32, #tpu.memory_space<vmem>>, vector<1x16xf32>,
        %get3A_328 = vector.shape_cast %get3A_327 : vector<1x16xf32> to vector<16xf32>
        %get3A_329 = arith.index_cast %scan3A_240 : i32 to index
        %get3A_330 = arith.constant 96 : index
        %get3A_331 = tpu.vector_load %arg12[%get3A_329, %get3A_330] {strides = array<i32>} : memref<128x128xf32, #tpu.memory_space<vmem>>, vector<1x16xf32>,
        %get3A_332 = vector.shape_cast %get3A_331 : vector<1x16xf32> to vector<16xf32>
        %mul3A_333 = arith.mulf %get3A_328, %get3A_332 : vector<16xf32>
        %swap3A_334 = arith.index_cast %scan3A_240 : i32 to index
        %swap3A_335 = arith.constant 96 : index
        %swap3A_336 = tpu.vector_load %arg11[%swap3A_334, %swap3A_335] {strides = array<i32>} : memref<128x128xf32, #tpu.memory_space<vmem>>, vector<1x16xf32>,
        %swap3A_337 = vector.shape_cast %swap3A_336 : vector<1x16xf32> to vector<16xf32>
        %swap3A_338 = vector.shape_cast %mul3A_333 : vector<16xf32> to vector<1x16xf32>
        tpu.vector_store %arg11[%swap3A_334, %swap3A_335], %swap3A_338 {strides = array<i32>} : memref<128x128xf32, #tpu.memory_space<vmem>>, vector<1x16xf32>,
        %get3A_339 = arith.index_cast %scan3A_240 : i32 to index
        %get3A_340 = arith.constant 112 : index
        %get3A_341 = tpu.vector_load %arg11[%get3A_339, %get3A_340] {strides = array<i32>} : memref<128x128xf32, #tpu.memory_space<vmem>>, vector<1x16xf32>,
        %get3A_342 = vector.shape_cast %get3A_341 : vector<1x16xf32> to vector<16xf32>
        %get3A_343 = arith.index_cast %scan3A_240 : i32 to index
        %get3A_344 = arith.constant 112 : index
        %get3A_345 = tpu.vector_load %arg12[%get3A_343, %get3A_344] {strides = array<i32>} : memref<128x128xf32, #tpu.memory_space<vmem>>, vector<1x16xf32>,
        %get3A_346 = vector.shape_cast %get3A_345 : vector<1x16xf32> to vector<16xf32>
        %mul3A_347 = arith.mulf %get3A_342, %get3A_346 : vector<16xf32>
        %swap3A_348 = arith.index_cast %scan3A_240 : i32 to index
        %swap3A_349 = arith.constant 112 : index
        %swap3A_350 = tpu.vector_load %arg11[%swap3A_348, %swap3A_349] {strides = array<i32>} : memref<128x128xf32, #tpu.memory_space<vmem>>, vector<1x16xf32>,
        %swap3A_351 = vector.shape_cast %swap3A_350 : vector<1x16xf32> to vector<16xf32>
        %swap3A_352 = vector.shape_cast %mul3A_347 : vector<16xf32> to vector<1x16xf32>
        tpu.vector_store %arg11[%swap3A_348, %swap3A_349], %swap3A_352 {strides = array<i32>} : memref<128x128xf32, #tpu.memory_space<vmem>>, vector<1x16xf32>,
      }
      %scan3A_239 = arith.constant 128 : i32
      %run_scoped3A = arith.constant 0 : i32
      "tpu.region"() ({
        %run_scoped3A_240 = tpu.sem_alloc : memref<!tpu.dma_semaphore, #tpu.memory_space<semaphore_mem>>
        %dma_start3A_241 = arith.constant 0 : i32
        %dma_start3A_242 = tpu.memref_slice %arg10[%run_scoped3A, %dma_start3A_241] : memref<1x128xi32, #tpu.memory_space<vmem>> -> memref<1x128xi32, #tpu.memory_space<vmem>>
        %dma_start3A_243 = tpu.memref_squeeze %dma_start3A_242 : memref<1x128xi32, #tpu.memory_space<vmem>> -> memref<128xi32, #tpu.memory_space<vmem>>
        %dma_start3A_244 = arith.constant 0 : i32
        %dma_start3A_245 = arith.constant 0 : i32
        %dma_start3A_246 = tpu.memref_slice %arg13[%dma_start3A_244, %dma_start3A_245] : memref<5248x128xf32, #tpu.memory_space<vmem_shared>> -> memref<5248x128xf32, #tpu.memory_space<vmem_shared>>
        tpu.enqueue_indirect_dma source(%arg11 : memref<128x128xf32, #tpu.memory_space<vmem>>) target(%dma_start3A_246 : memref<5248x128xf32, #tpu.memory_space<vmem_shared>>) offsets(%dma_start3A_243 : memref<128xi32, #tpu.memory_space<vmem>>) semaphore(%run_scoped3A_240 : memref<!tpu.dma_semaphore, #tpu.memory_space<semaphore_mem>>) {add = true}
        %dma_wait3A_247 = arith.constant 0 : i32
        %dma_wait3A_248 = tpu.memref_slice %arg10[%run_scoped3A, %dma_wait3A_247] : memref<1x128xi32, #tpu.memory_space<vmem>> -> memref<1x128xi32, #tpu.memory_space<vmem>>
        %dma_wait3A_249 = tpu.memref_squeeze %dma_wait3A_248 : memref<1x128xi32, #tpu.memory_space<vmem>> -> memref<128xi32, #tpu.memory_space<vmem>>
        %dma_wait3A_250 = arith.constant 0 : i32
        %dma_wait3A_251 = arith.constant 0 : i32
        %dma_wait3A_252 = tpu.memref_slice %arg13[%dma_wait3A_250, %dma_wait3A_251] : memref<5248x128xf32, #tpu.memory_space<vmem_shared>> -> memref<5248x128xf32, #tpu.memory_space<vmem_shared>>
        tpu.wait_indirect_dma semaphore(%run_scoped3A_240 : memref<!tpu.dma_semaphore, #tpu.memory_space<semaphore_mem>>) src(%arg11 : memref<128x128xf32, #tpu.memory_space<vmem>>) dst(%dma_wait3A_252 : memref<5248x128xf32, #tpu.memory_space<vmem_shared>>)
        tpu.yield
      }) : () -> ()
    }
    %scan3A_10 = arith.constant 158 : i32
    %barrier3A_11 = arith.constant 0 : index
    tpu.barrier barrier_id(%barrier3A_11)
    %mul3A_12 = arith.constant 320 : i32
    %mul3A_13 = arith.muli %arg1, %mul3A_12 : i32
    %mul3A_14 = arith.constant 320 : i32
    %mul3A_15 = arith.muli %arg1, %mul3A_14 : i32
    "tpu.region"() ({
      %run_scoped3A = tpu.sem_alloc : memref<!tpu.dma_semaphore, #tpu.memory_space<semaphore_mem>>
      %dma_start3A = arith.constant 0 : i32
      %dma_start3A_16 = tpu.memref_slice %arg7[%arg0, %mul3A_15, %dma_start3A] : memref<2x5120x128xf32, #tpu.memory_space<hbm>> -> memref<1x320x128xf32, #tpu.memory_space<hbm>>
      %dma_start3A_17 = tpu.memref_squeeze %dma_start3A_16 : memref<1x320x128xf32, #tpu.memory_space<hbm>> -> memref<320x128xf32, #tpu.memory_space<hbm>>
      %dma_start3A_18 = arith.constant 0 : i32
      %dma_start3A_19 = tpu.memref_slice %arg13[%mul3A_13, %dma_start3A_18] : memref<5248x128xf32, #tpu.memory_space<vmem_shared>> -> memref<320x128xf32, #tpu.memory_space<vmem_shared>>
      tpu.enqueue_dma source(%dma_start3A_19 : memref<320x128xf32, #tpu.memory_space<vmem_shared>>) target(%dma_start3A_17 : memref<320x128xf32, #tpu.memory_space<hbm>>) target_semaphore(%run_scoped3A : memref<!tpu.dma_semaphore, #tpu.memory_space<semaphore_mem>>)
      %dma_wait3A = arith.constant 0 : i32
      %dma_wait3A_20 = tpu.memref_slice %arg7[%arg0, %mul3A_15, %dma_wait3A] : memref<2x5120x128xf32, #tpu.memory_space<hbm>> -> memref<1x320x128xf32, #tpu.memory_space<hbm>>
      %dma_wait3A_21 = tpu.memref_squeeze %dma_wait3A_20 : memref<1x320x128xf32, #tpu.memory_space<hbm>> -> memref<320x128xf32, #tpu.memory_space<hbm>>
      %dma_wait3A_22 = arith.constant 0 : i32
      %dma_wait3A_23 = tpu.memref_slice %arg13[%mul3A_13, %dma_wait3A_22] : memref<5248x128xf32, #tpu.memory_space<vmem_shared>> -> memref<320x128xf32, #tpu.memory_space<vmem_shared>>
      tpu.wait_dma2 semaphore(%run_scoped3A : memref<!tpu.dma_semaphore, #tpu.memory_space<semaphore_mem>>) src(%dma_wait3A_23 : memref<320x128xf32, #tpu.memory_space<vmem_shared>>) dst(%dma_wait3A_21 : memref<320x128xf32, #tpu.memory_space<hbm>>)
      tpu.yield
    }) : () -> ()
    return
  }
}

#map = affine_map<(d0, d1) -> (0, 0)>
#map1 = affine_map<(d0, d1) -> (0, 0, 0)>
module attributes {stable_mosaic.version = 14 : i64} {
  func.func @msg_scatter(%arg0: i32, %arg1: i32, %arg2: memref<10240x128xf32, #tpu.memory_space<hbm>>, %arg3: memref<323584x128xf32, #tpu.memory_space<hbm>>, %arg4: memref<16x158x128xi32, #tpu.memory_space<hbm>>, %arg5: memref<16x158x128xi32, #tpu.memory_space<hbm>>, %arg6: memref<320x128xf32, #tpu.memory_space<hbm>>, %arg7: memref<2x5120x128xf32, #tpu.memory_space<hbm>>, %arg8: memref<158x128xi32, #tpu.memory_space<vmem>>, %arg9: memref<158x128xi32, #tpu.memory_space<vmem>>, %arg10: memref<1x128xi32, #tpu.memory_space<vmem>>, %arg11: memref<128x128xf32, #tpu.memory_space<vmem>>, %arg12: memref<128x128xf32, #tpu.memory_space<vmem>>, %arg13: memref<5248x128xf32, #tpu.memory_space<vmem_shared>>, %arg14: memref<!tpu.dma_semaphore, #tpu.memory_space<semaphore_mem>>) attributes {dimension_semantics = [#tpu.dimension_semantics<core_parallel>, #tpu.dimension_semantics<subcore_parallel>], iteration_bounds = array<i64: 2, 16>, scalar_prefetch = 0 : i64, scratch_operands = 7 : i64, tpu.core_type = #tpu.core_type<sc_vector_subcore>, window_params = [{transform_indices = #map}, {transform_indices = #map}, {transform_indices = #map1}, {transform_indices = #map1}, {transform_indices = #map}, {transform_indices = #map1}]} {
    %mul3A = arith.constant 320 : i32
    %mul3A_0 = arith.muli %arg1, %mul3A : i32
    "tpu.region"() ({
      %run_scoped3A = tpu.sem_alloc : memref<!tpu.dma_semaphore, #tpu.memory_space<semaphore_mem>>
      %dma_start3A = arith.constant 0 : i32
      %dma_start3A_16 = tpu.memref_slice %arg13[%mul3A_0, %dma_start3A] : memref<5248x128xf32, #tpu.memory_space<vmem_shared>> -> memref<320x128xf32, #tpu.memory_space<vmem_shared>>
      tpu.enqueue_dma source(%arg6 : memref<320x128xf32, #tpu.memory_space<hbm>>) target(%dma_start3A_16 : memref<320x128xf32, #tpu.memory_space<vmem_shared>>) target_semaphore(%run_scoped3A : memref<!tpu.dma_semaphore, #tpu.memory_space<semaphore_mem>>)
      %dma_wait3A = arith.constant 0 : i32
      %dma_wait3A_17 = tpu.memref_slice %arg13[%mul3A_0, %dma_wait3A] : memref<5248x128xf32, #tpu.memory_space<vmem_shared>> -> memref<320x128xf32, #tpu.memory_space<vmem_shared>>
      tpu.wait_dma2 semaphore(%run_scoped3A : memref<!tpu.dma_semaphore, #tpu.memory_space<semaphore_mem>>) src(%arg6 : memref<320x128xf32, #tpu.memory_space<hbm>>) dst(%dma_wait3A_17 : memref<320x128xf32, #tpu.memory_space<vmem_shared>>)
      tpu.yield
    }) : () -> ()
    %barrier3A = arith.constant 0 : index
    tpu.barrier barrier_id(%barrier3A)
    "tpu.region"() ({
      %run_scoped3A = tpu.sem_alloc : memref<!tpu.dma_semaphore, #tpu.memory_space<semaphore_mem>>
      %dma_start3A = arith.constant 0 : i32
      %dma_start3A_16 = arith.constant 0 : i32
      %dma_start3A_17 = tpu.memref_slice %arg4[%arg1, %dma_start3A, %dma_start3A_16] : memref<16x158x128xi32, #tpu.memory_space<hbm>> -> memref<1x158x128xi32, #tpu.memory_space<hbm>>
      %dma_start3A_18 = tpu.memref_squeeze %dma_start3A_17 : memref<1x158x128xi32, #tpu.memory_space<hbm>> -> memref<158x128xi32, #tpu.memory_space<hbm>>
      %dma_start3A_19 = arith.constant 0 : i32
      %dma_start3A_20 = arith.constant 0 : i32
      %dma_start3A_21 = tpu.memref_slice %arg4[%arg1, %dma_start3A_19, %dma_start3A_20] : memref<16x158x128xi32, #tpu.memory_space<hbm>> -> memref<1x158x128xi32, #tpu.memory_space<hbm>>
      %dma_start3A_22 = tpu.memref_squeeze %dma_start3A_21 : memref<1x158x128xi32, #tpu.memory_space<hbm>> -> memref<158x128xi32, #tpu.memory_space<hbm>>
      tpu.enqueue_dma source(%dma_start3A_22 : memref<158x128xi32, #tpu.memory_space<hbm>>) target(%arg8 : memref<158x128xi32, #tpu.memory_space<vmem>>) target_semaphore(%run_scoped3A : memref<!tpu.dma_semaphore, #tpu.memory_space<semaphore_mem>>)
      %dma_wait3A = arith.constant 0 : i32
      %dma_wait3A_23 = arith.constant 0 : i32
      %dma_wait3A_24 = tpu.memref_slice %arg4[%arg1, %dma_wait3A, %dma_wait3A_23] : memref<16x158x128xi32, #tpu.memory_space<hbm>> -> memref<1x158x128xi32, #tpu.memory_space<hbm>>
      %dma_wait3A_25 = tpu.memref_squeeze %dma_wait3A_24 : memref<1x158x128xi32, #tpu.memory_space<hbm>> -> memref<158x128xi32, #tpu.memory_space<hbm>>
      %dma_wait3A_26 = arith.constant 0 : i32
      %dma_wait3A_27 = arith.constant 0 : i32
      %dma_wait3A_28 = tpu.memref_slice %arg4[%arg1, %dma_wait3A_26, %dma_wait3A_27] : memref<16x158x128xi32, #tpu.memory_space<hbm>> -> memref<1x158x128xi32, #tpu.memory_space<hbm>>
      %dma_wait3A_29 = tpu.memref_squeeze %dma_wait3A_28 : memref<1x158x128xi32, #tpu.memory_space<hbm>> -> memref<158x128xi32, #tpu.memory_space<hbm>>
      tpu.wait_dma2 semaphore(%run_scoped3A : memref<!tpu.dma_semaphore, #tpu.memory_space<semaphore_mem>>) src(%dma_wait3A_29 : memref<158x128xi32, #tpu.memory_space<hbm>>) dst(%arg8 : memref<158x128xi32, #tpu.memory_space<vmem>>)
      tpu.yield
    }) : () -> ()
    "tpu.region"() ({
      %run_scoped3A = tpu.sem_alloc : memref<!tpu.dma_semaphore, #tpu.memory_space<semaphore_mem>>
      %dma_start3A = arith.constant 0 : i32
      %dma_start3A_16 = arith.constant 0 : i32
      %dma_start3A_17 = tpu.memref_slice %arg5[%arg1, %dma_start3A, %dma_start3A_16] : memref<16x158x128xi32, #tpu.memory_space<hbm>> -> memref<1x158x128xi32, #tpu.memory_space<hbm>>
      %dma_start3A_18 = tpu.memref_squeeze %dma_start3A_17 : memref<1x158x128xi32, #tpu.memory_space<hbm>> -> memref<158x128xi32, #tpu.memory_space<hbm>>
      %dma_start3A_19 = arith.constant 0 : i32
      %dma_start3A_20 = arith.constant 0 : i32
      %dma_start3A_21 = tpu.memref_slice %arg5[%arg1, %dma_start3A_19, %dma_start3A_20] : memref<16x158x128xi32, #tpu.memory_space<hbm>> -> memref<1x158x128xi32, #tpu.memory_space<hbm>>
      %dma_start3A_22 = tpu.memref_squeeze %dma_start3A_21 : memref<1x158x128xi32, #tpu.memory_space<hbm>> -> memref<158x128xi32, #tpu.memory_space<hbm>>
      tpu.enqueue_dma source(%dma_start3A_22 : memref<158x128xi32, #tpu.memory_space<hbm>>) target(%arg9 : memref<158x128xi32, #tpu.memory_space<vmem>>) target_semaphore(%run_scoped3A : memref<!tpu.dma_semaphore, #tpu.memory_space<semaphore_mem>>)
      %dma_wait3A = arith.constant 0 : i32
      %dma_wait3A_23 = arith.constant 0 : i32
      %dma_wait3A_24 = tpu.memref_slice %arg5[%arg1, %dma_wait3A, %dma_wait3A_23] : memref<16x158x128xi32, #tpu.memory_space<hbm>> -> memref<1x158x128xi32, #tpu.memory_space<hbm>>
      %dma_wait3A_25 = tpu.memref_squeeze %dma_wait3A_24 : memref<1x158x128xi32, #tpu.memory_space<hbm>> -> memref<158x128xi32, #tpu.memory_space<hbm>>
      %dma_wait3A_26 = arith.constant 0 : i32
      %dma_wait3A_27 = arith.constant 0 : i32
      %dma_wait3A_28 = tpu.memref_slice %arg5[%arg1, %dma_wait3A_26, %dma_wait3A_27] : memref<16x158x128xi32, #tpu.memory_space<hbm>> -> memref<1x158x128xi32, #tpu.memory_space<hbm>>
      %dma_wait3A_29 = tpu.memref_squeeze %dma_wait3A_28 : memref<1x158x128xi32, #tpu.memory_space<hbm>> -> memref<158x128xi32, #tpu.memory_space<hbm>>
      tpu.wait_dma2 semaphore(%run_scoped3A : memref<!tpu.dma_semaphore, #tpu.memory_space<semaphore_mem>>) src(%dma_wait3A_29 : memref<158x128xi32, #tpu.memory_space<hbm>>) dst(%arg9 : memref<158x128xi32, #tpu.memory_space<vmem>>)
      tpu.yield
    }) : () -> ()
    %mul3A_1 = arith.constant 5120 : i32
    %mul3A_2 = arith.muli %arg0, %mul3A_1 : i32
    %mul3A_3 = arith.constant 8 : i32
    %mul3A_4 = arith.muli %arg1, %mul3A_3 : i32
    %add3A = arith.constant 5120 : i32
    %add3A_5 = arith.addi %add3A, %mul3A_4 : i32
    %scan3A = arith.constant 0 : i32
    %scan3A_6 = arith.constant 0 : i32
    %scan3A_7 = arith.constant 158 : i32
    %scan3A_8 = arith.addi %scan3A_6, %scan3A_7 : i32
    %scan3A_9 = arith.constant 1 : i32
    scf.for %scan3A_16 = %scan3A_6 to %scan3A_8 step %scan3A_9  : i32 {
      %dma_start3A = arith.constant 0 : i32
      %dma_start3A_17 = tpu.memref_slice %arg8[%scan3A_16, %dma_start3A] : memref<158x128xi32, #tpu.memory_space<vmem>> -> memref<1x128xi32, #tpu.memory_space<vmem>>
      %dma_start3A_18 = tpu.memref_squeeze %dma_start3A_17 : memref<1x128xi32, #tpu.memory_space<vmem>> -> memref<128xi32, #tpu.memory_space<vmem>>
      %dma_start3A_19 = arith.constant 0 : i32
      %dma_start3A_20 = arith.constant 0 : i32
      %dma_start3A_21 = tpu.memref_slice %arg2[%dma_start3A_19, %dma_start3A_20] : memref<10240x128xf32, #tpu.memory_space<hbm>> -> memref<10240x128xf32, #tpu.memory_space<hbm>>
      tpu.enqueue_indirect_dma source(%dma_start3A_21 : memref<10240x128xf32, #tpu.memory_space<hbm>>) target(%arg11 : memref<128x128xf32, #tpu.memory_space<vmem>>) offsets(%dma_start3A_18 : memref<128xi32, #tpu.memory_space<vmem>>) semaphore(%arg14 : memref<!tpu.dma_semaphore, #tpu.memory_space<semaphore_mem>>)
      %mul3A_22 = arith.constant 158 : i32
      %mul3A_23 = arith.muli %arg1, %mul3A_22 : i32
      %add3A_24 = arith.addi %mul3A_23, %scan3A_16 : i32
      %mul3A_25 = arith.constant 128 : i32
      %mul3A_26 = arith.muli %add3A_24, %mul3A_25 : i32
      "tpu.region"() ({
        %run_scoped3A_240 = tpu.sem_alloc : memref<!tpu.dma_semaphore, #tpu.memory_space<semaphore_mem>>
        %dma_start3A_241 = arith.constant 0 : i32
        %dma_start3A_242 = tpu.memref_slice %arg3[%mul3A_26, %dma_start3A_241] : memref<323584x128xf32, #tpu.memory_space<hbm>> -> memref<128x128xf32, #tpu.memory_space<hbm>>
        %dma_start3A_243 = arith.constant 0 : i32
        %dma_start3A_244 = tpu.memref_slice %arg3[%mul3A_26, %dma_start3A_243] : memref<323584x128xf32, #tpu.memory_space<hbm>> -> memref<128x128xf32, #tpu.memory_space<hbm>>
        tpu.enqueue_dma source(%dma_start3A_244 : memref<128x128xf32, #tpu.memory_space<hbm>>) target(%arg12 : memref<128x128xf32, #tpu.memory_space<vmem>>) target_semaphore(%run_scoped3A_240 : memref<!tpu.dma_semaphore, #tpu.memory_space<semaphore_mem>>)
        %dma_wait3A_245 = arith.constant 0 : i32
        %dma_wait3A_246 = tpu.memref_slice %arg3[%mul3A_26, %dma_wait3A_245] : memref<323584x128xf32, #tpu.memory_space<hbm>> -> memref<128x128xf32, #tpu.memory_space<hbm>>
        %dma_wait3A_247 = arith.constant 0 : i32
        %dma_wait3A_248 = tpu.memref_slice %arg3[%mul3A_26, %dma_wait3A_247] : memref<323584x128xf32, #tpu.memory_space<hbm>> -> memref<128x128xf32, #tpu.memory_space<hbm>>
        tpu.wait_dma2 semaphore(%run_scoped3A_240 : memref<!tpu.dma_semaphore, #tpu.memory_space<semaphore_mem>>) src(%dma_wait3A_248 : memref<128x128xf32, #tpu.memory_space<hbm>>) dst(%arg12 : memref<128x128xf32, #tpu.memory_space<vmem>>)
        tpu.yield
      }) : () -> ()
      %scan3A_27 = arith.constant 0 : i32
      %scan3A_28 = arith.constant 0 : i32
      %mul3A_29 = arith.constant 16 : i32
      %mul3A_30 = arith.muli %scan3A_28, %mul3A_29 : i32
      %get3A = arith.index_cast %scan3A_16 : i32 to index
      %get3A_31 = arith.index_cast %mul3A_30 : i32 to index
      %get3A_32 = tpu.vector_load %arg9[%get3A, %get3A_31] {strides = array<i32>} : memref<158x128xi32, #tpu.memory_space<vmem>>, vector<1x16xi32>,
      %get3A_33 = vector.shape_cast %get3A_32 : vector<1x16xi32> to vector<16xi32>
      %sub3A = vector.broadcast %mul3A_2 : i32 to vector<16xi32>
      %sub3A_34 = arith.subi %get3A_33, %sub3A : vector<16xi32>
      %ge3A = arith.constant 0 : i32
      %ge3A_35 = vector.broadcast %ge3A : i32 to vector<16xi32>
      %ge3A_36 = arith.cmpi sge, %sub3A_34, %ge3A_35 : vector<16xi32>
      %lt3A = arith.constant 5120 : i32
      %lt3A_37 = vector.broadcast %lt3A : i32 to vector<16xi32>
      %lt3A_38 = arith.cmpi slt, %sub3A_34, %lt3A_37 : vector<16xi32>
      %and3A = arith.andi %ge3A_36, %lt3A_38 : vector<16xi1>
      %broadcast_in_dim3A = vector.broadcast %add3A_5 : i32 to vector<16xi32>
      %select_n3A = arith.select %and3A, %sub3A_34, %broadcast_in_dim3A : vector<16xi1>, vector<16xi32>
      %mul3A_39 = arith.constant 16 : i32
      %mul3A_40 = arith.muli %scan3A_28, %mul3A_39 : i32
      %swap3A = arith.constant 0 : i32
      %swap3A_41 = arith.index_cast %swap3A : i32 to index
      %swap3A_42 = arith.index_cast %mul3A_40 : i32 to index
      %swap3A_43 = tpu.vector_load %arg10[%swap3A_41, %swap3A_42] {strides = array<i32>} : memref<1x128xi32, #tpu.memory_space<vmem>>, vector<1x16xi32>,
      %swap3A_44 = vector.shape_cast %swap3A_43 : vector<1x16xi32> to vector<16xi32>
      %swap3A_45 = vector.shape_cast %select_n3A : vector<16xi32> to vector<1x16xi32>
      tpu.vector_store %arg10[%swap3A_41, %swap3A_42], %swap3A_45 {strides = array<i32>} : memref<1x128xi32, #tpu.memory_space<vmem>>, vector<1x16xi32>,
      %scan3A_46 = arith.constant 1 : i32
      %mul3A_47 = arith.constant 16 : i32
      %mul3A_48 = arith.muli %scan3A_46, %mul3A_47 : i32
      %get3A_49 = arith.index_cast %scan3A_16 : i32 to index
      %get3A_50 = arith.index_cast %mul3A_48 : i32 to index
      %get3A_51 = tpu.vector_load %arg9[%get3A_49, %get3A_50] {strides = array<i32>} : memref<158x128xi32, #tpu.memory_space<vmem>>, vector<1x16xi32>,
      %get3A_52 = vector.shape_cast %get3A_51 : vector<1x16xi32> to vector<16xi32>
      %sub3A_53 = vector.broadcast %mul3A_2 : i32 to vector<16xi32>
      %sub3A_54 = arith.subi %get3A_52, %sub3A_53 : vector<16xi32>
      %ge3A_55 = arith.constant 0 : i32
      %ge3A_56 = vector.broadcast %ge3A_55 : i32 to vector<16xi32>
      %ge3A_57 = arith.cmpi sge, %sub3A_54, %ge3A_56 : vector<16xi32>
      %lt3A_58 = arith.constant 5120 : i32
      %lt3A_59 = vector.broadcast %lt3A_58 : i32 to vector<16xi32>
      %lt3A_60 = arith.cmpi slt, %sub3A_54, %lt3A_59 : vector<16xi32>
      %and3A_61 = arith.andi %ge3A_57, %lt3A_60 : vector<16xi1>
      %broadcast_in_dim3A_62 = vector.broadcast %add3A_5 : i32 to vector<16xi32>
      %select_n3A_63 = arith.select %and3A_61, %sub3A_54, %broadcast_in_dim3A_62 : vector<16xi1>, vector<16xi32>
      %mul3A_64 = arith.constant 16 : i32
      %mul3A_65 = arith.muli %scan3A_46, %mul3A_64 : i32
      %swap3A_66 = arith.constant 0 : i32
      %swap3A_67 = arith.index_cast %swap3A_66 : i32 to index
      %swap3A_68 = arith.index_cast %mul3A_65 : i32 to index
      %swap3A_69 = tpu.vector_load %arg10[%swap3A_67, %swap3A_68] {strides = array<i32>} : memref<1x128xi32, #tpu.memory_space<vmem>>, vector<1x16xi32>,
      %swap3A_70 = vector.shape_cast %swap3A_69 : vector<1x16xi32> to vector<16xi32>
      %swap3A_71 = vector.shape_cast %select_n3A_63 : vector<16xi32> to vector<1x16xi32>
      tpu.vector_store %arg10[%swap3A_67, %swap3A_68], %swap3A_71 {strides = array<i32>} : memref<1x128xi32, #tpu.memory_space<vmem>>, vector<1x16xi32>,
      %scan3A_72 = arith.constant 2 : i32
      %mul3A_73 = arith.constant 16 : i32
      %mul3A_74 = arith.muli %scan3A_72, %mul3A_73 : i32
      %get3A_75 = arith.index_cast %scan3A_16 : i32 to index
      %get3A_76 = arith.index_cast %mul3A_74 : i32 to index
      %get3A_77 = tpu.vector_load %arg9[%get3A_75, %get3A_76] {strides = array<i32>} : memref<158x128xi32, #tpu.memory_space<vmem>>, vector<1x16xi32>,
      %get3A_78 = vector.shape_cast %get3A_77 : vector<1x16xi32> to vector<16xi32>
      %sub3A_79 = vector.broadcast %mul3A_2 : i32 to vector<16xi32>
      %sub3A_80 = arith.subi %get3A_78, %sub3A_79 : vector<16xi32>
      %ge3A_81 = arith.constant 0 : i32
      %ge3A_82 = vector.broadcast %ge3A_81 : i32 to vector<16xi32>
      %ge3A_83 = arith.cmpi sge, %sub3A_80, %ge3A_82 : vector<16xi32>
      %lt3A_84 = arith.constant 5120 : i32
      %lt3A_85 = vector.broadcast %lt3A_84 : i32 to vector<16xi32>
      %lt3A_86 = arith.cmpi slt, %sub3A_80, %lt3A_85 : vector<16xi32>
      %and3A_87 = arith.andi %ge3A_83, %lt3A_86 : vector<16xi1>
      %broadcast_in_dim3A_88 = vector.broadcast %add3A_5 : i32 to vector<16xi32>
      %select_n3A_89 = arith.select %and3A_87, %sub3A_80, %broadcast_in_dim3A_88 : vector<16xi1>, vector<16xi32>
      %mul3A_90 = arith.constant 16 : i32
      %mul3A_91 = arith.muli %scan3A_72, %mul3A_90 : i32
      %swap3A_92 = arith.constant 0 : i32
      %swap3A_93 = arith.index_cast %swap3A_92 : i32 to index
      %swap3A_94 = arith.index_cast %mul3A_91 : i32 to index
      %swap3A_95 = tpu.vector_load %arg10[%swap3A_93, %swap3A_94] {strides = array<i32>} : memref<1x128xi32, #tpu.memory_space<vmem>>, vector<1x16xi32>,
      %swap3A_96 = vector.shape_cast %swap3A_95 : vector<1x16xi32> to vector<16xi32>
      %swap3A_97 = vector.shape_cast %select_n3A_89 : vector<16xi32> to vector<1x16xi32>
      tpu.vector_store %arg10[%swap3A_93, %swap3A_94], %swap3A_97 {strides = array<i32>} : memref<1x128xi32, #tpu.memory_space<vmem>>, vector<1x16xi32>,
      %scan3A_98 = arith.constant 3 : i32
      %mul3A_99 = arith.constant 16 : i32
      %mul3A_100 = arith.muli %scan3A_98, %mul3A_99 : i32
      %get3A_101 = arith.index_cast %scan3A_16 : i32 to index
      %get3A_102 = arith.index_cast %mul3A_100 : i32 to index
      %get3A_103 = tpu.vector_load %arg9[%get3A_101, %get3A_102] {strides = array<i32>} : memref<158x128xi32, #tpu.memory_space<vmem>>, vector<1x16xi32>,
      %get3A_104 = vector.shape_cast %get3A_103 : vector<1x16xi32> to vector<16xi32>
      %sub3A_105 = vector.broadcast %mul3A_2 : i32 to vector<16xi32>
      %sub3A_106 = arith.subi %get3A_104, %sub3A_105 : vector<16xi32>
      %ge3A_107 = arith.constant 0 : i32
      %ge3A_108 = vector.broadcast %ge3A_107 : i32 to vector<16xi32>
      %ge3A_109 = arith.cmpi sge, %sub3A_106, %ge3A_108 : vector<16xi32>
      %lt3A_110 = arith.constant 5120 : i32
      %lt3A_111 = vector.broadcast %lt3A_110 : i32 to vector<16xi32>
      %lt3A_112 = arith.cmpi slt, %sub3A_106, %lt3A_111 : vector<16xi32>
      %and3A_113 = arith.andi %ge3A_109, %lt3A_112 : vector<16xi1>
      %broadcast_in_dim3A_114 = vector.broadcast %add3A_5 : i32 to vector<16xi32>
      %select_n3A_115 = arith.select %and3A_113, %sub3A_106, %broadcast_in_dim3A_114 : vector<16xi1>, vector<16xi32>
      %mul3A_116 = arith.constant 16 : i32
      %mul3A_117 = arith.muli %scan3A_98, %mul3A_116 : i32
      %swap3A_118 = arith.constant 0 : i32
      %swap3A_119 = arith.index_cast %swap3A_118 : i32 to index
      %swap3A_120 = arith.index_cast %mul3A_117 : i32 to index
      %swap3A_121 = tpu.vector_load %arg10[%swap3A_119, %swap3A_120] {strides = array<i32>} : memref<1x128xi32, #tpu.memory_space<vmem>>, vector<1x16xi32>,
      %swap3A_122 = vector.shape_cast %swap3A_121 : vector<1x16xi32> to vector<16xi32>
      %swap3A_123 = vector.shape_cast %select_n3A_115 : vector<16xi32> to vector<1x16xi32>
      tpu.vector_store %arg10[%swap3A_119, %swap3A_120], %swap3A_123 {strides = array<i32>} : memref<1x128xi32, #tpu.memory_space<vmem>>, vector<1x16xi32>,
      %scan3A_124 = arith.constant 4 : i32
      %mul3A_125 = arith.constant 16 : i32
      %mul3A_126 = arith.muli %scan3A_124, %mul3A_125 : i32
      %get3A_127 = arith.index_cast %scan3A_16 : i32 to index
      %get3A_128 = arith.index_cast %mul3A_126 : i32 to index
      %get3A_129 = tpu.vector_load %arg9[%get3A_127, %get3A_128] {strides = array<i32>} : memref<158x128xi32, #tpu.memory_space<vmem>>, vector<1x16xi32>,
      %get3A_130 = vector.shape_cast %get3A_129 : vector<1x16xi32> to vector<16xi32>
      %sub3A_131 = vector.broadcast %mul3A_2 : i32 to vector<16xi32>
      %sub3A_132 = arith.subi %get3A_130, %sub3A_131 : vector<16xi32>
      %ge3A_133 = arith.constant 0 : i32
      %ge3A_134 = vector.broadcast %ge3A_133 : i32 to vector<16xi32>
      %ge3A_135 = arith.cmpi sge, %sub3A_132, %ge3A_134 : vector<16xi32>
      %lt3A_136 = arith.constant 5120 : i32
      %lt3A_137 = vector.broadcast %lt3A_136 : i32 to vector<16xi32>
      %lt3A_138 = arith.cmpi slt, %sub3A_132, %lt3A_137 : vector<16xi32>
      %and3A_139 = arith.andi %ge3A_135, %lt3A_138 : vector<16xi1>
      %broadcast_in_dim3A_140 = vector.broadcast %add3A_5 : i32 to vector<16xi32>
      %select_n3A_141 = arith.select %and3A_139, %sub3A_132, %broadcast_in_dim3A_140 : vector<16xi1>, vector<16xi32>
      %mul3A_142 = arith.constant 16 : i32
      %mul3A_143 = arith.muli %scan3A_124, %mul3A_142 : i32
      %swap3A_144 = arith.constant 0 : i32
      %swap3A_145 = arith.index_cast %swap3A_144 : i32 to index
      %swap3A_146 = arith.index_cast %mul3A_143 : i32 to index
      %swap3A_147 = tpu.vector_load %arg10[%swap3A_145, %swap3A_146] {strides = array<i32>} : memref<1x128xi32, #tpu.memory_space<vmem>>, vector<1x16xi32>,
      %swap3A_148 = vector.shape_cast %swap3A_147 : vector<1x16xi32> to vector<16xi32>
      %swap3A_149 = vector.shape_cast %select_n3A_141 : vector<16xi32> to vector<1x16xi32>
      tpu.vector_store %arg10[%swap3A_145, %swap3A_146], %swap3A_149 {strides = array<i32>} : memref<1x128xi32, #tpu.memory_space<vmem>>, vector<1x16xi32>,
      %scan3A_150 = arith.constant 5 : i32
      %mul3A_151 = arith.constant 16 : i32
      %mul3A_152 = arith.muli %scan3A_150, %mul3A_151 : i32
      %get3A_153 = arith.index_cast %scan3A_16 : i32 to index
      %get3A_154 = arith.index_cast %mul3A_152 : i32 to index
      %get3A_155 = tpu.vector_load %arg9[%get3A_153, %get3A_154] {strides = array<i32>} : memref<158x128xi32, #tpu.memory_space<vmem>>, vector<1x16xi32>,
      %get3A_156 = vector.shape_cast %get3A_155 : vector<1x16xi32> to vector<16xi32>
      %sub3A_157 = vector.broadcast %mul3A_2 : i32 to vector<16xi32>
      %sub3A_158 = arith.subi %get3A_156, %sub3A_157 : vector<16xi32>
      %ge3A_159 = arith.constant 0 : i32
      %ge3A_160 = vector.broadcast %ge3A_159 : i32 to vector<16xi32>
      %ge3A_161 = arith.cmpi sge, %sub3A_158, %ge3A_160 : vector<16xi32>
      %lt3A_162 = arith.constant 5120 : i32
      %lt3A_163 = vector.broadcast %lt3A_162 : i32 to vector<16xi32>
      %lt3A_164 = arith.cmpi slt, %sub3A_158, %lt3A_163 : vector<16xi32>
      %and3A_165 = arith.andi %ge3A_161, %lt3A_164 : vector<16xi1>
      %broadcast_in_dim3A_166 = vector.broadcast %add3A_5 : i32 to vector<16xi32>
      %select_n3A_167 = arith.select %and3A_165, %sub3A_158, %broadcast_in_dim3A_166 : vector<16xi1>, vector<16xi32>
      %mul3A_168 = arith.constant 16 : i32
      %mul3A_169 = arith.muli %scan3A_150, %mul3A_168 : i32
      %swap3A_170 = arith.constant 0 : i32
      %swap3A_171 = arith.index_cast %swap3A_170 : i32 to index
      %swap3A_172 = arith.index_cast %mul3A_169 : i32 to index
      %swap3A_173 = tpu.vector_load %arg10[%swap3A_171, %swap3A_172] {strides = array<i32>} : memref<1x128xi32, #tpu.memory_space<vmem>>, vector<1x16xi32>,
      %swap3A_174 = vector.shape_cast %swap3A_173 : vector<1x16xi32> to vector<16xi32>
      %swap3A_175 = vector.shape_cast %select_n3A_167 : vector<16xi32> to vector<1x16xi32>
      tpu.vector_store %arg10[%swap3A_171, %swap3A_172], %swap3A_175 {strides = array<i32>} : memref<1x128xi32, #tpu.memory_space<vmem>>, vector<1x16xi32>,
      %scan3A_176 = arith.constant 6 : i32
      %mul3A_177 = arith.constant 16 : i32
      %mul3A_178 = arith.muli %scan3A_176, %mul3A_177 : i32
      %get3A_179 = arith.index_cast %scan3A_16 : i32 to index
      %get3A_180 = arith.index_cast %mul3A_178 : i32 to index
      %get3A_181 = tpu.vector_load %arg9[%get3A_179, %get3A_180] {strides = array<i32>} : memref<158x128xi32, #tpu.memory_space<vmem>>, vector<1x16xi32>,
      %get3A_182 = vector.shape_cast %get3A_181 : vector<1x16xi32> to vector<16xi32>
      %sub3A_183 = vector.broadcast %mul3A_2 : i32 to vector<16xi32>
      %sub3A_184 = arith.subi %get3A_182, %sub3A_183 : vector<16xi32>
      %ge3A_185 = arith.constant 0 : i32
      %ge3A_186 = vector.broadcast %ge3A_185 : i32 to vector<16xi32>
      %ge3A_187 = arith.cmpi sge, %sub3A_184, %ge3A_186 : vector<16xi32>
      %lt3A_188 = arith.constant 5120 : i32
      %lt3A_189 = vector.broadcast %lt3A_188 : i32 to vector<16xi32>
      %lt3A_190 = arith.cmpi slt, %sub3A_184, %lt3A_189 : vector<16xi32>
      %and3A_191 = arith.andi %ge3A_187, %lt3A_190 : vector<16xi1>
      %broadcast_in_dim3A_192 = vector.broadcast %add3A_5 : i32 to vector<16xi32>
      %select_n3A_193 = arith.select %and3A_191, %sub3A_184, %broadcast_in_dim3A_192 : vector<16xi1>, vector<16xi32>
      %mul3A_194 = arith.constant 16 : i32
      %mul3A_195 = arith.muli %scan3A_176, %mul3A_194 : i32
      %swap3A_196 = arith.constant 0 : i32
      %swap3A_197 = arith.index_cast %swap3A_196 : i32 to index
      %swap3A_198 = arith.index_cast %mul3A_195 : i32 to index
      %swap3A_199 = tpu.vector_load %arg10[%swap3A_197, %swap3A_198] {strides = array<i32>} : memref<1x128xi32, #tpu.memory_space<vmem>>, vector<1x16xi32>,
      %swap3A_200 = vector.shape_cast %swap3A_199 : vector<1x16xi32> to vector<16xi32>
      %swap3A_201 = vector.shape_cast %select_n3A_193 : vector<16xi32> to vector<1x16xi32>
      tpu.vector_store %arg10[%swap3A_197, %swap3A_198], %swap3A_201 {strides = array<i32>} : memref<1x128xi32, #tpu.memory_space<vmem>>, vector<1x16xi32>,
      %scan3A_202 = arith.constant 7 : i32
      %mul3A_203 = arith.constant 16 : i32
      %mul3A_204 = arith.muli %scan3A_202, %mul3A_203 : i32
      %get3A_205 = arith.index_cast %scan3A_16 : i32 to index
      %get3A_206 = arith.index_cast %mul3A_204 : i32 to index
      %get3A_207 = tpu.vector_load %arg9[%get3A_205, %get3A_206] {strides = array<i32>} : memref<158x128xi32, #tpu.memory_space<vmem>>, vector<1x16xi32>,
      %get3A_208 = vector.shape_cast %get3A_207 : vector<1x16xi32> to vector<16xi32>
      %sub3A_209 = vector.broadcast %mul3A_2 : i32 to vector<16xi32>
      %sub3A_210 = arith.subi %get3A_208, %sub3A_209 : vector<16xi32>
      %ge3A_211 = arith.constant 0 : i32
      %ge3A_212 = vector.broadcast %ge3A_211 : i32 to vector<16xi32>
      %ge3A_213 = arith.cmpi sge, %sub3A_210, %ge3A_212 : vector<16xi32>
      %lt3A_214 = arith.constant 5120 : i32
      %lt3A_215 = vector.broadcast %lt3A_214 : i32 to vector<16xi32>
      %lt3A_216 = arith.cmpi slt, %sub3A_210, %lt3A_215 : vector<16xi32>
      %and3A_217 = arith.andi %ge3A_213, %lt3A_216 : vector<16xi1>
      %broadcast_in_dim3A_218 = vector.broadcast %add3A_5 : i32 to vector<16xi32>
      %select_n3A_219 = arith.select %and3A_217, %sub3A_210, %broadcast_in_dim3A_218 : vector<16xi1>, vector<16xi32>
      %mul3A_220 = arith.constant 16 : i32
      %mul3A_221 = arith.muli %scan3A_202, %mul3A_220 : i32
      %swap3A_222 = arith.constant 0 : i32
      %swap3A_223 = arith.index_cast %swap3A_222 : i32 to index
      %swap3A_224 = arith.index_cast %mul3A_221 : i32 to index
      %swap3A_225 = tpu.vector_load %arg10[%swap3A_223, %swap3A_224] {strides = array<i32>} : memref<1x128xi32, #tpu.memory_space<vmem>>, vector<1x16xi32>,
      %swap3A_226 = vector.shape_cast %swap3A_225 : vector<1x16xi32> to vector<16xi32>
      %swap3A_227 = vector.shape_cast %select_n3A_219 : vector<16xi32> to vector<1x16xi32>
      tpu.vector_store %arg10[%swap3A_223, %swap3A_224], %swap3A_227 {strides = array<i32>} : memref<1x128xi32, #tpu.memory_space<vmem>>, vector<1x16xi32>,
      %scan3A_228 = arith.constant 8 : i32
      %dma_wait3A = arith.constant 0 : i32
      %dma_wait3A_229 = tpu.memref_slice %arg8[%scan3A_16, %dma_wait3A] : memref<158x128xi32, #tpu.memory_space<vmem>> -> memref<1x128xi32, #tpu.memory_space<vmem>>
      %dma_wait3A_230 = tpu.memref_squeeze %dma_wait3A_229 : memref<1x128xi32, #tpu.memory_space<vmem>> -> memref<128xi32, #tpu.memory_space<vmem>>
      %dma_wait3A_231 = arith.constant 0 : i32
      %dma_wait3A_232 = arith.constant 0 : i32
      %dma_wait3A_233 = tpu.memref_slice %arg2[%dma_wait3A_231, %dma_wait3A_232] : memref<10240x128xf32, #tpu.memory_space<hbm>> -> memref<10240x128xf32, #tpu.memory_space<hbm>>
      tpu.wait_indirect_dma semaphore(%arg14 : memref<!tpu.dma_semaphore, #tpu.memory_space<semaphore_mem>>) src(%dma_wait3A_233 : memref<10240x128xf32, #tpu.memory_space<hbm>>) dst(%arg11 : memref<128x128xf32, #tpu.memory_space<vmem>>)
      %scan3A_234 = arith.constant 0 : i32
      %scan3A_235 = arith.constant 0 : i32
      %scan3A_236 = arith.constant 128 : i32
      %scan3A_237 = arith.addi %scan3A_235, %scan3A_236 : i32
      %scan3A_238 = arith.constant 1 : i32
      scf.for %scan3A_240 = %scan3A_235 to %scan3A_237 step %scan3A_238  : i32 {
        %get3A_241 = arith.index_cast %scan3A_240 : i32 to index
        %get3A_242 = arith.constant 0 : index
        %get3A_243 = tpu.vector_load %arg11[%get3A_241, %get3A_242] {strides = array<i32>} : memref<128x128xf32, #tpu.memory_space<vmem>>, vector<1x16xf32>,
        %get3A_244 = vector.shape_cast %get3A_243 : vector<1x16xf32> to vector<16xf32>
        %get3A_245 = arith.index_cast %scan3A_240 : i32 to index
        %get3A_246 = arith.constant 0 : index
        %get3A_247 = tpu.vector_load %arg12[%get3A_245, %get3A_246] {strides = array<i32>} : memref<128x128xf32, #tpu.memory_space<vmem>>, vector<1x16xf32>,
        %get3A_248 = vector.shape_cast %get3A_247 : vector<1x16xf32> to vector<16xf32>
        %mul3A_249 = arith.mulf %get3A_244, %get3A_248 : vector<16xf32>
        %swap3A_250 = arith.index_cast %scan3A_240 : i32 to index
        %swap3A_251 = arith.constant 0 : index
        %swap3A_252 = tpu.vector_load %arg11[%swap3A_250, %swap3A_251] {strides = array<i32>} : memref<128x128xf32, #tpu.memory_space<vmem>>, vector<1x16xf32>,
        %swap3A_253 = vector.shape_cast %swap3A_252 : vector<1x16xf32> to vector<16xf32>
        %swap3A_254 = vector.shape_cast %mul3A_249 : vector<16xf32> to vector<1x16xf32>
        tpu.vector_store %arg11[%swap3A_250, %swap3A_251], %swap3A_254 {strides = array<i32>} : memref<128x128xf32, #tpu.memory_space<vmem>>, vector<1x16xf32>,
        %get3A_255 = arith.index_cast %scan3A_240 : i32 to index
        %get3A_256 = arith.constant 16 : index
        %get3A_257 = tpu.vector_load %arg11[%get3A_255, %get3A_256] {strides = array<i32>} : memref<128x128xf32, #tpu.memory_space<vmem>>, vector<1x16xf32>,
        %get3A_258 = vector.shape_cast %get3A_257 : vector<1x16xf32> to vector<16xf32>
        %get3A_259 = arith.index_cast %scan3A_240 : i32 to index
        %get3A_260 = arith.constant 16 : index
        %get3A_261 = tpu.vector_load %arg12[%get3A_259, %get3A_260] {strides = array<i32>} : memref<128x128xf32, #tpu.memory_space<vmem>>, vector<1x16xf32>,
        %get3A_262 = vector.shape_cast %get3A_261 : vector<1x16xf32> to vector<16xf32>
        %mul3A_263 = arith.mulf %get3A_258, %get3A_262 : vector<16xf32>
        %swap3A_264 = arith.index_cast %scan3A_240 : i32 to index
        %swap3A_265 = arith.constant 16 : index
        %swap3A_266 = tpu.vector_load %arg11[%swap3A_264, %swap3A_265] {strides = array<i32>} : memref<128x128xf32, #tpu.memory_space<vmem>>, vector<1x16xf32>,
        %swap3A_267 = vector.shape_cast %swap3A_266 : vector<1x16xf32> to vector<16xf32>
        %swap3A_268 = vector.shape_cast %mul3A_263 : vector<16xf32> to vector<1x16xf32>
        tpu.vector_store %arg11[%swap3A_264, %swap3A_265], %swap3A_268 {strides = array<i32>} : memref<128x128xf32, #tpu.memory_space<vmem>>, vector<1x16xf32>,
        %get3A_269 = arith.index_cast %scan3A_240 : i32 to index
        %get3A_270 = arith.constant 32 : index
        %get3A_271 = tpu.vector_load %arg11[%get3A_269, %get3A_270] {strides = array<i32>} : memref<128x128xf32, #tpu.memory_space<vmem>>, vector<1x16xf32>,
        %get3A_272 = vector.shape_cast %get3A_271 : vector<1x16xf32> to vector<16xf32>
        %get3A_273 = arith.index_cast %scan3A_240 : i32 to index
        %get3A_274 = arith.constant 32 : index
        %get3A_275 = tpu.vector_load %arg12[%get3A_273, %get3A_274] {strides = array<i32>} : memref<128x128xf32, #tpu.memory_space<vmem>>, vector<1x16xf32>,
        %get3A_276 = vector.shape_cast %get3A_275 : vector<1x16xf32> to vector<16xf32>
        %mul3A_277 = arith.mulf %get3A_272, %get3A_276 : vector<16xf32>
        %swap3A_278 = arith.index_cast %scan3A_240 : i32 to index
        %swap3A_279 = arith.constant 32 : index
        %swap3A_280 = tpu.vector_load %arg11[%swap3A_278, %swap3A_279] {strides = array<i32>} : memref<128x128xf32, #tpu.memory_space<vmem>>, vector<1x16xf32>,
        %swap3A_281 = vector.shape_cast %swap3A_280 : vector<1x16xf32> to vector<16xf32>
        %swap3A_282 = vector.shape_cast %mul3A_277 : vector<16xf32> to vector<1x16xf32>
        tpu.vector_store %arg11[%swap3A_278, %swap3A_279], %swap3A_282 {strides = array<i32>} : memref<128x128xf32, #tpu.memory_space<vmem>>, vector<1x16xf32>,
        %get3A_283 = arith.index_cast %scan3A_240 : i32 to index
        %get3A_284 = arith.constant 48 : index
        %get3A_285 = tpu.vector_load %arg11[%get3A_283, %get3A_284] {strides = array<i32>} : memref<128x128xf32, #tpu.memory_space<vmem>>, vector<1x16xf32>,
        %get3A_286 = vector.shape_cast %get3A_285 : vector<1x16xf32> to vector<16xf32>
        %get3A_287 = arith.index_cast %scan3A_240 : i32 to index
        %get3A_288 = arith.constant 48 : index
        %get3A_289 = tpu.vector_load %arg12[%get3A_287, %get3A_288] {strides = array<i32>} : memref<128x128xf32, #tpu.memory_space<vmem>>, vector<1x16xf32>,
        %get3A_290 = vector.shape_cast %get3A_289 : vector<1x16xf32> to vector<16xf32>
        %mul3A_291 = arith.mulf %get3A_286, %get3A_290 : vector<16xf32>
        %swap3A_292 = arith.index_cast %scan3A_240 : i32 to index
        %swap3A_293 = arith.constant 48 : index
        %swap3A_294 = tpu.vector_load %arg11[%swap3A_292, %swap3A_293] {strides = array<i32>} : memref<128x128xf32, #tpu.memory_space<vmem>>, vector<1x16xf32>,
        %swap3A_295 = vector.shape_cast %swap3A_294 : vector<1x16xf32> to vector<16xf32>
        %swap3A_296 = vector.shape_cast %mul3A_291 : vector<16xf32> to vector<1x16xf32>
        tpu.vector_store %arg11[%swap3A_292, %swap3A_293], %swap3A_296 {strides = array<i32>} : memref<128x128xf32, #tpu.memory_space<vmem>>, vector<1x16xf32>,
        %get3A_297 = arith.index_cast %scan3A_240 : i32 to index
        %get3A_298 = arith.constant 64 : index
        %get3A_299 = tpu.vector_load %arg11[%get3A_297, %get3A_298] {strides = array<i32>} : memref<128x128xf32, #tpu.memory_space<vmem>>, vector<1x16xf32>,
        %get3A_300 = vector.shape_cast %get3A_299 : vector<1x16xf32> to vector<16xf32>
        %get3A_301 = arith.index_cast %scan3A_240 : i32 to index
        %get3A_302 = arith.constant 64 : index
        %get3A_303 = tpu.vector_load %arg12[%get3A_301, %get3A_302] {strides = array<i32>} : memref<128x128xf32, #tpu.memory_space<vmem>>, vector<1x16xf32>,
        %get3A_304 = vector.shape_cast %get3A_303 : vector<1x16xf32> to vector<16xf32>
        %mul3A_305 = arith.mulf %get3A_300, %get3A_304 : vector<16xf32>
        %swap3A_306 = arith.index_cast %scan3A_240 : i32 to index
        %swap3A_307 = arith.constant 64 : index
        %swap3A_308 = tpu.vector_load %arg11[%swap3A_306, %swap3A_307] {strides = array<i32>} : memref<128x128xf32, #tpu.memory_space<vmem>>, vector<1x16xf32>,
        %swap3A_309 = vector.shape_cast %swap3A_308 : vector<1x16xf32> to vector<16xf32>
        %swap3A_310 = vector.shape_cast %mul3A_305 : vector<16xf32> to vector<1x16xf32>
        tpu.vector_store %arg11[%swap3A_306, %swap3A_307], %swap3A_310 {strides = array<i32>} : memref<128x128xf32, #tpu.memory_space<vmem>>, vector<1x16xf32>,
        %get3A_311 = arith.index_cast %scan3A_240 : i32 to index
        %get3A_312 = arith.constant 80 : index
        %get3A_313 = tpu.vector_load %arg11[%get3A_311, %get3A_312] {strides = array<i32>} : memref<128x128xf32, #tpu.memory_space<vmem>>, vector<1x16xf32>,
        %get3A_314 = vector.shape_cast %get3A_313 : vector<1x16xf32> to vector<16xf32>
        %get3A_315 = arith.index_cast %scan3A_240 : i32 to index
        %get3A_316 = arith.constant 80 : index
        %get3A_317 = tpu.vector_load %arg12[%get3A_315, %get3A_316] {strides = array<i32>} : memref<128x128xf32, #tpu.memory_space<vmem>>, vector<1x16xf32>,
        %get3A_318 = vector.shape_cast %get3A_317 : vector<1x16xf32> to vector<16xf32>
        %mul3A_319 = arith.mulf %get3A_314, %get3A_318 : vector<16xf32>
        %swap3A_320 = arith.index_cast %scan3A_240 : i32 to index
        %swap3A_321 = arith.constant 80 : index
        %swap3A_322 = tpu.vector_load %arg11[%swap3A_320, %swap3A_321] {strides = array<i32>} : memref<128x128xf32, #tpu.memory_space<vmem>>, vector<1x16xf32>,
        %swap3A_323 = vector.shape_cast %swap3A_322 : vector<1x16xf32> to vector<16xf32>
        %swap3A_324 = vector.shape_cast %mul3A_319 : vector<16xf32> to vector<1x16xf32>
        tpu.vector_store %arg11[%swap3A_320, %swap3A_321], %swap3A_324 {strides = array<i32>} : memref<128x128xf32, #tpu.memory_space<vmem>>, vector<1x16xf32>,
        %get3A_325 = arith.index_cast %scan3A_240 : i32 to index
        %get3A_326 = arith.constant 96 : index
        %get3A_327 = tpu.vector_load %arg11[%get3A_325, %get3A_326] {strides = array<i32>} : memref<128x128xf32, #tpu.memory_space<vmem>>, vector<1x16xf32>,
        %get3A_328 = vector.shape_cast %get3A_327 : vector<1x16xf32> to vector<16xf32>
        %get3A_329 = arith.index_cast %scan3A_240 : i32 to index
        %get3A_330 = arith.constant 96 : index
        %get3A_331 = tpu.vector_load %arg12[%get3A_329, %get3A_330] {strides = array<i32>} : memref<128x128xf32, #tpu.memory_space<vmem>>, vector<1x16xf32>,
        %get3A_332 = vector.shape_cast %get3A_331 : vector<1x16xf32> to vector<16xf32>
        %mul3A_333 = arith.mulf %get3A_328, %get3A_332 : vector<16xf32>
        %swap3A_334 = arith.index_cast %scan3A_240 : i32 to index
        %swap3A_335 = arith.constant 96 : index
        %swap3A_336 = tpu.vector_load %arg11[%swap3A_334, %swap3A_335] {strides = array<i32>} : memref<128x128xf32, #tpu.memory_space<vmem>>, vector<1x16xf32>,
        %swap3A_337 = vector.shape_cast %swap3A_336 : vector<1x16xf32> to vector<16xf32>
        %swap3A_338 = vector.shape_cast %mul3A_333 : vector<16xf32> to vector<1x16xf32>
        tpu.vector_store %arg11[%swap3A_334, %swap3A_335], %swap3A_338 {strides = array<i32>} : memref<128x128xf32, #tpu.memory_space<vmem>>, vector<1x16xf32>,
        %get3A_339 = arith.index_cast %scan3A_240 : i32 to index
        %get3A_340 = arith.constant 112 : index
        %get3A_341 = tpu.vector_load %arg11[%get3A_339, %get3A_340] {strides = array<i32>} : memref<128x128xf32, #tpu.memory_space<vmem>>, vector<1x16xf32>,
        %get3A_342 = vector.shape_cast %get3A_341 : vector<1x16xf32> to vector<16xf32>
        %get3A_343 = arith.index_cast %scan3A_240 : i32 to index
        %get3A_344 = arith.constant 112 : index
        %get3A_345 = tpu.vector_load %arg12[%get3A_343, %get3A_344] {strides = array<i32>} : memref<128x128xf32, #tpu.memory_space<vmem>>, vector<1x16xf32>,
        %get3A_346 = vector.shape_cast %get3A_345 : vector<1x16xf32> to vector<16xf32>
        %mul3A_347 = arith.mulf %get3A_342, %get3A_346 : vector<16xf32>
        %swap3A_348 = arith.index_cast %scan3A_240 : i32 to index
        %swap3A_349 = arith.constant 112 : index
        %swap3A_350 = tpu.vector_load %arg11[%swap3A_348, %swap3A_349] {strides = array<i32>} : memref<128x128xf32, #tpu.memory_space<vmem>>, vector<1x16xf32>,
        %swap3A_351 = vector.shape_cast %swap3A_350 : vector<1x16xf32> to vector<16xf32>
        %swap3A_352 = vector.shape_cast %mul3A_347 : vector<16xf32> to vector<1x16xf32>
        tpu.vector_store %arg11[%swap3A_348, %swap3A_349], %swap3A_352 {strides = array<i32>} : memref<128x128xf32, #tpu.memory_space<vmem>>, vector<1x16xf32>,
      }
      %scan3A_239 = arith.constant 128 : i32
      %run_scoped3A = arith.constant 0 : i32
      "tpu.region"() ({
        %run_scoped3A_240 = tpu.sem_alloc : memref<!tpu.dma_semaphore, #tpu.memory_space<semaphore_mem>>
        %dma_start3A_241 = arith.constant 0 : i32
        %dma_start3A_242 = tpu.memref_slice %arg10[%run_scoped3A, %dma_start3A_241] : memref<1x128xi32, #tpu.memory_space<vmem>> -> memref<1x128xi32, #tpu.memory_space<vmem>>
        %dma_start3A_243 = tpu.memref_squeeze %dma_start3A_242 : memref<1x128xi32, #tpu.memory_space<vmem>> -> memref<128xi32, #tpu.memory_space<vmem>>
        %dma_start3A_244 = arith.constant 0 : i32
        %dma_start3A_245 = arith.constant 0 : i32
        %dma_start3A_246 = tpu.memref_slice %arg13[%dma_start3A_244, %dma_start3A_245] : memref<5248x128xf32, #tpu.memory_space<vmem_shared>> -> memref<5248x128xf32, #tpu.memory_space<vmem_shared>>
        tpu.enqueue_indirect_dma source(%arg11 : memref<128x128xf32, #tpu.memory_space<vmem>>) target(%dma_start3A_246 : memref<5248x128xf32, #tpu.memory_space<vmem_shared>>) offsets(%dma_start3A_243 : memref<128xi32, #tpu.memory_space<vmem>>) semaphore(%run_scoped3A_240 : memref<!tpu.dma_semaphore, #tpu.memory_space<semaphore_mem>>) {add = true}
        %dma_wait3A_247 = arith.constant 0 : i32
        %dma_wait3A_248 = tpu.memref_slice %arg10[%run_scoped3A, %dma_wait3A_247] : memref<1x128xi32, #tpu.memory_space<vmem>> -> memref<1x128xi32, #tpu.memory_space<vmem>>
        %dma_wait3A_249 = tpu.memref_squeeze %dma_wait3A_248 : memref<1x128xi32, #tpu.memory_space<vmem>> -> memref<128xi32, #tpu.memory_space<vmem>>
        %dma_wait3A_250 = arith.constant 0 : i32
        %dma_wait3A_251 = arith.constant 0 : i32
        %dma_wait3A_252 = tpu.memref_slice %arg13[%dma_wait3A_250, %dma_wait3A_251] : memref<5248x128xf32, #tpu.memory_space<vmem_shared>> -> memref<5248x128xf32, #tpu.memory_space<vmem_shared>>
        tpu.wait_indirect_dma semaphore(%run_scoped3A_240 : memref<!tpu.dma_semaphore, #tpu.memory_space<semaphore_mem>>) src(%arg11 : memref<128x128xf32, #tpu.memory_space<vmem>>) dst(%dma_wait3A_252 : memref<5248x128xf32, #tpu.memory_space<vmem_shared>>)
        tpu.yield
      }) : () -> ()
    }
    %scan3A_10 = arith.constant 158 : i32
    %barrier3A_11 = arith.constant 0 : index
    tpu.barrier barrier_id(%barrier3A_11)
    %mul3A_12 = arith.constant 320 : i32
    %mul3A_13 = arith.muli %arg1, %mul3A_12 : i32
    %mul3A_14 = arith.constant 320 : i32
    %mul3A_15 = arith.muli %arg1, %mul3A_14 : i32
    "tpu.region"() ({
      %run_scoped3A = tpu.sem_alloc : memref<!tpu.dma_semaphore, #tpu.memory_space<semaphore_mem>>
      %dma_start3A = arith.constant 0 : i32
      %dma_start3A_16 = tpu.memref_slice %arg7[%arg0, %mul3A_15, %dma_start3A] : memref<2x5120x128xf32, #tpu.memory_space<hbm>> -> memref<1x320x128xf32, #tpu.memory_space<hbm>>
      %dma_start3A_17 = tpu.memref_squeeze %dma_start3A_16 : memref<1x320x128xf32, #tpu.memory_space<hbm>> -> memref<320x128xf32, #tpu.memory_space<hbm>>
      %dma_start3A_18 = arith.constant 0 : i32
      %dma_start3A_19 = tpu.memref_slice %arg13[%mul3A_13, %dma_start3A_18] : memref<5248x128xf32, #tpu.memory_space<vmem_shared>> -> memref<320x128xf32, #tpu.memory_space<vmem_shared>>
      tpu.enqueue_dma source(%dma_start3A_19 : memref<320x128xf32, #tpu.memory_space<vmem_shared>>) target(%dma_start3A_17 : memref<320x128xf32, #tpu.memory_space<hbm>>) target_semaphore(%run_scoped3A : memref<!tpu.dma_semaphore, #tpu.memory_space<semaphore_mem>>)
      %dma_wait3A = arith.constant 0 : i32
      %dma_wait3A_20 = tpu.memref_slice %arg7[%arg0, %mul3A_15, %dma_wait3A] : memref<2x5120x128xf32, #tpu.memory_space<hbm>> -> memref<1x320x128xf32, #tpu.memory_space<hbm>>
      %dma_wait3A_21 = tpu.memref_squeeze %dma_wait3A_20 : memref<1x320x128xf32, #tpu.memory_space<hbm>> -> memref<320x128xf32, #tpu.memory_space<hbm>>
      %dma_wait3A_22 = arith.constant 0 : i32
      %dma_wait3A_23 = tpu.memref_slice %arg13[%mul3A_13, %dma_wait3A_22] : memref<5248x128xf32, #tpu.memory_space<vmem_shared>> -> memref<320x128xf32, #tpu.memory_space<vmem_shared>>
      tpu.wait_dma2 semaphore(%run_scoped3A : memref<!tpu.dma_semaphore, #tpu.memory_space<semaphore_mem>>) src(%dma_wait3A_23 : memref<320x128xf32, #tpu.memory_space<vmem_shared>>) dst(%dma_wait3A_21 : memref<320x128xf32, #tpu.memory_space<hbm>>)
      tpu.yield
    }) : () -> ()
    return
  }
}

module attributes {stable_mosaic.version = 14 : i64} {
  func.func @_init_body(%arg0: i32, %arg1: memref<1024x1xi32, #tpu.memory_space<vmem>>, %arg2: memref<2x128xf32, #tpu.memory_space<vmem>>, %arg3: memref<128x128xf32, #tpu.memory_space<vmem>>, %arg4: memref<1024x128xf32, #tpu.memory_space<vmem>>, %arg5: memref<1024x128xf32, #tpu.memory_space<vmem>>) attributes {dimension_semantics = [#tpu.dimension_semantics<arbitrary>], iteration_bounds = array<i64: 10>, scalar_prefetch = 0 : i64, scratch_operands = 0 : i64, tpu.core_type = #tpu.core_type<tc>, window_params = [{transform_indices = @transform_0, window_bounds = array<i64: 1024, 1>}, {pipeline_mode = #tpu.pipeline_mode<synchronous>, transform_indices = @transform_1, window_bounds = array<i64: 2, 128>}, {pipeline_mode = #tpu.pipeline_mode<synchronous>, transform_indices = @transform_2, window_bounds = array<i64: 128, 128>}, {transform_indices = @transform_3, window_bounds = array<i64: 1024, 128>}, {transform_indices = @transform_4, window_bounds = array<i64: 1024, 128>}]} {
    %get3A = arith.constant 0 : index
    %get3A_0 = arith.constant 0 : index
    %get3A_1 = vector.load %arg1[%get3A, %get3A_0] : memref<1024x1xi32, #tpu.memory_space<vmem>>, vector<1024x1xi32>
    %convert_element_type3A = arith.sitofp %get3A_1 : vector<1024x1xi32> to vector<1024x1xf32>
    %get3A_2 = arith.constant 0 : index
    %get3A_3 = arith.constant 0 : index
    %get3A_4 = vector.load %arg2[%get3A_2, %get3A_3] : memref<2x128xf32, #tpu.memory_space<vmem>>, vector<1x128xf32>
    %get3A_5 = arith.constant 1 : index
    %get3A_6 = arith.constant 0 : index
    %get3A_7 = vector.load %arg2[%get3A_5, %get3A_6] : memref<2x128xf32, #tpu.memory_space<vmem>>, vector<1x128xf32>
    %sub3A = arith.subf %get3A_7, %get3A_4 : vector<1x128xf32>
    %mul3A = vector.broadcast %convert_element_type3A : vector<1024x1xf32> to vector<1024x128xf32>
    %mul3A_8 = vector.broadcast %sub3A : vector<1x128xf32> to vector<1024x128xf32>
    %mul3A_9 = arith.mulf %mul3A, %mul3A_8 : vector<1024x128xf32>
    %add3A = vector.broadcast %get3A_4 : vector<1x128xf32> to vector<1024x128xf32>
    %add3A_10 = arith.addf %add3A, %mul3A_9 : vector<1024x128xf32>
    %swap3A = arith.constant 0 : index
    %swap3A_11 = arith.constant 0 : index
    %swap3A_12 = vector.load %arg4[%swap3A, %swap3A_11] : memref<1024x128xf32, #tpu.memory_space<vmem>>, vector<1024x128xf32>
    tpu.vector_store %arg4[%swap3A, %swap3A_11], %add3A_10 {strides = array<i32>} : memref<1024x128xf32, #tpu.memory_space<vmem>>, vector<1024x128xf32>,
    %get3A_13 = arith.constant 0 : index
    %get3A_14 = arith.constant 0 : index
    %get3A_15 = vector.load %arg3[%get3A_13, %get3A_14] : memref<128x128xf32, #tpu.memory_space<vmem>>, vector<128x128xf32>
    %dot_general3A = arith.constant dense<0.000000e+00> : vector<1024x128xf32>
    %dot_general3A_16 = tpu.matmul %add3A_10, %get3A_15, %dot_general3A {dimension_numbers = #tpu.dot_dimension_numbers<[1], [0], [0], [1], [0, 0, 1, 1], [], []>, transpose_lhs_hint = false} : vector<1024x128xf32>, vector<128x128xf32>, vector<1024x128xf32> -> vector<1024x128xf32>
    %swap3A_17 = arith.constant 0 : index
    %swap3A_18 = arith.constant 0 : index
    %swap3A_19 = vector.load %arg5[%swap3A_17, %swap3A_18] : memref<1024x128xf32, #tpu.memory_space<vmem>>, vector<1024x128xf32>
    tpu.vector_store %arg5[%swap3A_17, %swap3A_18], %dot_general3A_16 {strides = array<i32>} : memref<1024x128xf32, #tpu.memory_space<vmem>>, vector<1024x128xf32>,
    return
  }
  func.func @transform_0(%arg0: i32) -> (i32, i32) {
    %c0_i32 = arith.constant 0 : i32
    %c0_i32_0 = arith.constant 0 : i32
    return %arg0, %c0_i32 : i32, i32
  }
  func.func @transform_1(%arg0: i32) -> (i32, i32) {
    %c0_i32 = arith.constant 0 : i32
    %c0_i32_0 = arith.constant 0 : i32
    %c0_i32_1 = arith.constant 0 : i32
    return %c0_i32, %c0_i32_0 : i32, i32
  }
  func.func @transform_2(%arg0: i32) -> (i32, i32) {
    %c0_i32 = arith.constant 0 : i32
    %c0_i32_0 = arith.constant 0 : i32
    %c0_i32_1 = arith.constant 0 : i32
    return %c0_i32, %c0_i32_0 : i32, i32
  }
  func.func @transform_3(%arg0: i32) -> (i32, i32) {
    %c0_i32 = arith.constant 0 : i32
    %c0_i32_0 = arith.constant 0 : i32
    return %arg0, %c0_i32 : i32, i32
  }
  func.func @transform_4(%arg0: i32) -> (i32, i32) {
    %c0_i32 = arith.constant 0 : i32
    %c0_i32_0 = arith.constant 0 : i32
    return %arg0, %c0_i32 : i32, i32
  }
}

module attributes {stable_mosaic.version = 14 : i64} {
  func.func @_filter_body(%arg0: i32, %arg1: memref<2048x16xf32, #tpu.memory_space<vmem>>, %arg2: memref<50x128xf32, #tpu.memory_space<vmem>>, %arg3: memref<1x128xf32, #tpu.memory_space<vmem>>, %arg4: memref<128x128xf32, #tpu.memory_space<vmem>>, %arg5: memref<1x128xf32, #tpu.memory_space<vmem>>, %arg6: memref<2048x128xf32, #tpu.memory_space<vmem>>) attributes {dimension_semantics = [#tpu.dimension_semantics<arbitrary>], iteration_bounds = array<i64: 158>, scalar_prefetch = 0 : i64, scratch_operands = 0 : i64, tpu.core_type = #tpu.core_type<tc>, window_params = [{transform_indices = @transform_0, window_bounds = array<i64: 2048, 16>}, {pipeline_mode = #tpu.pipeline_mode<synchronous>, transform_indices = @transform_1, window_bounds = array<i64: 50, 128>}, {pipeline_mode = #tpu.pipeline_mode<synchronous>, transform_indices = @transform_2, window_bounds = array<i64: 1, 128>}, {pipeline_mode = #tpu.pipeline_mode<synchronous>, transform_indices = @transform_3, window_bounds = array<i64: 128, 128>}, {pipeline_mode = #tpu.pipeline_mode<synchronous>, transform_indices = @transform_4, window_bounds = array<i64: 1, 128>}, {transform_indices = @transform_5, window_bounds = array<i64: 2048, 128>}]} {
    %get3A = arith.constant 0 : index
    %get3A_0 = arith.constant 0 : index
    %get3A_1 = vector.load %arg1[%get3A, %get3A_0] : memref<2048x16xf32, #tpu.memory_space<vmem>>, vector<2048x16xf32>
    %mul3A = arith.mulf %get3A_1, %get3A_1 : vector<2048x16xf32>
    %reduce_sum3A = arith.constant dense<0.000000e+00> : vector<2048xf32>
    %reduce_sum3A_2 = vector.multi_reduction <add>, %mul3A, %reduce_sum3A [1] : vector<2048x16xf32> to vector<2048xf32>
    %broadcast_in_dim3A = vector.shape_cast %reduce_sum3A_2 : vector<2048xf32> to vector<2048x1xf32>
    %add3A = arith.constant 9.99999996E-13 : f32
    %add3A_3 = vector.broadcast %add3A : f32 to vector<2048x1xf32>
    %add3A_4 = arith.addf %broadcast_in_dim3A, %add3A_3 : vector<2048x1xf32>
    %sqrt3A = math.sqrt %add3A_4 : vector<2048x1xf32>
    %mul3A_5 = arith.constant 0.314159274 : f32
    %mul3A_6 = vector.broadcast %mul3A_5 : f32 to vector<2048x1xf32>
    %mul3A_7 = arith.mulf %sqrt3A, %mul3A_6 : vector<2048x1xf32>
    %cos3A = math.cos %mul3A_7 : vector<2048x1xf32>
    %add3A_8 = arith.constant 1.000000e+00 : f32
    %add3A_9 = vector.broadcast %add3A_8 : f32 to vector<2048x1xf32>
    %add3A_10 = arith.addf %cos3A, %add3A_9 : vector<2048x1xf32>
    %mul3A_11 = arith.constant 5.000000e-01 : f32
    %mul3A_12 = vector.broadcast %mul3A_11 : f32 to vector<2048x1xf32>
    %mul3A_13 = arith.mulf %mul3A_12, %add3A_10 : vector<2048x1xf32>
    %mul3A_14 = arith.constant 2048 : i32
    %mul3A_15 = arith.muli %arg0, %mul3A_14 : i32
    %iota3A = tpu.iota {dimensions = array<i32: 0>} : vector<2048x1xi32>
    %add3A_16 = vector.broadcast %mul3A_15 : i32 to vector<2048x1xi32>
    %add3A_17 = arith.addi %add3A_16, %iota3A : vector<2048x1xi32>
    %lt3A = arith.constant 320000 : i32
    %lt3A_18 = vector.broadcast %lt3A : i32 to vector<2048x1xi32>
    %lt3A_19 = arith.cmpi slt, %add3A_17, %lt3A_18 : vector<2048x1xi32>
    %jit3A = arith.constant 0.000000e+00 : f32
    %broadcast_in_dim3A_20 = vector.broadcast %jit3A : f32 to vector<2048x1xf32>
    %select_n3A = arith.select %lt3A_19, %mul3A_13, %broadcast_in_dim3A_20 : vector<2048x1xi1>, vector<2048x1xf32>
    %iota3A_21 = tpu.iota {dimensions = array<i32: 1>} : vector<2048x50xi32>
    %convert_element_type3A = arith.sitofp %iota3A_21 : vector<2048x50xi32> to vector<2048x50xf32>
    %mul3A_22 = arith.constant 0.20408164 : f32
    %mul3A_23 = vector.broadcast %mul3A_22 : f32 to vector<2048x50xf32>
    %mul3A_24 = arith.mulf %convert_element_type3A, %mul3A_23 : vector<2048x50xf32>
    %sub3A = vector.broadcast %sqrt3A : vector<2048x1xf32> to vector<2048x50xf32>
    %sub3A_25 = arith.subf %sub3A, %mul3A_24 : vector<2048x50xf32>
    %integer_pow3A = arith.mulf %sub3A_25, %sub3A_25 : vector<2048x50xf32>
    %mul3A_26 = arith.constant -1.200500e+01 : f32
    %mul3A_27 = vector.broadcast %mul3A_26 : f32 to vector<2048x50xf32>
    %mul3A_28 = arith.mulf %mul3A_27, %integer_pow3A : vector<2048x50xf32>
    %exp3A = math.exp %mul3A_28 : vector<2048x50xf32>
    %get3A_29 = arith.constant 0 : index
    %get3A_30 = arith.constant 0 : index
    %get3A_31 = vector.load %arg2[%get3A_29, %get3A_30] : memref<50x128xf32, #tpu.memory_space<vmem>>, vector<50x128xf32>
    %dot_general3A = arith.constant dense<0.000000e+00> : vector<2048x128xf32>
    %dot_general3A_32 = tpu.matmul %exp3A, %get3A_31, %dot_general3A {dimension_numbers = #tpu.dot_dimension_numbers<[1], [0], [0], [1], [0, 0, 1, 1], [], []>, transpose_lhs_hint = false} : vector<2048x50xf32>, vector<50x128xf32>, vector<2048x128xf32> -> vector<2048x128xf32>
    %get3A_33 = arith.constant 0 : index
    %get3A_34 = arith.constant 0 : index
    %get3A_35 = vector.load %arg3[%get3A_33, %get3A_34] : memref<1x128xf32, #tpu.memory_space<vmem>>, vector<1x128xf32>
    %add3A_36 = vector.broadcast %get3A_35 : vector<1x128xf32> to vector<2048x128xf32>
    %add3A_37 = arith.addf %dot_general3A_32, %add3A_36 : vector<2048x128xf32>
    %custom_jvp_call3A = arith.constant 0.000000e+00 : f32
    %max3A = vector.broadcast %custom_jvp_call3A : f32 to vector<2048x128xf32>
    %max3A_38 = arith.maximumf %add3A_37, %max3A : vector<2048x128xf32>
    %sub3A_39 = vector.broadcast %custom_jvp_call3A : f32 to vector<2048x128xf32>
    %sub3A_40 = arith.subf %add3A_37, %sub3A_39 : vector<2048x128xf32>
    %ne3A = arith.cmpf one, %sub3A_40, %sub3A_40 : vector<2048x128xf32>
    %add3A_41 = vector.broadcast %custom_jvp_call3A : f32 to vector<2048x128xf32>
    %add3A_42 = arith.addf %add3A_37, %add3A_41 : vector<2048x128xf32>
    %abs3A = math.absf %sub3A_40 : vector<2048x128xf32>
    %neg3A = arith.constant 0.000000e+00 : f32
    %neg3A_43 = vector.broadcast %neg3A : f32 to vector<2048x128xf32>
    %neg3A_44 = arith.subf %neg3A_43, %abs3A : vector<2048x128xf32>
    %exp3A_45 = math.exp %neg3A_44 : vector<2048x128xf32>
    %log1p3A = math.log1p %exp3A_45 : vector<2048x128xf32>
    %add3A_46 = arith.addf %max3A_38, %log1p3A : vector<2048x128xf32>
    %select_n3A_47 = arith.select %ne3A, %add3A_42, %add3A_46 : vector<2048x128xi1>, vector<2048x128xf32>
    %log3A = arith.constant 2.000000e+00 : f32
    %log3A_48 = math.log %log3A : f32
    %sub3A_49 = vector.broadcast %log3A_48 : f32 to vector<2048x128xf32>
    %sub3A_50 = arith.subf %select_n3A_47, %sub3A_49 : vector<2048x128xf32>
    %get3A_51 = arith.constant 0 : index
    %get3A_52 = arith.constant 0 : index
    %get3A_53 = vector.load %arg4[%get3A_51, %get3A_52] : memref<128x128xf32, #tpu.memory_space<vmem>>, vector<128x128xf32>
    %dot_general3A_54 = arith.constant dense<0.000000e+00> : vector<2048x128xf32>
    %dot_general3A_55 = tpu.matmul %sub3A_50, %get3A_53, %dot_general3A_54 {dimension_numbers = #tpu.dot_dimension_numbers<[1], [0], [0], [1], [0, 0, 1, 1], [], []>, transpose_lhs_hint = false} : vector<2048x128xf32>, vector<128x128xf32>, vector<2048x128xf32> -> vector<2048x128xf32>
    %get3A_56 = arith.constant 0 : index
    %get3A_57 = arith.constant 0 : index
    %get3A_58 = vector.load %arg5[%get3A_56, %get3A_57] : memref<1x128xf32, #tpu.memory_space<vmem>>, vector<1x128xf32>
    %add3A_59 = vector.broadcast %get3A_58 : vector<1x128xf32> to vector<2048x128xf32>
    %add3A_60 = arith.addf %dot_general3A_55, %add3A_59 : vector<2048x128xf32>
    %mul3A_61 = vector.broadcast %select_n3A : vector<2048x1xf32> to vector<2048x128xf32>
    %mul3A_62 = arith.mulf %add3A_60, %mul3A_61 : vector<2048x128xf32>
    %swap3A = arith.constant 0 : index
    %swap3A_63 = arith.constant 0 : index
    %swap3A_64 = vector.load %arg6[%swap3A, %swap3A_63] : memref<2048x128xf32, #tpu.memory_space<vmem>>, vector<2048x128xf32>
    tpu.vector_store %arg6[%swap3A, %swap3A_63], %mul3A_62 {strides = array<i32>} : memref<2048x128xf32, #tpu.memory_space<vmem>>, vector<2048x128xf32>,
    return
  }
  func.func @transform_0(%arg0: i32) -> (i32, i32) {
    %c0_i32 = arith.constant 0 : i32
    %c0_i32_0 = arith.constant 0 : i32
    return %arg0, %c0_i32 : i32, i32
  }
  func.func @transform_1(%arg0: i32) -> (i32, i32) {
    %c0_i32 = arith.constant 0 : i32
    %c0_i32_0 = arith.constant 0 : i32
    %c0_i32_1 = arith.constant 0 : i32
    return %c0_i32, %c0_i32_0 : i32, i32
  }
  func.func @transform_2(%arg0: i32) -> (i32, i32) {
    %c0_i32 = arith.constant 0 : i32
    %c0_i32_0 = arith.constant 0 : i32
    %c0_i32_1 = arith.constant 0 : i32
    return %c0_i32, %c0_i32_0 : i32, i32
  }
  func.func @transform_3(%arg0: i32) -> (i32, i32) {
    %c0_i32 = arith.constant 0 : i32
    %c0_i32_0 = arith.constant 0 : i32
    %c0_i32_1 = arith.constant 0 : i32
    return %c0_i32, %c0_i32_0 : i32, i32
  }
  func.func @transform_4(%arg0: i32) -> (i32, i32) {
    %c0_i32 = arith.constant 0 : i32
    %c0_i32_0 = arith.constant 0 : i32
    %c0_i32_1 = arith.constant 0 : i32
    return %c0_i32, %c0_i32_0 : i32, i32
  }
  func.func @transform_5(%arg0: i32) -> (i32, i32) {
    %c0_i32 = arith.constant 0 : i32
    %c0_i32_0 = arith.constant 0 : i32
    return %arg0, %c0_i32 : i32, i32
  }
}

module attributes {stable_mosaic.version = 14 : i64} {
  func.func @_node_body(%arg0: i32, %arg1: memref<1024x128xf32, #tpu.memory_space<vmem>>, %arg2: memref<1x1024x128xf32, #tpu.memory_space<vmem>>, %arg3: memref<128x128xf32, #tpu.memory_space<vmem>>, %arg4: memref<1x128xf32, #tpu.memory_space<vmem>>, %arg5: memref<128x128xf32, #tpu.memory_space<vmem>>, %arg6: memref<1x128xf32, #tpu.memory_space<vmem>>, %arg7: memref<128x128xf32, #tpu.memory_space<vmem>>, %arg8: memref<1024x128xf32, #tpu.memory_space<vmem>>, %arg9: memref<1024x128xf32, #tpu.memory_space<vmem>>) attributes {dimension_semantics = [#tpu.dimension_semantics<arbitrary>], iteration_bounds = array<i64: 10>, scalar_prefetch = 0 : i64, scratch_operands = 0 : i64, tpu.core_type = #tpu.core_type<tc>, window_params = [{transform_indices = @transform_0, window_bounds = array<i64: 1024, 128>}, {transform_indices = @transform_1, window_bounds = array<i64: 1, 1024, 128>}, {pipeline_mode = #tpu.pipeline_mode<synchronous>, transform_indices = @transform_2, window_bounds = array<i64: 128, 128>}, {pipeline_mode = #tpu.pipeline_mode<synchronous>, transform_indices = @transform_3, window_bounds = array<i64: 1, 128>}, {pipeline_mode = #tpu.pipeline_mode<synchronous>, transform_indices = @transform_4, window_bounds = array<i64: 128, 128>}, {pipeline_mode = #tpu.pipeline_mode<synchronous>, transform_indices = @transform_5, window_bounds = array<i64: 1, 128>}, {pipeline_mode = #tpu.pipeline_mode<synchronous>, transform_indices = @transform_6, window_bounds = array<i64: 128, 128>}, {transform_indices = @transform_7, window_bounds = array<i64: 1024, 128>}, {transform_indices = @transform_8, window_bounds = array<i64: 1024, 128>}]} {
    %get3A = arith.constant 0 : index
    %get3A_0 = arith.constant 0 : index
    %get3A_1 = arith.constant 0 : index
    %get3A_2 = vector.load %arg2[%get3A, %get3A_0, %get3A_1] : memref<1x1024x128xf32, #tpu.memory_space<vmem>>, vector<1x1024x128xf32>
    %get3A_3 = vector.shape_cast %get3A_2 : vector<1x1024x128xf32> to vector<1024x128xf32>
    %get3A_4 = arith.constant 0 : index
    %get3A_5 = arith.constant 0 : index
    %get3A_6 = vector.load %arg3[%get3A_4, %get3A_5] : memref<128x128xf32, #tpu.memory_space<vmem>>, vector<128x128xf32>
    %dot_general3A = arith.constant dense<0.000000e+00> : vector<1024x128xf32>
    %dot_general3A_7 = tpu.matmul %get3A_3, %get3A_6, %dot_general3A {dimension_numbers = #tpu.dot_dimension_numbers<[1], [0], [0], [1], [0, 0, 1, 1], [], []>, transpose_lhs_hint = false} : vector<1024x128xf32>, vector<128x128xf32>, vector<1024x128xf32> -> vector<1024x128xf32>
    %get3A_8 = arith.constant 0 : index
    %get3A_9 = arith.constant 0 : index
    %get3A_10 = vector.load %arg4[%get3A_8, %get3A_9] : memref<1x128xf32, #tpu.memory_space<vmem>>, vector<1x128xf32>
    %add3A = vector.broadcast %get3A_10 : vector<1x128xf32> to vector<1024x128xf32>
    %add3A_11 = arith.addf %dot_general3A_7, %add3A : vector<1024x128xf32>
    %custom_jvp_call3A = arith.constant 0.000000e+00 : f32
    %max3A = vector.broadcast %custom_jvp_call3A : f32 to vector<1024x128xf32>
    %max3A_12 = arith.maximumf %add3A_11, %max3A : vector<1024x128xf32>
    %sub3A = vector.broadcast %custom_jvp_call3A : f32 to vector<1024x128xf32>
    %sub3A_13 = arith.subf %add3A_11, %sub3A : vector<1024x128xf32>
    %ne3A = arith.cmpf one, %sub3A_13, %sub3A_13 : vector<1024x128xf32>
    %add3A_14 = vector.broadcast %custom_jvp_call3A : f32 to vector<1024x128xf32>
    %add3A_15 = arith.addf %add3A_11, %add3A_14 : vector<1024x128xf32>
    %abs3A = math.absf %sub3A_13 : vector<1024x128xf32>
    %neg3A = arith.constant 0.000000e+00 : f32
    %neg3A_16 = vector.broadcast %neg3A : f32 to vector<1024x128xf32>
    %neg3A_17 = arith.subf %neg3A_16, %abs3A : vector<1024x128xf32>
    %exp3A = math.exp %neg3A_17 : vector<1024x128xf32>
    %log1p3A = math.log1p %exp3A : vector<1024x128xf32>
    %add3A_18 = arith.addf %max3A_12, %log1p3A : vector<1024x128xf32>
    %select_n3A = arith.select %ne3A, %add3A_15, %add3A_18 : vector<1024x128xi1>, vector<1024x128xf32>
    %log3A = arith.constant 2.000000e+00 : f32
    %log3A_19 = math.log %log3A : f32
    %sub3A_20 = vector.broadcast %log3A_19 : f32 to vector<1024x128xf32>
    %sub3A_21 = arith.subf %select_n3A, %sub3A_20 : vector<1024x128xf32>
    %get3A_22 = arith.constant 0 : index
    %get3A_23 = arith.constant 0 : index
    %get3A_24 = vector.load %arg5[%get3A_22, %get3A_23] : memref<128x128xf32, #tpu.memory_space<vmem>>, vector<128x128xf32>
    %dot_general3A_25 = arith.constant dense<0.000000e+00> : vector<1024x128xf32>
    %dot_general3A_26 = tpu.matmul %sub3A_21, %get3A_24, %dot_general3A_25 {dimension_numbers = #tpu.dot_dimension_numbers<[1], [0], [0], [1], [0, 0, 1, 1], [], []>, transpose_lhs_hint = false} : vector<1024x128xf32>, vector<128x128xf32>, vector<1024x128xf32> -> vector<1024x128xf32>
    %get3A_27 = arith.constant 0 : index
    %get3A_28 = arith.constant 0 : index
    %get3A_29 = vector.load %arg6[%get3A_27, %get3A_28] : memref<1x128xf32, #tpu.memory_space<vmem>>, vector<1x128xf32>
    %add3A_30 = vector.broadcast %get3A_29 : vector<1x128xf32> to vector<1024x128xf32>
    %add3A_31 = arith.addf %dot_general3A_26, %add3A_30 : vector<1024x128xf32>
    %get3A_32 = arith.constant 0 : index
    %get3A_33 = arith.constant 0 : index
    %get3A_34 = vector.load %arg1[%get3A_32, %get3A_33] : memref<1024x128xf32, #tpu.memory_space<vmem>>, vector<1024x128xf32>
    %add3A_35 = arith.addf %get3A_34, %add3A_31 : vector<1024x128xf32>
    %swap3A = arith.constant 0 : index
    %swap3A_36 = arith.constant 0 : index
    %swap3A_37 = vector.load %arg8[%swap3A, %swap3A_36] : memref<1024x128xf32, #tpu.memory_space<vmem>>, vector<1024x128xf32>
    tpu.vector_store %arg8[%swap3A, %swap3A_36], %add3A_35 {strides = array<i32>} : memref<1024x128xf32, #tpu.memory_space<vmem>>, vector<1024x128xf32>,
    %get3A_38 = arith.constant 0 : index
    %get3A_39 = arith.constant 0 : index
    %get3A_40 = vector.load %arg7[%get3A_38, %get3A_39] : memref<128x128xf32, #tpu.memory_space<vmem>>, vector<128x128xf32>
    %dot_general3A_41 = arith.constant dense<0.000000e+00> : vector<1024x128xf32>
    %dot_general3A_42 = tpu.matmul %add3A_35, %get3A_40, %dot_general3A_41 {dimension_numbers = #tpu.dot_dimension_numbers<[1], [0], [0], [1], [0, 0, 1, 1], [], []>, transpose_lhs_hint = false} : vector<1024x128xf32>, vector<128x128xf32>, vector<1024x128xf32> -> vector<1024x128xf32>
    %swap3A_43 = arith.constant 0 : index
    %swap3A_44 = arith.constant 0 : index
    %swap3A_45 = vector.load %arg9[%swap3A_43, %swap3A_44] : memref<1024x128xf32, #tpu.memory_space<vmem>>, vector<1024x128xf32>
    tpu.vector_store %arg9[%swap3A_43, %swap3A_44], %dot_general3A_42 {strides = array<i32>} : memref<1024x128xf32, #tpu.memory_space<vmem>>, vector<1024x128xf32>,
    return
  }
  func.func @transform_0(%arg0: i32) -> (i32, i32) {
    %c0_i32 = arith.constant 0 : i32
    %c0_i32_0 = arith.constant 0 : i32
    return %arg0, %c0_i32 : i32, i32
  }
  func.func @transform_1(%arg0: i32) -> (i32, i32, i32) {
    %jit3A = arith.constant 5 : i32
    %div3A = arith.divsi %arg0, %jit3A : i32
    %sign3A = arith.constant 0 : i32
    %sign3A_0 = arith.cmpi sgt, %arg0, %sign3A : i32
    %sign3A_1 = arith.extui %sign3A_0 : i1 to i32
    %sign3A_2 = arith.constant 0 : i32
    %sign3A_3 = arith.cmpi slt, %arg0, %sign3A_2 : i32
    %sign3A_4 = arith.extui %sign3A_3 : i1 to i32
    %sign3A_5 = arith.subi %sign3A_1, %sign3A_4 : i32
    %sign3A_6 = arith.constant 0 : i32
    %sign3A_7 = arith.cmpi sgt, %jit3A, %sign3A_6 : i32
    %sign3A_8 = arith.extui %sign3A_7 : i1 to i32
    %sign3A_9 = arith.constant 0 : i32
    %sign3A_10 = arith.cmpi slt, %jit3A, %sign3A_9 : i32
    %sign3A_11 = arith.extui %sign3A_10 : i1 to i32
    %sign3A_12 = arith.subi %sign3A_8, %sign3A_11 : i32
    %ne3A = arith.cmpi ne, %sign3A_5, %sign3A_12 : i32
    %rem3A = arith.remsi %arg0, %jit3A : i32
    %ne3A_13 = arith.constant 0 : i32
    %ne3A_14 = arith.cmpi ne, %rem3A, %ne3A_13 : i32
    %and3A = arith.andi %ne3A, %ne3A_14 : i1
    %sub3A = arith.constant 1 : i32
    %sub3A_15 = arith.subi %div3A, %sub3A : i32
    %select_n3A = arith.select %and3A, %sub3A_15, %div3A : i32
    %jit3A_16 = arith.constant 5 : i32
    %eq3A = arith.constant 0 : i32
    %eq3A_17 = arith.cmpi eq, %jit3A_16, %eq3A : i32
    %jit3A_18 = arith.constant 1 : i32
    %select_n3A_19 = arith.select %eq3A_17, %jit3A_18, %jit3A_16 : i32
    %rem3A_20 = arith.remsi %arg0, %select_n3A_19 : i32
    %ne3A_21 = arith.constant 0 : i32
    %ne3A_22 = arith.cmpi ne, %rem3A_20, %ne3A_21 : i32
    %lt3A = arith.constant 0 : i32
    %lt3A_23 = arith.cmpi slt, %rem3A_20, %lt3A : i32
    %lt3A_24 = arith.constant 0 : i32
    %lt3A_25 = arith.cmpi slt, %select_n3A_19, %lt3A_24 : i32
    %ne3A_26 = arith.xori %lt3A_23, %lt3A_25 : i1
    %and3A_27 = arith.andi %ne3A_26, %ne3A_22 : i1
    %add3A = arith.addi %rem3A_20, %select_n3A_19 : i32
    %select_n3A_28 = arith.select %and3A_27, %add3A, %rem3A_20 : i32
    %c0_i32 = arith.constant 0 : i32
    %c0_i32_29 = arith.constant 0 : i32
    return %select_n3A, %select_n3A_28, %c0_i32 : i32, i32, i32
  }
  func.func @transform_2(%arg0: i32) -> (i32, i32) {
    %c0_i32 = arith.constant 0 : i32
    %c0_i32_0 = arith.constant 0 : i32
    %c0_i32_1 = arith.constant 0 : i32
    return %c0_i32, %c0_i32_0 : i32, i32
  }
  func.func @transform_3(%arg0: i32) -> (i32, i32) {
    %c0_i32 = arith.constant 0 : i32
    %c0_i32_0 = arith.constant 0 : i32
    %c0_i32_1 = arith.constant 0 : i32
    return %c0_i32, %c0_i32_0 : i32, i32
  }
  func.func @transform_4(%arg0: i32) -> (i32, i32) {
    %c0_i32 = arith.constant 0 : i32
    %c0_i32_0 = arith.constant 0 : i32
    %c0_i32_1 = arith.constant 0 : i32
    return %c0_i32, %c0_i32_0 : i32, i32
  }
  func.func @transform_5(%arg0: i32) -> (i32, i32) {
    %c0_i32 = arith.constant 0 : i32
    %c0_i32_0 = arith.constant 0 : i32
    %c0_i32_1 = arith.constant 0 : i32
    return %c0_i32, %c0_i32_0 : i32, i32
  }
  func.func @transform_6(%arg0: i32) -> (i32, i32) {
    %c0_i32 = arith.constant 0 : i32
    %c0_i32_0 = arith.constant 0 : i32
    %c0_i32_1 = arith.constant 0 : i32
    return %c0_i32, %c0_i32_0 : i32, i32
  }
  func.func @transform_7(%arg0: i32) -> (i32, i32) {
    %c0_i32 = arith.constant 0 : i32
    %c0_i32_0 = arith.constant 0 : i32
    return %arg0, %c0_i32 : i32, i32
  }
  func.func @transform_8(%arg0: i32) -> (i32, i32) {
    %c0_i32 = arith.constant 0 : i32
    %c0_i32_0 = arith.constant 0 : i32
    return %arg0, %c0_i32 : i32, i32
  }
}

module attributes {stable_mosaic.version = 14 : i64} {
  func.func @_node_body(%arg0: i32, %arg1: memref<1024x128xf32, #tpu.memory_space<vmem>>, %arg2: memref<1x1024x128xf32, #tpu.memory_space<vmem>>, %arg3: memref<128x128xf32, #tpu.memory_space<vmem>>, %arg4: memref<1x128xf32, #tpu.memory_space<vmem>>, %arg5: memref<128x128xf32, #tpu.memory_space<vmem>>, %arg6: memref<1x128xf32, #tpu.memory_space<vmem>>, %arg7: memref<128x128xf32, #tpu.memory_space<vmem>>, %arg8: memref<1024x128xf32, #tpu.memory_space<vmem>>, %arg9: memref<1024x128xf32, #tpu.memory_space<vmem>>) attributes {dimension_semantics = [#tpu.dimension_semantics<arbitrary>], iteration_bounds = array<i64: 10>, scalar_prefetch = 0 : i64, scratch_operands = 0 : i64, tpu.core_type = #tpu.core_type<tc>, window_params = [{transform_indices = @transform_0, window_bounds = array<i64: 1024, 128>}, {transform_indices = @transform_1, window_bounds = array<i64: 1, 1024, 128>}, {pipeline_mode = #tpu.pipeline_mode<synchronous>, transform_indices = @transform_2, window_bounds = array<i64: 128, 128>}, {pipeline_mode = #tpu.pipeline_mode<synchronous>, transform_indices = @transform_3, window_bounds = array<i64: 1, 128>}, {pipeline_mode = #tpu.pipeline_mode<synchronous>, transform_indices = @transform_4, window_bounds = array<i64: 128, 128>}, {pipeline_mode = #tpu.pipeline_mode<synchronous>, transform_indices = @transform_5, window_bounds = array<i64: 1, 128>}, {pipeline_mode = #tpu.pipeline_mode<synchronous>, transform_indices = @transform_6, window_bounds = array<i64: 128, 128>}, {transform_indices = @transform_7, window_bounds = array<i64: 1024, 128>}, {transform_indices = @transform_8, window_bounds = array<i64: 1024, 128>}]} {
    %get3A = arith.constant 0 : index
    %get3A_0 = arith.constant 0 : index
    %get3A_1 = arith.constant 0 : index
    %get3A_2 = vector.load %arg2[%get3A, %get3A_0, %get3A_1] : memref<1x1024x128xf32, #tpu.memory_space<vmem>>, vector<1x1024x128xf32>
    %get3A_3 = vector.shape_cast %get3A_2 : vector<1x1024x128xf32> to vector<1024x128xf32>
    %get3A_4 = arith.constant 0 : index
    %get3A_5 = arith.constant 0 : index
    %get3A_6 = vector.load %arg3[%get3A_4, %get3A_5] : memref<128x128xf32, #tpu.memory_space<vmem>>, vector<128x128xf32>
    %dot_general3A = arith.constant dense<0.000000e+00> : vector<1024x128xf32>
    %dot_general3A_7 = tpu.matmul %get3A_3, %get3A_6, %dot_general3A {dimension_numbers = #tpu.dot_dimension_numbers<[1], [0], [0], [1], [0, 0, 1, 1], [], []>, transpose_lhs_hint = false} : vector<1024x128xf32>, vector<128x128xf32>, vector<1024x128xf32> -> vector<1024x128xf32>
    %get3A_8 = arith.constant 0 : index
    %get3A_9 = arith.constant 0 : index
    %get3A_10 = vector.load %arg4[%get3A_8, %get3A_9] : memref<1x128xf32, #tpu.memory_space<vmem>>, vector<1x128xf32>
    %add3A = vector.broadcast %get3A_10 : vector<1x128xf32> to vector<1024x128xf32>
    %add3A_11 = arith.addf %dot_general3A_7, %add3A : vector<1024x128xf32>
    %custom_jvp_call3A = arith.constant 0.000000e+00 : f32
    %max3A = vector.broadcast %custom_jvp_call3A : f32 to vector<1024x128xf32>
    %max3A_12 = arith.maximumf %add3A_11, %max3A : vector<1024x128xf32>
    %sub3A = vector.broadcast %custom_jvp_call3A : f32 to vector<1024x128xf32>
    %sub3A_13 = arith.subf %add3A_11, %sub3A : vector<1024x128xf32>
    %ne3A = arith.cmpf one, %sub3A_13, %sub3A_13 : vector<1024x128xf32>
    %add3A_14 = vector.broadcast %custom_jvp_call3A : f32 to vector<1024x128xf32>
    %add3A_15 = arith.addf %add3A_11, %add3A_14 : vector<1024x128xf32>
    %abs3A = math.absf %sub3A_13 : vector<1024x128xf32>
    %neg3A = arith.constant 0.000000e+00 : f32
    %neg3A_16 = vector.broadcast %neg3A : f32 to vector<1024x128xf32>
    %neg3A_17 = arith.subf %neg3A_16, %abs3A : vector<1024x128xf32>
    %exp3A = math.exp %neg3A_17 : vector<1024x128xf32>
    %log1p3A = math.log1p %exp3A : vector<1024x128xf32>
    %add3A_18 = arith.addf %max3A_12, %log1p3A : vector<1024x128xf32>
    %select_n3A = arith.select %ne3A, %add3A_15, %add3A_18 : vector<1024x128xi1>, vector<1024x128xf32>
    %log3A = arith.constant 2.000000e+00 : f32
    %log3A_19 = math.log %log3A : f32
    %sub3A_20 = vector.broadcast %log3A_19 : f32 to vector<1024x128xf32>
    %sub3A_21 = arith.subf %select_n3A, %sub3A_20 : vector<1024x128xf32>
    %get3A_22 = arith.constant 0 : index
    %get3A_23 = arith.constant 0 : index
    %get3A_24 = vector.load %arg5[%get3A_22, %get3A_23] : memref<128x128xf32, #tpu.memory_space<vmem>>, vector<128x128xf32>
    %dot_general3A_25 = arith.constant dense<0.000000e+00> : vector<1024x128xf32>
    %dot_general3A_26 = tpu.matmul %sub3A_21, %get3A_24, %dot_general3A_25 {dimension_numbers = #tpu.dot_dimension_numbers<[1], [0], [0], [1], [0, 0, 1, 1], [], []>, transpose_lhs_hint = false} : vector<1024x128xf32>, vector<128x128xf32>, vector<1024x128xf32> -> vector<1024x128xf32>
    %get3A_27 = arith.constant 0 : index
    %get3A_28 = arith.constant 0 : index
    %get3A_29 = vector.load %arg6[%get3A_27, %get3A_28] : memref<1x128xf32, #tpu.memory_space<vmem>>, vector<1x128xf32>
    %add3A_30 = vector.broadcast %get3A_29 : vector<1x128xf32> to vector<1024x128xf32>
    %add3A_31 = arith.addf %dot_general3A_26, %add3A_30 : vector<1024x128xf32>
    %get3A_32 = arith.constant 0 : index
    %get3A_33 = arith.constant 0 : index
    %get3A_34 = vector.load %arg1[%get3A_32, %get3A_33] : memref<1024x128xf32, #tpu.memory_space<vmem>>, vector<1024x128xf32>
    %add3A_35 = arith.addf %get3A_34, %add3A_31 : vector<1024x128xf32>
    %swap3A = arith.constant 0 : index
    %swap3A_36 = arith.constant 0 : index
    %swap3A_37 = vector.load %arg8[%swap3A, %swap3A_36] : memref<1024x128xf32, #tpu.memory_space<vmem>>, vector<1024x128xf32>
    tpu.vector_store %arg8[%swap3A, %swap3A_36], %add3A_35 {strides = array<i32>} : memref<1024x128xf32, #tpu.memory_space<vmem>>, vector<1024x128xf32>,
    %get3A_38 = arith.constant 0 : index
    %get3A_39 = arith.constant 0 : index
    %get3A_40 = vector.load %arg7[%get3A_38, %get3A_39] : memref<128x128xf32, #tpu.memory_space<vmem>>, vector<128x128xf32>
    %dot_general3A_41 = arith.constant dense<0.000000e+00> : vector<1024x128xf32>
    %dot_general3A_42 = tpu.matmul %add3A_35, %get3A_40, %dot_general3A_41 {dimension_numbers = #tpu.dot_dimension_numbers<[1], [0], [0], [1], [0, 0, 1, 1], [], []>, transpose_lhs_hint = false} : vector<1024x128xf32>, vector<128x128xf32>, vector<1024x128xf32> -> vector<1024x128xf32>
    %swap3A_43 = arith.constant 0 : index
    %swap3A_44 = arith.constant 0 : index
    %swap3A_45 = vector.load %arg9[%swap3A_43, %swap3A_44] : memref<1024x128xf32, #tpu.memory_space<vmem>>, vector<1024x128xf32>
    tpu.vector_store %arg9[%swap3A_43, %swap3A_44], %dot_general3A_42 {strides = array<i32>} : memref<1024x128xf32, #tpu.memory_space<vmem>>, vector<1024x128xf32>,
    return
  }
  func.func @transform_0(%arg0: i32) -> (i32, i32) {
    %c0_i32 = arith.constant 0 : i32
    %c0_i32_0 = arith.constant 0 : i32
    return %arg0, %c0_i32 : i32, i32
  }
  func.func @transform_1(%arg0: i32) -> (i32, i32, i32) {
    %jit3A = arith.constant 5 : i32
    %div3A = arith.divsi %arg0, %jit3A : i32
    %sign3A = arith.constant 0 : i32
    %sign3A_0 = arith.cmpi sgt, %arg0, %sign3A : i32
    %sign3A_1 = arith.extui %sign3A_0 : i1 to i32
    %sign3A_2 = arith.constant 0 : i32
    %sign3A_3 = arith.cmpi slt, %arg0, %sign3A_2 : i32
    %sign3A_4 = arith.extui %sign3A_3 : i1 to i32
    %sign3A_5 = arith.subi %sign3A_1, %sign3A_4 : i32
    %sign3A_6 = arith.constant 0 : i32
    %sign3A_7 = arith.cmpi sgt, %jit3A, %sign3A_6 : i32
    %sign3A_8 = arith.extui %sign3A_7 : i1 to i32
    %sign3A_9 = arith.constant 0 : i32
    %sign3A_10 = arith.cmpi slt, %jit3A, %sign3A_9 : i32
    %sign3A_11 = arith.extui %sign3A_10 : i1 to i32
    %sign3A_12 = arith.subi %sign3A_8, %sign3A_11 : i32
    %ne3A = arith.cmpi ne, %sign3A_5, %sign3A_12 : i32
    %rem3A = arith.remsi %arg0, %jit3A : i32
    %ne3A_13 = arith.constant 0 : i32
    %ne3A_14 = arith.cmpi ne, %rem3A, %ne3A_13 : i32
    %and3A = arith.andi %ne3A, %ne3A_14 : i1
    %sub3A = arith.constant 1 : i32
    %sub3A_15 = arith.subi %div3A, %sub3A : i32
    %select_n3A = arith.select %and3A, %sub3A_15, %div3A : i32
    %jit3A_16 = arith.constant 5 : i32
    %eq3A = arith.constant 0 : i32
    %eq3A_17 = arith.cmpi eq, %jit3A_16, %eq3A : i32
    %jit3A_18 = arith.constant 1 : i32
    %select_n3A_19 = arith.select %eq3A_17, %jit3A_18, %jit3A_16 : i32
    %rem3A_20 = arith.remsi %arg0, %select_n3A_19 : i32
    %ne3A_21 = arith.constant 0 : i32
    %ne3A_22 = arith.cmpi ne, %rem3A_20, %ne3A_21 : i32
    %lt3A = arith.constant 0 : i32
    %lt3A_23 = arith.cmpi slt, %rem3A_20, %lt3A : i32
    %lt3A_24 = arith.constant 0 : i32
    %lt3A_25 = arith.cmpi slt, %select_n3A_19, %lt3A_24 : i32
    %ne3A_26 = arith.xori %lt3A_23, %lt3A_25 : i1
    %and3A_27 = arith.andi %ne3A_26, %ne3A_22 : i1
    %add3A = arith.addi %rem3A_20, %select_n3A_19 : i32
    %select_n3A_28 = arith.select %and3A_27, %add3A, %rem3A_20 : i32
    %c0_i32 = arith.constant 0 : i32
    %c0_i32_29 = arith.constant 0 : i32
    return %select_n3A, %select_n3A_28, %c0_i32 : i32, i32, i32
  }
  func.func @transform_2(%arg0: i32) -> (i32, i32) {
    %c0_i32 = arith.constant 0 : i32
    %c0_i32_0 = arith.constant 0 : i32
    %c0_i32_1 = arith.constant 0 : i32
    return %c0_i32, %c0_i32_0 : i32, i32
  }
  func.func @transform_3(%arg0: i32) -> (i32, i32) {
    %c0_i32 = arith.constant 0 : i32
    %c0_i32_0 = arith.constant 0 : i32
    %c0_i32_1 = arith.constant 0 : i32
    return %c0_i32, %c0_i32_0 : i32, i32
  }
  func.func @transform_4(%arg0: i32) -> (i32, i32) {
    %c0_i32 = arith.constant 0 : i32
    %c0_i32_0 = arith.constant 0 : i32
    %c0_i32_1 = arith.constant 0 : i32
    return %c0_i32, %c0_i32_0 : i32, i32
  }
  func.func @transform_5(%arg0: i32) -> (i32, i32) {
    %c0_i32 = arith.constant 0 : i32
    %c0_i32_0 = arith.constant 0 : i32
    %c0_i32_1 = arith.constant 0 : i32
    return %c0_i32, %c0_i32_0 : i32, i32
  }
  func.func @transform_6(%arg0: i32) -> (i32, i32) {
    %c0_i32 = arith.constant 0 : i32
    %c0_i32_0 = arith.constant 0 : i32
    %c0_i32_1 = arith.constant 0 : i32
    return %c0_i32, %c0_i32_0 : i32, i32
  }
  func.func @transform_7(%arg0: i32) -> (i32, i32) {
    %c0_i32 = arith.constant 0 : i32
    %c0_i32_0 = arith.constant 0 : i32
    return %arg0, %c0_i32 : i32, i32
  }
  func.func @transform_8(%arg0: i32) -> (i32, i32) {
    %c0_i32 = arith.constant 0 : i32
    %c0_i32_0 = arith.constant 0 : i32
    return %arg0, %c0_i32 : i32, i32
  }
}

module attributes {stable_mosaic.version = 14 : i64} {
  func.func @_readout_body(%arg0: i32, %arg1: memref<1024x128xf32, #tpu.memory_space<vmem>>, %arg2: memref<1024x1xi32, #tpu.memory_space<vmem>>, %arg3: memref<128x64xf32, #tpu.memory_space<vmem>>, %arg4: memref<1x64xf32, #tpu.memory_space<vmem>>, %arg5: memref<64x1xf32, #tpu.memory_space<vmem>>, %arg6: memref<64x1xf32, #tpu.memory_space<vmem>>, %arg7: memref<1x1xf32, #tpu.memory_space<vmem>>, %arg8: memref<1x1xf32, #tpu.memory_space<vmem>>, %arg9: memref<1024x1xf32, #tpu.memory_space<vmem>>, %arg10: memref<1024x1xf32, #tpu.memory_space<vmem>>, %arg11: memref<1x64xf32, #tpu.memory_space<vmem>>, %arg12: memref<1x64xf32, #tpu.memory_space<vmem>>) attributes {dimension_semantics = [#tpu.dimension_semantics<arbitrary>], iteration_bounds = array<i64: 10>, scalar_prefetch = 0 : i64, scratch_operands = 0 : i64, tpu.core_type = #tpu.core_type<tc>, window_params = [{transform_indices = @transform_0, window_bounds = array<i64: 1024, 128>}, {transform_indices = @transform_1, window_bounds = array<i64: 1024, 1>}, {pipeline_mode = #tpu.pipeline_mode<synchronous>, transform_indices = @transform_2, window_bounds = array<i64: 128, 64>}, {pipeline_mode = #tpu.pipeline_mode<synchronous>, transform_indices = @transform_3, window_bounds = array<i64: 1, 64>}, {pipeline_mode = #tpu.pipeline_mode<synchronous>, transform_indices = @transform_4, window_bounds = array<i64: 64, 1>}, {pipeline_mode = #tpu.pipeline_mode<synchronous>, transform_indices = @transform_5, window_bounds = array<i64: 64, 1>}, {pipeline_mode = #tpu.pipeline_mode<synchronous>, transform_indices = @transform_6, window_bounds = array<i64: 1, 1>}, {pipeline_mode = #tpu.pipeline_mode<synchronous>, transform_indices = @transform_7, window_bounds = array<i64: 1, 1>}, {transform_indices = @transform_8, window_bounds = array<i64: 1024, 1>}, {transform_indices = @transform_9, window_bounds = array<i64: 1024, 1>}, {pipeline_mode = #tpu.pipeline_mode<synchronous>, transform_indices = @transform_10, window_bounds = array<i64: 1, 64>}, {pipeline_mode = #tpu.pipeline_mode<synchronous>, transform_indices = @transform_11, window_bounds = array<i64: 1, 64>}]} {
    %get3A = arith.constant 0 : index
    %get3A_0 = arith.constant 0 : index
    %get3A_1 = vector.load %arg1[%get3A, %get3A_0] : memref<1024x128xf32, #tpu.memory_space<vmem>>, vector<1024x128xf32>
    %get3A_2 = arith.constant 0 : index
    %get3A_3 = arith.constant 0 : index
    %get3A_4 = vector.load %arg3[%get3A_2, %get3A_3] : memref<128x64xf32, #tpu.memory_space<vmem>>, vector<128x64xf32>
    %dot_general3A = arith.constant dense<0.000000e+00> : vector<1024x64xf32>
    %dot_general3A_5 = tpu.matmul %get3A_1, %get3A_4, %dot_general3A {dimension_numbers = #tpu.dot_dimension_numbers<[1], [0], [0], [1], [0, 0, 1, 1], [], []>, transpose_lhs_hint = false} : vector<1024x128xf32>, vector<128x64xf32>, vector<1024x64xf32> -> vector<1024x64xf32>
    %get3A_6 = arith.constant 0 : index
    %get3A_7 = arith.constant 0 : index
    %get3A_8 = vector.load %arg4[%get3A_6, %get3A_7] : memref<1x64xf32, #tpu.memory_space<vmem>>, vector<1x64xf32>
    %add3A = vector.broadcast %get3A_8 : vector<1x64xf32> to vector<1024x64xf32>
    %add3A_9 = arith.addf %dot_general3A_5, %add3A : vector<1024x64xf32>
    %custom_jvp_call3A = arith.constant 0.000000e+00 : f32
    %max3A = vector.broadcast %custom_jvp_call3A : f32 to vector<1024x64xf32>
    %max3A_10 = arith.maximumf %add3A_9, %max3A : vector<1024x64xf32>
    %sub3A = vector.broadcast %custom_jvp_call3A : f32 to vector<1024x64xf32>
    %sub3A_11 = arith.subf %add3A_9, %sub3A : vector<1024x64xf32>
    %ne3A = arith.cmpf one, %sub3A_11, %sub3A_11 : vector<1024x64xf32>
    %add3A_12 = vector.broadcast %custom_jvp_call3A : f32 to vector<1024x64xf32>
    %add3A_13 = arith.addf %add3A_9, %add3A_12 : vector<1024x64xf32>
    %abs3A = math.absf %sub3A_11 : vector<1024x64xf32>
    %neg3A = arith.constant 0.000000e+00 : f32
    %neg3A_14 = vector.broadcast %neg3A : f32 to vector<1024x64xf32>
    %neg3A_15 = arith.subf %neg3A_14, %abs3A : vector<1024x64xf32>
    %exp3A = math.exp %neg3A_15 : vector<1024x64xf32>
    %log1p3A = math.log1p %exp3A : vector<1024x64xf32>
    %add3A_16 = arith.addf %max3A_10, %log1p3A : vector<1024x64xf32>
    %select_n3A = arith.select %ne3A, %add3A_13, %add3A_16 : vector<1024x64xi1>, vector<1024x64xf32>
    %log3A = arith.constant 2.000000e+00 : f32
    %log3A_17 = math.log %log3A : f32
    %sub3A_18 = vector.broadcast %log3A_17 : f32 to vector<1024x64xf32>
    %sub3A_19 = arith.subf %select_n3A, %sub3A_18 : vector<1024x64xf32>
    %get3A_20 = arith.constant 0 : index
    %get3A_21 = arith.constant 0 : index
    %get3A_22 = vector.load %arg5[%get3A_20, %get3A_21] : memref<64x1xf32, #tpu.memory_space<vmem>>, vector<64x1xf32>
    %dot_general3A_23 = arith.constant dense<0.000000e+00> : vector<1024x1xf32>
    %dot_general3A_24 = tpu.matmul %sub3A_19, %get3A_22, %dot_general3A_23 {dimension_numbers = #tpu.dot_dimension_numbers<[1], [0], [0], [1], [0, 0, 1, 1], [], []>, transpose_lhs_hint = false} : vector<1024x64xf32>, vector<64x1xf32>, vector<1024x1xf32> -> vector<1024x1xf32>
    %get3A_25 = arith.constant 0 : index
    %get3A_26 = arith.constant 0 : index
    %get3A_27 = vector.load %arg7[%get3A_25, %get3A_26] : memref<1x1xf32, #tpu.memory_space<vmem>>, vector<1x1xf32>
    %add3A_28 = vector.broadcast %get3A_27 : vector<1x1xf32> to vector<1024x1xf32>
    %add3A_29 = arith.addf %dot_general3A_24, %add3A_28 : vector<1024x1xf32>
    %get3A_30 = arith.constant 0 : index
    %get3A_31 = arith.constant 0 : index
    %get3A_32 = vector.load %arg6[%get3A_30, %get3A_31] : memref<64x1xf32, #tpu.memory_space<vmem>>, vector<64x1xf32>
    %dot_general3A_33 = arith.constant dense<0.000000e+00> : vector<1024x1xf32>
    %dot_general3A_34 = tpu.matmul %sub3A_19, %get3A_32, %dot_general3A_33 {dimension_numbers = #tpu.dot_dimension_numbers<[1], [0], [0], [1], [0, 0, 1, 1], [], []>, transpose_lhs_hint = false} : vector<1024x64xf32>, vector<64x1xf32>, vector<1024x1xf32> -> vector<1024x1xf32>
    %get3A_35 = arith.constant 0 : index
    %get3A_36 = arith.constant 0 : index
    %get3A_37 = vector.load %arg8[%get3A_35, %get3A_36] : memref<1x1xf32, #tpu.memory_space<vmem>>, vector<1x1xf32>
    %add3A_38 = vector.broadcast %get3A_37 : vector<1x1xf32> to vector<1024x1xf32>
    %add3A_39 = arith.addf %dot_general3A_34, %add3A_38 : vector<1024x1xf32>
    %swap3A = arith.constant 0 : index
    %swap3A_40 = arith.constant 0 : index
    %swap3A_41 = vector.load %arg9[%swap3A, %swap3A_40] : memref<1024x1xf32, #tpu.memory_space<vmem>>, vector<1024x1xf32>
    tpu.vector_store %arg9[%swap3A, %swap3A_40], %add3A_29 {strides = array<i32>} : memref<1024x1xf32, #tpu.memory_space<vmem>>, vector<1024x1xf32>,
    %swap3A_42 = arith.constant 0 : index
    %swap3A_43 = arith.constant 0 : index
    %swap3A_44 = vector.load %arg10[%swap3A_42, %swap3A_43] : memref<1024x1xf32, #tpu.memory_space<vmem>>, vector<1024x1xf32>
    tpu.vector_store %arg10[%swap3A_42, %swap3A_43], %add3A_39 {strides = array<i32>} : memref<1024x1xf32, #tpu.memory_space<vmem>>, vector<1024x1xf32>,
    %get3A_45 = arith.constant 0 : index
    %get3A_46 = arith.constant 0 : index
    %get3A_47 = vector.load %arg2[%get3A_45, %get3A_46] : memref<1024x1xi32, #tpu.memory_space<vmem>>, vector<1024x1xi32>
    %iota3A = tpu.iota {dimensions = array<i32: 1>} : vector<1024x64xi32>
    %eq3A = vector.broadcast %get3A_47 : vector<1024x1xi32> to vector<1024x64xi32>
    %eq3A_48 = arith.cmpi eq, %eq3A, %iota3A : vector<1024x64xi32>
    %convert_element_type3A = arith.extui %eq3A_48 : vector<1024x64xi1> to vector<1024x64xi32>
    %convert_element_type3A_49 = arith.sitofp %convert_element_type3A : vector<1024x64xi32> to vector<1024x64xf32>
    %mul3A = vector.broadcast %add3A_29 : vector<1024x1xf32> to vector<1024x64xf32>
    %mul3A_50 = arith.mulf %convert_element_type3A_49, %mul3A : vector<1024x64xf32>
    %reduce_sum3A = arith.constant dense<0.000000e+00> : vector<64xf32>
    %reduce_sum3A_51 = vector.multi_reduction <add>, %mul3A_50, %reduce_sum3A [0] : vector<1024x64xf32> to vector<64xf32>
    %broadcast_in_dim3A = vector.shape_cast %reduce_sum3A_51 : vector<64xf32> to vector<1x64xf32>
    %mul3A_52 = vector.broadcast %add3A_39 : vector<1024x1xf32> to vector<1024x64xf32>
    %mul3A_53 = arith.mulf %convert_element_type3A_49, %mul3A_52 : vector<1024x64xf32>
    %reduce_sum3A_54 = arith.constant dense<0.000000e+00> : vector<64xf32>
    %reduce_sum3A_55 = vector.multi_reduction <add>, %mul3A_53, %reduce_sum3A_54 [0] : vector<1024x64xf32> to vector<64xf32>
    %broadcast_in_dim3A_56 = vector.shape_cast %reduce_sum3A_55 : vector<64xf32> to vector<1x64xf32>
    %eq3A_57 = arith.constant 0 : i32
    %eq3A_58 = arith.cmpi eq, %arg0, %eq3A_57 : i32
    %convert_element_type3A_59 = arith.extui %eq3A_58 : i1 to i32
    %cond3A = arith.constant 0 : i32
    %cond3A_60 = arith.cmpi ne, %convert_element_type3A_59, %cond3A : i32
    scf.if %cond3A_60 {
      %broadcast_in_dim3A_75 = arith.constant 0.000000e+00 : f32
      %broadcast_in_dim3A_76 = vector.broadcast %broadcast_in_dim3A_75 : f32 to vector<1x64xf32>
      %swap3A_77 = arith.constant 0 : index
      %swap3A_78 = arith.constant 0 : index
      %swap3A_79 = vector.load %arg11[%swap3A_77, %swap3A_78] : memref<1x64xf32, #tpu.memory_space<vmem>>, vector<1x64xf32>
      tpu.vector_store %arg11[%swap3A_77, %swap3A_78], %broadcast_in_dim3A_76 {strides = array<i32>} : memref<1x64xf32, #tpu.memory_space<vmem>>, vector<1x64xf32>,
      %broadcast_in_dim3A_80 = arith.constant 0.000000e+00 : f32
      %broadcast_in_dim3A_81 = vector.broadcast %broadcast_in_dim3A_80 : f32 to vector<1x64xf32>
      %swap3A_82 = arith.constant 0 : index
      %swap3A_83 = arith.constant 0 : index
      %swap3A_84 = vector.load %arg12[%swap3A_82, %swap3A_83] : memref<1x64xf32, #tpu.memory_space<vmem>>, vector<1x64xf32>
      tpu.vector_store %arg12[%swap3A_82, %swap3A_83], %broadcast_in_dim3A_81 {strides = array<i32>} : memref<1x64xf32, #tpu.memory_space<vmem>>, vector<1x64xf32>,
    } else {
    }
    %get3A_61 = arith.constant 0 : index
    %get3A_62 = arith.constant 0 : index
    %get3A_63 = vector.load %arg11[%get3A_61, %get3A_62] : memref<1x64xf32, #tpu.memory_space<vmem>>, vector<1x64xf32>
    %add3A_64 = arith.addf %get3A_63, %broadcast_in_dim3A : vector<1x64xf32>
    %swap3A_65 = arith.constant 0 : index
    %swap3A_66 = arith.constant 0 : index
    %swap3A_67 = vector.load %arg11[%swap3A_65, %swap3A_66] : memref<1x64xf32, #tpu.memory_space<vmem>>, vector<1x64xf32>
    tpu.vector_store %arg11[%swap3A_65, %swap3A_66], %add3A_64 {strides = array<i32>} : memref<1x64xf32, #tpu.memory_space<vmem>>, vector<1x64xf32>,
    %get3A_68 = arith.constant 0 : index
    %get3A_69 = arith.constant 0 : index
    %get3A_70 = vector.load %arg12[%get3A_68, %get3A_69] : memref<1x64xf32, #tpu.memory_space<vmem>>, vector<1x64xf32>
    %add3A_71 = arith.addf %get3A_70, %broadcast_in_dim3A_56 : vector<1x64xf32>
    %swap3A_72 = arith.constant 0 : index
    %swap3A_73 = arith.constant 0 : index
    %swap3A_74 = vector.load %arg12[%swap3A_72, %swap3A_73] : memref<1x64xf32, #tpu.memory_space<vmem>>, vector<1x64xf32>
    tpu.vector_store %arg12[%swap3A_72, %swap3A_73], %add3A_71 {strides = array<i32>} : memref<1x64xf32, #tpu.memory_space<vmem>>, vector<1x64xf32>,
    return
  }
  func.func @transform_0(%arg0: i32) -> (i32, i32) {
    %c0_i32 = arith.constant 0 : i32
    %c0_i32_0 = arith.constant 0 : i32
    return %arg0, %c0_i32 : i32, i32
  }
  func.func @transform_1(%arg0: i32) -> (i32, i32) {
    %c0_i32 = arith.constant 0 : i32
    %c0_i32_0 = arith.constant 0 : i32
    return %arg0, %c0_i32 : i32, i32
  }
  func.func @transform_2(%arg0: i32) -> (i32, i32) {
    %c0_i32 = arith.constant 0 : i32
    %c0_i32_0 = arith.constant 0 : i32
    %c0_i32_1 = arith.constant 0 : i32
    return %c0_i32, %c0_i32_0 : i32, i32
  }
  func.func @transform_3(%arg0: i32) -> (i32, i32) {
    %c0_i32 = arith.constant 0 : i32
    %c0_i32_0 = arith.constant 0 : i32
    %c0_i32_1 = arith.constant 0 : i32
    return %c0_i32, %c0_i32_0 : i32, i32
  }
  func.func @transform_4(%arg0: i32) -> (i32, i32) {
    %c0_i32 = arith.constant 0 : i32
    %c0_i32_0 = arith.constant 0 : i32
    %c0_i32_1 = arith.constant 0 : i32
    return %c0_i32, %c0_i32_0 : i32, i32
  }
  func.func @transform_5(%arg0: i32) -> (i32, i32) {
    %c0_i32 = arith.constant 0 : i32
    %c0_i32_0 = arith.constant 0 : i32
    %c0_i32_1 = arith.constant 0 : i32
    return %c0_i32, %c0_i32_0 : i32, i32
  }
  func.func @transform_6(%arg0: i32) -> (i32, i32) {
    %c0_i32 = arith.constant 0 : i32
    %c0_i32_0 = arith.constant 0 : i32
    %c0_i32_1 = arith.constant 0 : i32
    return %c0_i32, %c0_i32_0 : i32, i32
  }
  func.func @transform_7(%arg0: i32) -> (i32, i32) {
    %c0_i32 = arith.constant 0 : i32
    %c0_i32_0 = arith.constant 0 : i32
    %c0_i32_1 = arith.constant 0 : i32
    return %c0_i32, %c0_i32_0 : i32, i32
  }
  func.func @transform_8(%arg0: i32) -> (i32, i32) {
    %c0_i32 = arith.constant 0 : i32
    %c0_i32_0 = arith.constant 0 : i32
    return %arg0, %c0_i32 : i32, i32
  }
  func.func @transform_9(%arg0: i32) -> (i32, i32) {
    %c0_i32 = arith.constant 0 : i32
    %c0_i32_0 = arith.constant 0 : i32
    return %arg0, %c0_i32 : i32, i32
  }
  func.func @transform_10(%arg0: i32) -> (i32, i32) {
    %c0_i32 = arith.constant 0 : i32
    %c0_i32_0 = arith.constant 0 : i32
    %c0_i32_1 = arith.constant 0 : i32
    return %c0_i32, %c0_i32_0 : i32, i32
  }
  func.func @transform_11(%arg0: i32) -> (i32, i32) {
    %c0_i32 = arith.constant 0 : i32
    %c0_i32_0 = arith.constant 0 : i32
    %c0_i32_1 = arith.constant 0 : i32
    return %c0_i32, %c0_i32_0 : i32, i32
  }
}

</mosaic_0001>

<sc_bundles>
// kernel: kernel.23.cloned.1.call-start
scs
__scs_entry_jumppad:
0x0: {  	(pc) =	sbr.rel $0x88, $3  }
0x1: {  	(tag) =	ssettag $0x0;
	lr =	simm.s32 $0x1  }
0x2: {  	[smem:$0x3F8D] =	sst lr;
	_ =	strace $0xD0000000  }
0x3: {  	_ = 	snop  }
0x4: {  	_ = 	snop  }
0x5: {  	_ = 	snop  }
0x6: {  	_ = 	snop  }
0x7: {  	_ = 	snop  }
__scs_overlays_trampoline_lowered:
0x8: {  	[smem:$0x3F9C] =	sst s0  }
0x9: {  	[smem:$0x3F9D] =	sst s1  }
0xa: {  	[smem:$0x3F9E] =	sst s2  }
0xb: {  	[smem:$0x3F9F] =	sst s3  }
0xc: {  	[smem:$0x3FA0] =	sst s4  }
0xd: {  	[smem:$0x3FA1] =	sst s5  }
0xe: {  	[smem:$0x3FA2] =	sst s6  }
0xf: {  	[smem:$0x3FA3] =	sst s7  }
0x10: {  	[smem:$0x3FA4] =	sst s8  }
0x11: {  	[smem:$0x3FA5] =	sst s9;
	s0 =	simm.s32 @!p0 $0x0  }
0x12: {  	s1 =	sld [smem:$0x3F8B];
	s0 =	simm.s32 @p0 $0x1  }
0x13: {  	[smem:$0x3FA6] =	sst s0;
	s0 =	simm.s32 @!p1 $0x0  }
0x14: {  	s2 =	sld [smem:$0x3F8A];
	s0 =	simm.s32 @p1 $0x1  }
0x15: {  	[smem:$0x3FA7] =	sst s0;
	s0 =	simm.s32 @!p2 $0x0  }
0x16: {  	s3 =	sld [smem:$0x3FDB];
	s0 =	simm.s32 @p2 $0x1  }
0x17: {  	s4 =	simm.s32 $0x1BF5;
	[smem:$0x3FA9] =	sst s0  }
0x18: {  	s0 =	sld [smem:$0x3F8C];
	_ =	swait.ge [sflag:s4], $0x0  }
0x19: {  	s7 =	sld [smem:$0x3F8D]  }
0x1a: {  	s8 =	sadd.s32 $0xFFFFE003, lr  }
0x1b: {  	s9 =	sadd.s32 $0xFFFFFEF7, lr;
	s5 =	simm.s32 $0xFFFFFFFF;
	p2 =	slt.u32 s8, $0xFFFFF086  }
0x1c: {  	p1 =	slt.u32 s9, $0xF7A;
	s5 =	simm.s32 @!p2 $0x0  }
0x1d: {  	s5 =	simm.s32 @p1 $0x1;
	p0 =	seq.s32 s7, s2  }
0x1e: {  	s7 =	smul.u32 @!p0 $0xF7A, s2;
	p2 =	seq.s32 @!p0 s5, $0x0  }
0x1f: {  	s9 =	smul.u32 $0xF7A, s1;
	s8 =	simm.s32 @!p0 $0x1BF5;
	p2 =	por !p2, p0  }
0x20: {  	[sflag:s8] =	ssyncset.s32 @!p0 $0xFFFFF086;
	s6 =	sadd.s32 @!p0 s3, s7;
	s7 =	simm.s32 @!p0 $0x108  }
0x21: {  	s3 =	sadd.s32 s3, s9;
	s6 =	sadd.s32 @!p0 $0x88, s6;
	s7 =	simm.s32 @p2 $0x1082  }
0x22: {  	[simem:s7], [sflag:s8] =	dma.local @!p0 [hbm:s6], $0xF7A  }
0x23: {  	s9 =	sor.u32 $0xD0000000, s2;
	s6 =	simm.s32 $0x108;
	_ =	swait.ge @!p0 [sflag:s8], $0x0  }
0x24: {  	s3 =	sadd.s32 $0x88, s3;
	s6 =	simm.s32 @!p1 $0x1082;
	[sflag:s4] =	ssyncset.s32 $0xFFFFF086  }
0x25: {  	[simem:s6], [sflag:s4] =	dma.local [hbm:s3], $0xF7A  }
0x26: {  	[smem:$0x3F8D] =	sst s1;
	(tag) =	ssettag s2;
	_ =	strace s9  }
0x27: {  	s1 =	sld [smem:$0x3F9D]  }
0x28: {  	s2 =	sld [smem:$0x3F9E]  }
0x29: {  	s4 =	sld [smem:$0x3FA0]  }
0x2a: {  	p0 =	seq.s32 s5, $0x0;
	s5 =	sld [smem:$0x3FA1]  }
0x2b: {  	s6 =	sld [smem:$0x3FA2]  }
0x2c: {  	s7 =	sld [smem:$0x3FA3]  }
0x2d: {  	s3 =	simm.s32 $0x108;
	s8 =	sld [smem:$0x3FA4]  }
0x2e: {  	s3 =	simm.s32 @!p0 $0x1082;
	s9 =	sld [smem:$0x3FA5]  }
0x2f: {  	lr =	sadd.s32 s0, s3;
	s0 =	sld [smem:$0x3F9C]  }
0x30: {  	s3 =	sld [smem:$0x3F9F]  }
0x31: {  	[smem:$0x3FA8] =	sst s10  }
0x32: {  	s10 =	sld [smem:$0x3FA6];
	_ =	sdelay $0x3  }
0x33: {  	p0 =	seq.s32 s10, $0x1;
	s10 =	sld [smem:$0x3FA8];
	_ =	sdelay $0x3  }
0x34: {  	[smem:$0x3FA8] =	sst s10  }
0x35: {  	s10 =	sld [smem:$0x3FA7];
	_ =	sdelay $0x3  }
0x36: {  	p1 =	seq.s32 s10, $0x1;
	s10 =	sld [smem:$0x3FA8];
	_ =	sdelay $0x3  }
0x37: {  	[smem:$0x3FA8] =	sst s10  }
0x38: {  	s10 =	sld [smem:$0x3FA9]  }
0x39: {  	_ = 	snop;
	(pc) =	sbr.ind lr, $3  }
0x3a: {  	_ = 	snop  }
0x3b: {  	_ = 	snop  }
0x3c: {  	p2 =	seq.s32 s10, $0x1;
	s10 =	sld [smem:$0x3FA8]  }
0x3d: {  	_ =	shalt  }
0x3e: {  	_ =	shalt  }
0x3f: {  	_ =	shalt  }
0x40: {  	_ =	shalt  }
0x41: {  	_ =	shalt  }
0x42: {  	_ =	shalt  }
0x43: {  	_ =	shalt  }
0x44: {  	_ =	shalt  }
0x45: {  	_ =	shalt  }
0x46: {  	_ =	shalt  }
0x47: {  	_ =	shalt  }
0x48: {  	_ =	shalt  }
0x49: {  	_ =	shalt  }
0x4a: {  	_ =	shalt  }
0x4b: {  	_ =	shalt  }
0x4c: {  	_ =	shalt  }
0x4d: {  	_ =	shalt  }
0x4e: {  	_ =	shalt  }
0x4f: {  	_ =	shalt  }
0x50: {  	_ =	shalt  }
0x51: {  	_ =	shalt  }
0x52: {  	_ =	shalt  }
0x53: {  	_ =	shalt  }
0x54: {  	_ =	shalt  }
0x55: {  	_ =	shalt  }
0x56: {  	_ =	shalt  }
0x57: {  	_ =	shalt  }
0x58: {  	_ =	shalt  }
0x59: {  	_ =	shalt  }
0x5a: {  	_ =	shalt  }
0x5b: {  	_ =	shalt  }
0x5c: {  	_ =	shalt  }
0x5d: {  	_ =	shalt  }
0x5e: {  	_ =	shalt  }
0x5f: {  	_ =	shalt  }
0x60: {  	_ =	shalt  }
0x61: {  	_ =	shalt  }
0x62: {  	_ =	shalt  }
0x63: {  	_ =	shalt  }
0x64: {  	_ =	shalt  }
0x65: {  	_ =	shalt  }
0x66: {  	_ =	shalt  }
0x67: {  	_ =	shalt  }
0x68: {  	_ =	shalt  }
0x69: {  	_ =	shalt  }
0x6a: {  	_ =	shalt  }
0x6b: {  	_ =	shalt  }
0x6c: {  	_ =	shalt  }
0x6d: {  	_ =	shalt  }
0x6e: {  	_ =	shalt  }
0x6f: {  	_ =	shalt  }
0x70: {  	_ =	shalt  }
0x71: {  	_ =	shalt  }
0x72: {  	_ =	shalt  }
0x73: {  	_ =	shalt  }
0x74: {  	_ =	shalt  }
0x75: {  	_ =	shalt  }
0x76: {  	_ =	shalt  }
0x77: {  	_ =	shalt  }
0x78: {  	_ =	shalt  }
0x79: {  	_ =	shalt  }
0x7a: {  	_ =	shalt  }
0x7b: {  	_ =	shalt  }
0x7c: {  	_ =	shalt  }
0x7d: {  	_ =	shalt  }
0x7e: {  	_ =	shalt  }
0x7f: {  	_ =	shalt  }
0x80: {  	_ =	shalt  }
0x81: {  	_ =	shalt  }
0x82: {  	_ =	shalt  }
0x83: {  	_ =	shalt  }
0x84: {  	_ =	shalt  }
0x85: {  	_ =	shalt  }
0x86: {  	_ =	shalt  }
0x87: {  	_ =	shalt  }
.Lfunc_end0:
.L_simem_size_0:
called_computation_lowered:
.L_overlay_start_0:
0x88: {  	s2 =	sld [smem:$0x3FD9]  }
0x89: {  	s3 =	sld [smem:$0x3FFE];
	_ =	sdelay $0x1  }
0x8a: {  	s1 =	srdreg.scid  }
0x8b: {  	s0 =	sand.u32 $0x1, s1  }
0x8c: {  	s16 =	sshll.u32 s0, $0xA;
	s2 =	sadd.s32 s3, s2  }
0x8d: {  	s2 =	sadd.s32 s2, s16  }
0x8e: {  	[smem:$0x3FB4] =	sst s2  }
0x8f: {  	_ = 	snop  }
0x90: {  	(tm) =	ssettm $0x1  }
0x91: {  	s17 =	sld [smem:$0x3FFB];
	_ =	sdelay $0x3  }
0x92: {  	_ =	strace s17  }
0x93: {  	s2 =	sld [smem:$0x3FFC];
	_ =	sdelay $0x3  }
0x94: {  	_ =	strace s2  }
0x95: {  	s2 =	sld [smem:$0x3FFD];
	_ =	sdelay $0x3  }
0x96: {  	_ =	strace s2  }
0x97: {  	_ =	strace $0x8FFFFFFF  }
0x98: {  	s18 =	sld [smem:$0x3FDB];
	_ =	sdelay $0x1  }
0x99: {  	s19 =	simm.s32 $_scs_section_size  }
0x9a: {  	s4 =	simm.s32 $_size__tile_overlayer_lowered;
	s5 =	simm.s32 $_tile_overlayer_lowered  }
0x9b: {  	s22 =	simm.s32 $0x1BFF;
	s21 =	sshll.u32 s5, $0x1;
	s2 =	sadd.s32 s19, s18  }
0x9c: {  	s6 =	simm.s32 $0x0;
	s20 =	sshll.u32 s4, $0x1;
	s4 =	sadd.s32 s21, s2  }
0x9d: {  	[timem:s6], [sflag:s22] =	dma.local [hbm:s4], s20  }
0x9e: {  	_ =	swait.ge [sflag:s22], s20  }
0x9f: {  	s3 =	ssub.s32 $0x0, s20;
	[sflag:s22] =	ssyncset.done $0x0  }
0xa0: {  	[sflag:s22] =	ssyncadd.s32 s3;
	_ =	sdelay $0x1  }
0xa1: {  	s23 =	simm.s32 $0x1B8B  }
0xa2: {  	_ =	swait.ge [sflag:s23], $0x1  }
0xa3: {  	[sflag:s23] =	ssyncset.done $0x0  }
0xa4: {  	s25 =	simm.s32 $0x1B8E;
	s24 =	sld [smem:$0x3FFE];
	[sflag:s23] =	ssyncadd.s32 $0xFFFFFFFF  }
0xa5: {  	s26 =	simm.s32 $execute0_lowered;
	[smem:$0x3FD2] =	sst s25  }
0xa6: {  	s4 =	sshll.u32 s26, $0x1;
	_ =	strace $0x80000046;
	[dreg:$0x1] =	wrdreg $0xFFFFFFFF  }
0xa7: {  	s28 =	simm.s32 $_size_execute0_lowered;
	s2 =	sadd.s32 s2, s4;
	[dreg:$0x0] =	wrdreg $0x0  }
0xa8: {  	s4 =	sshll.u32 s28, $0x1;
	[dreg:$0x2] =	wrdreg s2  }
0xa9: {  	[dreg:$0x3] =	wrdreg s4  }
0xaa: {  	[dreg:$0x4] =	wrdreg $0xC0  }
0xab: {  	_ =	task [dreg:s6], $0x5FFFF  }
0xac: {  	[dreg:$0x1] =	wrdreg $0xFFFFFFFF  }
0xad: {  	[dreg:$0x0] =	wrdreg $0x60  }
0xae: {  	[dreg:$0x2] =	wrdreg s24  }
0xaf: {  	[dreg:$0x3] =	wrdreg $0x9  }
0xb0: {  	_ =	task.clear_ibuf [dreg:s6], $0x4FFFF;
	_ =	strace $0x90000046  }
0xb1: {  	s29 =	simm.s32 $0x9;
	_ =	strace $0x80000048  }
0xb2: {  	_ =	swait.ge [sflag:s29], $0x1  }
0xb3: {  	[sflag:s29] =	ssyncadd.s32 $0xFFFFFFFF  }
0xb4: {  	_ =	strace $0x90000048  }
0xb5: {  	_ =	sfence  }
0xb6: {  	s30 =	sld [smem:$0x0];
	_ =	sdelay $0x2  }
0xb7: {  	s31 =	sshll.u32 s1, $0xD;
	s1 =	sshrl.u32 s1, $0x2  }
0xb8: {  	s3 =	sand.u32 $0x4000, s31;
	s1 =	sadd.s32 s1, s30  }
0xb9: {  	s0 =	sor.u32 s3, s0;
	s1 =	sshll.u32 s1, $0x11  }
0xba: {  	s0 =	sor.u32 s1, s0  }
0xbb: {  	s0 =	sadd.s32 $0x8F2B, s0  }
0xbc: {  	[sflag:s0] =	ssyncadd.remote.s32 $0x1  }
0xbd: {  	_ =	sfence.sel $0xFFFF  }
0xbe: {  	[dreg:$0x0] =	wrdreg $0xFFFFFFFF;
	(pc) =	sbr.abs _section_cstart, $3  }
0xbf: {  	[dreg:$0x1] =	wrdreg $0xFFFFFFFF  }
0xc0: {  	_ =	task.clear_ibuf [dreg:s6], $0x2FFFF;
	_ =	strace $0x9FFFFFFF  }
0xc1: {  	(tm) =	ssettm $0x7FFFFFFF  }
tec
execute0_lowered:
.L_overlay_start_1:
0x0: {  	(tag) =	ssettag $0x1  }
0x1: {  	s1 =	srdreg.scid;
	s0 =	stileid.u32  }
0x2: {  	s4 =	rddreg [dreg:$0x0];
	s2 =	simm.s32 $0x0;
	s10 =	simm.s32 $0x2780  }
0x3: {  	s11 =	simm.s32 $0x80;
	s12 =	simm.s32 $0x4F00;
	s13 =	simm.s32 $0x5700  }
0x4: {  	s14 =	simm.s32 $0x1;
	s15 =	simm.s32 $0x2;
	s16 =	simm.s32 $0x0  }
0x5: {  	s3 =	sand.u32 $0x1, s1;
	s5 =	sshll.u32 s0, $0x1;
	s1 =	rddreg [dreg:$0x1]  }
0x6: {  	[smem:$0x7FF] =	sst s2;
	s7 =	sor.u32 s3, s5;
	s6 =	ssub.s32 $0x2, s3  }
0x7: {  	_ =	strace $0x80000047;
	s5 =	smul.u32 $0x4F0, s7;
	s8 =	sshrl.u32 s6, $0x1  }
0x8: {  	s3 =	sadd.s32 $0xDE00, s4;
	s7 =	smul.u32 $0x4F, s7;
	s8 =	ssub.s32 s6, s8  }
0x9: {  	s9 =	sadd.s32 s5, s4;
	s4 =	sadd.s32 $0x26A00, s4;
	s8 =	smax.u32 s8, $0x1  }
0xa: {  	s5 =	sadd.s32 $0x12E00, s9;
	s6 =	sadd.s32 $0x1CC00, s9;
	s9 =	simm.s32 $0x3  }
.LBB2_1:
0xb: {  	[tilespmem:s2], [sflag:$0x3] =	stream.linear.gather [hbm4b:s5+s2], $0x2780, $0x38;
	[tilespmem:$0x5F00] =	vst v63  }
0xc: {  	_ =	swait.ge [sflag:s9], $0x2780  }
0xd: {  	[sflag:s9] =	ssyncset.done $0x0  }
0xe: {  	[sflag:s9] =	ssyncadd.s32 $0xFFFFD880  }
0xf: {  	[tilespmem:s10], [sflag:$0x3] =	stream.linear.gather [hbm4b:s6+s2], $0x2780, $0x38;
	[tilespmem:$0x5F00] =	vst v63  }
0x10: {  	_ =	swait.ge [sflag:s9], $0x2780  }
0x11: {  	[sflag:s9] =	ssyncset.done $0x0  }
0x12: {  	s17 =	simm.s32 $0x0;
	[sflag:s9] =	ssyncadd.s32 $0xFFFFD880  }
.LBB2_2:
0x13: {  	s18 =	sshll.u32 s17, $0x7  }
0x14: {  	[tilespmem:s12], [sflag:$0x1] =	stream.indirect.gather [hbm4b:s3+s11], $0x10, s18, s11, $0xb8;
	[tilespmem:$0x5F00] =	vst v63  }
0x15: {  	s18 =	sadd.s32 $0x2780, s18  }
0x16: {  	[tilespmem:s13], [sflag:$0x2] =	stream.indirect.gather [hbm4b:s3+s11], $0x10, s18, s11, $0xb8;
	[tilespmem:$0x5F00] =	vst v63  }
0x17: {  	_ =	swait.ge [sflag:s14], $0x800  }
0x18: {  	[sflag:s14] =	ssyncset.done $0x0  }
0x19: {  	[sflag:s14] =	ssyncadd.s32 $0xFFFFF800  }
0x1a: {  	_ =	swait.ge [sflag:s15], $0x800  }
0x1b: {  	[sflag:s15] =	ssyncset.done $0x0  }
0x1c: {  	s18 =	simm.s32 $0x0;
	[sflag:s15] =	ssyncadd.s32 $0xFFFFF800  }
0x1d: {  	s19 =	simm.s32 $0x40;
	v0 =	vld [tilespmem:s18+$0x5700]  }
.LBB2_3:
0x1e: {  	p0 =	sne.s32 s19, $0x1FC0;
	v1 =	vld [tilespmem:s18+$0x4F00];
	_ =	sdelay $0x2  }
.Ltmp0:
0x1f: {  	(pc) =	sbr.rel @p0 .LBB2_3-.Ltmp0, $4  }
0x20: {  	_ = 	snop  }
0x21: {  	v1 =	vsub.f32 v1, v0  }
0x22: {  	s20 =	sshra.s32 s19, $0x2  }
0x23: {  	s19 =	sadd.s32 $0x40, s19;
	v0 =	vld [tilespmem:s20+$0x5700];
	[tilespmem:s18+$0x4F00] =	vst v1;
	s18 =	smov.u32 s20  }
0x24: {  	v1 =	vld [tilespmem:s18+$0x4F00];
	_ =	sdelay $0x4  }
0x25: {  	s19 =	sadd.s32 s7, s17;
	s17 =	sadd.s32 $0x1, s17;
	v0 =	vsub.f32 v1, v0  }
0x26: {  	s19 =	sshll.u32 s19, $0x8;
	p0 =	sne.s32 s17, $0x4F  }
.Ltmp1:
0x27: {  	s31 =	sadd.s32 s4, s19;
	[tilespmem:s18+$0x4F00] =	vst v0;
	(pc) =	sbr.rel @p0 .LBB2_2-.Ltmp1, $4  }
0x28: {  	[hbm4b:s31+s2] =	stream.linear.scatter [tilespmem:s12], [sflag:$0x3], $0x800, $0x38;
	[tilespmem:$0x5F00] =	vst v63  }
0x29: {  	_ =	swait.ge [sflag:s9], $0x800  }
0x2a: {  	[sflag:s9] =	ssyncset.done $0x0  }
0x2b: {  	[sflag:s9] =	ssyncadd.s32 $0xFFFFF800  }
0x2c: {  	s16 =	sadd.s32 $0x1, s16  }
0x2d: {  	p0 =	sne.s32 s16, s8  }
.Ltmp2:
0x2e: {  	_ = 	snop;
	(pc) =	sbr.rel @p0 .LBB2_1-.Ltmp2, $1  }
0x2f: {  	_ =	sdelay $0x3  }
0x30: {  	_ =	sfence.sel $0x180000  }
0x31: {  	[bflag:$0x0] =	sbarrier.arrive $0xFFFF  }
0x32: {  	p0 =	sne.s32 s0, $0x0;
	_ =	strace $0x90000047  }
0x33: {  	s0 =	sadd.s32 @!p0 $0x100000, s1;
	[bflag:$0x2] =	sbarrier.arrive $0xFFFF  }
0x34: {  	[sflag:s0] =	ssyncadd.tile.s32 @!p0 $0x1;
	_ =	shalt  }
.Lfunc_end2:
_tile_overlayer_lowered:
.L_overlay_start_2:
0x35: {  	(tag) =	ssettag $0x2  }
0x36: {  	s0 =	rddreg [dreg:$0x0];
	s2 =	stileid.u32  }
0x37: {  	s1 =	rddreg [dreg:$0x1];
	p0 =	sne.s32 s2, $0x0  }
0x38: {  	s3 =	rddreg [dreg:$0x2];
	[bflag:$0x3] =	sbarrier.arrive $0xFFFF;
	s2 =	simm.s32 @!p0 $0x1C03  }
0x39: {  	[timem:s3], [sflag:s2] =	dma.local @!p0 [hbm:s0], s1  }
0x3a: {  	s0 =	simm.s32 @!p0 $0x3  }
0x3b: {  	_ =	swait.ge @!p0 [sflag:s0], s1  }
0x3c: {  	s1 =	ssub.s32 @!p0 $0x0, s1;
	[sflag:s0] =	ssyncset.done @!p0 $0x0  }
0x3d: {  	[sflag:s0] =	ssyncadd.s32 @!p0 s1  }
0x3e: {  	[bflag:$0x3] =	sbarrier.arrive $0xFFFF  }
0x3f: {  	_ =	shalt  }

// kernel: kernel.26.cloned.1.call-start
scs
__scs_entry_jumppad:
0x0: {  	(pc) =	sbr.rel $0x88, $3  }
0x1: {  	(tag) =	ssettag $0x0;
	lr =	simm.s32 $0x1  }
0x2: {  	[smem:$0x3F8D] =	sst lr;
	_ =	strace $0xD0000000  }
0x3: {  	_ = 	snop  }
0x4: {  	_ = 	snop  }
0x5: {  	_ = 	snop  }
0x6: {  	_ = 	snop  }
0x7: {  	_ = 	snop  }
__scs_overlays_trampoline_lowered:
0x8: {  	[smem:$0x3F9C] =	sst s0  }
0x9: {  	[smem:$0x3F9D] =	sst s1  }
0xa: {  	[smem:$0x3F9E] =	sst s2  }
0xb: {  	[smem:$0x3F9F] =	sst s3  }
0xc: {  	[smem:$0x3FA0] =	sst s4  }
0xd: {  	[smem:$0x3FA1] =	sst s5  }
0xe: {  	[smem:$0x3FA2] =	sst s6  }
0xf: {  	[smem:$0x3FA3] =	sst s7  }
0x10: {  	[smem:$0x3FA4] =	sst s8  }
0x11: {  	[smem:$0x3FA5] =	sst s9;
	s0 =	simm.s32 @!p0 $0x0  }
0x12: {  	s1 =	sld [smem:$0x3F8B];
	s0 =	simm.s32 @p0 $0x1  }
0x13: {  	[smem:$0x3FA6] =	sst s0;
	s0 =	simm.s32 @!p1 $0x0  }
0x14: {  	s2 =	sld [smem:$0x3F8A];
	s0 =	simm.s32 @p1 $0x1  }
0x15: {  	[smem:$0x3FA7] =	sst s0;
	s0 =	simm.s32 @!p2 $0x0  }
0x16: {  	s3 =	sld [smem:$0x3FDB];
	s0 =	simm.s32 @p2 $0x1  }
0x17: {  	s4 =	simm.s32 $0x1BF5;
	[smem:$0x3FA9] =	sst s0  }
0x18: {  	s0 =	sld [smem:$0x3F8C];
	_ =	swait.ge [sflag:s4], $0x0  }
0x19: {  	s7 =	sld [smem:$0x3F8D]  }
0x1a: {  	s8 =	sadd.s32 $0xFFFFE003, lr  }
0x1b: {  	s9 =	sadd.s32 $0xFFFFFEF7, lr;
	s5 =	simm.s32 $0xFFFFFFFF;
	p2 =	slt.u32 s8, $0xFFFFF086  }
0x1c: {  	p1 =	slt.u32 s9, $0xF7A;
	s5 =	simm.s32 @!p2 $0x0  }
0x1d: {  	s5 =	simm.s32 @p1 $0x1;
	p0 =	seq.s32 s7, s2  }
0x1e: {  	s7 =	smul.u32 @!p0 $0xF7A, s2;
	p2 =	seq.s32 @!p0 s5, $0x0  }
0x1f: {  	s9 =	smul.u32 $0xF7A, s1;
	s8 =	simm.s32 @!p0 $0x1BF5;
	p2 =	por !p2, p0  }
0x20: {  	[sflag:s8] =	ssyncset.s32 @!p0 $0xFFFFF086;
	s6 =	sadd.s32 @!p0 s3, s7;
	s7 =	simm.s32 @!p0 $0x108  }
0x21: {  	s3 =	sadd.s32 s3, s9;
	s6 =	sadd.s32 @!p0 $0x88, s6;
	s7 =	simm.s32 @p2 $0x1082  }
0x22: {  	[simem:s7], [sflag:s8] =	dma.local @!p0 [hbm:s6], $0xF7A  }
0x23: {  	s9 =	sor.u32 $0xD0000000, s2;
	s6 =	simm.s32 $0x108;
	_ =	swait.ge @!p0 [sflag:s8], $0x0  }
0x24: {  	s3 =	sadd.s32 $0x88, s3;
	s6 =	simm.s32 @!p1 $0x1082;
	[sflag:s4] =	ssyncset.s32 $0xFFFFF086  }
0x25: {  	[simem:s6], [sflag:s4] =	dma.local [hbm:s3], $0xF7A  }
0x26: {  	[smem:$0x3F8D] =	sst s1;
	(tag) =	ssettag s2;
	_ =	strace s9  }
0x27: {  	s1 =	sld [smem:$0x3F9D]  }
0x28: {  	s2 =	sld [smem:$0x3F9E]  }
0x29: {  	s4 =	sld [smem:$0x3FA0]  }
0x2a: {  	p0 =	seq.s32 s5, $0x0;
	s5 =	sld [smem:$0x3FA1]  }
0x2b: {  	s6 =	sld [smem:$0x3FA2]  }
0x2c: {  	s7 =	sld [smem:$0x3FA3]  }
0x2d: {  	s3 =	simm.s32 $0x108;
	s8 =	sld [smem:$0x3FA4]  }
0x2e: {  	s3 =	simm.s32 @!p0 $0x1082;
	s9 =	sld [smem:$0x3FA5]  }
0x2f: {  	lr =	sadd.s32 s0, s3;
	s0 =	sld [smem:$0x3F9C]  }
0x30: {  	s3 =	sld [smem:$0x3F9F]  }
0x31: {  	[smem:$0x3FA8] =	sst s10  }
0x32: {  	s10 =	sld [smem:$0x3FA6];
	_ =	sdelay $0x3  }
0x33: {  	p0 =	seq.s32 s10, $0x1;
	s10 =	sld [smem:$0x3FA8];
	_ =	sdelay $0x3  }
0x34: {  	[smem:$0x3FA8] =	sst s10  }
0x35: {  	s10 =	sld [smem:$0x3FA7];
	_ =	sdelay $0x3  }
0x36: {  	p1 =	seq.s32 s10, $0x1;
	s10 =	sld [smem:$0x3FA8];
	_ =	sdelay $0x3  }
0x37: {  	[smem:$0x3FA8] =	sst s10  }
0x38: {  	s10 =	sld [smem:$0x3FA9]  }
0x39: {  	_ = 	snop;
	(pc) =	sbr.ind lr, $3  }
0x3a: {  	_ = 	snop  }
0x3b: {  	_ = 	snop  }
0x3c: {  	p2 =	seq.s32 s10, $0x1;
	s10 =	sld [smem:$0x3FA8]  }
0x3d: {  	_ =	shalt  }
0x3e: {  	_ =	shalt  }
0x3f: {  	_ =	shalt  }
0x40: {  	_ =	shalt  }
0x41: {  	_ =	shalt  }
0x42: {  	_ =	shalt  }
0x43: {  	_ =	shalt  }
0x44: {  	_ =	shalt  }
0x45: {  	_ =	shalt  }
0x46: {  	_ =	shalt  }
0x47: {  	_ =	shalt  }
0x48: {  	_ =	shalt  }
0x49: {  	_ =	shalt  }
0x4a: {  	_ =	shalt  }
0x4b: {  	_ =	shalt  }
0x4c: {  	_ =	shalt  }
0x4d: {  	_ =	shalt  }
0x4e: {  	_ =	shalt  }
0x4f: {  	_ =	shalt  }
0x50: {  	_ =	shalt  }
0x51: {  	_ =	shalt  }
0x52: {  	_ =	shalt  }
0x53: {  	_ =	shalt  }
0x54: {  	_ =	shalt  }
0x55: {  	_ =	shalt  }
0x56: {  	_ =	shalt  }
0x57: {  	_ =	shalt  }
0x58: {  	_ =	shalt  }
0x59: {  	_ =	shalt  }
0x5a: {  	_ =	shalt  }
0x5b: {  	_ =	shalt  }
0x5c: {  	_ =	shalt  }
0x5d: {  	_ =	shalt  }
0x5e: {  	_ =	shalt  }
0x5f: {  	_ =	shalt  }
0x60: {  	_ =	shalt  }
0x61: {  	_ =	shalt  }
0x62: {  	_ =	shalt  }
0x63: {  	_ =	shalt  }
0x64: {  	_ =	shalt  }
0x65: {  	_ =	shalt  }
0x66: {  	_ =	shalt  }
0x67: {  	_ =	shalt  }
0x68: {  	_ =	shalt  }
0x69: {  	_ =	shalt  }
0x6a: {  	_ =	shalt  }
0x6b: {  	_ =	shalt  }
0x6c: {  	_ =	shalt  }
0x6d: {  	_ =	shalt  }
0x6e: {  	_ =	shalt  }
0x6f: {  	_ =	shalt  }
0x70: {  	_ =	shalt  }
0x71: {  	_ =	shalt  }
0x72: {  	_ =	shalt  }
0x73: {  	_ =	shalt  }
0x74: {  	_ =	shalt  }
0x75: {  	_ =	shalt  }
0x76: {  	_ =	shalt  }
0x77: {  	_ =	shalt  }
0x78: {  	_ =	shalt  }
0x79: {  	_ =	shalt  }
0x7a: {  	_ =	shalt  }
0x7b: {  	_ =	shalt  }
0x7c: {  	_ =	shalt  }
0x7d: {  	_ =	shalt  }
0x7e: {  	_ =	shalt  }
0x7f: {  	_ =	shalt  }
0x80: {  	_ =	shalt  }
0x81: {  	_ =	shalt  }
0x82: {  	_ =	shalt  }
0x83: {  	_ =	shalt  }
0x84: {  	_ =	shalt  }
0x85: {  	_ =	shalt  }
0x86: {  	_ =	shalt  }
0x87: {  	_ =	shalt  }
.Lfunc_end0:
.L_simem_size_0:
called_computation.1_lowered:
.L_overlay_start_0:
0x88: {  	s2 =	sld [smem:$0x3FD9]  }
0x89: {  	s3 =	sld [smem:$0x3FFE];
	_ =	sdelay $0x1  }
0x8a: {  	s1 =	srdreg.scid  }
0x8b: {  	s0 =	sand.u32 $0x1, s1  }
0x8c: {  	s16 =	sshll.u32 s0, $0xA;
	s2 =	sadd.s32 s3, s2  }
0x8d: {  	s2 =	sadd.s32 s2, s16  }
0x8e: {  	[smem:$0x3FB4] =	sst s2  }
0x8f: {  	_ = 	snop  }
0x90: {  	(tm) =	ssettm $0x1  }
0x91: {  	s17 =	sld [smem:$0x3FFB];
	_ =	sdelay $0x3  }
0x92: {  	_ =	strace s17  }
0x93: {  	s2 =	sld [smem:$0x3FFC];
	_ =	sdelay $0x3  }
0x94: {  	_ =	strace s2  }
0x95: {  	s2 =	sld [smem:$0x3FFD];
	_ =	sdelay $0x3  }
0x96: {  	_ =	strace s2  }
0x97: {  	_ =	strace $0x8FFFFFFF  }
0x98: {  	s18 =	sld [smem:$0x3FDB];
	_ =	sdelay $0x1  }
0x99: {  	s19 =	simm.s32 $_scs_section_size  }
0x9a: {  	s4 =	simm.s32 $_size__tile_overlayer_lowered;
	s5 =	simm.s32 $_tile_overlayer_lowered  }
0x9b: {  	s22 =	simm.s32 $0x1BFF;
	s21 =	sshll.u32 s5, $0x1;
	s2 =	sadd.s32 s19, s18  }
0x9c: {  	s6 =	simm.s32 $0x0;
	s20 =	sshll.u32 s4, $0x1;
	s4 =	sadd.s32 s21, s2  }
0x9d: {  	[timem:s6], [sflag:s22] =	dma.local [hbm:s4], s20  }
0x9e: {  	_ =	swait.ge [sflag:s22], s20  }
0x9f: {  	s3 =	ssub.s32 $0x0, s20;
	[sflag:s22] =	ssyncset.done $0x0  }
0xa0: {  	[sflag:s22] =	ssyncadd.s32 s3;
	_ =	sdelay $0x1  }
0xa1: {  	s23 =	simm.s32 $0x1B8B  }
0xa2: {  	_ =	swait.ge [sflag:s23], $0x1  }
0xa3: {  	[sflag:s23] =	ssyncset.done $0x0  }
0xa4: {  	s25 =	simm.s32 $0x1B8E;
	s24 =	sld [smem:$0x3FFE];
	[sflag:s23] =	ssyncadd.s32 $0xFFFFFFFF  }
0xa5: {  	s26 =	simm.s32 $execute0_lowered;
	[smem:$0x3FD2] =	sst s25  }
0xa6: {  	s4 =	sshll.u32 s26, $0x1;
	_ =	strace $0x80000049;
	[dreg:$0x1] =	wrdreg $0xFFFFFFFF  }
0xa7: {  	s28 =	simm.s32 $_size_execute0_lowered;
	s2 =	sadd.s32 s2, s4;
	[dreg:$0x0] =	wrdreg $0x0  }
0xa8: {  	s4 =	sshll.u32 s28, $0x1;
	[dreg:$0x2] =	wrdreg s2  }
0xa9: {  	[dreg:$0x3] =	wrdreg s4  }
0xaa: {  	[dreg:$0x4] =	wrdreg $0xC0  }
0xab: {  	_ =	task [dreg:s6], $0x5FFFF  }
0xac: {  	[dreg:$0x1] =	wrdreg $0xFFFFFFFF  }
0xad: {  	[dreg:$0x0] =	wrdreg $0x60  }
0xae: {  	[dreg:$0x2] =	wrdreg s24  }
0xaf: {  	[dreg:$0x3] =	wrdreg $0x120800  }
0xb0: {  	[dreg:$0x4] =	wrdreg $0x9  }
0xb1: {  	_ =	task.clear_ibuf [dreg:s6], $0x5FFFF;
	_ =	strace $0x90000049  }
0xb2: {  	s29 =	simm.s32 $0x9;
	_ =	strace $0x8000004B  }
0xb3: {  	_ =	swait.ge [sflag:s29], $0x1  }
0xb4: {  	[sflag:s29] =	ssyncadd.s32 $0xFFFFFFFF  }
0xb5: {  	_ =	strace $0x9000004B  }
0xb6: {  	_ =	sfence  }
0xb7: {  	s30 =	sld [smem:$0x0];
	_ =	sdelay $0x2  }
0xb8: {  	s31 =	sshll.u32 s1, $0xD;
	s1 =	sshrl.u32 s1, $0x2  }
0xb9: {  	s3 =	sand.u32 $0x4000, s31;
	s1 =	sadd.s32 s1, s30  }
0xba: {  	s0 =	sor.u32 s3, s0;
	s1 =	sshll.u32 s1, $0x11  }
0xbb: {  	s0 =	sor.u32 s1, s0  }
0xbc: {  	s0 =	sadd.s32 $0x8F2B, s0  }
0xbd: {  	[sflag:s0] =	ssyncadd.remote.s32 $0x1  }
0xbe: {  	_ =	sfence.sel $0xFFFF  }
0xbf: {  	[dreg:$0x0] =	wrdreg $0xFFFFFFFF;
	(pc) =	sbr.abs _section_cstart, $3  }
0xc0: {  	[dreg:$0x1] =	wrdreg $0xFFFFFFFF  }
0xc1: {  	_ =	task.clear_ibuf [dreg:s6], $0x2FFFF;
	_ =	strace $0x9FFFFFFF  }
0xc2: {  	(tm) =	ssettm $0x7FFFFFFF  }
0xc3: {  	_ =	shalt  }
tec
execute0_lowered:
.L_overlay_start_1:
0x0: {  	(tag) =	ssettag $0x1  }
0x1: {  	s7 =	rddreg [dreg:$0x0]  }
0x2: {  	s2 =	rddreg [dreg:$0x1]  }
0x3: {  	s0 =	rddreg [dreg:$0x2]  }
0x4: {  	s1 =	stileid.u32;
	s4 =	srdreg.scid  }
0x5: {  	s3 =	simm.s32 $0x0;
	s16 =	simm.s32 $0x80;
	s17 =	simm.s32 $0xA080  }
0x6: {  	s18 =	simm.s32 $0xE080;
	s21 =	simm.s32 $0x0;
	s6 =	smul.u32 $0xA00, s1  }
0x7: {  	s10 =	sand.u32 $0x1, s4;
	[smem:$0x7FF] =	sst s3;
	s9 =	smul.u32 $0xA000, s1  }
0x8: {  	s4 =	sadd.s32 $0xDBA00, s7;
	s5 =	sadd.s32 $0x61FE00, s7;
	s28 =	smul.u32 $0x28000, s1  }
0x9: {  	s31 =	sshll.u32 s1, $0x6;
	s15 =	sshll.u32 s1, $0x3;
	s8 =	smul.u32 $0xA0000, s10  }
0xa: {  	_ =	strace $0x8000004A;
	s12 =	ssub.s32 $0x2, s10;
	s19 =	smul.u32 $0x1400, s10  }
0xb: {  	s20 =	sor.u32 $0x1400, s15;
	s10 =	smul.u32 $0x9E, s1;
	s15 =	simm.s32 $0x5000  }
0xc: {  	s11 =	sadd.s32 s6, s7;
	s6 =	sadd.s32 $0xDE00, s7;
	s29 =	sshrl.u32 s12, $0x1  }
0xd: {  	s30 =	sshrl.u32 s28, $0x2;
	v1 =	vmov s20;
	s20 =	simm.s32 $0xA000;
	s8 =	sadd.s32 s9, s8  }
0xe: {  	s12 =	ssub.s32 s12, s29;
	s14 =	sadd.s32 s30, s2;
	s9 =	sadd.s32 $0xCEA00, s11  }
0xf: {  	v0 =	vmov s19;
	s19 =	simm.s32 $0x1;
	s8 =	sshrl.u32 s8, $0x3;
	s12 =	smax.u32 s12, $0x1  }
0x10: {  	s13 =	sadd.s32 s8, s7;
	s7 =	sor.u32 $0x1C02, s31;
	s8 =	sadd.s32 $0xC4A00, s11  }
0x11: {  	s11 =	sadd.s32 $0xF200, s13;
	s13 =	sshrl.u32 s14, $0x3;
	s14 =	simm.s32 $0x2  }
.LBB2_1:
0x12: {  	[spmem:s13], [sflag:s7] =	dma.local [hbm:s6], $0x1400  }
0x13: {  	_ =	swait.ge [sflag:s14], $0x1400  }
0x14: {  	[sflag:s14] =	ssyncset.done $0x0  }
0x15: {  	[sflag:s14] =	ssyncadd.s32 $0xFFFFEC00  }
0x16: {  	[bflag:$0x0] =	sbarrier.arrive $0xFFFF  }
0x17: {  	[tilespmem:s3], [sflag:$0x2] =	stream.linear.gather [hbm4b:s8+s3], $0x4F00, $0x38;
	[tilespmem:$0x1C480] =	vst v63  }
0x18: {  	_ =	swait.ge [sflag:s14], $0x4F00  }
0x19: {  	[sflag:s14] =	ssyncset.done $0x0  }
0x1a: {  	[sflag:s14] =	ssyncadd.s32 $0xFFFFB100  }
0x1b: {  	[tilespmem:s15], [sflag:$0x2] =	stream.linear.gather [hbm4b:s9+s3], $0x4F00, $0x38;
	[tilespmem:$0x1C480] =	vst v63  }
0x1c: {  	_ =	swait.ge [sflag:s14], $0x4F00  }
0x1d: {  	[sflag:s14] =	ssyncset.done $0x0  }
0x1e: {  	s22 =	simm.s32 $0x0;
	[sflag:s14] =	ssyncadd.s32 $0xFFFFB100  }
.LBB2_2:
0x1f: {  	s23 =	sshll.u32 s22, $0x7;
	s24 =	sadd.s32 s10, s22  }
0x20: {  	[tilespmem:s17], [sflag:$0x1] =	stream.indirect.gather [hbm4b:s4+s16], $0x80, s23, s16, $0xb8;
	[tilespmem:$0x1C480] =	vst v63  }
0x21: {  	s24 =	sshll.u32 s24, $0xB  }
0x22: {  	s25 =	simm.s32 $0x0;
	s24 =	sadd.s32 s5, s24  }
0x23: {  	[tilespmem:s18], [sflag:$0x2] =	stream.linear.gather [hbm4b:s24+s25], $0x4000, $0x38;
	[tilespmem:$0x1C480] =	vst v63  }
0x24: {  	_ =	swait.ge [sflag:s14], $0x4000  }
0x25: {  	[sflag:s14] =	ssyncset.done $0x0  }
0x26: {  	[sflag:s14] =	ssyncadd.s32 $0xFFFFC000  }
0x27: {  	v2 =	vld [tilespmem:s23+$0x5000];
	_ =	sdelay $0x4  }
0x28: {  	v2 =	vsub.s32 v2, v0  }
0x29: {  	vm0 =	vlt.u32 v2, $0x1400  }
0x2a: {  	v2 =	vsel vm0, v2, v1  }
0x2b: {  	[tilespmem:$0xA000] =	vst v2  }
0x2c: {  	v2 =	vld [tilespmem:s23+$0x5010];
	_ =	sdelay $0x4  }
0x2d: {  	v2 =	vsub.s32 v2, v0  }
0x2e: {  	vm9 =	vlt.u32 v2, $0x1400  }
0x2f: {  	v2 =	vsel vm9, v2, v1  }
0x30: {  	[tilespmem:$0xA010] =	vst v2  }
0x31: {  	v2 =	vld [tilespmem:s23+$0x5020];
	_ =	sdelay $0x4  }
0x32: {  	v2 =	vsub.s32 v2, v0  }
0x33: {  	vm10 =	vlt.u32 v2, $0x1400  }
0x34: {  	v2 =	vsel vm10, v2, v1  }
0x35: {  	[tilespmem:$0xA020] =	vst v2  }
0x36: {  	v2 =	vld [tilespmem:s23+$0x5030];
	_ =	sdelay $0x4  }
0x37: {  	v2 =	vsub.s32 v2, v0  }
0x38: {  	vm11 =	vlt.u32 v2, $0x1400  }
0x39: {  	v2 =	vsel vm11, v2, v1  }
0x3a: {  	[tilespmem:$0xA030] =	vst v2  }
0x3b: {  	v2 =	vld [tilespmem:s23+$0x5040];
	_ =	sdelay $0x4  }
0x3c: {  	v2 =	vsub.s32 v2, v0  }
0x3d: {  	vm12 =	vlt.u32 v2, $0x1400  }
0x3e: {  	v2 =	vsel vm12, v2, v1  }
0x3f: {  	[tilespmem:$0xA040] =	vst v2  }
0x40: {  	v2 =	vld [tilespmem:s23+$0x5050];
	_ =	sdelay $0x4  }
0x41: {  	v2 =	vsub.s32 v2, v0  }
0x42: {  	vm13 =	vlt.u32 v2, $0x1400  }
0x43: {  	v2 =	vsel vm13, v2, v1  }
0x44: {  	[tilespmem:$0xA050] =	vst v2  }
0x45: {  	v2 =	vld [tilespmem:s23+$0x5060];
	_ =	sdelay $0x4  }
0x46: {  	v2 =	vsub.s32 v2, v0  }
0x47: {  	vm14 =	vlt.u32 v2, $0x1400  }
0x48: {  	v2 =	vsel vm14, v2, v1  }
0x49: {  	[tilespmem:$0xA060] =	vst v2  }
0x4a: {  	v2 =	vld [tilespmem:s23+$0x5070];
	_ =	sdelay $0x4  }
0x4b: {  	v2 =	vsub.s32 v2, v0  }
0x4c: {  	vm15 =	vlt.u32 v2, $0x1400  }
0x4d: {  	v2 =	vsel vm15, v2, v1  }
0x4e: {  	[tilespmem:$0xA070] =	vst v2  }
0x4f: {  	_ =	swait.ge [sflag:s19], $0x4000  }
0x50: {  	[sflag:s19] =	ssyncset.done $0x0  }
0x51: {  	s23 =	simm.s32 $0x0;
	[sflag:s19] =	ssyncadd.s32 $0xFFFFC000  }
0x52: {  	v9 =	vld [tilespmem:s23+$0xE080]  }
0x53: {  	v13 =	vld [tilespmem:s23+$0xE090]  }
0x54: {  	v7 =	vld [tilespmem:s23+$0xE0A0]  }
0x55: {  	v6 =	vld [tilespmem:s23+$0xE0B0]  }
0x56: {  	v5 =	vld [tilespmem:s23+$0xE0C0]  }
0x57: {  	v4 =	vld [tilespmem:s23+$0xE0D0]  }
0x58: {  	v3 =	vld [tilespmem:s23+$0xE0E0]  }
0x59: {  	v2 =	vld [tilespmem:s23+$0xE0F0]  }
0x5a: {  	v14 =	vld [tilespmem:s23+$0xA080]  }
0x5b: {  	v15 =	vld [tilespmem:s23+$0xA090]  }
0x5c: {  	v12 =	vld [tilespmem:s23+$0xA0A0]  }
0x5d: {  	v11 =	vld [tilespmem:s23+$0xA0B0]  }
0x5e: {  	v10 =	vld [tilespmem:s23+$0xA0C0]  }
0x5f: {  	v8 =	vld [tilespmem:s23+$0xA0D0];
	v14 =	vmul.f32 v9, v14  }
0x60: {  	s24 =	simm.s32 $0x200;
	v13 =	vmul.f32 v13, v15;
	v9 =	vld [tilespmem:s23+$0xA0E0]  }
.LBB2_3:
0x61: {  	s25 =	sshra.s32 s24, $0x2;
	p0 =	sne.s32 s24, $0xFE00;
	[tilespmem:s23+$0xA080] =	vst v14;
	v7 =	vmul.f32 v7, v12;
	v12 =	vld [tilespmem:s23+$0xA0F0]  }
0x62: {  	v14 =	vld [tilespmem:s25+$0xE080];
	[tilespmem:s23+$0xA090] =	vst v13;
	v6 =	vmul.f32 v6, v11  }
0x63: {  	v13 =	vld [tilespmem:s25+$0xE090];
	[tilespmem:s23+$0xA0A0] =	vst v7;
	v5 =	vmul.f32 v5, v10  }
0x64: {  	v7 =	vld [tilespmem:s25+$0xE0A0];
	[tilespmem:s23+$0xA0B0] =	vst v6;
	v4 =	vmul.f32 v4, v8  }
0x65: {  	v6 =	vld [tilespmem:s25+$0xE0B0];
	[tilespmem:s23+$0xA0C0] =	vst v5;
	v3 =	vmul.f32 v3, v9  }
0x66: {  	v5 =	vld [tilespmem:s25+$0xE0C0];
	[tilespmem:s23+$0xA0D0] =	vst v4;
	v2 =	vmul.f32 v2, v12  }
0x67: {  	v4 =	vld [tilespmem:s25+$0xE0D0];
	[tilespmem:s23+$0xA0E0] =	vst v3  }
0x68: {  	v3 =	vld [tilespmem:s25+$0xE0E0];
	[tilespmem:s23+$0xA0F0] =	vst v2;
	s23 =	smov.u32 s25  }
0x69: {  	v2 =	vld [tilespmem:s23+$0xE0F0]  }
0x6a: {  	v8 =	vld [tilespmem:s23+$0xA080]  }
0x6b: {  	v9 =	vld [tilespmem:s23+$0xA090]  }
.Ltmp0:
0x6c: {  	v12 =	vld [tilespmem:s23+$0xA0A0];
	(pc) =	sbr.rel @p0 .LBB2_3-.Ltmp0, $4  }
0x6d: {  	v11 =	vld [tilespmem:s23+$0xA0B0]  }
0x6e: {  	v10 =	vld [tilespmem:s23+$0xA0C0]  }
0x6f: {  	v14 =	vmul.f32 v14, v8;
	v8 =	vld [tilespmem:s23+$0xA0D0]  }
0x70: {  	s24 =	sadd.s32 $0x200, s24;
	v13 =	vmul.f32 v13, v9;
	v9 =	vld [tilespmem:s23+$0xA0E0]  }
0x71: {  	[tilespmem:s23+$0xA080] =	vst v14;
	v7 =	vmul.f32 v7, v12;
	v63 =	vld [tilespmem:s23+$0xA0F0]  }
0x72: {  	[tilespmem:s23+$0xA090] =	vst v13;
	v6 =	vmul.f32 v6, v11  }
0x73: {  	[tilespmem:s23+$0xA0A0] =	vst v7;
	v5 =	vmul.f32 v5, v10  }
0x74: {  	[tilespmem:s23+$0xA0B0] =	vst v6;
	v4 =	vmul.f32 v4, v8  }
0x75: {  	[tilespmem:s23+$0xA0C0] =	vst v5;
	v3 =	vmul.f32 v3, v9  }
0x76: {  	s22 =	sadd.s32 $0x1, s22;
	[tilespmem:s23+$0xA0D0] =	vst v4;
	v2 =	vmul.f32 v2, v63  }
0x77: {  	p0 =	sne.s32 s22, $0x9E;
	[tilespmem:s23+$0xA0E0] =	vst v3  }
.Ltmp1:
0x78: {  	[tilespmem:s23+$0xA0F0] =	vst v2;
	(pc) =	sbr.rel @p0 .LBB2_2-.Ltmp1, $4  }
0x79: {  	[spmem:s2] =	stream.indirect.scatter.add.f32 [tilespmem:s17], [sflag:$0x2], $0x80, s20, s16, $0xb8;
	[tilespmem:$0x1C480] =	vst v63  }
0x7a: {  	_ =	swait.ge [sflag:s14], $0x4000  }
0x7b: {  	[sflag:s14] =	ssyncset.done $0x0  }
0x7c: {  	[sflag:s14] =	ssyncadd.s32 $0xFFFFC000  }
0x7d: {  	s21 =	sadd.s32 $0x1, s21  }
0x7e: {  	p0 =	sne.s32 s21, s12  }
.Ltmp2:
0x7f: {  	[bflag:$0x0] =	sbarrier.arrive $0xFFFF;
	(pc) =	sbr.rel @p0 .LBB2_1-.Ltmp2, $4  }
0x80: {  	[hbm:s11], [sflag:s7] =	dma.local [spmem:s13], $0x1400  }
0x81: {  	_ =	swait.ge [sflag:s14], $0x1400  }
0x82: {  	[sflag:s14] =	ssyncset.done $0x0  }
0x83: {  	[sflag:s14] =	ssyncadd.s32 $0xFFFFEC00  }
0x84: {  	_ =	sfence.sel $0x180000  }
0x85: {  	[bflag:$0x0] =	sbarrier.arrive $0xFFFF  }
0x86: {  	p0 =	sne.s32 s1, $0x0;
	_ =	strace $0x9000004A  }
0x87: {  	s0 =	sadd.s32 @!p0 $0x100000, s0;
	[bflag:$0x2] =	sbarrier.arrive $0xFFFF  }
0x88: {  	[sflag:s0] =	ssyncadd.tile.s32 @!p0 $0x1;
	_ =	shalt  }
.Lfunc_end2:
_tile_overlayer_lowered:
.L_overlay_start_2:
0x89: {  	(tag) =	ssettag $0x2  }
0x8a: {  	s0 =	rddreg [dreg:$0x0];
	s2 =	stileid.u32  }
0x8b: {  	s1 =	rddreg [dreg:$0x1];
	p0 =	sne.s32 s2, $0x0  }
0x8c: {  	s3 =	rddreg [dreg:$0x2];
	[bflag:$0x3] =	sbarrier.arrive $0xFFFF;
	s2 =	simm.s32 @!p0 $0x1C02  }
0x8d: {  	[timem:s3], [sflag:s2] =	dma.local @!p0 [hbm:s0], s1  }
0x8e: {  	s0 =	simm.s32 @!p0 $0x2  }
0x8f: {  	_ =	swait.ge @!p0 [sflag:s0], s1  }
0x90: {  	s1 =	ssub.s32 @!p0 $0x0, s1;
	[sflag:s0] =	ssyncset.done @!p0 $0x0  }
0x91: {  	[sflag:s0] =	ssyncadd.s32 @!p0 s1  }
0x92: {  	[bflag:$0x3] =	sbarrier.arrive $0xFFFF  }
0x93: {  	_ =	shalt  }

// kernel: kernel.29.cloned.1.call-start
scs
__scs_entry_jumppad:
0x0: {  	(pc) =	sbr.rel $0x88, $3  }
0x1: {  	(tag) =	ssettag $0x0;
	lr =	simm.s32 $0x1  }
0x2: {  	[smem:$0x3F8D] =	sst lr;
	_ =	strace $0xD0000000  }
0x3: {  	_ = 	snop  }
0x4: {  	_ = 	snop  }
0x5: {  	_ = 	snop  }
0x6: {  	_ = 	snop  }
0x7: {  	_ = 	snop  }
__scs_overlays_trampoline_lowered:
0x8: {  	[smem:$0x3F9C] =	sst s0  }
0x9: {  	[smem:$0x3F9D] =	sst s1  }
0xa: {  	[smem:$0x3F9E] =	sst s2  }
0xb: {  	[smem:$0x3F9F] =	sst s3  }
0xc: {  	[smem:$0x3FA0] =	sst s4  }
0xd: {  	[smem:$0x3FA1] =	sst s5  }
0xe: {  	[smem:$0x3FA2] =	sst s6  }
0xf: {  	[smem:$0x3FA3] =	sst s7  }
0x10: {  	[smem:$0x3FA4] =	sst s8  }
0x11: {  	[smem:$0x3FA5] =	sst s9;
	s0 =	simm.s32 @!p0 $0x0  }
0x12: {  	s1 =	sld [smem:$0x3F8B];
	s0 =	simm.s32 @p0 $0x1  }
0x13: {  	[smem:$0x3FA6] =	sst s0;
	s0 =	simm.s32 @!p1 $0x0  }
0x14: {  	s2 =	sld [smem:$0x3F8A];
	s0 =	simm.s32 @p1 $0x1  }
0x15: {  	[smem:$0x3FA7] =	sst s0;
	s0 =	simm.s32 @!p2 $0x0  }
0x16: {  	s3 =	sld [smem:$0x3FDB];
	s0 =	simm.s32 @p2 $0x1  }
0x17: {  	s4 =	simm.s32 $0x1BF5;
	[smem:$0x3FA9] =	sst s0  }
0x18: {  	s0 =	sld [smem:$0x3F8C];
	_ =	swait.ge [sflag:s4], $0x0  }
0x19: {  	s7 =	sld [smem:$0x3F8D]  }
0x1a: {  	s8 =	sadd.s32 $0xFFFFE003, lr  }
0x1b: {  	s9 =	sadd.s32 $0xFFFFFEF7, lr;
	s5 =	simm.s32 $0xFFFFFFFF;
	p2 =	slt.u32 s8, $0xFFFFF086  }
0x1c: {  	p1 =	slt.u32 s9, $0xF7A;
	s5 =	simm.s32 @!p2 $0x0  }
0x1d: {  	s5 =	simm.s32 @p1 $0x1;
	p0 =	seq.s32 s7, s2  }
0x1e: {  	s7 =	smul.u32 @!p0 $0xF7A, s2;
	p2 =	seq.s32 @!p0 s5, $0x0  }
0x1f: {  	s9 =	smul.u32 $0xF7A, s1;
	s8 =	simm.s32 @!p0 $0x1BF5;
	p2 =	por !p2, p0  }
0x20: {  	[sflag:s8] =	ssyncset.s32 @!p0 $0xFFFFF086;
	s6 =	sadd.s32 @!p0 s3, s7;
	s7 =	simm.s32 @!p0 $0x108  }
0x21: {  	s3 =	sadd.s32 s3, s9;
	s6 =	sadd.s32 @!p0 $0x88, s6;
	s7 =	simm.s32 @p2 $0x1082  }
0x22: {  	[simem:s7], [sflag:s8] =	dma.local @!p0 [hbm:s6], $0xF7A  }
0x23: {  	s9 =	sor.u32 $0xD0000000, s2;
	s6 =	simm.s32 $0x108;
	_ =	swait.ge @!p0 [sflag:s8], $0x0  }
0x24: {  	s3 =	sadd.s32 $0x88, s3;
	s6 =	simm.s32 @!p1 $0x1082;
	[sflag:s4] =	ssyncset.s32 $0xFFFFF086  }
0x25: {  	[simem:s6], [sflag:s4] =	dma.local [hbm:s3], $0xF7A  }
0x26: {  	[smem:$0x3F8D] =	sst s1;
	(tag) =	ssettag s2;
	_ =	strace s9  }
0x27: {  	s1 =	sld [smem:$0x3F9D]  }
0x28: {  	s2 =	sld [smem:$0x3F9E]  }
0x29: {  	s4 =	sld [smem:$0x3FA0]  }
0x2a: {  	p0 =	seq.s32 s5, $0x0;
	s5 =	sld [smem:$0x3FA1]  }
0x2b: {  	s6 =	sld [smem:$0x3FA2]  }
0x2c: {  	s7 =	sld [smem:$0x3FA3]  }
0x2d: {  	s3 =	simm.s32 $0x108;
	s8 =	sld [smem:$0x3FA4]  }
0x2e: {  	s3 =	simm.s32 @!p0 $0x1082;
	s9 =	sld [smem:$0x3FA5]  }
0x2f: {  	lr =	sadd.s32 s0, s3;
	s0 =	sld [smem:$0x3F9C]  }
0x30: {  	s3 =	sld [smem:$0x3F9F]  }
0x31: {  	[smem:$0x3FA8] =	sst s10  }
0x32: {  	s10 =	sld [smem:$0x3FA6];
	_ =	sdelay $0x3  }
0x33: {  	p0 =	seq.s32 s10, $0x1;
	s10 =	sld [smem:$0x3FA8];
	_ =	sdelay $0x3  }
0x34: {  	[smem:$0x3FA8] =	sst s10  }
0x35: {  	s10 =	sld [smem:$0x3FA7];
	_ =	sdelay $0x3  }
0x36: {  	p1 =	seq.s32 s10, $0x1;
	s10 =	sld [smem:$0x3FA8];
	_ =	sdelay $0x3  }
0x37: {  	[smem:$0x3FA8] =	sst s10  }
0x38: {  	s10 =	sld [smem:$0x3FA9]  }
0x39: {  	_ = 	snop;
	(pc) =	sbr.ind lr, $3  }
0x3a: {  	_ = 	snop  }
0x3b: {  	_ = 	snop  }
0x3c: {  	p2 =	seq.s32 s10, $0x1;
	s10 =	sld [smem:$0x3FA8]  }
0x3d: {  	_ =	shalt  }
0x3e: {  	_ =	shalt  }
0x3f: {  	_ =	shalt  }
0x40: {  	_ =	shalt  }
0x41: {  	_ =	shalt  }
0x42: {  	_ =	shalt  }
0x43: {  	_ =	shalt  }
0x44: {  	_ =	shalt  }
0x45: {  	_ =	shalt  }
0x46: {  	_ =	shalt  }
0x47: {  	_ =	shalt  }
0x48: {  	_ =	shalt  }
0x49: {  	_ =	shalt  }
0x4a: {  	_ =	shalt  }
0x4b: {  	_ =	shalt  }
0x4c: {  	_ =	shalt  }
0x4d: {  	_ =	shalt  }
0x4e: {  	_ =	shalt  }
0x4f: {  	_ =	shalt  }
0x50: {  	_ =	shalt  }
0x51: {  	_ =	shalt  }
0x52: {  	_ =	shalt  }
0x53: {  	_ =	shalt  }
0x54: {  	_ =	shalt  }
0x55: {  	_ =	shalt  }
0x56: {  	_ =	shalt  }
0x57: {  	_ =	shalt  }
0x58: {  	_ =	shalt  }
0x59: {  	_ =	shalt  }
0x5a: {  	_ =	shalt  }
0x5b: {  	_ =	shalt  }
0x5c: {  	_ =	shalt  }
0x5d: {  	_ =	shalt  }
0x5e: {  	_ =	shalt  }
0x5f: {  	_ =	shalt  }
0x60: {  	_ =	shalt  }
0x61: {  	_ =	shalt  }
0x62: {  	_ =	shalt  }
0x63: {  	_ =	shalt  }
0x64: {  	_ =	shalt  }
0x65: {  	_ =	shalt  }
0x66: {  	_ =	shalt  }
0x67: {  	_ =	shalt  }
0x68: {  	_ =	shalt  }
0x69: {  	_ =	shalt  }
0x6a: {  	_ =	shalt  }
0x6b: {  	_ =	shalt  }
0x6c: {  	_ =	shalt  }
0x6d: {  	_ =	shalt  }
0x6e: {  	_ =	shalt  }
0x6f: {  	_ =	shalt  }
0x70: {  	_ =	shalt  }
0x71: {  	_ =	shalt  }
0x72: {  	_ =	shalt  }
0x73: {  	_ =	shalt  }
0x74: {  	_ =	shalt  }
0x75: {  	_ =	shalt  }
0x76: {  	_ =	shalt  }
0x77: {  	_ =	shalt  }
0x78: {  	_ =	shalt  }
0x79: {  	_ =	shalt  }
0x7a: {  	_ =	shalt  }
0x7b: {  	_ =	shalt  }
0x7c: {  	_ =	shalt  }
0x7d: {  	_ =	shalt  }
0x7e: {  	_ =	shalt  }
0x7f: {  	_ =	shalt  }
0x80: {  	_ =	shalt  }
0x81: {  	_ =	shalt  }
0x82: {  	_ =	shalt  }
0x83: {  	_ =	shalt  }
0x84: {  	_ =	shalt  }
0x85: {  	_ =	shalt  }
0x86: {  	_ =	shalt  }
0x87: {  	_ =	shalt  }
.Lfunc_end0:
.L_simem_size_0:
called_computation.2_lowered:
.L_overlay_start_0:
0x88: {  	s2 =	sld [smem:$0x3FD9]  }
0x89: {  	s3 =	sld [smem:$0x3FFE];
	_ =	sdelay $0x1  }
0x8a: {  	s1 =	srdreg.scid  }
0x8b: {  	s0 =	sand.u32 $0x1, s1  }
0x8c: {  	s16 =	sshll.u32 s0, $0xA;
	s2 =	sadd.s32 s3, s2  }
0x8d: {  	s2 =	sadd.s32 s2, s16  }
0x8e: {  	[smem:$0x3FB4] =	sst s2  }
0x8f: {  	_ = 	snop  }
0x90: {  	(tm) =	ssettm $0x1  }
0x91: {  	s17 =	sld [smem:$0x3FFB];
	_ =	sdelay $0x3  }
0x92: {  	_ =	strace s17  }
0x93: {  	s2 =	sld [smem:$0x3FFC];
	_ =	sdelay $0x3  }
0x94: {  	_ =	strace s2  }
0x95: {  	s2 =	sld [smem:$0x3FFD];
	_ =	sdelay $0x3  }
0x96: {  	_ =	strace s2  }
0x97: {  	_ =	strace $0x8FFFFFFF  }
0x98: {  	s18 =	sld [smem:$0x3FDB];
	_ =	sdelay $0x1  }
0x99: {  	s19 =	simm.s32 $_scs_section_size  }
0x9a: {  	s4 =	simm.s32 $_size__tile_overlayer_lowered;
	s5 =	simm.s32 $_tile_overlayer_lowered  }
0x9b: {  	s22 =	simm.s32 $0x1BFF;
	s21 =	sshll.u32 s5, $0x1;
	s2 =	sadd.s32 s19, s18  }
0x9c: {  	s6 =	simm.s32 $0x0;
	s20 =	sshll.u32 s4, $0x1;
	s4 =	sadd.s32 s21, s2  }
0x9d: {  	[timem:s6], [sflag:s22] =	dma.local [hbm:s4], s20  }
0x9e: {  	_ =	swait.ge [sflag:s22], s20  }
0x9f: {  	s3 =	ssub.s32 $0x0, s20;
	[sflag:s22] =	ssyncset.done $0x0  }
0xa0: {  	[sflag:s22] =	ssyncadd.s32 s3;
	_ =	sdelay $0x1  }
0xa1: {  	s23 =	simm.s32 $0x1B8B  }
0xa2: {  	_ =	swait.ge [sflag:s23], $0x1  }
0xa3: {  	[sflag:s23] =	ssyncset.done $0x0  }
0xa4: {  	s25 =	simm.s32 $0x1B8E;
	s24 =	sld [smem:$0x3FFE];
	[sflag:s23] =	ssyncadd.s32 $0xFFFFFFFF  }
0xa5: {  	s26 =	simm.s32 $execute0_lowered;
	[smem:$0x3FD2] =	sst s25  }
0xa6: {  	s4 =	sshll.u32 s26, $0x1;
	_ =	strace $0x8000004C;
	[dreg:$0x1] =	wrdreg $0xFFFFFFFF  }
0xa7: {  	s28 =	simm.s32 $_size_execute0_lowered;
	s2 =	sadd.s32 s2, s4;
	[dreg:$0x0] =	wrdreg $0x0  }
0xa8: {  	s4 =	sshll.u32 s28, $0x1;
	[dreg:$0x2] =	wrdreg s2  }
0xa9: {  	[dreg:$0x3] =	wrdreg s4  }
0xaa: {  	[dreg:$0x4] =	wrdreg $0xC0  }
0xab: {  	_ =	task [dreg:s6], $0x5FFFF  }
0xac: {  	[dreg:$0x1] =	wrdreg $0xFFFFFFFF  }
0xad: {  	[dreg:$0x0] =	wrdreg $0x60  }
0xae: {  	[dreg:$0x2] =	wrdreg s24  }
0xaf: {  	[dreg:$0x3] =	wrdreg $0x120800  }
0xb0: {  	[dreg:$0x4] =	wrdreg $0x9  }
0xb1: {  	_ =	task.clear_ibuf [dreg:s6], $0x5FFFF;
	_ =	strace $0x9000004C  }
0xb2: {  	s29 =	simm.s32 $0x9;
	_ =	strace $0x8000004E  }
0xb3: {  	_ =	swait.ge [sflag:s29], $0x1  }
0xb4: {  	[sflag:s29] =	ssyncadd.s32 $0xFFFFFFFF  }
0xb5: {  	_ =	strace $0x9000004E  }
0xb6: {  	_ =	sfence  }
0xb7: {  	s30 =	sld [smem:$0x0];
	_ =	sdelay $0x2  }
0xb8: {  	s31 =	sshll.u32 s1, $0xD;
	s1 =	sshrl.u32 s1, $0x2  }
0xb9: {  	s3 =	sand.u32 $0x4000, s31;
	s1 =	sadd.s32 s1, s30  }
0xba: {  	s0 =	sor.u32 s3, s0;
	s1 =	sshll.u32 s1, $0x11  }
0xbb: {  	s0 =	sor.u32 s1, s0  }
0xbc: {  	s0 =	sadd.s32 $0x8F2B, s0  }
0xbd: {  	[sflag:s0] =	ssyncadd.remote.s32 $0x1  }
0xbe: {  	_ =	sfence.sel $0xFFFF  }
0xbf: {  	[dreg:$0x0] =	wrdreg $0xFFFFFFFF;
	(pc) =	sbr.abs _section_cstart, $3  }
0xc0: {  	[dreg:$0x1] =	wrdreg $0xFFFFFFFF  }
0xc1: {  	_ =	task.clear_ibuf [dreg:s6], $0x2FFFF;
	_ =	strace $0x9FFFFFFF  }
0xc2: {  	(tm) =	ssettm $0x7FFFFFFF  }
0xc3: {  	_ =	shalt  }
tec
execute0_lowered:
.L_overlay_start_1:
0x0: {  	(tag) =	ssettag $0x1  }
0x1: {  	s7 =	rddreg [dreg:$0x0]  }
0x2: {  	s2 =	rddreg [dreg:$0x1]  }
0x3: {  	s0 =	rddreg [dreg:$0x2]  }
0x4: {  	s1 =	stileid.u32;
	s4 =	srdreg.scid  }
0x5: {  	s3 =	simm.s32 $0x0;
	s16 =	simm.s32 $0x80;
	s17 =	simm.s32 $0xA080  }
0x6: {  	s18 =	simm.s32 $0xE080;
	s21 =	simm.s32 $0x0;
	s6 =	smul.u32 $0xA00, s1  }
0x7: {  	s10 =	sand.u32 $0x1, s4;
	[smem:$0x7FF] =	sst s3;
	s9 =	smul.u32 $0xA000, s1  }
0x8: {  	s4 =	sadd.s32 $0xF200, s7;
	s5 =	sadd.s32 $0xB0FE00, s7;
	s28 =	smul.u32 $0x28000, s1  }
0x9: {  	s31 =	sshll.u32 s1, $0x6;
	s15 =	sshll.u32 s1, $0x3;
	s8 =	smul.u32 $0xA0000, s10  }
0xa: {  	_ =	strace $0x8000004D;
	s12 =	ssub.s32 $0x2, s10;
	s19 =	smul.u32 $0x1400, s10  }
0xb: {  	s20 =	sor.u32 $0x1400, s15;
	s10 =	smul.u32 $0x9E, s1;
	s15 =	simm.s32 $0x5000  }
0xc: {  	s11 =	sadd.s32 s6, s7;
	s6 =	sadd.s32 $0xDE00, s7;
	s29 =	sshrl.u32 s12, $0x1  }
0xd: {  	s30 =	sshrl.u32 s28, $0x2;
	v1 =	vmov s20;
	s20 =	simm.s32 $0xA000;
	s8 =	sadd.s32 s9, s8  }
0xe: {  	s12 =	ssub.s32 s12, s29;
	s14 =	sadd.s32 s30, s2;
	s9 =	sadd.s32 $0xCEA00, s11  }
0xf: {  	v0 =	vmov s19;
	s19 =	simm.s32 $0x1;
	s8 =	sshrl.u32 s8, $0x3;
	s12 =	smax.u32 s12, $0x1  }
0x10: {  	s13 =	sadd.s32 s8, s7;
	s7 =	sor.u32 $0x1C02, s31;
	s8 =	sadd.s32 $0xC4A00, s11  }
0x11: {  	s11 =	sadd.s32 $0x103A00, s13;
	s13 =	sshrl.u32 s14, $0x3;
	s14 =	simm.s32 $0x2  }
.LBB2_1:
0x12: {  	[spmem:s13], [sflag:s7] =	dma.local [hbm:s6], $0x1400  }
0x13: {  	_ =	swait.ge [sflag:s14], $0x1400  }
0x14: {  	[sflag:s14] =	ssyncset.done $0x0  }
0x15: {  	[sflag:s14] =	ssyncadd.s32 $0xFFFFEC00  }
0x16: {  	[bflag:$0x0] =	sbarrier.arrive $0xFFFF  }
0x17: {  	[tilespmem:s3], [sflag:$0x2] =	stream.linear.gather [hbm4b:s8+s3], $0x4F00, $0x38;
	[tilespmem:$0x1C480] =	vst v63  }
0x18: {  	_ =	swait.ge [sflag:s14], $0x4F00  }
0x19: {  	[sflag:s14] =	ssyncset.done $0x0  }
0x1a: {  	[sflag:s14] =	ssyncadd.s32 $0xFFFFB100  }
0x1b: {  	[tilespmem:s15], [sflag:$0x2] =	stream.linear.gather [hbm4b:s9+s3], $0x4F00, $0x38;
	[tilespmem:$0x1C480] =	vst v63  }
0x1c: {  	_ =	swait.ge [sflag:s14], $0x4F00  }
0x1d: {  	[sflag:s14] =	ssyncset.done $0x0  }
0x1e: {  	s22 =	simm.s32 $0x0;
	[sflag:s14] =	ssyncadd.s32 $0xFFFFB100  }
.LBB2_2:
0x1f: {  	s23 =	sshll.u32 s22, $0x7;
	s24 =	sadd.s32 s10, s22  }
0x20: {  	[tilespmem:s17], [sflag:$0x1] =	stream.indirect.gather [hbm4b:s4+s16], $0x80, s23, s16, $0xb8;
	[tilespmem:$0x1C480] =	vst v63  }
0x21: {  	s24 =	sshll.u32 s24, $0xB  }
0x22: {  	s25 =	simm.s32 $0x0;
	s24 =	sadd.s32 s5, s24  }
0x23: {  	[tilespmem:s18], [sflag:$0x2] =	stream.linear.gather [hbm4b:s24+s25], $0x4000, $0x38;
	[tilespmem:$0x1C480] =	vst v63  }
0x24: {  	_ =	swait.ge [sflag:s14], $0x4000  }
0x25: {  	[sflag:s14] =	ssyncset.done $0x0  }
0x26: {  	[sflag:s14] =	ssyncadd.s32 $0xFFFFC000  }
0x27: {  	v2 =	vld [tilespmem:s23+$0x5000];
	_ =	sdelay $0x4  }
0x28: {  	v2 =	vsub.s32 v2, v0  }
0x29: {  	vm0 =	vlt.u32 v2, $0x1400  }
0x2a: {  	v2 =	vsel vm0, v2, v1  }
0x2b: {  	[tilespmem:$0xA000] =	vst v2  }
0x2c: {  	v2 =	vld [tilespmem:s23+$0x5010];
	_ =	sdelay $0x4  }
0x2d: {  	v2 =	vsub.s32 v2, v0  }
0x2e: {  	vm9 =	vlt.u32 v2, $0x1400  }
0x2f: {  	v2 =	vsel vm9, v2, v1  }
0x30: {  	[tilespmem:$0xA010] =	vst v2  }
0x31: {  	v2 =	vld [tilespmem:s23+$0x5020];
	_ =	sdelay $0x4  }
0x32: {  	v2 =	vsub.s32 v2, v0  }
0x33: {  	vm10 =	vlt.u32 v2, $0x1400  }
0x34: {  	v2 =	vsel vm10, v2, v1  }
0x35: {  	[tilespmem:$0xA020] =	vst v2  }
0x36: {  	v2 =	vld [tilespmem:s23+$0x5030];
	_ =	sdelay $0x4  }
0x37: {  	v2 =	vsub.s32 v2, v0  }
0x38: {  	vm11 =	vlt.u32 v2, $0x1400  }
0x39: {  	v2 =	vsel vm11, v2, v1  }
0x3a: {  	[tilespmem:$0xA030] =	vst v2  }
0x3b: {  	v2 =	vld [tilespmem:s23+$0x5040];
	_ =	sdelay $0x4  }
0x3c: {  	v2 =	vsub.s32 v2, v0  }
0x3d: {  	vm12 =	vlt.u32 v2, $0x1400  }
0x3e: {  	v2 =	vsel vm12, v2, v1  }
0x3f: {  	[tilespmem:$0xA040] =	vst v2  }
0x40: {  	v2 =	vld [tilespmem:s23+$0x5050];
	_ =	sdelay $0x4  }
0x41: {  	v2 =	vsub.s32 v2, v0  }
0x42: {  	vm13 =	vlt.u32 v2, $0x1400  }
0x43: {  	v2 =	vsel vm13, v2, v1  }
0x44: {  	[tilespmem:$0xA050] =	vst v2  }
0x45: {  	v2 =	vld [tilespmem:s23+$0x5060];
	_ =	sdelay $0x4  }
0x46: {  	v2 =	vsub.s32 v2, v0  }
0x47: {  	vm14 =	vlt.u32 v2, $0x1400  }
0x48: {  	v2 =	vsel vm14, v2, v1  }
0x49: {  	[tilespmem:$0xA060] =	vst v2  }
0x4a: {  	v2 =	vld [tilespmem:s23+$0x5070];
	_ =	sdelay $0x4  }
0x4b: {  	v2 =	vsub.s32 v2, v0  }
0x4c: {  	vm15 =	vlt.u32 v2, $0x1400  }
0x4d: {  	v2 =	vsel vm15, v2, v1  }
0x4e: {  	[tilespmem:$0xA070] =	vst v2  }
0x4f: {  	_ =	swait.ge [sflag:s19], $0x4000  }
0x50: {  	[sflag:s19] =	ssyncset.done $0x0  }
0x51: {  	s23 =	simm.s32 $0x0;
	[sflag:s19] =	ssyncadd.s32 $0xFFFFC000  }
0x52: {  	v9 =	vld [tilespmem:s23+$0xE080]  }
0x53: {  	v13 =	vld [tilespmem:s23+$0xE090]  }
0x54: {  	v7 =	vld [tilespmem:s23+$0xE0A0]  }
0x55: {  	v6 =	vld [tilespmem:s23+$0xE0B0]  }
0x56: {  	v5 =	vld [tilespmem:s23+$0xE0C0]  }
0x57: {  	v4 =	vld [tilespmem:s23+$0xE0D0]  }
0x58: {  	v3 =	vld [tilespmem:s23+$0xE0E0]  }
0x59: {  	v2 =	vld [tilespmem:s23+$0xE0F0]  }
0x5a: {  	v14 =	vld [tilespmem:s23+$0xA080]  }
0x5b: {  	v15 =	vld [tilespmem:s23+$0xA090]  }
0x5c: {  	v12 =	vld [tilespmem:s23+$0xA0A0]  }
0x5d: {  	v11 =	vld [tilespmem:s23+$0xA0B0]  }
0x5e: {  	v10 =	vld [tilespmem:s23+$0xA0C0]  }
0x5f: {  	v8 =	vld [tilespmem:s23+$0xA0D0];
	v14 =	vmul.f32 v9, v14  }
0x60: {  	s24 =	simm.s32 $0x200;
	v13 =	vmul.f32 v13, v15;
	v9 =	vld [tilespmem:s23+$0xA0E0]  }
.LBB2_3:
0x61: {  	s25 =	sshra.s32 s24, $0x2;
	p0 =	sne.s32 s24, $0xFE00;
	[tilespmem:s23+$0xA080] =	vst v14;
	v7 =	vmul.f32 v7, v12;
	v12 =	vld [tilespmem:s23+$0xA0F0]  }
0x62: {  	v14 =	vld [tilespmem:s25+$0xE080];
	[tilespmem:s23+$0xA090] =	vst v13;
	v6 =	vmul.f32 v6, v11  }
0x63: {  	v13 =	vld [tilespmem:s25+$0xE090];
	[tilespmem:s23+$0xA0A0] =	vst v7;
	v5 =	vmul.f32 v5, v10  }
0x64: {  	v7 =	vld [tilespmem:s25+$0xE0A0];
	[tilespmem:s23+$0xA0B0] =	vst v6;
	v4 =	vmul.f32 v4, v8  }
0x65: {  	v6 =	vld [tilespmem:s25+$0xE0B0];
	[tilespmem:s23+$0xA0C0] =	vst v5;
	v3 =	vmul.f32 v3, v9  }
0x66: {  	v5 =	vld [tilespmem:s25+$0xE0C0];
	[tilespmem:s23+$0xA0D0] =	vst v4;
	v2 =	vmul.f32 v2, v12  }
0x67: {  	v4 =	vld [tilespmem:s25+$0xE0D0];
	[tilespmem:s23+$0xA0E0] =	vst v3  }
0x68: {  	v3 =	vld [tilespmem:s25+$0xE0E0];
	[tilespmem:s23+$0xA0F0] =	vst v2;
	s23 =	smov.u32 s25  }
0x69: {  	v2 =	vld [tilespmem:s23+$0xE0F0]  }
0x6a: {  	v8 =	vld [tilespmem:s23+$0xA080]  }
0x6b: {  	v9 =	vld [tilespmem:s23+$0xA090]  }
.Ltmp0:
0x6c: {  	v12 =	vld [tilespmem:s23+$0xA0A0];
	(pc) =	sbr.rel @p0 .LBB2_3-.Ltmp0, $4  }
0x6d: {  	v11 =	vld [tilespmem:s23+$0xA0B0]  }
0x6e: {  	v10 =	vld [tilespmem:s23+$0xA0C0]  }
0x6f: {  	v14 =	vmul.f32 v14, v8;
	v8 =	vld [tilespmem:s23+$0xA0D0]  }
0x70: {  	s24 =	sadd.s32 $0x200, s24;
	v13 =	vmul.f32 v13, v9;
	v9 =	vld [tilespmem:s23+$0xA0E0]  }
0x71: {  	[tilespmem:s23+$0xA080] =	vst v14;
	v7 =	vmul.f32 v7, v12;
	v63 =	vld [tilespmem:s23+$0xA0F0]  }
0x72: {  	[tilespmem:s23+$0xA090] =	vst v13;
	v6 =	vmul.f32 v6, v11  }
0x73: {  	[tilespmem:s23+$0xA0A0] =	vst v7;
	v5 =	vmul.f32 v5, v10  }
0x74: {  	[tilespmem:s23+$0xA0B0] =	vst v6;
	v4 =	vmul.f32 v4, v8  }
0x75: {  	[tilespmem:s23+$0xA0C0] =	vst v5;
	v3 =	vmul.f32 v3, v9  }
0x76: {  	s22 =	sadd.s32 $0x1, s22;
	[tilespmem:s23+$0xA0D0] =	vst v4;
	v2 =	vmul.f32 v2, v63  }
0x77: {  	p0 =	sne.s32 s22, $0x9E;
	[tilespmem:s23+$0xA0E0] =	vst v3  }
.Ltmp1:
0x78: {  	[tilespmem:s23+$0xA0F0] =	vst v2;
	(pc) =	sbr.rel @p0 .LBB2_2-.Ltmp1, $4  }
0x79: {  	[spmem:s2] =	stream.indirect.scatter.add.f32 [tilespmem:s17], [sflag:$0x2], $0x80, s20, s16, $0xb8;
	[tilespmem:$0x1C480] =	vst v63  }
0x7a: {  	_ =	swait.ge [sflag:s14], $0x4000  }
0x7b: {  	[sflag:s14] =	ssyncset.done $0x0  }
0x7c: {  	[sflag:s14] =	ssyncadd.s32 $0xFFFFC000  }
0x7d: {  	s21 =	sadd.s32 $0x1, s21  }
0x7e: {  	p0 =	sne.s32 s21, s12  }
.Ltmp2:
0x7f: {  	[bflag:$0x0] =	sbarrier.arrive $0xFFFF;
	(pc) =	sbr.rel @p0 .LBB2_1-.Ltmp2, $4  }
0x80: {  	[hbm:s11], [sflag:s7] =	dma.local [spmem:s13], $0x1400  }
0x81: {  	_ =	swait.ge [sflag:s14], $0x1400  }
0x82: {  	[sflag:s14] =	ssyncset.done $0x0  }
0x83: {  	[sflag:s14] =	ssyncadd.s32 $0xFFFFEC00  }
0x84: {  	_ =	sfence.sel $0x180000  }
0x85: {  	[bflag:$0x0] =	sbarrier.arrive $0xFFFF  }
0x86: {  	p0 =	sne.s32 s1, $0x0;
	_ =	strace $0x9000004D  }
0x87: {  	s0 =	sadd.s32 @!p0 $0x100000, s0;
	[bflag:$0x2] =	sbarrier.arrive $0xFFFF  }
0x88: {  	[sflag:s0] =	ssyncadd.tile.s32 @!p0 $0x1;
	_ =	shalt  }
.Lfunc_end2:
_tile_overlayer_lowered:
.L_overlay_start_2:
0x89: {  	(tag) =	ssettag $0x2  }
0x8a: {  	s0 =	rddreg [dreg:$0x0];
	s2 =	stileid.u32  }
0x8b: {  	s1 =	rddreg [dreg:$0x1];
	p0 =	sne.s32 s2, $0x0  }
0x8c: {  	s3 =	rddreg [dreg:$0x2];
	[bflag:$0x3] =	sbarrier.arrive $0xFFFF;
	s2 =	simm.s32 @!p0 $0x1C02  }
0x8d: {  	[timem:s3], [sflag:s2] =	dma.local @!p0 [hbm:s0], s1  }
0x8e: {  	s0 =	simm.s32 @!p0 $0x2  }
0x8f: {  	_ =	swait.ge @!p0 [sflag:s0], s1  }
0x90: {  	s1 =	ssub.s32 @!p0 $0x0, s1;
	[sflag:s0] =	ssyncset.done @!p0 $0x0  }
0x91: {  	[sflag:s0] =	ssyncadd.s32 @!p0 s1  }
0x92: {  	[bflag:$0x3] =	sbarrier.arrive $0xFFFF  }
0x93: {  	_ =	shalt  }

// kernel: kernel.32.cloned.1.call-start
scs
__scs_entry_jumppad:
0x0: {  	(pc) =	sbr.rel $0x88, $3  }
0x1: {  	(tag) =	ssettag $0x0;
	lr =	simm.s32 $0x1  }
0x2: {  	[smem:$0x3F8D] =	sst lr;
	_ =	strace $0xD0000000  }
0x3: {  	_ = 	snop  }
0x4: {  	_ = 	snop  }
0x5: {  	_ = 	snop  }
0x6: {  	_ = 	snop  }
0x7: {  	_ = 	snop  }
__scs_overlays_trampoline_lowered:
0x8: {  	[smem:$0x3F9C] =	sst s0  }
0x9: {  	[smem:$0x3F9D] =	sst s1  }
0xa: {  	[smem:$0x3F9E] =	sst s2  }
0xb: {  	[smem:$0x3F9F] =	sst s3  }
0xc: {  	[smem:$0x3FA0] =	sst s4  }
0xd: {  	[smem:$0x3FA1] =	sst s5  }
0xe: {  	[smem:$0x3FA2] =	sst s6  }
0xf: {  	[smem:$0x3FA3] =	sst s7  }
0x10: {  	[smem:$0x3FA4] =	sst s8  }
0x11: {  	[smem:$0x3FA5] =	sst s9;
	s0 =	simm.s32 @!p0 $0x0  }
0x12: {  	s1 =	sld [smem:$0x3F8B];
	s0 =	simm.s32 @p0 $0x1  }
0x13: {  	[smem:$0x3FA6] =	sst s0;
	s0 =	simm.s32 @!p1 $0x0  }
0x14: {  	s2 =	sld [smem:$0x3F8A];
	s0 =	simm.s32 @p1 $0x1  }
0x15: {  	[smem:$0x3FA7] =	sst s0;
	s0 =	simm.s32 @!p2 $0x0  }
0x16: {  	s3 =	sld [smem:$0x3FDB];
	s0 =	simm.s32 @p2 $0x1  }
0x17: {  	s4 =	simm.s32 $0x1BF5;
	[smem:$0x3FA9] =	sst s0  }
0x18: {  	s0 =	sld [smem:$0x3F8C];
	_ =	swait.ge [sflag:s4], $0x0  }
0x19: {  	s7 =	sld [smem:$0x3F8D]  }
0x1a: {  	s8 =	sadd.s32 $0xFFFFE003, lr  }
0x1b: {  	s9 =	sadd.s32 $0xFFFFFEF7, lr;
	s5 =	simm.s32 $0xFFFFFFFF;
	p2 =	slt.u32 s8, $0xFFFFF086  }
0x1c: {  	p1 =	slt.u32 s9, $0xF7A;
	s5 =	simm.s32 @!p2 $0x0  }
0x1d: {  	s5 =	simm.s32 @p1 $0x1;
	p0 =	seq.s32 s7, s2  }
0x1e: {  	s7 =	smul.u32 @!p0 $0xF7A, s2;
	p2 =	seq.s32 @!p0 s5, $0x0  }
0x1f: {  	s9 =	smul.u32 $0xF7A, s1;
	s8 =	simm.s32 @!p0 $0x1BF5;
	p2 =	por !p2, p0  }
0x20: {  	[sflag:s8] =	ssyncset.s32 @!p0 $0xFFFFF086;
	s6 =	sadd.s32 @!p0 s3, s7;
	s7 =	simm.s32 @!p0 $0x108  }
0x21: {  	s3 =	sadd.s32 s3, s9;
	s6 =	sadd.s32 @!p0 $0x88, s6;
	s7 =	simm.s32 @p2 $0x1082  }
0x22: {  	[simem:s7], [sflag:s8] =	dma.local @!p0 [hbm:s6], $0xF7A  }
0x23: {  	s9 =	sor.u32 $0xD0000000, s2;
	s6 =	simm.s32 $0x108;
	_ =	swait.ge @!p0 [sflag:s8], $0x0  }
0x24: {  	s3 =	sadd.s32 $0x88, s3;
	s6 =	simm.s32 @!p1 $0x1082;
	[sflag:s4] =	ssyncset.s32 $0xFFFFF086  }
0x25: {  	[simem:s6], [sflag:s4] =	dma.local [hbm:s3], $0xF7A  }
0x26: {  	[smem:$0x3F8D] =	sst s1;
	(tag) =	ssettag s2;
	_ =	strace s9  }
0x27: {  	s1 =	sld [smem:$0x3F9D]  }
0x28: {  	s2 =	sld [smem:$0x3F9E]  }
0x29: {  	s4 =	sld [smem:$0x3FA0]  }
0x2a: {  	p0 =	seq.s32 s5, $0x0;
	s5 =	sld [smem:$0x3FA1]  }
0x2b: {  	s6 =	sld [smem:$0x3FA2]  }
0x2c: {  	s7 =	sld [smem:$0x3FA3]  }
0x2d: {  	s3 =	simm.s32 $0x108;
	s8 =	sld [smem:$0x3FA4]  }
0x2e: {  	s3 =	simm.s32 @!p0 $0x1082;
	s9 =	sld [smem:$0x3FA5]  }
0x2f: {  	lr =	sadd.s32 s0, s3;
	s0 =	sld [smem:$0x3F9C]  }
0x30: {  	s3 =	sld [smem:$0x3F9F]  }
0x31: {  	[smem:$0x3FA8] =	sst s10  }
0x32: {  	s10 =	sld [smem:$0x3FA6];
	_ =	sdelay $0x3  }
0x33: {  	p0 =	seq.s32 s10, $0x1;
	s10 =	sld [smem:$0x3FA8];
	_ =	sdelay $0x3  }
0x34: {  	[smem:$0x3FA8] =	sst s10  }
0x35: {  	s10 =	sld [smem:$0x3FA7];
	_ =	sdelay $0x3  }
0x36: {  	p1 =	seq.s32 s10, $0x1;
	s10 =	sld [smem:$0x3FA8];
	_ =	sdelay $0x3  }
0x37: {  	[smem:$0x3FA8] =	sst s10  }
0x38: {  	s10 =	sld [smem:$0x3FA9]  }
0x39: {  	_ = 	snop;
	(pc) =	sbr.ind lr, $3  }
0x3a: {  	_ = 	snop  }
0x3b: {  	_ = 	snop  }
0x3c: {  	p2 =	seq.s32 s10, $0x1;
	s10 =	sld [smem:$0x3FA8]  }
0x3d: {  	_ =	shalt  }
0x3e: {  	_ =	shalt  }
0x3f: {  	_ =	shalt  }
0x40: {  	_ =	shalt  }
0x41: {  	_ =	shalt  }
0x42: {  	_ =	shalt  }
0x43: {  	_ =	shalt  }
0x44: {  	_ =	shalt  }
0x45: {  	_ =	shalt  }
0x46: {  	_ =	shalt  }
0x47: {  	_ =	shalt  }
0x48: {  	_ =	shalt  }
0x49: {  	_ =	shalt  }
0x4a: {  	_ =	shalt  }
0x4b: {  	_ =	shalt  }
0x4c: {  	_ =	shalt  }
0x4d: {  	_ =	shalt  }
0x4e: {  	_ =	shalt  }
0x4f: {  	_ =	shalt  }
0x50: {  	_ =	shalt  }
0x51: {  	_ =	shalt  }
0x52: {  	_ =	shalt  }
0x53: {  	_ =	shalt  }
0x54: {  	_ =	shalt  }
0x55: {  	_ =	shalt  }
0x56: {  	_ =	shalt  }
0x57: {  	_ =	shalt  }
0x58: {  	_ =	shalt  }
0x59: {  	_ =	shalt  }
0x5a: {  	_ =	shalt  }
0x5b: {  	_ =	shalt  }
0x5c: {  	_ =	shalt  }
0x5d: {  	_ =	shalt  }
0x5e: {  	_ =	shalt  }
0x5f: {  	_ =	shalt  }
0x60: {  	_ =	shalt  }
0x61: {  	_ =	shalt  }
0x62: {  	_ =	shalt  }
0x63: {  	_ =	shalt  }
0x64: {  	_ =	shalt  }
0x65: {  	_ =	shalt  }
0x66: {  	_ =	shalt  }
0x67: {  	_ =	shalt  }
0x68: {  	_ =	shalt  }
0x69: {  	_ =	shalt  }
0x6a: {  	_ =	shalt  }
0x6b: {  	_ =	shalt  }
0x6c: {  	_ =	shalt  }
0x6d: {  	_ =	shalt  }
0x6e: {  	_ =	shalt  }
0x6f: {  	_ =	shalt  }
0x70: {  	_ =	shalt  }
0x71: {  	_ =	shalt  }
0x72: {  	_ =	shalt  }
0x73: {  	_ =	shalt  }
0x74: {  	_ =	shalt  }
0x75: {  	_ =	shalt  }
0x76: {  	_ =	shalt  }
0x77: {  	_ =	shalt  }
0x78: {  	_ =	shalt  }
0x79: {  	_ =	shalt  }
0x7a: {  	_ =	shalt  }
0x7b: {  	_ =	shalt  }
0x7c: {  	_ =	shalt  }
0x7d: {  	_ =	shalt  }
0x7e: {  	_ =	shalt  }
0x7f: {  	_ =	shalt  }
0x80: {  	_ =	shalt  }
0x81: {  	_ =	shalt  }
0x82: {  	_ =	shalt  }
0x83: {  	_ =	shalt  }
0x84: {  	_ =	shalt  }
0x85: {  	_ =	shalt  }
0x86: {  	_ =	shalt  }
0x87: {  	_ =	shalt  }
.Lfunc_end0:
.L_simem_size_0:
called_computation.3_lowered:
.L_overlay_start_0:
0x88: {  	s2 =	sld [smem:$0x3FD9]  }
0x89: {  	s3 =	sld [smem:$0x3FFE];
	_ =	sdelay $0x1  }
0x8a: {  	s1 =	srdreg.scid  }
0x8b: {  	s0 =	sand.u32 $0x1, s1  }
0x8c: {  	s16 =	sshll.u32 s0, $0xA;
	s2 =	sadd.s32 s3, s2  }
0x8d: {  	s2 =	sadd.s32 s2, s16  }
0x8e: {  	[smem:$0x3FB4] =	sst s2  }
0x8f: {  	_ = 	snop  }
0x90: {  	(tm) =	ssettm $0x1  }
0x91: {  	s17 =	sld [smem:$0x3FFB];
	_ =	sdelay $0x3  }
0x92: {  	_ =	strace s17  }
0x93: {  	s2 =	sld [smem:$0x3FFC];
	_ =	sdelay $0x3  }
0x94: {  	_ =	strace s2  }
0x95: {  	s2 =	sld [smem:$0x3FFD];
	_ =	sdelay $0x3  }
0x96: {  	_ =	strace s2  }
0x97: {  	_ =	strace $0x8FFFFFFF  }
0x98: {  	s18 =	sld [smem:$0x3FDB];
	_ =	sdelay $0x1  }
0x99: {  	s19 =	simm.s32 $_scs_section_size  }
0x9a: {  	s4 =	simm.s32 $_size__tile_overlayer_lowered;
	s5 =	simm.s32 $_tile_overlayer_lowered  }
0x9b: {  	s22 =	simm.s32 $0x1BFF;
	s21 =	sshll.u32 s5, $0x1;
	s2 =	sadd.s32 s19, s18  }
0x9c: {  	s6 =	simm.s32 $0x0;
	s20 =	sshll.u32 s4, $0x1;
	s4 =	sadd.s32 s21, s2  }
0x9d: {  	[timem:s6], [sflag:s22] =	dma.local [hbm:s4], s20  }
0x9e: {  	_ =	swait.ge [sflag:s22], s20  }
0x9f: {  	s3 =	ssub.s32 $0x0, s20;
	[sflag:s22] =	ssyncset.done $0x0  }
0xa0: {  	[sflag:s22] =	ssyncadd.s32 s3;
	_ =	sdelay $0x1  }
0xa1: {  	s23 =	simm.s32 $0x1B8B  }
0xa2: {  	_ =	swait.ge [sflag:s23], $0x1  }
0xa3: {  	[sflag:s23] =	ssyncset.done $0x0  }
0xa4: {  	s25 =	simm.s32 $0x1B8E;
	s24 =	sld [smem:$0x3FFE];
	[sflag:s23] =	ssyncadd.s32 $0xFFFFFFFF  }
0xa5: {  	s26 =	simm.s32 $execute0_lowered;
	[smem:$0x3FD2] =	sst s25  }
0xa6: {  	s4 =	sshll.u32 s26, $0x1;
	_ =	strace $0x8000004F;
	[dreg:$0x1] =	wrdreg $0xFFFFFFFF  }
0xa7: {  	s28 =	simm.s32 $_size_execute0_lowered;
	s2 =	sadd.s32 s2, s4;
	[dreg:$0x0] =	wrdreg $0x0  }
0xa8: {  	s4 =	sshll.u32 s28, $0x1;
	[dreg:$0x2] =	wrdreg s2  }
0xa9: {  	[dreg:$0x3] =	wrdreg s4  }
0xaa: {  	[dreg:$0x4] =	wrdreg $0xC0  }
0xab: {  	_ =	task [dreg:s6], $0x5FFFF  }
0xac: {  	[dreg:$0x1] =	wrdreg $0xFFFFFFFF  }
0xad: {  	[dreg:$0x0] =	wrdreg $0x60  }
0xae: {  	[dreg:$0x2] =	wrdreg s24  }
0xaf: {  	[dreg:$0x3] =	wrdreg $0x120800  }
0xb0: {  	[dreg:$0x4] =	wrdreg $0x9  }
0xb1: {  	_ =	task.clear_ibuf [dreg:s6], $0x5FFFF;
	_ =	strace $0x9000004F  }
0xb2: {  	s29 =	simm.s32 $0x9;
	_ =	strace $0x80000051  }
0xb3: {  	_ =	swait.ge [sflag:s29], $0x1  }
0xb4: {  	[sflag:s29] =	ssyncadd.s32 $0xFFFFFFFF  }
0xb5: {  	_ =	strace $0x90000051  }
0xb6: {  	_ =	sfence  }
0xb7: {  	s30 =	sld [smem:$0x0];
	_ =	sdelay $0x2  }
0xb8: {  	s31 =	sshll.u32 s1, $0xD;
	s1 =	sshrl.u32 s1, $0x2  }
0xb9: {  	s3 =	sand.u32 $0x4000, s31;
	s1 =	sadd.s32 s1, s30  }
0xba: {  	s0 =	sor.u32 s3, s0;
	s1 =	sshll.u32 s1, $0x11  }
0xbb: {  	s0 =	sor.u32 s1, s0  }
0xbc: {  	s0 =	sadd.s32 $0x8F2B, s0  }
0xbd: {  	[sflag:s0] =	ssyncadd.remote.s32 $0x1  }
0xbe: {  	_ =	sfence.sel $0xFFFF  }
0xbf: {  	[dreg:$0x0] =	wrdreg $0xFFFFFFFF;
	(pc) =	sbr.abs _section_cstart, $3  }
0xc0: {  	[dreg:$0x1] =	wrdreg $0xFFFFFFFF  }
0xc1: {  	_ =	task.clear_ibuf [dreg:s6], $0x2FFFF;
	_ =	strace $0x9FFFFFFF  }
0xc2: {  	(tm) =	ssettm $0x7FFFFFFF  }
0xc3: {  	_ =	shalt  }
tec
execute0_lowered:
.L_overlay_start_1:
0x0: {  	(tag) =	ssettag $0x1  }
0x1: {  	s7 =	rddreg [dreg:$0x0]  }
0x2: {  	s2 =	rddreg [dreg:$0x1]  }
0x3: {  	s0 =	rddreg [dreg:$0x2]  }
0x4: {  	s1 =	stileid.u32;
	s4 =	srdreg.scid  }
0x5: {  	s3 =	simm.s32 $0x0;
	s16 =	simm.s32 $0x80;
	s17 =	simm.s32 $0xA080  }
0x6: {  	s18 =	simm.s32 $0xE080;
	s21 =	simm.s32 $0x0;
	s6 =	smul.u32 $0xA00, s1  }
0x7: {  	s10 =	sand.u32 $0x1, s4;
	[smem:$0x7FF] =	sst s3;
	s9 =	smul.u32 $0xA000, s1  }
0x8: {  	s4 =	sadd.s32 $0xF200, s7;
	s5 =	sadd.s32 $0x61FE00, s7;
	s28 =	smul.u32 $0x28000, s1  }
0x9: {  	s31 =	sshll.u32 s1, $0x6;
	s15 =	sshll.u32 s1, $0x3;
	s8 =	smul.u32 $0xA0000, s10  }
0xa: {  	_ =	strace $0x80000050;
	s12 =	ssub.s32 $0x2, s10;
	s19 =	smul.u32 $0x1400, s10  }
0xb: {  	s20 =	sor.u32 $0x1400, s15;
	s10 =	smul.u32 $0x9E, s1;
	s15 =	simm.s32 $0x5000  }
0xc: {  	s11 =	sadd.s32 s6, s7;
	s6 =	sadd.s32 $0xDE00, s7;
	s29 =	sshrl.u32 s12, $0x1  }
0xd: {  	s30 =	sshrl.u32 s28, $0x2;
	v1 =	vmov s20;
	s20 =	simm.s32 $0xA000;
	s8 =	sadd.s32 s9, s8  }
0xe: {  	s12 =	ssub.s32 s12, s29;
	s14 =	sadd.s32 s30, s2;
	s9 =	sadd.s32 $0xCEA00, s11  }
0xf: {  	v0 =	vmov s19;
	s19 =	simm.s32 $0x1;
	s8 =	sshrl.u32 s8, $0x3;
	s12 =	smax.u32 s12, $0x1  }
0x10: {  	s13 =	sadd.s32 s8, s7;
	s7 =	sor.u32 $0x1C02, s31;
	s8 =	sadd.s32 $0xC4A00, s11  }
0x11: {  	s11 =	sadd.s32 $0x103A00, s13;
	s13 =	sshrl.u32 s14, $0x3;
	s14 =	simm.s32 $0x2  }
.LBB2_1:
0x12: {  	[spmem:s13], [sflag:s7] =	dma.local [hbm:s6], $0x1400  }
0x13: {  	_ =	swait.ge [sflag:s14], $0x1400  }
0x14: {  	[sflag:s14] =	ssyncset.done $0x0  }
0x15: {  	[sflag:s14] =	ssyncadd.s32 $0xFFFFEC00  }
0x16: {  	[bflag:$0x0] =	sbarrier.arrive $0xFFFF  }
0x17: {  	[tilespmem:s3], [sflag:$0x2] =	stream.linear.gather [hbm4b:s8+s3], $0x4F00, $0x38;
	[tilespmem:$0x1C480] =	vst v63  }
0x18: {  	_ =	swait.ge [sflag:s14], $0x4F00  }
0x19: {  	[sflag:s14] =	ssyncset.done $0x0  }
0x1a: {  	[sflag:s14] =	ssyncadd.s32 $0xFFFFB100  }
0x1b: {  	[tilespmem:s15], [sflag:$0x2] =	stream.linear.gather [hbm4b:s9+s3], $0x4F00, $0x38;
	[tilespmem:$0x1C480] =	vst v63  }
0x1c: {  	_ =	swait.ge [sflag:s14], $0x4F00  }
0x1d: {  	[sflag:s14] =	ssyncset.done $0x0  }
0x1e: {  	s22 =	simm.s32 $0x0;
	[sflag:s14] =	ssyncadd.s32 $0xFFFFB100  }
.LBB2_2:
0x1f: {  	s23 =	sshll.u32 s22, $0x7;
	s24 =	sadd.s32 s10, s22  }
0x20: {  	[tilespmem:s17], [sflag:$0x1] =	stream.indirect.gather [hbm4b:s4+s16], $0x80, s23, s16, $0xb8;
	[tilespmem:$0x1C480] =	vst v63  }
0x21: {  	s24 =	sshll.u32 s24, $0xB  }
0x22: {  	s25 =	simm.s32 $0x0;
	s24 =	sadd.s32 s5, s24  }
0x23: {  	[tilespmem:s18], [sflag:$0x2] =	stream.linear.gather [hbm4b:s24+s25], $0x4000, $0x38;
	[tilespmem:$0x1C480] =	vst v63  }
0x24: {  	_ =	swait.ge [sflag:s14], $0x4000  }
0x25: {  	[sflag:s14] =	ssyncset.done $0x0  }
0x26: {  	[sflag:s14] =	ssyncadd.s32 $0xFFFFC000  }
0x27: {  	v2 =	vld [tilespmem:s23+$0x5000];
	_ =	sdelay $0x4  }
0x28: {  	v2 =	vsub.s32 v2, v0  }
0x29: {  	vm0 =	vlt.u32 v2, $0x1400  }
0x2a: {  	v2 =	vsel vm0, v2, v1  }
0x2b: {  	[tilespmem:$0xA000] =	vst v2  }
0x2c: {  	v2 =	vld [tilespmem:s23+$0x5010];
	_ =	sdelay $0x4  }
0x2d: {  	v2 =	vsub.s32 v2, v0  }
0x2e: {  	vm9 =	vlt.u32 v2, $0x1400  }
0x2f: {  	v2 =	vsel vm9, v2, v1  }
0x30: {  	[tilespmem:$0xA010] =	vst v2  }
0x31: {  	v2 =	vld [tilespmem:s23+$0x5020];
	_ =	sdelay $0x4  }
0x32: {  	v2 =	vsub.s32 v2, v0  }
0x33: {  	vm10 =	vlt.u32 v2, $0x1400  }
0x34: {  	v2 =	vsel vm10, v2, v1  }
0x35: {  	[tilespmem:$0xA020] =	vst v2  }
0x36: {  	v2 =	vld [tilespmem:s23+$0x5030];
	_ =	sdelay $0x4  }
0x37: {  	v2 =	vsub.s32 v2, v0  }
0x38: {  	vm11 =	vlt.u32 v2, $0x1400  }
0x39: {  	v2 =	vsel vm11, v2, v1  }
0x3a: {  	[tilespmem:$0xA030] =	vst v2  }
0x3b: {  	v2 =	vld [tilespmem:s23+$0x5040];
	_ =	sdelay $0x4  }
0x3c: {  	v2 =	vsub.s32 v2, v0  }
0x3d: {  	vm12 =	vlt.u32 v2, $0x1400  }
0x3e: {  	v2 =	vsel vm12, v2, v1  }
0x3f: {  	[tilespmem:$0xA040] =	vst v2  }
0x40: {  	v2 =	vld [tilespmem:s23+$0x5050];
	_ =	sdelay $0x4  }
0x41: {  	v2 =	vsub.s32 v2, v0  }
0x42: {  	vm13 =	vlt.u32 v2, $0x1400  }
0x43: {  	v2 =	vsel vm13, v2, v1  }
0x44: {  	[tilespmem:$0xA050] =	vst v2  }
0x45: {  	v2 =	vld [tilespmem:s23+$0x5060];
	_ =	sdelay $0x4  }
0x46: {  	v2 =	vsub.s32 v2, v0  }
0x47: {  	vm14 =	vlt.u32 v2, $0x1400  }
0x48: {  	v2 =	vsel vm14, v2, v1  }
0x49: {  	[tilespmem:$0xA060] =	vst v2  }
0x4a: {  	v2 =	vld [tilespmem:s23+$0x5070];
	_ =	sdelay $0x4  }
0x4b: {  	v2 =	vsub.s32 v2, v0  }
0x4c: {  	vm15 =	vlt.u32 v2, $0x1400  }
0x4d: {  	v2 =	vsel vm15, v2, v1  }
0x4e: {  	[tilespmem:$0xA070] =	vst v2  }
0x4f: {  	_ =	swait.ge [sflag:s19], $0x4000  }
0x50: {  	[sflag:s19] =	ssyncset.done $0x0  }
0x51: {  	s23 =	simm.s32 $0x0;
	[sflag:s19] =	ssyncadd.s32 $0xFFFFC000  }
0x52: {  	v9 =	vld [tilespmem:s23+$0xE080]  }
0x53: {  	v13 =	vld [tilespmem:s23+$0xE090]  }
0x54: {  	v7 =	vld [tilespmem:s23+$0xE0A0]  }
0x55: {  	v6 =	vld [tilespmem:s23+$0xE0B0]  }
0x56: {  	v5 =	vld [tilespmem:s23+$0xE0C0]  }
0x57: {  	v4 =	vld [tilespmem:s23+$0xE0D0]  }
0x58: {  	v3 =	vld [tilespmem:s23+$0xE0E0]  }
0x59: {  	v2 =	vld [tilespmem:s23+$0xE0F0]  }
0x5a: {  	v14 =	vld [tilespmem:s23+$0xA080]  }
0x5b: {  	v15 =	vld [tilespmem:s23+$0xA090]  }
0x5c: {  	v12 =	vld [tilespmem:s23+$0xA0A0]  }
0x5d: {  	v11 =	vld [tilespmem:s23+$0xA0B0]  }
0x5e: {  	v10 =	vld [tilespmem:s23+$0xA0C0]  }
0x5f: {  	v8 =	vld [tilespmem:s23+$0xA0D0];
	v14 =	vmul.f32 v9, v14  }
0x60: {  	s24 =	simm.s32 $0x200;
	v13 =	vmul.f32 v13, v15;
	v9 =	vld [tilespmem:s23+$0xA0E0]  }
.LBB2_3:
0x61: {  	s25 =	sshra.s32 s24, $0x2;
	p0 =	sne.s32 s24, $0xFE00;
	[tilespmem:s23+$0xA080] =	vst v14;
	v7 =	vmul.f32 v7, v12;
	v12 =	vld [tilespmem:s23+$0xA0F0]  }
0x62: {  	v14 =	vld [tilespmem:s25+$0xE080];
	[tilespmem:s23+$0xA090] =	vst v13;
	v6 =	vmul.f32 v6, v11  }
0x63: {  	v13 =	vld [tilespmem:s25+$0xE090];
	[tilespmem:s23+$0xA0A0] =	vst v7;
	v5 =	vmul.f32 v5, v10  }
0x64: {  	v7 =	vld [tilespmem:s25+$0xE0A0];
	[tilespmem:s23+$0xA0B0] =	vst v6;
	v4 =	vmul.f32 v4, v8  }
0x65: {  	v6 =	vld [tilespmem:s25+$0xE0B0];
	[tilespmem:s23+$0xA0C0] =	vst v5;
	v3 =	vmul.f32 v3, v9  }
0x66: {  	v5 =	vld [tilespmem:s25+$0xE0C0];
	[tilespmem:s23+$0xA0D0] =	vst v4;
	v2 =	vmul.f32 v2, v12  }
0x67: {  	v4 =	vld [tilespmem:s25+$0xE0D0];
	[tilespmem:s23+$0xA0E0] =	vst v3  }
0x68: {  	v3 =	vld [tilespmem:s25+$0xE0E0];
	[tilespmem:s23+$0xA0F0] =	vst v2;
	s23 =	smov.u32 s25  }
0x69: {  	v2 =	vld [tilespmem:s23+$0xE0F0]  }
0x6a: {  	v8 =	vld [tilespmem:s23+$0xA080]  }
0x6b: {  	v9 =	vld [tilespmem:s23+$0xA090]  }
.Ltmp0:
0x6c: {  	v12 =	vld [tilespmem:s23+$0xA0A0];
	(pc) =	sbr.rel @p0 .LBB2_3-.Ltmp0, $4  }
0x6d: {  	v11 =	vld [tilespmem:s23+$0xA0B0]  }
0x6e: {  	v10 =	vld [tilespmem:s23+$0xA0C0]  }
0x6f: {  	v14 =	vmul.f32 v14, v8;
	v8 =	vld [tilespmem:s23+$0xA0D0]  }
0x70: {  	s24 =	sadd.s32 $0x200, s24;
	v13 =	vmul.f32 v13, v9;
	v9 =	vld [tilespmem:s23+$0xA0E0]  }
0x71: {  	[tilespmem:s23+$0xA080] =	vst v14;
	v7 =	vmul.f32 v7, v12;
	v63 =	vld [tilespmem:s23+$0xA0F0]  }
0x72: {  	[tilespmem:s23+$0xA090] =	vst v13;
	v6 =	vmul.f32 v6, v11  }
0x73: {  	[tilespmem:s23+$0xA0A0] =	vst v7;
	v5 =	vmul.f32 v5, v10  }
0x74: {  	[tilespmem:s23+$0xA0B0] =	vst v6;
	v4 =	vmul.f32 v4, v8  }
0x75: {  	[tilespmem:s23+$0xA0C0] =	vst v5;
	v3 =	vmul.f32 v3, v9  }
0x76: {  	s22 =	sadd.s32 $0x1, s22;
	[tilespmem:s23+$0xA0D0] =	vst v4;
	v2 =	vmul.f32 v2, v63  }
0x77: {  	p0 =	sne.s32 s22, $0x9E;
	[tilespmem:s23+$0xA0E0] =	vst v3  }
.Ltmp1:
0x78: {  	[tilespmem:s23+$0xA0F0] =	vst v2;
	(pc) =	sbr.rel @p0 .LBB2_2-.Ltmp1, $4  }
0x79: {  	[spmem:s2] =	stream.indirect.scatter.add.f32 [tilespmem:s17], [sflag:$0x2], $0x80, s20, s16, $0xb8;
	[tilespmem:$0x1C480] =	vst v63  }
0x7a: {  	_ =	swait.ge [sflag:s14], $0x4000  }
0x7b: {  	[sflag:s14] =	ssyncset.done $0x0  }
0x7c: {  	[sflag:s14] =	ssyncadd.s32 $0xFFFFC000  }
0x7d: {  	s21 =	sadd.s32 $0x1, s21  }
0x7e: {  	p0 =	sne.s32 s21, s12  }
.Ltmp2:
0x7f: {  	[bflag:$0x0] =	sbarrier.arrive $0xFFFF;
	(pc) =	sbr.rel @p0 .LBB2_1-.Ltmp2, $4  }
0x80: {  	[hbm:s11], [sflag:s7] =	dma.local [spmem:s13], $0x1400  }
0x81: {  	_ =	swait.ge [sflag:s14], $0x1400  }
0x82: {  	[sflag:s14] =	ssyncset.done $0x0  }
0x83: {  	[sflag:s14] =	ssyncadd.s32 $0xFFFFEC00  }
0x84: {  	_ =	sfence.sel $0x180000  }
0x85: {  	[bflag:$0x0] =	sbarrier.arrive $0xFFFF  }
0x86: {  	p0 =	sne.s32 s1, $0x0;
	_ =	strace $0x90000050  }
0x87: {  	s0 =	sadd.s32 @!p0 $0x100000, s0;
	[bflag:$0x2] =	sbarrier.arrive $0xFFFF  }
0x88: {  	[sflag:s0] =	ssyncadd.tile.s32 @!p0 $0x1;
	_ =	shalt  }
.Lfunc_end2:
_tile_overlayer_lowered:
.L_overlay_start_2:
0x89: {  	(tag) =	ssettag $0x2  }
0x8a: {  	s0 =	rddreg [dreg:$0x0];
	s2 =	stileid.u32  }
0x8b: {  	s1 =	rddreg [dreg:$0x1];
	p0 =	sne.s32 s2, $0x0  }
0x8c: {  	s3 =	rddreg [dreg:$0x2];
	[bflag:$0x3] =	sbarrier.arrive $0xFFFF;
	s2 =	simm.s32 @!p0 $0x1C02  }
0x8d: {  	[timem:s3], [sflag:s2] =	dma.local @!p0 [hbm:s0], s1  }
0x8e: {  	s0 =	simm.s32 @!p0 $0x2  }
0x8f: {  	_ =	swait.ge @!p0 [sflag:s0], s1  }
0x90: {  	s1 =	ssub.s32 @!p0 $0x0, s1;
	[sflag:s0] =	ssyncset.done @!p0 $0x0  }
0x91: {  	[sflag:s0] =	ssyncadd.s32 @!p0 s1  }
0x92: {  	[bflag:$0x3] =	sbarrier.arrive $0xFFFF  }
0x93: {  	_ =	shalt  }

// kernel: kernel.35.cloned.1.call-start
scs
__scs_entry_jumppad:
0x0: {  	(pc) =	sbr.rel $0x88, $3  }
0x1: {  	(tag) =	ssettag $0x0;
	lr =	simm.s32 $0x1  }
0x2: {  	[smem:$0x3F8D] =	sst lr;
	_ =	strace $0xD0000000  }
0x3: {  	_ = 	snop  }
0x4: {  	_ = 	snop  }
0x5: {  	_ = 	snop  }
0x6: {  	_ = 	snop  }
0x7: {  	_ = 	snop  }
__scs_overlays_trampoline_lowered:
0x8: {  	[smem:$0x3F9C] =	sst s0  }
0x9: {  	[smem:$0x3F9D] =	sst s1  }
0xa: {  	[smem:$0x3F9E] =	sst s2  }
0xb: {  	[smem:$0x3F9F] =	sst s3  }
0xc: {  	[smem:$0x3FA0] =	sst s4  }
0xd: {  	[smem:$0x3FA1] =	sst s5  }
0xe: {  	[smem:$0x3FA2] =	sst s6  }
0xf: {  	[smem:$0x3FA3] =	sst s7  }
0x10: {  	[smem:$0x3FA4] =	sst s8  }
0x11: {  	[smem:$0x3FA5] =	sst s9;
	s0 =	simm.s32 @!p0 $0x0  }
0x12: {  	s1 =	sld [smem:$0x3F8B];
	s0 =	simm.s32 @p0 $0x1  }
0x13: {  	[smem:$0x3FA6] =	sst s0;
	s0 =	simm.s32 @!p1 $0x0  }
0x14: {  	s2 =	sld [smem:$0x3F8A];
	s0 =	simm.s32 @p1 $0x1  }
0x15: {  	[smem:$0x3FA7] =	sst s0;
	s0 =	simm.s32 @!p2 $0x0  }
0x16: {  	s3 =	sld [smem:$0x3FDB];
	s0 =	simm.s32 @p2 $0x1  }
0x17: {  	s4 =	simm.s32 $0x1BF5;
	[smem:$0x3FA9] =	sst s0  }
0x18: {  	s0 =	sld [smem:$0x3F8C];
	_ =	swait.ge [sflag:s4], $0x0  }
0x19: {  	s7 =	sld [smem:$0x3F8D]  }
0x1a: {  	s8 =	sadd.s32 $0xFFFFE003, lr  }
0x1b: {  	s9 =	sadd.s32 $0xFFFFFEF7, lr;
	s5 =	simm.s32 $0xFFFFFFFF;
	p2 =	slt.u32 s8, $0xFFFFF086  }
0x1c: {  	p1 =	slt.u32 s9, $0xF7A;
	s5 =	simm.s32 @!p2 $0x0  }
0x1d: {  	s5 =	simm.s32 @p1 $0x1;
	p0 =	seq.s32 s7, s2  }
0x1e: {  	s7 =	smul.u32 @!p0 $0xF7A, s2;
	p2 =	seq.s32 @!p0 s5, $0x0  }
0x1f: {  	s9 =	smul.u32 $0xF7A, s1;
	s8 =	simm.s32 @!p0 $0x1BF5;
	p2 =	por !p2, p0  }
0x20: {  	[sflag:s8] =	ssyncset.s32 @!p0 $0xFFFFF086;
	s6 =	sadd.s32 @!p0 s3, s7;
	s7 =	simm.s32 @!p0 $0x108  }
0x21: {  	s3 =	sadd.s32 s3, s9;
	s6 =	sadd.s32 @!p0 $0x88, s6;
	s7 =	simm.s32 @p2 $0x1082  }
0x22: {  	[simem:s7], [sflag:s8] =	dma.local @!p0 [hbm:s6], $0xF7A  }
0x23: {  	s9 =	sor.u32 $0xD0000000, s2;
	s6 =	simm.s32 $0x108;
	_ =	swait.ge @!p0 [sflag:s8], $0x0  }
0x24: {  	s3 =	sadd.s32 $0x88, s3;
	s6 =	simm.s32 @!p1 $0x1082;
	[sflag:s4] =	ssyncset.s32 $0xFFFFF086  }
0x25: {  	[simem:s6], [sflag:s4] =	dma.local [hbm:s3], $0xF7A  }
0x26: {  	[smem:$0x3F8D] =	sst s1;
	(tag) =	ssettag s2;
	_ =	strace s9  }
0x27: {  	s1 =	sld [smem:$0x3F9D]  }
0x28: {  	s2 =	sld [smem:$0x3F9E]  }
0x29: {  	s4 =	sld [smem:$0x3FA0]  }
0x2a: {  	p0 =	seq.s32 s5, $0x0;
	s5 =	sld [smem:$0x3FA1]  }
0x2b: {  	s6 =	sld [smem:$0x3FA2]  }
0x2c: {  	s7 =	sld [smem:$0x3FA3]  }
0x2d: {  	s3 =	simm.s32 $0x108;
	s8 =	sld [smem:$0x3FA4]  }
0x2e: {  	s3 =	simm.s32 @!p0 $0x1082;
	s9 =	sld [smem:$0x3FA5]  }
0x2f: {  	lr =	sadd.s32 s0, s3;
	s0 =	sld [smem:$0x3F9C]  }
0x30: {  	s3 =	sld [smem:$0x3F9F]  }
0x31: {  	[smem:$0x3FA8] =	sst s10  }
0x32: {  	s10 =	sld [smem:$0x3FA6];
	_ =	sdelay $0x3  }
0x33: {  	p0 =	seq.s32 s10, $0x1;
	s10 =	sld [smem:$0x3FA8];
	_ =	sdelay $0x3  }
0x34: {  	[smem:$0x3FA8] =	sst s10  }
0x35: {  	s10 =	sld [smem:$0x3FA7];
	_ =	sdelay $0x3  }
0x36: {  	p1 =	seq.s32 s10, $0x1;
	s10 =	sld [smem:$0x3FA8];
	_ =	sdelay $0x3  }
0x37: {  	[smem:$0x3FA8] =	sst s10  }
0x38: {  	s10 =	sld [smem:$0x3FA9]  }
0x39: {  	_ = 	snop;
	(pc) =	sbr.ind lr, $3  }
0x3a: {  	_ = 	snop  }
0x3b: {  	_ = 	snop  }
0x3c: {  	p2 =	seq.s32 s10, $0x1;
	s10 =	sld [smem:$0x3FA8]  }
0x3d: {  	_ =	shalt  }
0x3e: {  	_ =	shalt  }
0x3f: {  	_ =	shalt  }
0x40: {  	_ =	shalt  }
0x41: {  	_ =	shalt  }
0x42: {  	_ =	shalt  }
0x43: {  	_ =	shalt  }
0x44: {  	_ =	shalt  }
0x45: {  	_ =	shalt  }
0x46: {  	_ =	shalt  }
0x47: {  	_ =	shalt  }
0x48: {  	_ =	shalt  }
0x49: {  	_ =	shalt  }
0x4a: {  	_ =	shalt  }
0x4b: {  	_ =	shalt  }
0x4c: {  	_ =	shalt  }
0x4d: {  	_ =	shalt  }
0x4e: {  	_ =	shalt  }
0x4f: {  	_ =	shalt  }
0x50: {  	_ =	shalt  }
0x51: {  	_ =	shalt  }
0x52: {  	_ =	shalt  }
0x53: {  	_ =	shalt  }
0x54: {  	_ =	shalt  }
0x55: {  	_ =	shalt  }
0x56: {  	_ =	shalt  }
0x57: {  	_ =	shalt  }
0x58: {  	_ =	shalt  }
0x59: {  	_ =	shalt  }
0x5a: {  	_ =	shalt  }
0x5b: {  	_ =	shalt  }
0x5c: {  	_ =	shalt  }
0x5d: {  	_ =	shalt  }
0x5e: {  	_ =	shalt  }
0x5f: {  	_ =	shalt  }
0x60: {  	_ =	shalt  }
0x61: {  	_ =	shalt  }
0x62: {  	_ =	shalt  }
0x63: {  	_ =	shalt  }
0x64: {  	_ =	shalt  }
0x65: {  	_ =	shalt  }
0x66: {  	_ =	shalt  }
0x67: {  	_ =	shalt  }
0x68: {  	_ =	shalt  }
0x69: {  	_ =	shalt  }
0x6a: {  	_ =	shalt  }
0x6b: {  	_ =	shalt  }
0x6c: {  	_ =	shalt  }
0x6d: {  	_ =	shalt  }
0x6e: {  	_ =	shalt  }
0x6f: {  	_ =	shalt  }
0x70: {  	_ =	shalt  }
0x71: {  	_ =	shalt  }
0x72: {  	_ =	shalt  }
0x73: {  	_ =	shalt  }
0x74: {  	_ =	shalt  }
0x75: {  	_ =	shalt  }
0x76: {  	_ =	shalt  }
0x77: {  	_ =	shalt  }
0x78: {  	_ =	shalt  }
0x79: {  	_ =	shalt  }
0x7a: {  	_ =	shalt  }
0x7b: {  	_ =	shalt  }
0x7c: {  	_ =	shalt  }
0x7d: {  	_ =	shalt  }
0x7e: {  	_ =	shalt  }
0x7f: {  	_ =	shalt  }
0x80: {  	_ =	shalt  }
0x81: {  	_ =	shalt  }
0x82: {  	_ =	shalt  }
0x83: {  	_ =	shalt  }
0x84: {  	_ =	shalt  }
0x85: {  	_ =	shalt  }
0x86: {  	_ =	shalt  }
0x87: {  	_ =	shalt  }
.Lfunc_end0:
.L_simem_size_0:
called_computation.4_lowered:
.L_overlay_start_0:
0x88: {  	s2 =	sld [smem:$0x3FD9]  }
0x89: {  	s3 =	sld [smem:$0x3FFE];
	_ =	sdelay $0x1  }
0x8a: {  	s1 =	srdreg.scid  }
0x8b: {  	s0 =	sand.u32 $0x1, s1  }
0x8c: {  	s16 =	sshll.u32 s0, $0xA;
	s2 =	sadd.s32 s3, s2  }
0x8d: {  	s2 =	sadd.s32 s2, s16  }
0x8e: {  	[smem:$0x3FB4] =	sst s2  }
0x8f: {  	_ = 	snop  }
0x90: {  	(tm) =	ssettm $0x1  }
0x91: {  	s17 =	sld [smem:$0x3FFB];
	_ =	sdelay $0x3  }
0x92: {  	_ =	strace s17  }
0x93: {  	s2 =	sld [smem:$0x3FFC];
	_ =	sdelay $0x3  }
0x94: {  	_ =	strace s2  }
0x95: {  	s2 =	sld [smem:$0x3FFD];
	_ =	sdelay $0x3  }
0x96: {  	_ =	strace s2  }
0x97: {  	_ =	strace $0x8FFFFFFF  }
0x98: {  	s18 =	sld [smem:$0x3FDB];
	_ =	sdelay $0x1  }
0x99: {  	s19 =	simm.s32 $_scs_section_size  }
0x9a: {  	s4 =	simm.s32 $_size__tile_overlayer_lowered;
	s5 =	simm.s32 $_tile_overlayer_lowered  }
0x9b: {  	s22 =	simm.s32 $0x1BFF;
	s21 =	sshll.u32 s5, $0x1;
	s2 =	sadd.s32 s19, s18  }
0x9c: {  	s6 =	simm.s32 $0x0;
	s20 =	sshll.u32 s4, $0x1;
	s4 =	sadd.s32 s21, s2  }
0x9d: {  	[timem:s6], [sflag:s22] =	dma.local [hbm:s4], s20  }
0x9e: {  	_ =	swait.ge [sflag:s22], s20  }
0x9f: {  	s3 =	ssub.s32 $0x0, s20;
	[sflag:s22] =	ssyncset.done $0x0  }
0xa0: {  	[sflag:s22] =	ssyncadd.s32 s3;
	_ =	sdelay $0x1  }
0xa1: {  	s23 =	simm.s32 $0x1B8B  }
0xa2: {  	_ =	swait.ge [sflag:s23], $0x1  }
0xa3: {  	[sflag:s23] =	ssyncset.done $0x0  }
0xa4: {  	s25 =	simm.s32 $0x1B8E;
	s24 =	sld [smem:$0x3FFE];
	[sflag:s23] =	ssyncadd.s32 $0xFFFFFFFF  }
0xa5: {  	s26 =	simm.s32 $execute0_lowered;
	[smem:$0x3FD2] =	sst s25  }
0xa6: {  	s4 =	sshll.u32 s26, $0x1;
	_ =	strace $0x80000052;
	[dreg:$0x1] =	wrdreg $0xFFFFFFFF  }
0xa7: {  	s28 =	simm.s32 $_size_execute0_lowered;
	s2 =	sadd.s32 s2, s4;
	[dreg:$0x0] =	wrdreg $0x0  }
0xa8: {  	s4 =	sshll.u32 s28, $0x1;
	[dreg:$0x2] =	wrdreg s2  }
0xa9: {  	[dreg:$0x3] =	wrdreg s4  }
0xaa: {  	[dreg:$0x4] =	wrdreg $0xC0  }
0xab: {  	_ =	task [dreg:s6], $0x5FFFF  }
0xac: {  	[dreg:$0x1] =	wrdreg $0xFFFFFFFF  }
0xad: {  	[dreg:$0x0] =	wrdreg $0x60  }
0xae: {  	[dreg:$0x2] =	wrdreg s24  }
0xaf: {  	[dreg:$0x3] =	wrdreg $0x120800  }
0xb0: {  	[dreg:$0x4] =	wrdreg $0x9  }
0xb1: {  	_ =	task.clear_ibuf [dreg:s6], $0x5FFFF;
	_ =	strace $0x90000052  }
0xb2: {  	s29 =	simm.s32 $0x9;
	_ =	strace $0x80000054  }
0xb3: {  	_ =	swait.ge [sflag:s29], $0x1  }
0xb4: {  	[sflag:s29] =	ssyncadd.s32 $0xFFFFFFFF  }
0xb5: {  	_ =	strace $0x90000054  }
0xb6: {  	_ =	sfence  }
0xb7: {  	s30 =	sld [smem:$0x0];
	_ =	sdelay $0x2  }
0xb8: {  	s31 =	sshll.u32 s1, $0xD;
	s1 =	sshrl.u32 s1, $0x2  }
0xb9: {  	s3 =	sand.u32 $0x4000, s31;
	s1 =	sadd.s32 s1, s30  }
0xba: {  	s0 =	sor.u32 s3, s0;
	s1 =	sshll.u32 s1, $0x11  }
0xbb: {  	s0 =	sor.u32 s1, s0  }
0xbc: {  	s0 =	sadd.s32 $0x8F2B, s0  }
0xbd: {  	[sflag:s0] =	ssyncadd.remote.s32 $0x1  }
0xbe: {  	_ =	sfence.sel $0xFFFF  }
0xbf: {  	[dreg:$0x0] =	wrdreg $0xFFFFFFFF;
	(pc) =	sbr.abs _section_cstart, $3  }
0xc0: {  	[dreg:$0x1] =	wrdreg $0xFFFFFFFF  }
0xc1: {  	_ =	task.clear_ibuf [dreg:s6], $0x2FFFF;
	_ =	strace $0x9FFFFFFF  }
0xc2: {  	(tm) =	ssettm $0x7FFFFFFF  }
0xc3: {  	_ =	shalt  }
tec
execute0_lowered:
.L_overlay_start_1:
0x0: {  	(tag) =	ssettag $0x1  }
0x1: {  	s7 =	rddreg [dreg:$0x0]  }
0x2: {  	s2 =	rddreg [dreg:$0x1]  }
0x3: {  	s0 =	rddreg [dreg:$0x2]  }
0x4: {  	s1 =	stileid.u32;
	s4 =	srdreg.scid  }
0x5: {  	s3 =	simm.s32 $0x0;
	s16 =	simm.s32 $0x80;
	s17 =	simm.s32 $0xA080  }
0x6: {  	s18 =	simm.s32 $0xE080;
	s21 =	simm.s32 $0x0;
	s6 =	smul.u32 $0xA00, s1  }
0x7: {  	s10 =	sand.u32 $0x1, s4;
	[smem:$0x7FF] =	sst s3;
	s9 =	smul.u32 $0xA000, s1  }
0x8: {  	s4 =	sadd.s32 $0xF200, s7;
	s5 =	sadd.s32 $0xB0FE00, s7;
	s28 =	smul.u32 $0x28000, s1  }
0x9: {  	s31 =	sshll.u32 s1, $0x6;
	s15 =	sshll.u32 s1, $0x3;
	s8 =	smul.u32 $0xA0000, s10  }
0xa: {  	_ =	strace $0x80000053;
	s12 =	ssub.s32 $0x2, s10;
	s19 =	smul.u32 $0x1400, s10  }
0xb: {  	s20 =	sor.u32 $0x1400, s15;
	s10 =	smul.u32 $0x9E, s1;
	s15 =	simm.s32 $0x5000  }
0xc: {  	s11 =	sadd.s32 s6, s7;
	s6 =	sadd.s32 $0xDE00, s7;
	s29 =	sshrl.u32 s12, $0x1  }
0xd: {  	s30 =	sshrl.u32 s28, $0x2;
	v1 =	vmov s20;
	s20 =	simm.s32 $0xA000;
	s8 =	sadd.s32 s9, s8  }
0xe: {  	s12 =	ssub.s32 s12, s29;
	s14 =	sadd.s32 s30, s2;
	s9 =	sadd.s32 $0xCEA00, s11  }
0xf: {  	v0 =	vmov s19;
	s19 =	simm.s32 $0x1;
	s8 =	sshrl.u32 s8, $0x3;
	s12 =	smax.u32 s12, $0x1  }
0x10: {  	s13 =	sadd.s32 s8, s7;
	s7 =	sor.u32 $0x1C02, s31;
	s8 =	sadd.s32 $0xC4A00, s11  }
0x11: {  	s11 =	sadd.s32 $0x103A00, s13;
	s13 =	sshrl.u32 s14, $0x3;
	s14 =	simm.s32 $0x2  }
.LBB2_1:
0x12: {  	[spmem:s13], [sflag:s7] =	dma.local [hbm:s6], $0x1400  }
0x13: {  	_ =	swait.ge [sflag:s14], $0x1400  }
0x14: {  	[sflag:s14] =	ssyncset.done $0x0  }
0x15: {  	[sflag:s14] =	ssyncadd.s32 $0xFFFFEC00  }
0x16: {  	[bflag:$0x0] =	sbarrier.arrive $0xFFFF  }
0x17: {  	[tilespmem:s3], [sflag:$0x2] =	stream.linear.gather [hbm4b:s8+s3], $0x4F00, $0x38;
	[tilespmem:$0x1C480] =	vst v63  }
0x18: {  	_ =	swait.ge [sflag:s14], $0x4F00  }
0x19: {  	[sflag:s14] =	ssyncset.done $0x0  }
0x1a: {  	[sflag:s14] =	ssyncadd.s32 $0xFFFFB100  }
0x1b: {  	[tilespmem:s15], [sflag:$0x2] =	stream.linear.gather [hbm4b:s9+s3], $0x4F00, $0x38;
	[tilespmem:$0x1C480] =	vst v63  }
0x1c: {  	_ =	swait.ge [sflag:s14], $0x4F00  }
0x1d: {  	[sflag:s14] =	ssyncset.done $0x0  }
0x1e: {  	s22 =	simm.s32 $0x0;
	[sflag:s14] =	ssyncadd.s32 $0xFFFFB100  }
.LBB2_2:
0x1f: {  	s23 =	sshll.u32 s22, $0x7;
	s24 =	sadd.s32 s10, s22  }
0x20: {  	[tilespmem:s17], [sflag:$0x1] =	stream.indirect.gather [hbm4b:s4+s16], $0x80, s23, s16, $0xb8;
	[tilespmem:$0x1C480] =	vst v63  }
0x21: {  	s24 =	sshll.u32 s24, $0xB  }
0x22: {  	s25 =	simm.s32 $0x0;
	s24 =	sadd.s32 s5, s24  }
0x23: {  	[tilespmem:s18], [sflag:$0x2] =	stream.linear.gather [hbm4b:s24+s25], $0x4000, $0x38;
	[tilespmem:$0x1C480] =	vst v63  }
0x24: {  	_ =	swait.ge [sflag:s14], $0x4000  }
0x25: {  	[sflag:s14] =	ssyncset.done $0x0  }
0x26: {  	[sflag:s14] =	ssyncadd.s32 $0xFFFFC000  }
0x27: {  	v2 =	vld [tilespmem:s23+$0x5000];
	_ =	sdelay $0x4  }
0x28: {  	v2 =	vsub.s32 v2, v0  }
0x29: {  	vm0 =	vlt.u32 v2, $0x1400  }
0x2a: {  	v2 =	vsel vm0, v2, v1  }
0x2b: {  	[tilespmem:$0xA000] =	vst v2  }
0x2c: {  	v2 =	vld [tilespmem:s23+$0x5010];
	_ =	sdelay $0x4  }
0x2d: {  	v2 =	vsub.s32 v2, v0  }
0x2e: {  	vm9 =	vlt.u32 v2, $0x1400  }
0x2f: {  	v2 =	vsel vm9, v2, v1  }
0x30: {  	[tilespmem:$0xA010] =	vst v2  }
0x31: {  	v2 =	vld [tilespmem:s23+$0x5020];
	_ =	sdelay $0x4  }
0x32: {  	v2 =	vsub.s32 v2, v0  }
0x33: {  	vm10 =	vlt.u32 v2, $0x1400  }
0x34: {  	v2 =	vsel vm10, v2, v1  }
0x35: {  	[tilespmem:$0xA020] =	vst v2  }
0x36: {  	v2 =	vld [tilespmem:s23+$0x5030];
	_ =	sdelay $0x4  }
0x37: {  	v2 =	vsub.s32 v2, v0  }
0x38: {  	vm11 =	vlt.u32 v2, $0x1400  }
0x39: {  	v2 =	vsel vm11, v2, v1  }
0x3a: {  	[tilespmem:$0xA030] =	vst v2  }
0x3b: {  	v2 =	vld [tilespmem:s23+$0x5040];
	_ =	sdelay $0x4  }
0x3c: {  	v2 =	vsub.s32 v2, v0  }
0x3d: {  	vm12 =	vlt.u32 v2, $0x1400  }
0x3e: {  	v2 =	vsel vm12, v2, v1  }
0x3f: {  	[tilespmem:$0xA040] =	vst v2  }
0x40: {  	v2 =	vld [tilespmem:s23+$0x5050];
	_ =	sdelay $0x4  }
0x41: {  	v2 =	vsub.s32 v2, v0  }
0x42: {  	vm13 =	vlt.u32 v2, $0x1400  }
0x43: {  	v2 =	vsel vm13, v2, v1  }
0x44: {  	[tilespmem:$0xA050] =	vst v2  }
0x45: {  	v2 =	vld [tilespmem:s23+$0x5060];
	_ =	sdelay $0x4  }
0x46: {  	v2 =	vsub.s32 v2, v0  }
0x47: {  	vm14 =	vlt.u32 v2, $0x1400  }
0x48: {  	v2 =	vsel vm14, v2, v1  }
0x49: {  	[tilespmem:$0xA060] =	vst v2  }
0x4a: {  	v2 =	vld [tilespmem:s23+$0x5070];
	_ =	sdelay $0x4  }
0x4b: {  	v2 =	vsub.s32 v2, v0  }
0x4c: {  	vm15 =	vlt.u32 v2, $0x1400  }
0x4d: {  	v2 =	vsel vm15, v2, v1  }
0x4e: {  	[tilespmem:$0xA070] =	vst v2  }
0x4f: {  	_ =	swait.ge [sflag:s19], $0x4000  }
0x50: {  	[sflag:s19] =	ssyncset.done $0x0  }
0x51: {  	s23 =	simm.s32 $0x0;
	[sflag:s19] =	ssyncadd.s32 $0xFFFFC000  }
0x52: {  	v9 =	vld [tilespmem:s23+$0xE080]  }
0x53: {  	v13 =	vld [tilespmem:s23+$0xE090]  }
0x54: {  	v7 =	vld [tilespmem:s23+$0xE0A0]  }
0x55: {  	v6 =	vld [tilespmem:s23+$0xE0B0]  }
0x56: {  	v5 =	vld [tilespmem:s23+$0xE0C0]  }
0x57: {  	v4 =	vld [tilespmem:s23+$0xE0D0]  }
0x58: {  	v3 =	vld [tilespmem:s23+$0xE0E0]  }
0x59: {  	v2 =	vld [tilespmem:s23+$0xE0F0]  }
0x5a: {  	v14 =	vld [tilespmem:s23+$0xA080]  }
0x5b: {  	v15 =	vld [tilespmem:s23+$0xA090]  }
0x5c: {  	v12 =	vld [tilespmem:s23+$0xA0A0]  }
0x5d: {  	v11 =	vld [tilespmem:s23+$0xA0B0]  }
0x5e: {  	v10 =	vld [tilespmem:s23+$0xA0C0]  }
0x5f: {  	v8 =	vld [tilespmem:s23+$0xA0D0];
	v14 =	vmul.f32 v9, v14  }
0x60: {  	s24 =	simm.s32 $0x200;
	v13 =	vmul.f32 v13, v15;
	v9 =	vld [tilespmem:s23+$0xA0E0]  }
.LBB2_3:
0x61: {  	s25 =	sshra.s32 s24, $0x2;
	p0 =	sne.s32 s24, $0xFE00;
	[tilespmem:s23+$0xA080] =	vst v14;
	v7 =	vmul.f32 v7, v12;
	v12 =	vld [tilespmem:s23+$0xA0F0]  }
0x62: {  	v14 =	vld [tilespmem:s25+$0xE080];
	[tilespmem:s23+$0xA090] =	vst v13;
	v6 =	vmul.f32 v6, v11  }
0x63: {  	v13 =	vld [tilespmem:s25+$0xE090];
	[tilespmem:s23+$0xA0A0] =	vst v7;
	v5 =	vmul.f32 v5, v10  }
0x64: {  	v7 =	vld [tilespmem:s25+$0xE0A0];
	[tilespmem:s23+$0xA0B0] =	vst v6;
	v4 =	vmul.f32 v4, v8  }
0x65: {  	v6 =	vld [tilespmem:s25+$0xE0B0];
	[tilespmem:s23+$0xA0C0] =	vst v5;
	v3 =	vmul.f32 v3, v9  }
0x66: {  	v5 =	vld [tilespmem:s25+$0xE0C0];
	[tilespmem:s23+$0xA0D0] =	vst v4;
	v2 =	vmul.f32 v2, v12  }
0x67: {  	v4 =	vld [tilespmem:s25+$0xE0D0];
	[tilespmem:s23+$0xA0E0] =	vst v3  }
0x68: {  	v3 =	vld [tilespmem:s25+$0xE0E0];
	[tilespmem:s23+$0xA0F0] =	vst v2;
	s23 =	smov.u32 s25  }
0x69: {  	v2 =	vld [tilespmem:s23+$0xE0F0]  }
0x6a: {  	v8 =	vld [tilespmem:s23+$0xA080]  }
0x6b: {  	v9 =	vld [tilespmem:s23+$0xA090]  }
.Ltmp0:
0x6c: {  	v12 =	vld [tilespmem:s23+$0xA0A0];
	(pc) =	sbr.rel @p0 .LBB2_3-.Ltmp0, $4  }
0x6d: {  	v11 =	vld [tilespmem:s23+$0xA0B0]  }
0x6e: {  	v10 =	vld [tilespmem:s23+$0xA0C0]  }
0x6f: {  	v14 =	vmul.f32 v14, v8;
	v8 =	vld [tilespmem:s23+$0xA0D0]  }
0x70: {  	s24 =	sadd.s32 $0x200, s24;
	v13 =	vmul.f32 v13, v9;
	v9 =	vld [tilespmem:s23+$0xA0E0]  }
0x71: {  	[tilespmem:s23+$0xA080] =	vst v14;
	v7 =	vmul.f32 v7, v12;
	v63 =	vld [tilespmem:s23+$0xA0F0]  }
0x72: {  	[tilespmem:s23+$0xA090] =	vst v13;
	v6 =	vmul.f32 v6, v11  }
0x73: {  	[tilespmem:s23+$0xA0A0] =	vst v7;
	v5 =	vmul.f32 v5, v10  }
0x74: {  	[tilespmem:s23+$0xA0B0] =	vst v6;
	v4 =	vmul.f32 v4, v8  }
0x75: {  	[tilespmem:s23+$0xA0C0] =	vst v5;
	v3 =	vmul.f32 v3, v9  }
0x76: {  	s22 =	sadd.s32 $0x1, s22;
	[tilespmem:s23+$0xA0D0] =	vst v4;
	v2 =	vmul.f32 v2, v63  }
0x77: {  	p0 =	sne.s32 s22, $0x9E;
	[tilespmem:s23+$0xA0E0] =	vst v3  }
.Ltmp1:
0x78: {  	[tilespmem:s23+$0xA0F0] =	vst v2;
	(pc) =	sbr.rel @p0 .LBB2_2-.Ltmp1, $4  }
0x79: {  	[spmem:s2] =	stream.indirect.scatter.add.f32 [tilespmem:s17], [sflag:$0x2], $0x80, s20, s16, $0xb8;
	[tilespmem:$0x1C480] =	vst v63  }
0x7a: {  	_ =	swait.ge [sflag:s14], $0x4000  }
0x7b: {  	[sflag:s14] =	ssyncset.done $0x0  }
0x7c: {  	[sflag:s14] =	ssyncadd.s32 $0xFFFFC000  }
0x7d: {  	s21 =	sadd.s32 $0x1, s21  }
0x7e: {  	p0 =	sne.s32 s21, s12  }
.Ltmp2:
0x7f: {  	[bflag:$0x0] =	sbarrier.arrive $0xFFFF;
	(pc) =	sbr.rel @p0 .LBB2_1-.Ltmp2, $4  }
0x80: {  	[hbm:s11], [sflag:s7] =	dma.local [spmem:s13], $0x1400  }
0x81: {  	_ =	swait.ge [sflag:s14], $0x1400  }
0x82: {  	[sflag:s14] =	ssyncset.done $0x0  }
0x83: {  	[sflag:s14] =	ssyncadd.s32 $0xFFFFEC00  }
0x84: {  	_ =	sfence.sel $0x180000  }
0x85: {  	[bflag:$0x0] =	sbarrier.arrive $0xFFFF  }
0x86: {  	p0 =	sne.s32 s1, $0x0;
	_ =	strace $0x90000053  }
0x87: {  	s0 =	sadd.s32 @!p0 $0x100000, s0;
	[bflag:$0x2] =	sbarrier.arrive $0xFFFF  }
0x88: {  	[sflag:s0] =	ssyncadd.tile.s32 @!p0 $0x1;
	_ =	shalt  }
.Lfunc_end2:
_tile_overlayer_lowered:
.L_overlay_start_2:
0x89: {  	(tag) =	ssettag $0x2  }
0x8a: {  	s0 =	rddreg [dreg:$0x0];
	s2 =	stileid.u32  }
0x8b: {  	s1 =	rddreg [dreg:$0x1];
	p0 =	sne.s32 s2, $0x0  }
0x8c: {  	s3 =	rddreg [dreg:$0x2];
	[bflag:$0x3] =	sbarrier.arrive $0xFFFF;
	s2 =	simm.s32 @!p0 $0x1C02  }
0x8d: {  	[timem:s3], [sflag:s2] =	dma.local @!p0 [hbm:s0], s1  }
0x8e: {  	s0 =	simm.s32 @!p0 $0x2  }
0x8f: {  	_ =	swait.ge @!p0 [sflag:s0], s1  }
0x90: {  	s1 =	ssub.s32 @!p0 $0x0, s1;
	[sflag:s0] =	ssyncset.done @!p0 $0x0  }
0x91: {  	[sflag:s0] =	ssyncadd.s32 @!p0 s1  }
0x92: {  	[bflag:$0x3] =	sbarrier.arrive $0xFFFF  }
0x93: {  	_ =	shalt  }

// kernel: kernel.38.cloned.1.call-start
scs
__scs_entry_jumppad:
0x0: {  	(pc) =	sbr.rel $0x88, $3  }
0x1: {  	(tag) =	ssettag $0x0;
	lr =	simm.s32 $0x1  }
0x2: {  	[smem:$0x3F8D] =	sst lr;
	_ =	strace $0xD0000000  }
0x3: {  	_ = 	snop  }
0x4: {  	_ = 	snop  }
0x5: {  	_ = 	snop  }
0x6: {  	_ = 	snop  }
0x7: {  	_ = 	snop  }
__scs_overlays_trampoline_lowered:
0x8: {  	[smem:$0x3F9C] =	sst s0  }
0x9: {  	[smem:$0x3F9D] =	sst s1  }
0xa: {  	[smem:$0x3F9E] =	sst s2  }
0xb: {  	[smem:$0x3F9F] =	sst s3  }
0xc: {  	[smem:$0x3FA0] =	sst s4  }
0xd: {  	[smem:$0x3FA1] =	sst s5  }
0xe: {  	[smem:$0x3FA2] =	sst s6  }
0xf: {  	[smem:$0x3FA3] =	sst s7  }
0x10: {  	[smem:$0x3FA4] =	sst s8  }
0x11: {  	[smem:$0x3FA5] =	sst s9;
	s0 =	simm.s32 @!p0 $0x0  }
0x12: {  	s1 =	sld [smem:$0x3F8B];
	s0 =	simm.s32 @p0 $0x1  }
0x13: {  	[smem:$0x3FA6] =	sst s0;
	s0 =	simm.s32 @!p1 $0x0  }
0x14: {  	s2 =	sld [smem:$0x3F8A];
	s0 =	simm.s32 @p1 $0x1  }
0x15: {  	[smem:$0x3FA7] =	sst s0;
	s0 =	simm.s32 @!p2 $0x0  }
0x16: {  	s3 =	sld [smem:$0x3FDB];
	s0 =	simm.s32 @p2 $0x1  }
0x17: {  	s4 =	simm.s32 $0x1BF5;
	[smem:$0x3FA9] =	sst s0  }
0x18: {  	s0 =	sld [smem:$0x3F8C];
	_ =	swait.ge [sflag:s4], $0x0  }
0x19: {  	s7 =	sld [smem:$0x3F8D]  }
0x1a: {  	s8 =	sadd.s32 $0xFFFFE003, lr  }
0x1b: {  	s9 =	sadd.s32 $0xFFFFFEF7, lr;
	s5 =	simm.s32 $0xFFFFFFFF;
	p2 =	slt.u32 s8, $0xFFFFF086  }
0x1c: {  	p1 =	slt.u32 s9, $0xF7A;
	s5 =	simm.s32 @!p2 $0x0  }
0x1d: {  	s5 =	simm.s32 @p1 $0x1;
	p0 =	seq.s32 s7, s2  }
0x1e: {  	s7 =	smul.u32 @!p0 $0xF7A, s2;
	p2 =	seq.s32 @!p0 s5, $0x0  }
0x1f: {  	s9 =	smul.u32 $0xF7A, s1;
	s8 =	simm.s32 @!p0 $0x1BF5;
	p2 =	por !p2, p0  }
0x20: {  	[sflag:s8] =	ssyncset.s32 @!p0 $0xFFFFF086;
	s6 =	sadd.s32 @!p0 s3, s7;
	s7 =	simm.s32 @!p0 $0x108  }
0x21: {  	s3 =	sadd.s32 s3, s9;
	s6 =	sadd.s32 @!p0 $0x88, s6;
	s7 =	simm.s32 @p2 $0x1082  }
0x22: {  	[simem:s7], [sflag:s8] =	dma.local @!p0 [hbm:s6], $0xF7A  }
0x23: {  	s9 =	sor.u32 $0xD0000000, s2;
	s6 =	simm.s32 $0x108;
	_ =	swait.ge @!p0 [sflag:s8], $0x0  }
0x24: {  	s3 =	sadd.s32 $0x88, s3;
	s6 =	simm.s32 @!p1 $0x1082;
	[sflag:s4] =	ssyncset.s32 $0xFFFFF086  }
0x25: {  	[simem:s6], [sflag:s4] =	dma.local [hbm:s3], $0xF7A  }
0x26: {  	[smem:$0x3F8D] =	sst s1;
	(tag) =	ssettag s2;
	_ =	strace s9  }
0x27: {  	s1 =	sld [smem:$0x3F9D]  }
0x28: {  	s2 =	sld [smem:$0x3F9E]  }
0x29: {  	s4 =	sld [smem:$0x3FA0]  }
0x2a: {  	p0 =	seq.s32 s5, $0x0;
	s5 =	sld [smem:$0x3FA1]  }
0x2b: {  	s6 =	sld [smem:$0x3FA2]  }
0x2c: {  	s7 =	sld [smem:$0x3FA3]  }
0x2d: {  	s3 =	simm.s32 $0x108;
	s8 =	sld [smem:$0x3FA4]  }
0x2e: {  	s3 =	simm.s32 @!p0 $0x1082;
	s9 =	sld [smem:$0x3FA5]  }
0x2f: {  	lr =	sadd.s32 s0, s3;
	s0 =	sld [smem:$0x3F9C]  }
0x30: {  	s3 =	sld [smem:$0x3F9F]  }
0x31: {  	[smem:$0x3FA8] =	sst s10  }
0x32: {  	s10 =	sld [smem:$0x3FA6];
	_ =	sdelay $0x3  }
0x33: {  	p0 =	seq.s32 s10, $0x1;
	s10 =	sld [smem:$0x3FA8];
	_ =	sdelay $0x3  }
0x34: {  	[smem:$0x3FA8] =	sst s10  }
0x35: {  	s10 =	sld [smem:$0x3FA7];
	_ =	sdelay $0x3  }
0x36: {  	p1 =	seq.s32 s10, $0x1;
	s10 =	sld [smem:$0x3FA8];
	_ =	sdelay $0x3  }
0x37: {  	[smem:$0x3FA8] =	sst s10  }
0x38: {  	s10 =	sld [smem:$0x3FA9]  }
0x39: {  	_ = 	snop;
	(pc) =	sbr.ind lr, $3  }
0x3a: {  	_ = 	snop  }
0x3b: {  	_ = 	snop  }
0x3c: {  	p2 =	seq.s32 s10, $0x1;
	s10 =	sld [smem:$0x3FA8]  }
0x3d: {  	_ =	shalt  }
0x3e: {  	_ =	shalt  }
0x3f: {  	_ =	shalt  }
0x40: {  	_ =	shalt  }
0x41: {  	_ =	shalt  }
0x42: {  	_ =	shalt  }
0x43: {  	_ =	shalt  }
0x44: {  	_ =	shalt  }
0x45: {  	_ =	shalt  }
0x46: {  	_ =	shalt  }
0x47: {  	_ =	shalt  }
0x48: {  	_ =	shalt  }
0x49: {  	_ =	shalt  }
0x4a: {  	_ =	shalt  }
0x4b: {  	_ =	shalt  }
0x4c: {  	_ =	shalt  }
0x4d: {  	_ =	shalt  }
0x4e: {  	_ =	shalt  }
0x4f: {  	_ =	shalt  }
0x50: {  	_ =	shalt  }
0x51: {  	_ =	shalt  }
0x52: {  	_ =	shalt  }
0x53: {  	_ =	shalt  }
0x54: {  	_ =	shalt  }
0x55: {  	_ =	shalt  }
0x56: {  	_ =	shalt  }
0x57: {  	_ =	shalt  }
0x58: {  	_ =	shalt  }
0x59: {  	_ =	shalt  }
0x5a: {  	_ =	shalt  }
0x5b: {  	_ =	shalt  }
0x5c: {  	_ =	shalt  }
0x5d: {  	_ =	shalt  }
0x5e: {  	_ =	shalt  }
0x5f: {  	_ =	shalt  }
0x60: {  	_ =	shalt  }
0x61: {  	_ =	shalt  }
0x62: {  	_ =	shalt  }
0x63: {  	_ =	shalt  }
0x64: {  	_ =	shalt  }
0x65: {  	_ =	shalt  }
0x66: {  	_ =	shalt  }
0x67: {  	_ =	shalt  }
0x68: {  	_ =	shalt  }
0x69: {  	_ =	shalt  }
0x6a: {  	_ =	shalt  }
0x6b: {  	_ =	shalt  }
0x6c: {  	_ =	shalt  }
0x6d: {  	_ =	shalt  }
0x6e: {  	_ =	shalt  }
0x6f: {  	_ =	shalt  }
0x70: {  	_ =	shalt  }
0x71: {  	_ =	shalt  }
0x72: {  	_ =	shalt  }
0x73: {  	_ =	shalt  }
0x74: {  	_ =	shalt  }
0x75: {  	_ =	shalt  }
0x76: {  	_ =	shalt  }
0x77: {  	_ =	shalt  }
0x78: {  	_ =	shalt  }
0x79: {  	_ =	shalt  }
0x7a: {  	_ =	shalt  }
0x7b: {  	_ =	shalt  }
0x7c: {  	_ =	shalt  }
0x7d: {  	_ =	shalt  }
0x7e: {  	_ =	shalt  }
0x7f: {  	_ =	shalt  }
0x80: {  	_ =	shalt  }
0x81: {  	_ =	shalt  }
0x82: {  	_ =	shalt  }
0x83: {  	_ =	shalt  }
0x84: {  	_ =	shalt  }
0x85: {  	_ =	shalt  }
0x86: {  	_ =	shalt  }
0x87: {  	_ =	shalt  }
.Lfunc_end0:
.L_simem_size_0:
called_computation.5_lowered:
.L_overlay_start_0:
0x88: {  	s2 =	sld [smem:$0x3FD9]  }
0x89: {  	s3 =	sld [smem:$0x3FFE];
	_ =	sdelay $0x1  }
0x8a: {  	s1 =	srdreg.scid  }
0x8b: {  	s0 =	sand.u32 $0x1, s1  }
0x8c: {  	s16 =	sshll.u32 s0, $0xA;
	s2 =	sadd.s32 s3, s2  }
0x8d: {  	s2 =	sadd.s32 s2, s16  }
0x8e: {  	[smem:$0x3FB4] =	sst s2  }
0x8f: {  	_ = 	snop  }
0x90: {  	(tm) =	ssettm $0x1  }
0x91: {  	s17 =	sld [smem:$0x3FFB];
	_ =	sdelay $0x3  }
0x92: {  	_ =	strace s17  }
0x93: {  	s2 =	sld [smem:$0x3FFC];
	_ =	sdelay $0x3  }
0x94: {  	_ =	strace s2  }
0x95: {  	s2 =	sld [smem:$0x3FFD];
	_ =	sdelay $0x3  }
0x96: {  	_ =	strace s2  }
0x97: {  	_ =	strace $0x8FFFFFFF  }
0x98: {  	s18 =	sld [smem:$0x3FDB];
	_ =	sdelay $0x1  }
0x99: {  	s19 =	simm.s32 $_scs_section_size  }
0x9a: {  	s4 =	simm.s32 $_size__tile_overlayer_lowered;
	s5 =	simm.s32 $_tile_overlayer_lowered  }
0x9b: {  	s22 =	simm.s32 $0x1BFF;
	s21 =	sshll.u32 s5, $0x1;
	s2 =	sadd.s32 s19, s18  }
0x9c: {  	s6 =	simm.s32 $0x0;
	s20 =	sshll.u32 s4, $0x1;
	s4 =	sadd.s32 s21, s2  }
0x9d: {  	[timem:s6], [sflag:s22] =	dma.local [hbm:s4], s20  }
0x9e: {  	_ =	swait.ge [sflag:s22], s20  }
0x9f: {  	s3 =	ssub.s32 $0x0, s20;
	[sflag:s22] =	ssyncset.done $0x0  }
0xa0: {  	[sflag:s22] =	ssyncadd.s32 s3;
	_ =	sdelay $0x1  }
0xa1: {  	s23 =	simm.s32 $0x1B8B  }
0xa2: {  	_ =	swait.ge [sflag:s23], $0x1  }
0xa3: {  	[sflag:s23] =	ssyncset.done $0x0  }
0xa4: {  	s25 =	simm.s32 $0x1B8E;
	s24 =	sld [smem:$0x3FFE];
	[sflag:s23] =	ssyncadd.s32 $0xFFFFFFFF  }
0xa5: {  	s26 =	simm.s32 $execute0_lowered;
	[smem:$0x3FD2] =	sst s25  }
0xa6: {  	s4 =	sshll.u32 s26, $0x1;
	_ =	strace $0x80000055;
	[dreg:$0x1] =	wrdreg $0xFFFFFFFF  }
0xa7: {  	s28 =	simm.s32 $_size_execute0_lowered;
	s2 =	sadd.s32 s2, s4;
	[dreg:$0x0] =	wrdreg $0x0  }
0xa8: {  	s4 =	sshll.u32 s28, $0x1;
	[dreg:$0x2] =	wrdreg s2  }
0xa9: {  	[dreg:$0x3] =	wrdreg s4  }
0xaa: {  	[dreg:$0x4] =	wrdreg $0xC0  }
0xab: {  	_ =	task [dreg:s6], $0x5FFFF  }
0xac: {  	[dreg:$0x1] =	wrdreg $0xFFFFFFFF  }
0xad: {  	[dreg:$0x0] =	wrdreg $0x60  }
0xae: {  	[dreg:$0x2] =	wrdreg s24  }
0xaf: {  	[dreg:$0x3] =	wrdreg $0x120800  }
0xb0: {  	[dreg:$0x4] =	wrdreg $0x9  }
0xb1: {  	_ =	task.clear_ibuf [dreg:s6], $0x5FFFF;
	_ =	strace $0x90000055  }
0xb2: {  	s29 =	simm.s32 $0x9;
	_ =	strace $0x80000057  }
0xb3: {  	_ =	swait.ge [sflag:s29], $0x1  }
0xb4: {  	[sflag:s29] =	ssyncadd.s32 $0xFFFFFFFF  }
0xb5: {  	_ =	strace $0x90000057  }
0xb6: {  	_ =	sfence  }
0xb7: {  	s30 =	sld [smem:$0x0];
	_ =	sdelay $0x2  }
0xb8: {  	s31 =	sshll.u32 s1, $0xD;
	s1 =	sshrl.u32 s1, $0x2  }
0xb9: {  	s3 =	sand.u32 $0x4000, s31;
	s1 =	sadd.s32 s1, s30  }
0xba: {  	s0 =	sor.u32 s3, s0;
	s1 =	sshll.u32 s1, $0x11  }
0xbb: {  	s0 =	sor.u32 s1, s0  }
0xbc: {  	s0 =	sadd.s32 $0x8F2B, s0  }
0xbd: {  	[sflag:s0] =	ssyncadd.remote.s32 $0x1  }
0xbe: {  	_ =	sfence.sel $0xFFFF  }
0xbf: {  	[dreg:$0x0] =	wrdreg $0xFFFFFFFF;
	(pc) =	sbr.abs _section_cstart, $3  }
0xc0: {  	[dreg:$0x1] =	wrdreg $0xFFFFFFFF  }
0xc1: {  	_ =	task.clear_ibuf [dreg:s6], $0x2FFFF;
	_ =	strace $0x9FFFFFFF  }
0xc2: {  	(tm) =	ssettm $0x7FFFFFFF  }
0xc3: {  	_ =	shalt  }
tec
execute0_lowered:
.L_overlay_start_1:
0x0: {  	(tag) =	ssettag $0x1  }
0x1: {  	s7 =	rddreg [dreg:$0x0]  }
0x2: {  	s2 =	rddreg [dreg:$0x1]  }
0x3: {  	s0 =	rddreg [dreg:$0x2]  }
0x4: {  	s1 =	stileid.u32;
	s4 =	srdreg.scid  }
0x5: {  	s3 =	simm.s32 $0x0;
	s16 =	simm.s32 $0x80;
	s17 =	simm.s32 $0xA080  }
0x6: {  	s18 =	simm.s32 $0xE080;
	s21 =	simm.s32 $0x0;
	s6 =	smul.u32 $0xA00, s1  }
0x7: {  	s10 =	sand.u32 $0x1, s4;
	[smem:$0x7FF] =	sst s3;
	s9 =	smul.u32 $0xA000, s1  }
0x8: {  	s4 =	sadd.s32 $0xF200, s7;
	s5 =	sadd.s32 $0x61FE00, s7;
	s28 =	smul.u32 $0x28000, s1  }
0x9: {  	s31 =	sshll.u32 s1, $0x6;
	s15 =	sshll.u32 s1, $0x3;
	s8 =	smul.u32 $0xA0000, s10  }
0xa: {  	_ =	strace $0x80000056;
	s12 =	ssub.s32 $0x2, s10;
	s19 =	smul.u32 $0x1400, s10  }
0xb: {  	s20 =	sor.u32 $0x1400, s15;
	s10 =	smul.u32 $0x9E, s1;
	s15 =	simm.s32 $0x5000  }
0xc: {  	s11 =	sadd.s32 s6, s7;
	s6 =	sadd.s32 $0xDE00, s7;
	s29 =	sshrl.u32 s12, $0x1  }
0xd: {  	s30 =	sshrl.u32 s28, $0x2;
	v1 =	vmov s20;
	s20 =	simm.s32 $0xA000;
	s8 =	sadd.s32 s9, s8  }
0xe: {  	s12 =	ssub.s32 s12, s29;
	s14 =	sadd.s32 s30, s2;
	s9 =	sadd.s32 $0xCEA00, s11  }
0xf: {  	v0 =	vmov s19;
	s19 =	simm.s32 $0x1;
	s8 =	sshrl.u32 s8, $0x3;
	s12 =	smax.u32 s12, $0x1  }
0x10: {  	s13 =	sadd.s32 s8, s7;
	s7 =	sor.u32 $0x1C02, s31;
	s8 =	sadd.s32 $0xC4A00, s11  }
0x11: {  	s11 =	sadd.s32 $0x103A00, s13;
	s13 =	sshrl.u32 s14, $0x3;
	s14 =	simm.s32 $0x2  }
.LBB2_1:
0x12: {  	[spmem:s13], [sflag:s7] =	dma.local [hbm:s6], $0x1400  }
0x13: {  	_ =	swait.ge [sflag:s14], $0x1400  }
0x14: {  	[sflag:s14] =	ssyncset.done $0x0  }
0x15: {  	[sflag:s14] =	ssyncadd.s32 $0xFFFFEC00  }
0x16: {  	[bflag:$0x0] =	sbarrier.arrive $0xFFFF  }
0x17: {  	[tilespmem:s3], [sflag:$0x2] =	stream.linear.gather [hbm4b:s8+s3], $0x4F00, $0x38;
	[tilespmem:$0x1C480] =	vst v63  }
0x18: {  	_ =	swait.ge [sflag:s14], $0x4F00  }
0x19: {  	[sflag:s14] =	ssyncset.done $0x0  }
0x1a: {  	[sflag:s14] =	ssyncadd.s32 $0xFFFFB100  }
0x1b: {  	[tilespmem:s15], [sflag:$0x2] =	stream.linear.gather [hbm4b:s9+s3], $0x4F00, $0x38;
	[tilespmem:$0x1C480] =	vst v63  }
0x1c: {  	_ =	swait.ge [sflag:s14], $0x4F00  }
0x1d: {  	[sflag:s14] =	ssyncset.done $0x0  }
0x1e: {  	s22 =	simm.s32 $0x0;
	[sflag:s14] =	ssyncadd.s32 $0xFFFFB100  }
.LBB2_2:
0x1f: {  	s23 =	sshll.u32 s22, $0x7;
	s24 =	sadd.s32 s10, s22  }
0x20: {  	[tilespmem:s17], [sflag:$0x1] =	stream.indirect.gather [hbm4b:s4+s16], $0x80, s23, s16, $0xb8;
	[tilespmem:$0x1C480] =	vst v63  }
0x21: {  	s24 =	sshll.u32 s24, $0xB  }
0x22: {  	s25 =	simm.s32 $0x0;
	s24 =	sadd.s32 s5, s24  }
0x23: {  	[tilespmem:s18], [sflag:$0x2] =	stream.linear.gather [hbm4b:s24+s25], $0x4000, $0x38;
	[tilespmem:$0x1C480] =	vst v63  }
0x24: {  	_ =	swait.ge [sflag:s14], $0x4000  }
0x25: {  	[sflag:s14] =	ssyncset.done $0x0  }
0x26: {  	[sflag:s14] =	ssyncadd.s32 $0xFFFFC000  }
0x27: {  	v2 =	vld [tilespmem:s23+$0x5000];
	_ =	sdelay $0x4  }
0x28: {  	v2 =	vsub.s32 v2, v0  }
0x29: {  	vm0 =	vlt.u32 v2, $0x1400  }
0x2a: {  	v2 =	vsel vm0, v2, v1  }
0x2b: {  	[tilespmem:$0xA000] =	vst v2  }
0x2c: {  	v2 =	vld [tilespmem:s23+$0x5010];
	_ =	sdelay $0x4  }
0x2d: {  	v2 =	vsub.s32 v2, v0  }
0x2e: {  	vm9 =	vlt.u32 v2, $0x1400  }
0x2f: {  	v2 =	vsel vm9, v2, v1  }
0x30: {  	[tilespmem:$0xA010] =	vst v2  }
0x31: {  	v2 =	vld [tilespmem:s23+$0x5020];
	_ =	sdelay $0x4  }
0x32: {  	v2 =	vsub.s32 v2, v0  }
0x33: {  	vm10 =	vlt.u32 v2, $0x1400  }
0x34: {  	v2 =	vsel vm10, v2, v1  }
0x35: {  	[tilespmem:$0xA020] =	vst v2  }
0x36: {  	v2 =	vld [tilespmem:s23+$0x5030];
	_ =	sdelay $0x4  }
0x37: {  	v2 =	vsub.s32 v2, v0  }
0x38: {  	vm11 =	vlt.u32 v2, $0x1400  }
0x39: {  	v2 =	vsel vm11, v2, v1  }
0x3a: {  	[tilespmem:$0xA030] =	vst v2  }
0x3b: {  	v2 =	vld [tilespmem:s23+$0x5040];
	_ =	sdelay $0x4  }
0x3c: {  	v2 =	vsub.s32 v2, v0  }
0x3d: {  	vm12 =	vlt.u32 v2, $0x1400  }
0x3e: {  	v2 =	vsel vm12, v2, v1  }
0x3f: {  	[tilespmem:$0xA040] =	vst v2  }
0x40: {  	v2 =	vld [tilespmem:s23+$0x5050];
	_ =	sdelay $0x4  }
0x41: {  	v2 =	vsub.s32 v2, v0  }
0x42: {  	vm13 =	vlt.u32 v2, $0x1400  }
0x43: {  	v2 =	vsel vm13, v2, v1  }
0x44: {  	[tilespmem:$0xA050] =	vst v2  }
0x45: {  	v2 =	vld [tilespmem:s23+$0x5060];
	_ =	sdelay $0x4  }
0x46: {  	v2 =	vsub.s32 v2, v0  }
0x47: {  	vm14 =	vlt.u32 v2, $0x1400  }
0x48: {  	v2 =	vsel vm14, v2, v1  }
0x49: {  	[tilespmem:$0xA060] =	vst v2  }
0x4a: {  	v2 =	vld [tilespmem:s23+$0x5070];
	_ =	sdelay $0x4  }
0x4b: {  	v2 =	vsub.s32 v2, v0  }
0x4c: {  	vm15 =	vlt.u32 v2, $0x1400  }
0x4d: {  	v2 =	vsel vm15, v2, v1  }
0x4e: {  	[tilespmem:$0xA070] =	vst v2  }
0x4f: {  	_ =	swait.ge [sflag:s19], $0x4000  }
0x50: {  	[sflag:s19] =	ssyncset.done $0x0  }
0x51: {  	s23 =	simm.s32 $0x0;
	[sflag:s19] =	ssyncadd.s32 $0xFFFFC000  }
0x52: {  	v9 =	vld [tilespmem:s23+$0xE080]  }
0x53: {  	v13 =	vld [tilespmem:s23+$0xE090]  }
0x54: {  	v7 =	vld [tilespmem:s23+$0xE0A0]  }
0x55: {  	v6 =	vld [tilespmem:s23+$0xE0B0]  }
0x56: {  	v5 =	vld [tilespmem:s23+$0xE0C0]  }
0x57: {  	v4 =	vld [tilespmem:s23+$0xE0D0]  }
0x58: {  	v3 =	vld [tilespmem:s23+$0xE0E0]  }
0x59: {  	v2 =	vld [tilespmem:s23+$0xE0F0]  }
0x5a: {  	v14 =	vld [tilespmem:s23+$0xA080]  }
0x5b: {  	v15 =	vld [tilespmem:s23+$0xA090]  }
0x5c: {  	v12 =	vld [tilespmem:s23+$0xA0A0]  }
0x5d: {  	v11 =	vld [tilespmem:s23+$0xA0B0]  }
0x5e: {  	v10 =	vld [tilespmem:s23+$0xA0C0]  }
0x5f: {  	v8 =	vld [tilespmem:s23+$0xA0D0];
	v14 =	vmul.f32 v9, v14  }
0x60: {  	s24 =	simm.s32 $0x200;
	v13 =	vmul.f32 v13, v15;
	v9 =	vld [tilespmem:s23+$0xA0E0]  }
.LBB2_3:
0x61: {  	s25 =	sshra.s32 s24, $0x2;
	p0 =	sne.s32 s24, $0xFE00;
	[tilespmem:s23+$0xA080] =	vst v14;
	v7 =	vmul.f32 v7, v12;
	v12 =	vld [tilespmem:s23+$0xA0F0]  }
0x62: {  	v14 =	vld [tilespmem:s25+$0xE080];
	[tilespmem:s23+$0xA090] =	vst v13;
	v6 =	vmul.f32 v6, v11  }
0x63: {  	v13 =	vld [tilespmem:s25+$0xE090];
	[tilespmem:s23+$0xA0A0] =	vst v7;
	v5 =	vmul.f32 v5, v10  }
0x64: {  	v7 =	vld [tilespmem:s25+$0xE0A0];
	[tilespmem:s23+$0xA0B0] =	vst v6;
	v4 =	vmul.f32 v4, v8  }
0x65: {  	v6 =	vld [tilespmem:s25+$0xE0B0];
	[tilespmem:s23+$0xA0C0] =	vst v5;
	v3 =	vmul.f32 v3, v9  }
0x66: {  	v5 =	vld [tilespmem:s25+$0xE0C0];
	[tilespmem:s23+$0xA0D0] =	vst v4;
	v2 =	vmul.f32 v2, v12  }
0x67: {  	v4 =	vld [tilespmem:s25+$0xE0D0];
	[tilespmem:s23+$0xA0E0] =	vst v3  }
0x68: {  	v3 =	vld [tilespmem:s25+$0xE0E0];
	[tilespmem:s23+$0xA0F0] =	vst v2;
	s23 =	smov.u32 s25  }
0x69: {  	v2 =	vld [tilespmem:s23+$0xE0F0]  }
0x6a: {  	v8 =	vld [tilespmem:s23+$0xA080]  }
0x6b: {  	v9 =	vld [tilespmem:s23+$0xA090]  }
.Ltmp0:
0x6c: {  	v12 =	vld [tilespmem:s23+$0xA0A0];
	(pc) =	sbr.rel @p0 .LBB2_3-.Ltmp0, $4  }
0x6d: {  	v11 =	vld [tilespmem:s23+$0xA0B0]  }
0x6e: {  	v10 =	vld [tilespmem:s23+$0xA0C0]  }
0x6f: {  	v14 =	vmul.f32 v14, v8;
	v8 =	vld [tilespmem:s23+$0xA0D0]  }
0x70: {  	s24 =	sadd.s32 $0x200, s24;
	v13 =	vmul.f32 v13, v9;
	v9 =	vld [tilespmem:s23+$0xA0E0]  }
0x71: {  	[tilespmem:s23+$0xA080] =	vst v14;
	v7 =	vmul.f32 v7, v12;
	v63 =	vld [tilespmem:s23+$0xA0F0]  }
0x72: {  	[tilespmem:s23+$0xA090] =	vst v13;
	v6 =	vmul.f32 v6, v11  }
0x73: {  	[tilespmem:s23+$0xA0A0] =	vst v7;
	v5 =	vmul.f32 v5, v10  }
0x74: {  	[tilespmem:s23+$0xA0B0] =	vst v6;
	v4 =	vmul.f32 v4, v8  }
0x75: {  	[tilespmem:s23+$0xA0C0] =	vst v5;
	v3 =	vmul.f32 v3, v9  }
0x76: {  	s22 =	sadd.s32 $0x1, s22;
	[tilespmem:s23+$0xA0D0] =	vst v4;
	v2 =	vmul.f32 v2, v63  }
0x77: {  	p0 =	sne.s32 s22, $0x9E;
	[tilespmem:s23+$0xA0E0] =	vst v3  }
.Ltmp1:
0x78: {  	[tilespmem:s23+$0xA0F0] =	vst v2;
	(pc) =	sbr.rel @p0 .LBB2_2-.Ltmp1, $4  }
0x79: {  	[spmem:s2] =	stream.indirect.scatter.add.f32 [tilespmem:s17], [sflag:$0x2], $0x80, s20, s16, $0xb8;
	[tilespmem:$0x1C480] =	vst v63  }
0x7a: {  	_ =	swait.ge [sflag:s14], $0x4000  }
0x7b: {  	[sflag:s14] =	ssyncset.done $0x0  }
0x7c: {  	[sflag:s14] =	ssyncadd.s32 $0xFFFFC000  }
0x7d: {  	s21 =	sadd.s32 $0x1, s21  }
0x7e: {  	p0 =	sne.s32 s21, s12  }
.Ltmp2:
0x7f: {  	[bflag:$0x0] =	sbarrier.arrive $0xFFFF;
	(pc) =	sbr.rel @p0 .LBB2_1-.Ltmp2, $4  }
0x80: {  	[hbm:s11], [sflag:s7] =	dma.local [spmem:s13], $0x1400  }
0x81: {  	_ =	swait.ge [sflag:s14], $0x1400  }
0x82: {  	[sflag:s14] =	ssyncset.done $0x0  }
0x83: {  	[sflag:s14] =	ssyncadd.s32 $0xFFFFEC00  }
0x84: {  	_ =	sfence.sel $0x180000  }
0x85: {  	[bflag:$0x0] =	sbarrier.arrive $0xFFFF  }
0x86: {  	p0 =	sne.s32 s1, $0x0;
	_ =	strace $0x90000056  }
0x87: {  	s0 =	sadd.s32 @!p0 $0x100000, s0;
	[bflag:$0x2] =	sbarrier.arrive $0xFFFF  }
0x88: {  	[sflag:s0] =	ssyncadd.tile.s32 @!p0 $0x1;
	_ =	shalt  }
.Lfunc_end2:
_tile_overlayer_lowered:
.L_overlay_start_2:
0x89: {  	(tag) =	ssettag $0x2  }
0x8a: {  	s0 =	rddreg [dreg:$0x0];
	s2 =	stileid.u32  }
0x8b: {  	s1 =	rddreg [dreg:$0x1];
	p0 =	sne.s32 s2, $0x0  }
0x8c: {  	s3 =	rddreg [dreg:$0x2];
	[bflag:$0x3] =	sbarrier.arrive $0xFFFF;
	s2 =	simm.s32 @!p0 $0x1C02  }
0x8d: {  	[timem:s3], [sflag:s2] =	dma.local @!p0 [hbm:s0], s1  }
0x8e: {  	s0 =	simm.s32 @!p0 $0x2  }
0x8f: {  	_ =	swait.ge @!p0 [sflag:s0], s1  }
0x90: {  	s1 =	ssub.s32 @!p0 $0x0, s1;
	[sflag:s0] =	ssyncset.done @!p0 $0x0  }
0x91: {  	[sflag:s0] =	ssyncadd.s32 @!p0 s1  }
0x92: {  	[bflag:$0x3] =	sbarrier.arrive $0xFFFF  }
0x93: {  	_ =	shalt  }

// kernel: kernel.41.cloned.1.call-start
scs
__scs_entry_jumppad:
0x0: {  	(pc) =	sbr.rel $0x88, $3  }
0x1: {  	(tag) =	ssettag $0x0;
	lr =	simm.s32 $0x1  }
0x2: {  	[smem:$0x3F8D] =	sst lr;
	_ =	strace $0xD0000000  }
0x3: {  	_ = 	snop  }
0x4: {  	_ = 	snop  }
0x5: {  	_ = 	snop  }
0x6: {  	_ = 	snop  }
0x7: {  	_ = 	snop  }
__scs_overlays_trampoline_lowered:
0x8: {  	[smem:$0x3F9C] =	sst s0  }
0x9: {  	[smem:$0x3F9D] =	sst s1  }
0xa: {  	[smem:$0x3F9E] =	sst s2  }
0xb: {  	[smem:$0x3F9F] =	sst s3  }
0xc: {  	[smem:$0x3FA0] =	sst s4  }
0xd: {  	[smem:$0x3FA1] =	sst s5  }
0xe: {  	[smem:$0x3FA2] =	sst s6  }
0xf: {  	[smem:$0x3FA3] =	sst s7  }
0x10: {  	[smem:$0x3FA4] =	sst s8  }
0x11: {  	[smem:$0x3FA5] =	sst s9;
	s0 =	simm.s32 @!p0 $0x0  }
0x12: {  	s1 =	sld [smem:$0x3F8B];
	s0 =	simm.s32 @p0 $0x1  }
0x13: {  	[smem:$0x3FA6] =	sst s0;
	s0 =	simm.s32 @!p1 $0x0  }
0x14: {  	s2 =	sld [smem:$0x3F8A];
	s0 =	simm.s32 @p1 $0x1  }
0x15: {  	[smem:$0x3FA7] =	sst s0;
	s0 =	simm.s32 @!p2 $0x0  }
0x16: {  	s3 =	sld [smem:$0x3FDB];
	s0 =	simm.s32 @p2 $0x1  }
0x17: {  	s4 =	simm.s32 $0x1BF5;
	[smem:$0x3FA9] =	sst s0  }
0x18: {  	s0 =	sld [smem:$0x3F8C];
	_ =	swait.ge [sflag:s4], $0x0  }
0x19: {  	s7 =	sld [smem:$0x3F8D]  }
0x1a: {  	s8 =	sadd.s32 $0xFFFFE003, lr  }
0x1b: {  	s9 =	sadd.s32 $0xFFFFFEF7, lr;
	s5 =	simm.s32 $0xFFFFFFFF;
	p2 =	slt.u32 s8, $0xFFFFF086  }
0x1c: {  	p1 =	slt.u32 s9, $0xF7A;
	s5 =	simm.s32 @!p2 $0x0  }
0x1d: {  	s5 =	simm.s32 @p1 $0x1;
	p0 =	seq.s32 s7, s2  }
0x1e: {  	s7 =	smul.u32 @!p0 $0xF7A, s2;
	p2 =	seq.s32 @!p0 s5, $0x0  }
0x1f: {  	s9 =	smul.u32 $0xF7A, s1;
	s8 =	simm.s32 @!p0 $0x1BF5;
	p2 =	por !p2, p0  }
0x20: {  	[sflag:s8] =	ssyncset.s32 @!p0 $0xFFFFF086;
	s6 =	sadd.s32 @!p0 s3, s7;
	s7 =	simm.s32 @!p0 $0x108  }
0x21: {  	s3 =	sadd.s32 s3, s9;
	s6 =	sadd.s32 @!p0 $0x88, s6;
	s7 =	simm.s32 @p2 $0x1082  }
0x22: {  	[simem:s7], [sflag:s8] =	dma.local @!p0 [hbm:s6], $0xF7A  }
0x23: {  	s9 =	sor.u32 $0xD0000000, s2;
	s6 =	simm.s32 $0x108;
	_ =	swait.ge @!p0 [sflag:s8], $0x0  }
0x24: {  	s3 =	sadd.s32 $0x88, s3;
	s6 =	simm.s32 @!p1 $0x1082;
	[sflag:s4] =	ssyncset.s32 $0xFFFFF086  }
0x25: {  	[simem:s6], [sflag:s4] =	dma.local [hbm:s3], $0xF7A  }
0x26: {  	[smem:$0x3F8D] =	sst s1;
	(tag) =	ssettag s2;
	_ =	strace s9  }
0x27: {  	s1 =	sld [smem:$0x3F9D]  }
0x28: {  	s2 =	sld [smem:$0x3F9E]  }
0x29: {  	s4 =	sld [smem:$0x3FA0]  }
0x2a: {  	p0 =	seq.s32 s5, $0x0;
	s5 =	sld [smem:$0x3FA1]  }
0x2b: {  	s6 =	sld [smem:$0x3FA2]  }
0x2c: {  	s7 =	sld [smem:$0x3FA3]  }
0x2d: {  	s3 =	simm.s32 $0x108;
	s8 =	sld [smem:$0x3FA4]  }
0x2e: {  	s3 =	simm.s32 @!p0 $0x1082;
	s9 =	sld [smem:$0x3FA5]  }
0x2f: {  	lr =	sadd.s32 s0, s3;
	s0 =	sld [smem:$0x3F9C]  }
0x30: {  	s3 =	sld [smem:$0x3F9F]  }
0x31: {  	[smem:$0x3FA8] =	sst s10  }
0x32: {  	s10 =	sld [smem:$0x3FA6];
	_ =	sdelay $0x3  }
0x33: {  	p0 =	seq.s32 s10, $0x1;
	s10 =	sld [smem:$0x3FA8];
	_ =	sdelay $0x3  }
0x34: {  	[smem:$0x3FA8] =	sst s10  }
0x35: {  	s10 =	sld [smem:$0x3FA7];
	_ =	sdelay $0x3  }
0x36: {  	p1 =	seq.s32 s10, $0x1;
	s10 =	sld [smem:$0x3FA8];
	_ =	sdelay $0x3  }
0x37: {  	[smem:$0x3FA8] =	sst s10  }
0x38: {  	s10 =	sld [smem:$0x3FA9]  }
0x39: {  	_ = 	snop;
	(pc) =	sbr.ind lr, $3  }
0x3a: {  	_ = 	snop  }
0x3b: {  	_ = 	snop  }
0x3c: {  	p2 =	seq.s32 s10, $0x1;
	s10 =	sld [smem:$0x3FA8]  }
0x3d: {  	_ =	shalt  }
0x3e: {  	_ =	shalt  }
0x3f: {  	_ =	shalt  }
0x40: {  	_ =	shalt  }
0x41: {  	_ =	shalt  }
0x42: {  	_ =	shalt  }
0x43: {  	_ =	shalt  }
0x44: {  	_ =	shalt  }
0x45: {  	_ =	shalt  }
0x46: {  	_ =	shalt  }
0x47: {  	_ =	shalt  }
0x48: {  	_ =	shalt  }
0x49: {  	_ =	shalt  }
0x4a: {  	_ =	shalt  }
0x4b: {  	_ =	shalt  }
0x4c: {  	_ =	shalt  }
0x4d: {  	_ =	shalt  }
0x4e: {  	_ =	shalt  }
0x4f: {  	_ =	shalt  }
0x50: {  	_ =	shalt  }
0x51: {  	_ =	shalt  }
0x52: {  	_ =	shalt  }
0x53: {  	_ =	shalt  }
0x54: {  	_ =	shalt  }
0x55: {  	_ =	shalt  }
0x56: {  	_ =	shalt  }
0x57: {  	_ =	shalt  }
0x58: {  	_ =	shalt  }
0x59: {  	_ =	shalt  }
0x5a: {  	_ =	shalt  }
0x5b: {  	_ =	shalt  }
0x5c: {  	_ =	shalt  }
0x5d: {  	_ =	shalt  }
0x5e: {  	_ =	shalt  }
0x5f: {  	_ =	shalt  }
0x60: {  	_ =	shalt  }
0x61: {  	_ =	shalt  }
0x62: {  	_ =	shalt  }
0x63: {  	_ =	shalt  }
0x64: {  	_ =	shalt  }
0x65: {  	_ =	shalt  }
0x66: {  	_ =	shalt  }
0x67: {  	_ =	shalt  }
0x68: {  	_ =	shalt  }
0x69: {  	_ =	shalt  }
0x6a: {  	_ =	shalt  }
0x6b: {  	_ =	shalt  }
0x6c: {  	_ =	shalt  }
0x6d: {  	_ =	shalt  }
0x6e: {  	_ =	shalt  }
0x6f: {  	_ =	shalt  }
0x70: {  	_ =	shalt  }
0x71: {  	_ =	shalt  }
0x72: {  	_ =	shalt  }
0x73: {  	_ =	shalt  }
0x74: {  	_ =	shalt  }
0x75: {  	_ =	shalt  }
0x76: {  	_ =	shalt  }
0x77: {  	_ =	shalt  }
0x78: {  	_ =	shalt  }
0x79: {  	_ =	shalt  }
0x7a: {  	_ =	shalt  }
0x7b: {  	_ =	shalt  }
0x7c: {  	_ =	shalt  }
0x7d: {  	_ =	shalt  }
0x7e: {  	_ =	shalt  }
0x7f: {  	_ =	shalt  }
0x80: {  	_ =	shalt  }
0x81: {  	_ =	shalt  }
0x82: {  	_ =	shalt  }
0x83: {  	_ =	shalt  }
0x84: {  	_ =	shalt  }
0x85: {  	_ =	shalt  }
0x86: {  	_ =	shalt  }
0x87: {  	_ =	shalt  }
.Lfunc_end0:
.L_simem_size_0:
called_computation.6_lowered:
.L_overlay_start_0:
0x88: {  	s2 =	sld [smem:$0x3FD9]  }
0x89: {  	s3 =	sld [smem:$0x3FFE];
	_ =	sdelay $0x1  }
0x8a: {  	s1 =	srdreg.scid  }
0x8b: {  	s0 =	sand.u32 $0x1, s1  }
0x8c: {  	s16 =	sshll.u32 s0, $0xA;
	s2 =	sadd.s32 s3, s2  }
0x8d: {  	s2 =	sadd.s32 s2, s16  }
0x8e: {  	[smem:$0x3FB4] =	sst s2  }
0x8f: {  	_ = 	snop  }
0x90: {  	(tm) =	ssettm $0x1  }
0x91: {  	s17 =	sld [smem:$0x3FFB];
	_ =	sdelay $0x3  }
0x92: {  	_ =	strace s17  }
0x93: {  	s2 =	sld [smem:$0x3FFC];
	_ =	sdelay $0x3  }
0x94: {  	_ =	strace s2  }
0x95: {  	s2 =	sld [smem:$0x3FFD];
	_ =	sdelay $0x3  }
0x96: {  	_ =	strace s2  }
0x97: {  	_ =	strace $0x8FFFFFFF  }
0x98: {  	s18 =	sld [smem:$0x3FDB];
	_ =	sdelay $0x1  }
0x99: {  	s19 =	simm.s32 $_scs_section_size  }
0x9a: {  	s4 =	simm.s32 $_size__tile_overlayer_lowered;
	s5 =	simm.s32 $_tile_overlayer_lowered  }
0x9b: {  	s22 =	simm.s32 $0x1BFF;
	s21 =	sshll.u32 s5, $0x1;
	s2 =	sadd.s32 s19, s18  }
0x9c: {  	s6 =	simm.s32 $0x0;
	s20 =	sshll.u32 s4, $0x1;
	s4 =	sadd.s32 s21, s2  }
0x9d: {  	[timem:s6], [sflag:s22] =	dma.local [hbm:s4], s20  }
0x9e: {  	_ =	swait.ge [sflag:s22], s20  }
0x9f: {  	s3 =	ssub.s32 $0x0, s20;
	[sflag:s22] =	ssyncset.done $0x0  }
0xa0: {  	[sflag:s22] =	ssyncadd.s32 s3;
	_ =	sdelay $0x1  }
0xa1: {  	s23 =	simm.s32 $0x1B8B  }
0xa2: {  	_ =	swait.ge [sflag:s23], $0x1  }
0xa3: {  	[sflag:s23] =	ssyncset.done $0x0  }
0xa4: {  	s25 =	simm.s32 $0x1B8E;
	s24 =	sld [smem:$0x3FFE];
	[sflag:s23] =	ssyncadd.s32 $0xFFFFFFFF  }
0xa5: {  	s26 =	simm.s32 $execute0_lowered;
	[smem:$0x3FD2] =	sst s25  }
0xa6: {  	s4 =	sshll.u32 s26, $0x1;
	_ =	strace $0x80000058;
	[dreg:$0x1] =	wrdreg $0xFFFFFFFF  }
0xa7: {  	s28 =	simm.s32 $_size_execute0_lowered;
	s2 =	sadd.s32 s2, s4;
	[dreg:$0x0] =	wrdreg $0x0  }
0xa8: {  	s4 =	sshll.u32 s28, $0x1;
	[dreg:$0x2] =	wrdreg s2  }
0xa9: {  	[dreg:$0x3] =	wrdreg s4  }
0xaa: {  	[dreg:$0x4] =	wrdreg $0xC0  }
0xab: {  	_ =	task [dreg:s6], $0x5FFFF  }
0xac: {  	[dreg:$0x1] =	wrdreg $0xFFFFFFFF  }
0xad: {  	[dreg:$0x0] =	wrdreg $0x60  }
0xae: {  	[dreg:$0x2] =	wrdreg s24  }
0xaf: {  	[dreg:$0x3] =	wrdreg $0x120800  }
0xb0: {  	[dreg:$0x4] =	wrdreg $0x9  }
0xb1: {  	_ =	task.clear_ibuf [dreg:s6], $0x5FFFF;
	_ =	strace $0x90000058  }
0xb2: {  	s29 =	simm.s32 $0x9;
	_ =	strace $0x8000005A  }
0xb3: {  	_ =	swait.ge [sflag:s29], $0x1  }
0xb4: {  	[sflag:s29] =	ssyncadd.s32 $0xFFFFFFFF  }
0xb5: {  	_ =	strace $0x9000005A  }
0xb6: {  	_ =	sfence  }
0xb7: {  	s30 =	sld [smem:$0x0];
	_ =	sdelay $0x2  }
0xb8: {  	s31 =	sshll.u32 s1, $0xD;
	s1 =	sshrl.u32 s1, $0x2  }
0xb9: {  	s3 =	sand.u32 $0x4000, s31;
	s1 =	sadd.s32 s1, s30  }
0xba: {  	s0 =	sor.u32 s3, s0;
	s1 =	sshll.u32 s1, $0x11  }
0xbb: {  	s0 =	sor.u32 s1, s0  }
0xbc: {  	s0 =	sadd.s32 $0x8F2B, s0  }
0xbd: {  	[sflag:s0] =	ssyncadd.remote.s32 $0x1  }
0xbe: {  	_ =	sfence.sel $0xFFFF  }
0xbf: {  	[dreg:$0x0] =	wrdreg $0xFFFFFFFF;
	(pc) =	sbr.abs _section_cstart, $3  }
0xc0: {  	[dreg:$0x1] =	wrdreg $0xFFFFFFFF  }
0xc1: {  	_ =	task.clear_ibuf [dreg:s6], $0x2FFFF;
	_ =	strace $0x9FFFFFFF  }
0xc2: {  	(tm) =	ssettm $0x7FFFFFFF  }
0xc3: {  	_ =	shalt  }
tec
execute0_lowered:
.L_overlay_start_1:
0x0: {  	(tag) =	ssettag $0x1  }
0x1: {  	s7 =	rddreg [dreg:$0x0]  }
0x2: {  	s2 =	rddreg [dreg:$0x1]  }
0x3: {  	s0 =	rddreg [dreg:$0x2]  }
0x4: {  	s1 =	stileid.u32;
	s4 =	srdreg.scid  }
0x5: {  	s3 =	simm.s32 $0x0;
	s16 =	simm.s32 $0x80;
	s17 =	simm.s32 $0xA080  }
0x6: {  	s18 =	simm.s32 $0xE080;
	s21 =	simm.s32 $0x0;
	s6 =	smul.u32 $0xA00, s1  }
0x7: {  	s10 =	sand.u32 $0x1, s4;
	[smem:$0x7FF] =	sst s3;
	s9 =	smul.u32 $0xA000, s1  }
0x8: {  	s4 =	sadd.s32 $0xF200, s7;
	s5 =	sadd.s32 $0xB0FE00, s7;
	s28 =	smul.u32 $0x28000, s1  }
0x9: {  	s31 =	sshll.u32 s1, $0x6;
	s15 =	sshll.u32 s1, $0x3;
	s8 =	smul.u32 $0xA0000, s10  }
0xa: {  	_ =	strace $0x80000059;
	s12 =	ssub.s32 $0x2, s10;
	s19 =	smul.u32 $0x1400, s10  }
0xb: {  	s20 =	sor.u32 $0x1400, s15;
	s10 =	smul.u32 $0x9E, s1;
	s15 =	simm.s32 $0x5000  }
0xc: {  	s11 =	sadd.s32 s6, s7;
	s6 =	sadd.s32 $0xDE00, s7;
	s29 =	sshrl.u32 s12, $0x1  }
0xd: {  	s30 =	sshrl.u32 s28, $0x2;
	v1 =	vmov s20;
	s20 =	simm.s32 $0xA000;
	s8 =	sadd.s32 s9, s8  }
0xe: {  	s12 =	ssub.s32 s12, s29;
	s14 =	sadd.s32 s30, s2;
	s9 =	sadd.s32 $0xCEA00, s11  }
0xf: {  	v0 =	vmov s19;
	s19 =	simm.s32 $0x1;
	s8 =	sshrl.u32 s8, $0x3;
	s12 =	smax.u32 s12, $0x1  }
0x10: {  	s13 =	sadd.s32 s8, s7;
	s7 =	sor.u32 $0x1C02, s31;
	s8 =	sadd.s32 $0xC4A00, s11  }
0x11: {  	s11 =	sadd.s32 $0x65600, s13;
	s13 =	sshrl.u32 s14, $0x3;
	s14 =	simm.s32 $0x2  }
.LBB2_1:
0x12: {  	[spmem:s13], [sflag:s7] =	dma.local [hbm:s6], $0x1400  }
0x13: {  	_ =	swait.ge [sflag:s14], $0x1400  }
0x14: {  	[sflag:s14] =	ssyncset.done $0x0  }
0x15: {  	[sflag:s14] =	ssyncadd.s32 $0xFFFFEC00  }
0x16: {  	[bflag:$0x0] =	sbarrier.arrive $0xFFFF  }
0x17: {  	[tilespmem:s3], [sflag:$0x2] =	stream.linear.gather [hbm4b:s8+s3], $0x4F00, $0x38;
	[tilespmem:$0x1C480] =	vst v63  }
0x18: {  	_ =	swait.ge [sflag:s14], $0x4F00  }
0x19: {  	[sflag:s14] =	ssyncset.done $0x0  }
0x1a: {  	[sflag:s14] =	ssyncadd.s32 $0xFFFFB100  }
0x1b: {  	[tilespmem:s15], [sflag:$0x2] =	stream.linear.gather [hbm4b:s9+s3], $0x4F00, $0x38;
	[tilespmem:$0x1C480] =	vst v63  }
0x1c: {  	_ =	swait.ge [sflag:s14], $0x4F00  }
0x1d: {  	[sflag:s14] =	ssyncset.done $0x0  }
0x1e: {  	s22 =	simm.s32 $0x0;
	[sflag:s14] =	ssyncadd.s32 $0xFFFFB100  }
.LBB2_2:
0x1f: {  	s23 =	sshll.u32 s22, $0x7;
	s24 =	sadd.s32 s10, s22  }
0x20: {  	[tilespmem:s17], [sflag:$0x1] =	stream.indirect.gather [hbm4b:s4+s16], $0x80, s23, s16, $0xb8;
	[tilespmem:$0x1C480] =	vst v63  }
0x21: {  	s24 =	sshll.u32 s24, $0xB  }
0x22: {  	s25 =	simm.s32 $0x0;
	s24 =	sadd.s32 s5, s24  }
0x23: {  	[tilespmem:s18], [sflag:$0x2] =	stream.linear.gather [hbm4b:s24+s25], $0x4000, $0x38;
	[tilespmem:$0x1C480] =	vst v63  }
0x24: {  	_ =	swait.ge [sflag:s14], $0x4000  }
0x25: {  	[sflag:s14] =	ssyncset.done $0x0  }
0x26: {  	[sflag:s14] =	ssyncadd.s32 $0xFFFFC000  }
0x27: {  	v2 =	vld [tilespmem:s23+$0x5000];
	_ =	sdelay $0x4  }
0x28: {  	v2 =	vsub.s32 v2, v0  }
0x29: {  	vm0 =	vlt.u32 v2, $0x1400  }
0x2a: {  	v2 =	vsel vm0, v2, v1  }
0x2b: {  	[tilespmem:$0xA000] =	vst v2  }
0x2c: {  	v2 =	vld [tilespmem:s23+$0x5010];
	_ =	sdelay $0x4  }
0x2d: {  	v2 =	vsub.s32 v2, v0  }
0x2e: {  	vm9 =	vlt.u32 v2, $0x1400  }
0x2f: {  	v2 =	vsel vm9, v2, v1  }
0x30: {  	[tilespmem:$0xA010] =	vst v2  }
0x31: {  	v2 =	vld [tilespmem:s23+$0x5020];
	_ =	sdelay $0x4  }
0x32: {  	v2 =	vsub.s32 v2, v0  }
0x33: {  	vm10 =	vlt.u32 v2, $0x1400  }
0x34: {  	v2 =	vsel vm10, v2, v1  }
0x35: {  	[tilespmem:$0xA020] =	vst v2  }
0x36: {  	v2 =	vld [tilespmem:s23+$0x5030];
	_ =	sdelay $0x4  }
0x37: {  	v2 =	vsub.s32 v2, v0  }
0x38: {  	vm11 =	vlt.u32 v2, $0x1400  }
0x39: {  	v2 =	vsel vm11, v2, v1  }
0x3a: {  	[tilespmem:$0xA030] =	vst v2  }
0x3b: {  	v2 =	vld [tilespmem:s23+$0x5040];
	_ =	sdelay $0x4  }
0x3c: {  	v2 =	vsub.s32 v2, v0  }
0x3d: {  	vm12 =	vlt.u32 v2, $0x1400  }
0x3e: {  	v2 =	vsel vm12, v2, v1  }
0x3f: {  	[tilespmem:$0xA040] =	vst v2  }
0x40: {  	v2 =	vld [tilespmem:s23+$0x5050];
	_ =	sdelay $0x4  }
0x41: {  	v2 =	vsub.s32 v2, v0  }
0x42: {  	vm13 =	vlt.u32 v2, $0x1400  }
0x43: {  	v2 =	vsel vm13, v2, v1  }
0x44: {  	[tilespmem:$0xA050] =	vst v2  }
0x45: {  	v2 =	vld [tilespmem:s23+$0x5060];
	_ =	sdelay $0x4  }
0x46: {  	v2 =	vsub.s32 v2, v0  }
0x47: {  	vm14 =	vlt.u32 v2, $0x1400  }
0x48: {  	v2 =	vsel vm14, v2, v1  }
0x49: {  	[tilespmem:$0xA060] =	vst v2  }
0x4a: {  	v2 =	vld [tilespmem:s23+$0x5070];
	_ =	sdelay $0x4  }
0x4b: {  	v2 =	vsub.s32 v2, v0  }
0x4c: {  	vm15 =	vlt.u32 v2, $0x1400  }
0x4d: {  	v2 =	vsel vm15, v2, v1  }
0x4e: {  	[tilespmem:$0xA070] =	vst v2  }
0x4f: {  	_ =	swait.ge [sflag:s19], $0x4000  }
0x50: {  	[sflag:s19] =	ssyncset.done $0x0  }
0x51: {  	s23 =	simm.s32 $0x0;
	[sflag:s19] =	ssyncadd.s32 $0xFFFFC000  }
0x52: {  	v9 =	vld [tilespmem:s23+$0xE080]  }
0x53: {  	v13 =	vld [tilespmem:s23+$0xE090]  }
0x54: {  	v7 =	vld [tilespmem:s23+$0xE0A0]  }
0x55: {  	v6 =	vld [tilespmem:s23+$0xE0B0]  }
0x56: {  	v5 =	vld [tilespmem:s23+$0xE0C0]  }
0x57: {  	v4 =	vld [tilespmem:s23+$0xE0D0]  }
0x58: {  	v3 =	vld [tilespmem:s23+$0xE0E0]  }
0x59: {  	v2 =	vld [tilespmem:s23+$0xE0F0]  }
0x5a: {  	v14 =	vld [tilespmem:s23+$0xA080]  }
0x5b: {  	v15 =	vld [tilespmem:s23+$0xA090]  }
0x5c: {  	v12 =	vld [tilespmem:s23+$0xA0A0]  }
0x5d: {  	v11 =	vld [tilespmem:s23+$0xA0B0]  }
0x5e: {  	v10 =	vld [tilespmem:s23+$0xA0C0]  }
0x5f: {  	v8 =	vld [tilespmem:s23+$0xA0D0];
	v14 =	vmul.f32 v9, v14  }
0x60: {  	s24 =	simm.s32 $0x200;
	v13 =	vmul.f32 v13, v15;
	v9 =	vld [tilespmem:s23+$0xA0E0]  }
.LBB2_3:
0x61: {  	s25 =	sshra.s32 s24, $0x2;
	p0 =	sne.s32 s24, $0xFE00;
	[tilespmem:s23+$0xA080] =	vst v14;
	v7 =	vmul.f32 v7, v12;
	v12 =	vld [tilespmem:s23+$0xA0F0]  }
0x62: {  	v14 =	vld [tilespmem:s25+$0xE080];
	[tilespmem:s23+$0xA090] =	vst v13;
	v6 =	vmul.f32 v6, v11  }
0x63: {  	v13 =	vld [tilespmem:s25+$0xE090];
	[tilespmem:s23+$0xA0A0] =	vst v7;
	v5 =	vmul.f32 v5, v10  }
0x64: {  	v7 =	vld [tilespmem:s25+$0xE0A0];
	[tilespmem:s23+$0xA0B0] =	vst v6;
	v4 =	vmul.f32 v4, v8  }
0x65: {  	v6 =	vld [tilespmem:s25+$0xE0B0];
	[tilespmem:s23+$0xA0C0] =	vst v5;
	v3 =	vmul.f32 v3, v9  }
0x66: {  	v5 =	vld [tilespmem:s25+$0xE0C0];
	[tilespmem:s23+$0xA0D0] =	vst v4;
	v2 =	vmul.f32 v2, v12  }
0x67: {  	v4 =	vld [tilespmem:s25+$0xE0D0];
	[tilespmem:s23+$0xA0E0] =	vst v3  }
0x68: {  	v3 =	vld [tilespmem:s25+$0xE0E0];
	[tilespmem:s23+$0xA0F0] =	vst v2;
	s23 =	smov.u32 s25  }
0x69: {  	v2 =	vld [tilespmem:s23+$0xE0F0]  }
0x6a: {  	v8 =	vld [tilespmem:s23+$0xA080]  }
0x6b: {  	v9 =	vld [tilespmem:s23+$0xA090]  }
.Ltmp0:
0x6c: {  	v12 =	vld [tilespmem:s23+$0xA0A0];
	(pc) =	sbr.rel @p0 .LBB2_3-.Ltmp0, $4  }
0x6d: {  	v11 =	vld [tilespmem:s23+$0xA0B0]  }
0x6e: {  	v10 =	vld [tilespmem:s23+$0xA0C0]  }
0x6f: {  	v14 =	vmul.f32 v14, v8;
	v8 =	vld [tilespmem:s23+$0xA0D0]  }
0x70: {  	s24 =	sadd.s32 $0x200, s24;
	v13 =	vmul.f32 v13, v9;
	v9 =	vld [tilespmem:s23+$0xA0E0]  }
0x71: {  	[tilespmem:s23+$0xA080] =	vst v14;
	v7 =	vmul.f32 v7, v12;
	v63 =	vld [tilespmem:s23+$0xA0F0]  }
0x72: {  	[tilespmem:s23+$0xA090] =	vst v13;
	v6 =	vmul.f32 v6, v11  }
0x73: {  	[tilespmem:s23+$0xA0A0] =	vst v7;
	v5 =	vmul.f32 v5, v10  }
0x74: {  	[tilespmem:s23+$0xA0B0] =	vst v6;
	v4 =	vmul.f32 v4, v8  }
0x75: {  	[tilespmem:s23+$0xA0C0] =	vst v5;
	v3 =	vmul.f32 v3, v9  }
0x76: {  	s22 =	sadd.s32 $0x1, s22;
	[tilespmem:s23+$0xA0D0] =	vst v4;
	v2 =	vmul.f32 v2, v63  }
0x77: {  	p0 =	sne.s32 s22, $0x9E;
	[tilespmem:s23+$0xA0E0] =	vst v3  }
.Ltmp1:
0x78: {  	[tilespmem:s23+$0xA0F0] =	vst v2;
	(pc) =	sbr.rel @p0 .LBB2_2-.Ltmp1, $4  }
0x79: {  	[spmem:s2] =	stream.indirect.scatter.add.f32 [tilespmem:s17], [sflag:$0x2], $0x80, s20, s16, $0xb8;
	[tilespmem:$0x1C480] =	vst v63  }
0x7a: {  	_ =	swait.ge [sflag:s14], $0x4000  }
0x7b: {  	[sflag:s14] =	ssyncset.done $0x0  }
0x7c: {  	[sflag:s14] =	ssyncadd.s32 $0xFFFFC000  }
0x7d: {  	s21 =	sadd.s32 $0x1, s21  }
0x7e: {  	p0 =	sne.s32 s21, s12  }
.Ltmp2:
0x7f: {  	[bflag:$0x0] =	sbarrier.arrive $0xFFFF;
	(pc) =	sbr.rel @p0 .LBB2_1-.Ltmp2, $4  }
0x80: {  	[hbm:s11], [sflag:s7] =	dma.local [spmem:s13], $0x1400  }
0x81: {  	_ =	swait.ge [sflag:s14], $0x1400  }
0x82: {  	[sflag:s14] =	ssyncset.done $0x0  }
0x83: {  	[sflag:s14] =	ssyncadd.s32 $0xFFFFEC00  }
0x84: {  	_ =	sfence.sel $0x180000  }
0x85: {  	[bflag:$0x0] =	sbarrier.arrive $0xFFFF  }
0x86: {  	p0 =	sne.s32 s1, $0x0;
	_ =	strace $0x90000059  }
0x87: {  	s0 =	sadd.s32 @!p0 $0x100000, s0;
	[bflag:$0x2] =	sbarrier.arrive $0xFFFF  }
0x88: {  	[sflag:s0] =	ssyncadd.tile.s32 @!p0 $0x1;
	_ =	shalt  }
.Lfunc_end2:
_tile_overlayer_lowered:
.L_overlay_start_2:
0x89: {  	(tag) =	ssettag $0x2  }
0x8a: {  	s0 =	rddreg [dreg:$0x0];
	s2 =	stileid.u32  }
0x8b: {  	s1 =	rddreg [dreg:$0x1];
	p0 =	sne.s32 s2, $0x0  }
0x8c: {  	s3 =	rddreg [dreg:$0x2];
	[bflag:$0x3] =	sbarrier.arrive $0xFFFF;
	s2 =	simm.s32 @!p0 $0x1C02  }
0x8d: {  	[timem:s3], [sflag:s2] =	dma.local @!p0 [hbm:s0], s1  }
0x8e: {  	s0 =	simm.s32 @!p0 $0x2  }
0x8f: {  	_ =	swait.ge @!p0 [sflag:s0], s1  }
0x90: {  	s1 =	ssub.s32 @!p0 $0x0, s1;
	[sflag:s0] =	ssyncset.done @!p0 $0x0  }
0x91: {  	[sflag:s0] =	ssyncadd.s32 @!p0 s1  }
0x92: {  	[bflag:$0x3] =	sbarrier.arrive $0xFFFF  }
0x93: {  	_ =	shalt  }

</sc_bundles>
